<compile_context>
chip_gen: v7x
topology: tpu7x:2x2x1
jax: 0.10.2.dev20260603
libtpu: 0.0.44.dev20260713+nightly
codegen_flags: <defaults>
</compile_context>

<pallas_src>
import functools

import jax
import jax.numpy as jnp
from jax import lax
from jax.experimental import pallas as pl
from jax.experimental.pallas import tpu as pltpu
from jax.experimental.pallas import tpu_sc as plsc

_NC = 2
_NS = 16
_NW = _NC * _NS
_CH = 50
_LANES = 16

_T_TC = 10400
_BLOCK = 512



def _sc_body(xp_hbm, xt_hbm, sc_hbm, acc_out, cnt_out,
             xp_v, xt_v, sc_v, res_v, sems):
    n_tiles = xp_hbm.shape[0]
    n_chunks = (n_tiles - _T_TC) // _CH
    per_w = n_chunks // _NW
    extra = n_chunks - per_w * _NW

    wid = lax.axis_index("s") * _NC + lax.axis_index("c")
    start = wid * per_w + jnp.minimum(wid, extra)
    cnt_chunks = per_w + jnp.where(wid < extra, 1, 0)

    def dma_start(idx, b):
        t0 = _T_TC + (start + idx) * _CH
        pltpu.async_copy(xp_hbm.at[pl.ds(t0, _CH)], xp_v.at[b], sems.at[b])
        pltpu.async_copy(xt_hbm.at[pl.ds(t0, _CH)], xt_v.at[b], sems.at[b])
        pltpu.async_copy(sc_hbm.at[pl.ds(t0 * 128, _CH * 128)], sc_v.at[b], sems.at[b])

    def dma_wait(idx, b):
        t0 = _T_TC + (start + idx) * _CH
        pltpu.make_async_copy(xp_hbm.at[pl.ds(t0, _CH)], xp_v.at[b], sems.at[b]).wait()
        pltpu.make_async_copy(xt_hbm.at[pl.ds(t0, _CH)], xt_v.at[b], sems.at[b]).wait()
        pltpu.make_async_copy(sc_hbm.at[pl.ds(t0 * 128, _CH * 128)], sc_v.at[b], sems.at[b]).wait()

    def chunk_partial(b):
        def tile_body(t, carry2):
            acc2, cnt2 = carry2
            for j in range(128 // _LANES):
                mv = sc_v[b, pl.ds(t * 128 + j * _LANES, _LANES)]
                msk = mv == 1
                cnt2 = cnt2 + jnp.where(msk, 1.0, 0.0)
                pes = None
                for c in range(4):
                    d = (xp_v[b, t, c, pl.ds(j * _LANES, _LANES)]
                         - xt_v[b, t, c, pl.ds(j * _LANES, _LANES)])
                    ad = jnp.abs(d)
                    mn = jnp.minimum(ad, 1.0)
                    pe = mn * (ad - 0.5 * mn)
                    pes = pe if pes is None else pes + pe
                acc2 = acc2 + jnp.where(msk, pes, 0.0)
            return acc2, cnt2

        zero = jnp.zeros((_LANES,), jnp.float32)
        return lax.fori_loop(0, _CH, tile_body, (zero, zero))

    @pl.when(cnt_chunks > 0)
    def _p0():
        dma_start(0, 0)

    @pl.when(cnt_chunks > 1)
    def _p1():
        dma_start(1, 1)

    def group_body(g, carry):
        acc, cnt = carry
        for b in range(2):
            idx = 2 * g + b
            in_range = idx < cnt_chunks

            @pl.when(in_range)
            def _w():
                dma_wait(idx, b)

            acc_c, cnt_c = chunk_partial(b)
            acc = acc + jnp.where(in_range, acc_c, 0.0)
            cnt = cnt + jnp.where(in_range, cnt_c, 0.0)

            @pl.when(idx + 2 < cnt_chunks)
            def _s():
                dma_start(idx + 2, b)
        return acc, cnt

    zero = jnp.zeros((_LANES,), jnp.float32)
    acc, cnt = lax.fori_loop(0, (cnt_chunks + 1) // 2, group_body, (zero, zero))

    res_v[0, pl.ds(0, _LANES)] = acc
    res_v[1, pl.ds(0, _LANES)] = cnt
    pltpu.sync_copy(res_v.at[0], acc_out.at[wid])
    pltpu.sync_copy(res_v.at[1], cnt_out.at[wid])


def _sc_part(xp_tiles, xt_tiles, score):
    return pl.kernel(
        _sc_body,
        out_type=(
            jax.ShapeDtypeStruct((_NW, _LANES), jnp.float32),
            jax.ShapeDtypeStruct((_NW, _LANES), jnp.float32),
        ),
        mesh=plsc.VectorSubcoreMesh(core_axis_name="c", subcore_axis_name="s"),
        scratch_types=[
            pltpu.VMEM((2, _CH, 4, 128), jnp.float32),
            pltpu.VMEM((2, _CH, 4, 128), jnp.float32),
            pltpu.VMEM((2, _CH * 128), jnp.int32),
            pltpu.VMEM((2, _LANES), jnp.float32),
            pltpu.SemaphoreType.DMA((2,)),
        ],
    )(xp_tiles, xt_tiles, score)



def _tc_kernel(xp_ref, xt_ref, sc_ref, out_ref, acc_ref, cnt_ref, *, m_rows, n_blocks):
    gi = pl.program_id(0)

    @pl.when(gi == 0)
    def _init():
        acc_ref[...] = jnp.zeros_like(acc_ref)
        cnt_ref[...] = jnp.zeros_like(cnt_ref)

    d = xp_ref[...] - xt_ref[...]
    ad = jnp.abs(d)
    mn = jnp.minimum(ad, 1.0)
    pe = mn * (ad - 0.5 * mn)

    row0 = gi * _BLOCK
    valid = (jax.lax.broadcasted_iota(jnp.int32, (_BLOCK, 2, 128), 0) + row0) < m_rows
    mb = (sc_ref[...] == 1) & valid

    masked = jnp.zeros((_BLOCK, 128), jnp.float32)
    for s in range(8):
        masked += jnp.where(mb[:, s // 4, :], pe[:, s, :], 0.0)

    acc_ref[...] += jnp.sum(masked).reshape(1, 1)
    cnt_ref[...] += jnp.sum(jnp.where(mb, 1.0, 0.0)).reshape(1, 1)

    @pl.when(gi == n_blocks - 1)
    def _finish():
        out_ref[...] = jnp.concatenate([acc_ref[...], cnt_ref[...]], axis=1)


def _tc_part(xp8, xt8, sc3):
    m_rows = _T_TC // 2
    n_blocks = pl.cdiv(m_rows, _BLOCK)
    return pl.pallas_call(
        functools.partial(_tc_kernel, m_rows=m_rows, n_blocks=n_blocks),
        grid=(n_blocks,),
        in_specs=[
            pl.BlockSpec((_BLOCK, 8, 128), lambda i: (i, 0, 0)),
            pl.BlockSpec((_BLOCK, 8, 128), lambda i: (i, 0, 0)),
            pl.BlockSpec((_BLOCK, 2, 128), lambda i: (i, 0, 0)),
        ],
        out_specs=pl.BlockSpec((1, 2), lambda i: (0, 0)),
        out_shape=jax.ShapeDtypeStruct((1, 2), jnp.float32),
        scratch_shapes=[
            pltpu.VMEM((1, 1), jnp.float32),
            pltpu.VMEM((1, 1), jnp.float32),
        ],
    )(xp8, xt8, sc3)


@jax.jit
def _run(y_pred, y_true, score):
    n = y_pred.shape[0]
    t = n // 128

    def as_tiles(x):
        return x.reshape(t, 128, 4).transpose(0, 2, 1)

    def as_dense8(x):
        return x.reshape(t // 2, 2, 128, 4).transpose(0, 1, 3, 2).reshape(t // 2, 8, 128)

    sc_acc, sc_cnt = _sc_part(as_tiles(y_pred), as_tiles(y_true), score)
    tc_out = _tc_part(as_dense8(y_pred), as_dense8(y_true),
                      score.reshape(t // 2, 2, 128))

    total = tc_out[0, 0] + jnp.sum(sc_acc)
    count = tc_out[0, 1] + jnp.sum(sc_cnt)
    return total / (4.0 * count)


def kernel(y_pred, y_true, y_true_score):
    return _run(y_pred, y_true, y_true_score.astype(jnp.int32))

# --- scband reference (transcript-rebuilt; emitter-appended) ---
"""Pipeline reference for scband-l1-50706383897276 (READ-ONLY COPY).

The authoritative reference and input builder live on the scoring server;
editing this copy changes nothing except your own understanding.
"""

import jax, jax.numpy as jnp
import numpy as np

N = 4000000

def setup_inputs(seed: int = 0) -> dict:
    key = jax.random.key(seed)
    k1, k2, k3 = jax.random.split(key, 3)
    y_pred = jax.random.normal(k1, (N, 4), dtype=jnp.float32)
    y_true = jax.random.normal(k2, (N, 4), dtype=jnp.float32)
    y_true_score = jax.random.randint(k3, (N,), 0, 2, dtype=jnp.int64)
    return {"y_pred": y_pred, "y_true": y_true, "y_true_score": y_true_score}


def _smooth_l1_elem(diff):
    # torch nn.SmoothL1Loss with default beta=1.0
    ad = jnp.abs(diff)
    return jnp.where(ad < 1.0, 0.5 * diff * diff, ad - 0.5)


def reference(y_pred, y_true, y_true_score):
    # y_true_score = torch.stack(4*[y_true_score], dim=1)
    score = jnp.stack([y_true_score, y_true_score, y_true_score, y_true_score], axis=1)
    yp = y_pred.reshape(-1)
    yt = y_true.reshape(-1)
    sc = score.reshape(-1)
    mask = (sc == 1)
    # Masked mean of smooth-l1 over active elements (equivalent to boolean
    # indexing followed by SmoothL1Loss with reduction='mean').
    per_elem = _smooth_l1_elem(yp - yt)
    n_active = jnp.sum(mask).astype(jnp.float32)
    loss = jnp.sum(jnp.where(mask, per_elem, 0.0)) / n_active
    return loss

if __name__ == "__main__":
    import jax
    _d = setup_inputs()
    print(jax.jit(kernel)(*tuple(_d.values())))

</pallas_src>

<mosaic_0001>
#map = affine_map<(d0, d1) -> (0, 0, 0)>
#map1 = affine_map<(d0, d1) -> (0)>
#map2 = affine_map<(d0, d1) -> (0, 0)>
module attributes {stable_mosaic.version = 14 : i64} {
  func.func @_sc_body(%arg0: i32, %arg1: i32, %arg2: memref<31250x4x128xf32, #tpu.memory_space<hbm>>, %arg3: memref<31250x4x128xf32, #tpu.memory_space<hbm>>, %arg4: memref<4000000xi32, #tpu.memory_space<hbm>>, %arg5: memref<32x16xf32, #tpu.memory_space<hbm>>, %arg6: memref<32x16xf32, #tpu.memory_space<hbm>>, %arg7: memref<2x50x4x128xf32, #tpu.memory_space<vmem>>, %arg8: memref<2x50x4x128xf32, #tpu.memory_space<vmem>>, %arg9: memref<2x6400xi32, #tpu.memory_space<vmem>>, %arg10: memref<2x16xf32, #tpu.memory_space<vmem>>, %arg11: memref<2x!tpu.dma_semaphore, #tpu.memory_space<semaphore_mem>>) attributes {dimension_semantics = [#tpu.dimension_semantics<core_parallel>, #tpu.dimension_semantics<subcore_parallel>], iteration_bounds = array<i64: 2, 16>, scalar_prefetch = 0 : i64, scratch_operands = 5 : i64, tpu.core_type = #tpu.core_type<sc_vector_subcore>, window_params = [{transform_indices = #map}, {transform_indices = #map}, {transform_indices = #map1}, {transform_indices = #map2}, {transform_indices = #map2}]} {
    %mul3A = arith.constant 2 : i32
    %mul3A_0 = arith.muli %arg1, %mul3A : i32
    %add3A = arith.addi %mul3A_0, %arg0 : i32
    %mul3A_1 = arith.constant 13 : i32
    %mul3A_2 = arith.muli %add3A, %mul3A_1 : i32
    %min3A = arith.constant 1 : i32
    %min3A_3 = arith.minsi %add3A, %min3A : i32
    %add3A_4 = arith.addi %mul3A_2, %min3A_3 : i32
    %lt3A = arith.constant 1 : i32
    %lt3A_5 = arith.cmpi slt, %add3A, %lt3A : i32
    %jit3A = arith.constant 1 : i32
    %jit3A_6 = arith.constant 0 : i32
    %select_n3A = arith.select %lt3A_5, %jit3A, %jit3A_6 : i32
    %add3A_7 = arith.constant 13 : i32
    %add3A_8 = arith.addi %add3A_7, %select_n3A : i32
    %gt3A = arith.constant 0 : i32
    %gt3A_9 = arith.cmpi sgt, %add3A_8, %gt3A : i32
    %convert_element_type3A = arith.extui %gt3A_9 : i1 to i32
    %cond3A = arith.constant 0 : i32
    %cond3A_10 = arith.cmpi ne, %convert_element_type3A, %cond3A : i32
    scf.if %cond3A_10 {
      %add3A_59 = arith.constant 0 : i32
      %add3A_60 = arith.addi %add3A_4, %add3A_59 : i32
      %mul3A_61 = arith.constant 50 : i32
      %mul3A_62 = arith.muli %add3A_60, %mul3A_61 : i32
      %add3A_63 = arith.constant 10400 : i32
      %add3A_64 = arith.addi %add3A_63, %mul3A_62 : i32
      %dma_start3A = arith.constant 0 : i32
      %dma_start3A_65 = arith.constant 0 : i32
      %dma_start3A_66 = arith.constant 0 : i32
      %dma_start3A_67 = arith.constant 0 : i32
      %dma_start3A_68 = arith.constant 0 : i32
      %dma_start3A_69 = tpu.memref_slice %arg7[%dma_start3A, %dma_start3A_66, %dma_start3A_67, %dma_start3A_68] : memref<2x50x4x128xf32, #tpu.memory_space<vmem>> -> memref<1x50x4x128xf32, #tpu.memory_space<vmem>>
      %dma_start3A_70 = tpu.memref_squeeze %dma_start3A_69 : memref<1x50x4x128xf32, #tpu.memory_space<vmem>> -> memref<50x4x128xf32, #tpu.memory_space<vmem>>
      %dma_start3A_71 = arith.constant 0 : i32
      %dma_start3A_72 = arith.constant 0 : i32
      %dma_start3A_73 = tpu.memref_slice %arg2[%add3A_64, %dma_start3A_71, %dma_start3A_72] : memref<31250x4x128xf32, #tpu.memory_space<hbm>> -> memref<50x4x128xf32, #tpu.memory_space<hbm>>
      %dma_start3A_74 = tpu.memref_slice %arg11[%dma_start3A_65] : memref<2x!tpu.dma_semaphore, #tpu.memory_space<semaphore_mem>> -> memref<1x!tpu.dma_semaphore, #tpu.memory_space<semaphore_mem>>
      %dma_start3A_75 = tpu.memref_squeeze %dma_start3A_74 : memref<1x!tpu.dma_semaphore, #tpu.memory_space<semaphore_mem>> -> memref<!tpu.dma_semaphore, #tpu.memory_space<semaphore_mem>>
      %dma_start3A_76 = arith.constant 0 : i32
      %dma_start3A_77 = arith.constant 0 : i32
      %dma_start3A_78 = arith.constant 0 : i32
      %dma_start3A_79 = tpu.memref_slice %arg7[%dma_start3A, %dma_start3A_76, %dma_start3A_77, %dma_start3A_78] : memref<2x50x4x128xf32, #tpu.memory_space<vmem>> -> memref<1x50x4x128xf32, #tpu.memory_space<vmem>>
      %dma_start3A_80 = tpu.memref_squeeze %dma_start3A_79 : memref<1x50x4x128xf32, #tpu.memory_space<vmem>> -> memref<50x4x128xf32, #tpu.memory_space<vmem>>
      %dma_start3A_81 = arith.constant 0 : i32
      %dma_start3A_82 = arith.constant 0 : i32
      %dma_start3A_83 = tpu.memref_slice %arg2[%add3A_64, %dma_start3A_81, %dma_start3A_82] : memref<31250x4x128xf32, #tpu.memory_space<hbm>> -> memref<50x4x128xf32, #tpu.memory_space<hbm>>
      tpu.enqueue_dma source(%dma_start3A_83 : memref<50x4x128xf32, #tpu.memory_space<hbm>>) target(%dma_start3A_80 : memref<50x4x128xf32, #tpu.memory_space<vmem>>) target_semaphore(%dma_start3A_75 : memref<!tpu.dma_semaphore, #tpu.memory_space<semaphore_mem>>)
      %dma_start3A_84 = arith.constant 0 : i32
      %dma_start3A_85 = arith.constant 0 : i32
      %dma_start3A_86 = arith.constant 0 : i32
      %dma_start3A_87 = arith.constant 0 : i32
      %dma_start3A_88 = arith.constant 0 : i32
      %dma_start3A_89 = tpu.memref_slice %arg8[%dma_start3A_84, %dma_start3A_86, %dma_start3A_87, %dma_start3A_88] : memref<2x50x4x128xf32, #tpu.memory_space<vmem>> -> memref<1x50x4x128xf32, #tpu.memory_space<vmem>>
      %dma_start3A_90 = tpu.memref_squeeze %dma_start3A_89 : memref<1x50x4x128xf32, #tpu.memory_space<vmem>> -> memref<50x4x128xf32, #tpu.memory_space<vmem>>
      %dma_start3A_91 = arith.constant 0 : i32
      %dma_start3A_92 = arith.constant 0 : i32
      %dma_start3A_93 = tpu.memref_slice %arg3[%add3A_64, %dma_start3A_91, %dma_start3A_92] : memref<31250x4x128xf32, #tpu.memory_space<hbm>> -> memref<50x4x128xf32, #tpu.memory_space<hbm>>
      %dma_start3A_94 = tpu.memref_slice %arg11[%dma_start3A_85] : memref<2x!tpu.dma_semaphore, #tpu.memory_space<semaphore_mem>> -> memref<1x!tpu.dma_semaphore, #tpu.memory_space<semaphore_mem>>
      %dma_start3A_95 = tpu.memref_squeeze %dma_start3A_94 : memref<1x!tpu.dma_semaphore, #tpu.memory_space<semaphore_mem>> -> memref<!tpu.dma_semaphore, #tpu.memory_space<semaphore_mem>>
      %dma_start3A_96 = arith.constant 0 : i32
      %dma_start3A_97 = arith.constant 0 : i32
      %dma_start3A_98 = arith.constant 0 : i32
      %dma_start3A_99 = tpu.memref_slice %arg8[%dma_start3A_84, %dma_start3A_96, %dma_start3A_97, %dma_start3A_98] : memref<2x50x4x128xf32, #tpu.memory_space<vmem>> -> memref<1x50x4x128xf32, #tpu.memory_space<vmem>>
      %dma_start3A_100 = tpu.memref_squeeze %dma_start3A_99 : memref<1x50x4x128xf32, #tpu.memory_space<vmem>> -> memref<50x4x128xf32, #tpu.memory_space<vmem>>
      %dma_start3A_101 = arith.constant 0 : i32
      %dma_start3A_102 = arith.constant 0 : i32
      %dma_start3A_103 = tpu.memref_slice %arg3[%add3A_64, %dma_start3A_101, %dma_start3A_102] : memref<31250x4x128xf32, #tpu.memory_space<hbm>> -> memref<50x4x128xf32, #tpu.memory_space<hbm>>
      tpu.enqueue_dma source(%dma_start3A_103 : memref<50x4x128xf32, #tpu.memory_space<hbm>>) target(%dma_start3A_100 : memref<50x4x128xf32, #tpu.memory_space<vmem>>) target_semaphore(%dma_start3A_95 : memref<!tpu.dma_semaphore, #tpu.memory_space<semaphore_mem>>)
      %mul3A_104 = arith.constant 128 : i32
      %mul3A_105 = arith.muli %add3A_64, %mul3A_104 : i32
      %dma_start3A_106 = arith.constant 0 : i32
      %dma_start3A_107 = arith.constant 0 : i32
      %dma_start3A_108 = arith.constant 0 : i32
      %dma_start3A_109 = tpu.memref_slice %arg9[%dma_start3A_106, %dma_start3A_108] : memref<2x6400xi32, #tpu.memory_space<vmem>> -> memref<1x6400xi32, #tpu.memory_space<vmem>>
      %dma_start3A_110 = tpu.memref_squeeze %dma_start3A_109 : memref<1x6400xi32, #tpu.memory_space<vmem>> -> memref<6400xi32, #tpu.memory_space<vmem>>
      %dma_start3A_111 = tpu.memref_slice %arg4[%mul3A_105] : memref<4000000xi32, #tpu.memory_space<hbm>> -> memref<6400xi32, #tpu.memory_space<hbm>>
      %dma_start3A_112 = tpu.memref_slice %arg11[%dma_start3A_107] : memref<2x!tpu.dma_semaphore, #tpu.memory_space<semaphore_mem>> -> memref<1x!tpu.dma_semaphore, #tpu.memory_space<semaphore_mem>>
      %dma_start3A_113 = tpu.memref_squeeze %dma_start3A_112 : memref<1x!tpu.dma_semaphore, #tpu.memory_space<semaphore_mem>> -> memref<!tpu.dma_semaphore, #tpu.memory_space<semaphore_mem>>
      %dma_start3A_114 = arith.constant 0 : i32
      %dma_start3A_115 = tpu.memref_slice %arg9[%dma_start3A_106, %dma_start3A_114] : memref<2x6400xi32, #tpu.memory_space<vmem>> -> memref<1x6400xi32, #tpu.memory_space<vmem>>
      %dma_start3A_116 = tpu.memref_squeeze %dma_start3A_115 : memref<1x6400xi32, #tpu.memory_space<vmem>> -> memref<6400xi32, #tpu.memory_space<vmem>>
      %dma_start3A_117 = tpu.memref_slice %arg4[%mul3A_105] : memref<4000000xi32, #tpu.memory_space<hbm>> -> memref<6400xi32, #tpu.memory_space<hbm>>
      tpu.enqueue_dma source(%dma_start3A_117 : memref<6400xi32, #tpu.memory_space<hbm>>) target(%dma_start3A_116 : memref<6400xi32, #tpu.memory_space<vmem>>) target_semaphore(%dma_start3A_113 : memref<!tpu.dma_semaphore, #tpu.memory_space<semaphore_mem>>)
    } else {
    }
    %gt3A_11 = arith.constant 1 : i32
    %gt3A_12 = arith.cmpi sgt, %add3A_8, %gt3A_11 : i32
    %convert_element_type3A_13 = arith.extui %gt3A_12 : i1 to i32
    %cond3A_14 = arith.constant 0 : i32
    %cond3A_15 = arith.cmpi ne, %convert_element_type3A_13, %cond3A_14 : i32
    scf.if %cond3A_15 {
      %add3A_59 = arith.constant 1 : i32
      %add3A_60 = arith.addi %add3A_4, %add3A_59 : i32
      %mul3A_61 = arith.constant 50 : i32
      %mul3A_62 = arith.muli %add3A_60, %mul3A_61 : i32
      %add3A_63 = arith.constant 10400 : i32
      %add3A_64 = arith.addi %add3A_63, %mul3A_62 : i32
      %dma_start3A = arith.constant 1 : i32
      %dma_start3A_65 = arith.constant 1 : i32
      %dma_start3A_66 = arith.constant 0 : i32
      %dma_start3A_67 = arith.constant 0 : i32
      %dma_start3A_68 = arith.constant 0 : i32
      %dma_start3A_69 = tpu.memref_slice %arg7[%dma_start3A, %dma_start3A_66, %dma_start3A_67, %dma_start3A_68] : memref<2x50x4x128xf32, #tpu.memory_space<vmem>> -> memref<1x50x4x128xf32, #tpu.memory_space<vmem>>
      %dma_start3A_70 = tpu.memref_squeeze %dma_start3A_69 : memref<1x50x4x128xf32, #tpu.memory_space<vmem>> -> memref<50x4x128xf32, #tpu.memory_space<vmem>>
      %dma_start3A_71 = arith.constant 0 : i32
      %dma_start3A_72 = arith.constant 0 : i32
      %dma_start3A_73 = tpu.memref_slice %arg2[%add3A_64, %dma_start3A_71, %dma_start3A_72] : memref<31250x4x128xf32, #tpu.memory_space<hbm>> -> memref<50x4x128xf32, #tpu.memory_space<hbm>>
      %dma_start3A_74 = tpu.memref_slice %arg11[%dma_start3A_65] : memref<2x!tpu.dma_semaphore, #tpu.memory_space<semaphore_mem>> -> memref<1x!tpu.dma_semaphore, #tpu.memory_space<semaphore_mem>>
      %dma_start3A_75 = tpu.memref_squeeze %dma_start3A_74 : memref<1x!tpu.dma_semaphore, #tpu.memory_space<semaphore_mem>> -> memref<!tpu.dma_semaphore, #tpu.memory_space<semaphore_mem>>
      %dma_start3A_76 = arith.constant 0 : i32
      %dma_start3A_77 = arith.constant 0 : i32
      %dma_start3A_78 = arith.constant 0 : i32
      %dma_start3A_79 = tpu.memref_slice %arg7[%dma_start3A, %dma_start3A_76, %dma_start3A_77, %dma_start3A_78] : memref<2x50x4x128xf32, #tpu.memory_space<vmem>> -> memref<1x50x4x128xf32, #tpu.memory_space<vmem>>
      %dma_start3A_80 = tpu.memref_squeeze %dma_start3A_79 : memref<1x50x4x128xf32, #tpu.memory_space<vmem>> -> memref<50x4x128xf32, #tpu.memory_space<vmem>>
      %dma_start3A_81 = arith.constant 0 : i32
      %dma_start3A_82 = arith.constant 0 : i32
      %dma_start3A_83 = tpu.memref_slice %arg2[%add3A_64, %dma_start3A_81, %dma_start3A_82] : memref<31250x4x128xf32, #tpu.memory_space<hbm>> -> memref<50x4x128xf32, #tpu.memory_space<hbm>>
      tpu.enqueue_dma source(%dma_start3A_83 : memref<50x4x128xf32, #tpu.memory_space<hbm>>) target(%dma_start3A_80 : memref<50x4x128xf32, #tpu.memory_space<vmem>>) target_semaphore(%dma_start3A_75 : memref<!tpu.dma_semaphore, #tpu.memory_space<semaphore_mem>>)
      %dma_start3A_84 = arith.constant 1 : i32
      %dma_start3A_85 = arith.constant 1 : i32
      %dma_start3A_86 = arith.constant 0 : i32
      %dma_start3A_87 = arith.constant 0 : i32
      %dma_start3A_88 = arith.constant 0 : i32
      %dma_start3A_89 = tpu.memref_slice %arg8[%dma_start3A_84, %dma_start3A_86, %dma_start3A_87, %dma_start3A_88] : memref<2x50x4x128xf32, #tpu.memory_space<vmem>> -> memref<1x50x4x128xf32, #tpu.memory_space<vmem>>
      %dma_start3A_90 = tpu.memref_squeeze %dma_start3A_89 : memref<1x50x4x128xf32, #tpu.memory_space<vmem>> -> memref<50x4x128xf32, #tpu.memory_space<vmem>>
      %dma_start3A_91 = arith.constant 0 : i32
      %dma_start3A_92 = arith.constant 0 : i32
      %dma_start3A_93 = tpu.memref_slice %arg3[%add3A_64, %dma_start3A_91, %dma_start3A_92] : memref<31250x4x128xf32, #tpu.memory_space<hbm>> -> memref<50x4x128xf32, #tpu.memory_space<hbm>>
      %dma_start3A_94 = tpu.memref_slice %arg11[%dma_start3A_85] : memref<2x!tpu.dma_semaphore, #tpu.memory_space<semaphore_mem>> -> memref<1x!tpu.dma_semaphore, #tpu.memory_space<semaphore_mem>>
      %dma_start3A_95 = tpu.memref_squeeze %dma_start3A_94 : memref<1x!tpu.dma_semaphore, #tpu.memory_space<semaphore_mem>> -> memref<!tpu.dma_semaphore, #tpu.memory_space<semaphore_mem>>
      %dma_start3A_96 = arith.constant 0 : i32
      %dma_start3A_97 = arith.constant 0 : i32
      %dma_start3A_98 = arith.constant 0 : i32
      %dma_start3A_99 = tpu.memref_slice %arg8[%dma_start3A_84, %dma_start3A_96, %dma_start3A_97, %dma_start3A_98] : memref<2x50x4x128xf32, #tpu.memory_space<vmem>> -> memref<1x50x4x128xf32, #tpu.memory_space<vmem>>
      %dma_start3A_100 = tpu.memref_squeeze %dma_start3A_99 : memref<1x50x4x128xf32, #tpu.memory_space<vmem>> -> memref<50x4x128xf32, #tpu.memory_space<vmem>>
      %dma_start3A_101 = arith.constant 0 : i32
      %dma_start3A_102 = arith.constant 0 : i32
      %dma_start3A_103 = tpu.memref_slice %arg3[%add3A_64, %dma_start3A_101, %dma_start3A_102] : memref<31250x4x128xf32, #tpu.memory_space<hbm>> -> memref<50x4x128xf32, #tpu.memory_space<hbm>>
      tpu.enqueue_dma source(%dma_start3A_103 : memref<50x4x128xf32, #tpu.memory_space<hbm>>) target(%dma_start3A_100 : memref<50x4x128xf32, #tpu.memory_space<vmem>>) target_semaphore(%dma_start3A_95 : memref<!tpu.dma_semaphore, #tpu.memory_space<semaphore_mem>>)
      %mul3A_104 = arith.constant 128 : i32
      %mul3A_105 = arith.muli %add3A_64, %mul3A_104 : i32
      %dma_start3A_106 = arith.constant 1 : i32
      %dma_start3A_107 = arith.constant 1 : i32
      %dma_start3A_108 = arith.constant 0 : i32
      %dma_start3A_109 = tpu.memref_slice %arg9[%dma_start3A_106, %dma_start3A_108] : memref<2x6400xi32, #tpu.memory_space<vmem>> -> memref<1x6400xi32, #tpu.memory_space<vmem>>
      %dma_start3A_110 = tpu.memref_squeeze %dma_start3A_109 : memref<1x6400xi32, #tpu.memory_space<vmem>> -> memref<6400xi32, #tpu.memory_space<vmem>>
      %dma_start3A_111 = tpu.memref_slice %arg4[%mul3A_105] : memref<4000000xi32, #tpu.memory_space<hbm>> -> memref<6400xi32, #tpu.memory_space<hbm>>
      %dma_start3A_112 = tpu.memref_slice %arg11[%dma_start3A_107] : memref<2x!tpu.dma_semaphore, #tpu.memory_space<semaphore_mem>> -> memref<1x!tpu.dma_semaphore, #tpu.memory_space<semaphore_mem>>
      %dma_start3A_113 = tpu.memref_squeeze %dma_start3A_112 : memref<1x!tpu.dma_semaphore, #tpu.memory_space<semaphore_mem>> -> memref<!tpu.dma_semaphore, #tpu.memory_space<semaphore_mem>>
      %dma_start3A_114 = arith.constant 0 : i32
      %dma_start3A_115 = tpu.memref_slice %arg9[%dma_start3A_106, %dma_start3A_114] : memref<2x6400xi32, #tpu.memory_space<vmem>> -> memref<1x6400xi32, #tpu.memory_space<vmem>>
      %dma_start3A_116 = tpu.memref_squeeze %dma_start3A_115 : memref<1x6400xi32, #tpu.memory_space<vmem>> -> memref<6400xi32, #tpu.memory_space<vmem>>
      %dma_start3A_117 = tpu.memref_slice %arg4[%mul3A_105] : memref<4000000xi32, #tpu.memory_space<hbm>> -> memref<6400xi32, #tpu.memory_space<hbm>>
      tpu.enqueue_dma source(%dma_start3A_117 : memref<6400xi32, #tpu.memory_space<hbm>>) target(%dma_start3A_116 : memref<6400xi32, #tpu.memory_space<vmem>>) target_semaphore(%dma_start3A_113 : memref<!tpu.dma_semaphore, #tpu.memory_space<semaphore_mem>>)
    } else {
    }
    %broadcast_in_dim3A = arith.constant 0.000000e+00 : f32
    %broadcast_in_dim3A_16 = vector.broadcast %broadcast_in_dim3A : f32 to vector<16xf32>
    %add3A_17 = arith.constant 1 : i32
    %add3A_18 = arith.addi %add3A_8, %add3A_17 : i32
    %jit3A_19 = arith.constant 2 : i32
    %div3A = arith.divsi %add3A_18, %jit3A_19 : i32
    %sign3A = arith.constant 0 : i32
    %sign3A_20 = arith.cmpi sgt, %add3A_18, %sign3A : i32
    %sign3A_21 = arith.extui %sign3A_20 : i1 to i32
    %sign3A_22 = arith.constant 0 : i32
    %sign3A_23 = arith.cmpi slt, %add3A_18, %sign3A_22 : i32
    %sign3A_24 = arith.extui %sign3A_23 : i1 to i32
    %sign3A_25 = arith.subi %sign3A_21, %sign3A_24 : i32
    %sign3A_26 = arith.constant 0 : i32
    %sign3A_27 = arith.cmpi sgt, %jit3A_19, %sign3A_26 : i32
    %sign3A_28 = arith.extui %sign3A_27 : i1 to i32
    %sign3A_29 = arith.constant 0 : i32
    %sign3A_30 = arith.cmpi slt, %jit3A_19, %sign3A_29 : i32
    %sign3A_31 = arith.extui %sign3A_30 : i1 to i32
    %sign3A_32 = arith.subi %sign3A_28, %sign3A_31 : i32
    %ne3A = arith.cmpi ne, %sign3A_25, %sign3A_32 : i32
    %rem3A = arith.remsi %add3A_18, %jit3A_19 : i32
    %ne3A_33 = arith.constant 0 : i32
    %ne3A_34 = arith.cmpi ne, %rem3A, %ne3A_33 : i32
    %and3A = arith.andi %ne3A, %ne3A_34 : i1
    %sub3A = arith.constant 1 : i32
    %sub3A_35 = arith.subi %div3A, %sub3A : i32
    %select_n3A_36 = arith.select %and3A, %sub3A_35, %div3A : i32
    %while3A = arith.constant 0 : i32
    %while3A_37 = arith.subi %select_n3A_36, %while3A : i32
    %while3A_38 = arith.addi %while3A, %while3A_37 : i32
    %while3A_39 = arith.constant 1 : i32
    %while3A_40 = arith.divsi %while3A_37, %while3A_39 : i32
    %while3A_41 = arith.muli %while3A_40, %while3A_39 : i32
    %while3A_42 = arith.addi %while3A, %while3A_41 : i32
    %while3A_43 = arith.constant 1 : i32
    %while3A_44:2 = scf.for %while3A_59 = %while3A to %while3A_42 step %while3A_43 iter_args(%while3A_60 = %broadcast_in_dim3A_16, %while3A_61 = %broadcast_in_dim3A_16) -> (vector<16xf32>, vector<16xf32>)  : i32 {
      %mul3A_62 = arith.constant 2 : i32
      %mul3A_63 = arith.muli %mul3A_62, %while3A_59 : i32
      %add3A_64 = arith.constant 0 : i32
      %add3A_65 = arith.addi %mul3A_63, %add3A_64 : i32
      %lt3A_66 = arith.cmpi slt, %add3A_65, %add3A_8 : i32
      %convert_element_type3A_67 = arith.extui %lt3A_66 : i1 to i32
      %cond3A_68 = arith.constant 0 : i32
      %cond3A_69 = arith.cmpi ne, %convert_element_type3A_67, %cond3A_68 : i32
      scf.if %cond3A_69 {
        %add3A_121 = arith.addi %add3A_4, %add3A_65 : i32
        %mul3A_122 = arith.constant 50 : i32
        %mul3A_123 = arith.muli %add3A_121, %mul3A_122 : i32
        %add3A_124 = arith.constant 10400 : i32
        %add3A_125 = arith.addi %add3A_124, %mul3A_123 : i32
        %dma_wait3A = arith.constant 0 : i32
        %dma_wait3A_126 = arith.constant 0 : i32
        %dma_wait3A_127 = arith.constant 0 : i32
        %dma_wait3A_128 = arith.constant 0 : i32
        %dma_wait3A_129 = arith.constant 0 : i32
        %dma_wait3A_130 = tpu.memref_slice %arg7[%dma_wait3A, %dma_wait3A_127, %dma_wait3A_128, %dma_wait3A_129] : memref<2x50x4x128xf32, #tpu.memory_space<vmem>> -> memref<1x50x4x128xf32, #tpu.memory_space<vmem>>
        %dma_wait3A_131 = tpu.memref_squeeze %dma_wait3A_130 : memref<1x50x4x128xf32, #tpu.memory_space<vmem>> -> memref<50x4x128xf32, #tpu.memory_space<vmem>>
        %dma_wait3A_132 = arith.constant 0 : i32
        %dma_wait3A_133 = arith.constant 0 : i32
        %dma_wait3A_134 = tpu.memref_slice %arg2[%add3A_125, %dma_wait3A_132, %dma_wait3A_133] : memref<31250x4x128xf32, #tpu.memory_space<hbm>> -> memref<50x4x128xf32, #tpu.memory_space<hbm>>
        %dma_wait3A_135 = tpu.memref_slice %arg11[%dma_wait3A_126] : memref<2x!tpu.dma_semaphore, #tpu.memory_space<semaphore_mem>> -> memref<1x!tpu.dma_semaphore, #tpu.memory_space<semaphore_mem>>
        %dma_wait3A_136 = tpu.memref_squeeze %dma_wait3A_135 : memref<1x!tpu.dma_semaphore, #tpu.memory_space<semaphore_mem>> -> memref<!tpu.dma_semaphore, #tpu.memory_space<semaphore_mem>>
        %dma_wait3A_137 = arith.constant 0 : i32
        %dma_wait3A_138 = arith.constant 0 : i32
        %dma_wait3A_139 = arith.constant 0 : i32
        %dma_wait3A_140 = tpu.memref_slice %arg7[%dma_wait3A, %dma_wait3A_137, %dma_wait3A_138, %dma_wait3A_139] : memref<2x50x4x128xf32, #tpu.memory_space<vmem>> -> memref<1x50x4x128xf32, #tpu.memory_space<vmem>>
        %dma_wait3A_141 = tpu.memref_squeeze %dma_wait3A_140 : memref<1x50x4x128xf32, #tpu.memory_space<vmem>> -> memref<50x4x128xf32, #tpu.memory_space<vmem>>
        %dma_wait3A_142 = arith.constant 0 : i32
        %dma_wait3A_143 = arith.constant 0 : i32
        %dma_wait3A_144 = tpu.memref_slice %arg2[%add3A_125, %dma_wait3A_142, %dma_wait3A_143] : memref<31250x4x128xf32, #tpu.memory_space<hbm>> -> memref<50x4x128xf32, #tpu.memory_space<hbm>>
        tpu.wait_dma2 semaphore(%dma_wait3A_136 : memref<!tpu.dma_semaphore, #tpu.memory_space<semaphore_mem>>) src(%dma_wait3A_144 : memref<50x4x128xf32, #tpu.memory_space<hbm>>) dst(%dma_wait3A_141 : memref<50x4x128xf32, #tpu.memory_space<vmem>>)
        %dma_wait3A_145 = arith.constant 0 : i32
        %dma_wait3A_146 = arith.constant 0 : i32
        %dma_wait3A_147 = arith.constant 0 : i32
        %dma_wait3A_148 = arith.constant 0 : i32
        %dma_wait3A_149 = arith.constant 0 : i32
        %dma_wait3A_150 = tpu.memref_slice %arg8[%dma_wait3A_145, %dma_wait3A_147, %dma_wait3A_148, %dma_wait3A_149] : memref<2x50x4x128xf32, #tpu.memory_space<vmem>> -> memref<1x50x4x128xf32, #tpu.memory_space<vmem>>
        %dma_wait3A_151 = tpu.memref_squeeze %dma_wait3A_150 : memref<1x50x4x128xf32, #tpu.memory_space<vmem>> -> memref<50x4x128xf32, #tpu.memory_space<vmem>>
        %dma_wait3A_152 = arith.constant 0 : i32
        %dma_wait3A_153 = arith.constant 0 : i32
        %dma_wait3A_154 = tpu.memref_slice %arg3[%add3A_125, %dma_wait3A_152, %dma_wait3A_153] : memref<31250x4x128xf32, #tpu.memory_space<hbm>> -> memref<50x4x128xf32, #tpu.memory_space<hbm>>
        %dma_wait3A_155 = tpu.memref_slice %arg11[%dma_wait3A_146] : memref<2x!tpu.dma_semaphore, #tpu.memory_space<semaphore_mem>> -> memref<1x!tpu.dma_semaphore, #tpu.memory_space<semaphore_mem>>
        %dma_wait3A_156 = tpu.memref_squeeze %dma_wait3A_155 : memref<1x!tpu.dma_semaphore, #tpu.memory_space<semaphore_mem>> -> memref<!tpu.dma_semaphore, #tpu.memory_space<semaphore_mem>>
        %dma_wait3A_157 = arith.constant 0 : i32
        %dma_wait3A_158 = arith.constant 0 : i32
        %dma_wait3A_159 = arith.constant 0 : i32
        %dma_wait3A_160 = tpu.memref_slice %arg8[%dma_wait3A_145, %dma_wait3A_157, %dma_wait3A_158, %dma_wait3A_159] : memref<2x50x4x128xf32, #tpu.memory_space<vmem>> -> memref<1x50x4x128xf32, #tpu.memory_space<vmem>>
        %dma_wait3A_161 = tpu.memref_squeeze %dma_wait3A_160 : memref<1x50x4x128xf32, #tpu.memory_space<vmem>> -> memref<50x4x128xf32, #tpu.memory_space<vmem>>
        %dma_wait3A_162 = arith.constant 0 : i32
        %dma_wait3A_163 = arith.constant 0 : i32
        %dma_wait3A_164 = tpu.memref_slice %arg3[%add3A_125, %dma_wait3A_162, %dma_wait3A_163] : memref<31250x4x128xf32, #tpu.memory_space<hbm>> -> memref<50x4x128xf32, #tpu.memory_space<hbm>>
        tpu.wait_dma2 semaphore(%dma_wait3A_156 : memref<!tpu.dma_semaphore, #tpu.memory_space<semaphore_mem>>) src(%dma_wait3A_164 : memref<50x4x128xf32, #tpu.memory_space<hbm>>) dst(%dma_wait3A_161 : memref<50x4x128xf32, #tpu.memory_space<vmem>>)
        %mul3A_165 = arith.constant 128 : i32
        %mul3A_166 = arith.muli %add3A_125, %mul3A_165 : i32
        %dma_wait3A_167 = arith.constant 0 : i32
        %dma_wait3A_168 = arith.constant 0 : i32
        %dma_wait3A_169 = arith.constant 0 : i32
        %dma_wait3A_170 = tpu.memref_slice %arg9[%dma_wait3A_167, %dma_wait3A_169] : memref<2x6400xi32, #tpu.memory_space<vmem>> -> memref<1x6400xi32, #tpu.memory_space<vmem>>
        %dma_wait3A_171 = tpu.memref_squeeze %dma_wait3A_170 : memref<1x6400xi32, #tpu.memory_space<vmem>> -> memref<6400xi32, #tpu.memory_space<vmem>>
        %dma_wait3A_172 = tpu.memref_slice %arg4[%mul3A_166] : memref<4000000xi32, #tpu.memory_space<hbm>> -> memref<6400xi32, #tpu.memory_space<hbm>>
        %dma_wait3A_173 = tpu.memref_slice %arg11[%dma_wait3A_168] : memref<2x!tpu.dma_semaphore, #tpu.memory_space<semaphore_mem>> -> memref<1x!tpu.dma_semaphore, #tpu.memory_space<semaphore_mem>>
        %dma_wait3A_174 = tpu.memref_squeeze %dma_wait3A_173 : memref<1x!tpu.dma_semaphore, #tpu.memory_space<semaphore_mem>> -> memref<!tpu.dma_semaphore, #tpu.memory_space<semaphore_mem>>
        %dma_wait3A_175 = arith.constant 0 : i32
        %dma_wait3A_176 = tpu.memref_slice %arg9[%dma_wait3A_167, %dma_wait3A_175] : memref<2x6400xi32, #tpu.memory_space<vmem>> -> memref<1x6400xi32, #tpu.memory_space<vmem>>
        %dma_wait3A_177 = tpu.memref_squeeze %dma_wait3A_176 : memref<1x6400xi32, #tpu.memory_space<vmem>> -> memref<6400xi32, #tpu.memory_space<vmem>>
        %dma_wait3A_178 = tpu.memref_slice %arg4[%mul3A_166] : memref<4000000xi32, #tpu.memory_space<hbm>> -> memref<6400xi32, #tpu.memory_space<hbm>>
        tpu.wait_dma2 semaphore(%dma_wait3A_174 : memref<!tpu.dma_semaphore, #tpu.memory_space<semaphore_mem>>) src(%dma_wait3A_178 : memref<6400xi32, #tpu.memory_space<hbm>>) dst(%dma_wait3A_177 : memref<6400xi32, #tpu.memory_space<vmem>>)
      } else {
      }
      %broadcast_in_dim3A_70 = arith.constant 0.000000e+00 : f32
      %broadcast_in_dim3A_71 = vector.broadcast %broadcast_in_dim3A_70 : f32 to vector<16xf32>
      %scan3A = arith.constant 0 : i32
      %scan3A_72 = arith.constant 50 : i32
      %scan3A_73 = arith.addi %scan3A, %scan3A_72 : i32
      %scan3A_74 = arith.constant 1 : i32
      %scan3A_75:2 = scf.for %scan3A_121 = %scan3A to %scan3A_73 step %scan3A_74 iter_args(%scan3A_122 = %broadcast_in_dim3A_71, %scan3A_123 = %broadcast_in_dim3A_71) -> (vector<16xf32>, vector<16xf32>)  : i32 {
        %mul3A_124 = arith.constant 128 : i32
        %mul3A_125 = arith.muli %scan3A_121, %mul3A_124 : i32
        %add3A_126 = arith.constant 0 : i32
        %add3A_127 = arith.addi %mul3A_125, %add3A_126 : i32
        %get3A = arith.constant 0 : i32
        %get3A_128 = arith.index_cast %get3A : i32 to index
        %get3A_129 = arith.index_cast %add3A_127 : i32 to index
        %get3A_130 = tpu.vector_load %arg9[%get3A_128, %get3A_129] {strides = array<i32>} : memref<2x6400xi32, #tpu.memory_space<vmem>>, vector<1x16xi32>,
        %get3A_131 = vector.shape_cast %get3A_130 : vector<1x16xi32> to vector<16xi32>
        %eq3A = arith.constant 1 : i32
        %eq3A_132 = vector.broadcast %eq3A : i32 to vector<16xi32>
        %eq3A_133 = arith.cmpi eq, %get3A_131, %eq3A_132 : vector<16xi32>
        %jit3A_134 = arith.constant 1.000000e+00 : f32
        %jit3A_135 = arith.constant 0.000000e+00 : f32
        %broadcast_in_dim3A_136 = vector.broadcast %jit3A_134 : f32 to vector<16xf32>
        %broadcast_in_dim3A_137 = vector.broadcast %jit3A_135 : f32 to vector<16xf32>
        %select_n3A_138 = arith.select %eq3A_133, %broadcast_in_dim3A_136, %broadcast_in_dim3A_137 : vector<16xi1>, vector<16xf32>
        %add3A_139 = arith.addf %scan3A_123, %select_n3A_138 : vector<16xf32>
        %get3A_140 = arith.constant 0 : i32
        %get3A_141 = arith.constant 0 : i32
        %get3A_142 = arith.index_cast %get3A_140 : i32 to index
        %get3A_143 = arith.index_cast %scan3A_121 : i32 to index
        %get3A_144 = arith.index_cast %get3A_141 : i32 to index
        %get3A_145 = arith.constant 0 : index
        %get3A_146 = tpu.vector_load %arg7[%get3A_142, %get3A_143, %get3A_144, %get3A_145] {strides = array<i32>} : memref<2x50x4x128xf32, #tpu.memory_space<vmem>>, vector<1x1x1x16xf32>,
        %get3A_147 = vector.shape_cast %get3A_146 : vector<1x1x1x16xf32> to vector<16xf32>
        %get3A_148 = arith.constant 0 : i32
        %get3A_149 = arith.constant 0 : i32
        %get3A_150 = arith.index_cast %get3A_148 : i32 to index
        %get3A_151 = arith.index_cast %scan3A_121 : i32 to index
        %get3A_152 = arith.index_cast %get3A_149 : i32 to index
        %get3A_153 = arith.constant 0 : index
        %get3A_154 = tpu.vector_load %arg8[%get3A_150, %get3A_151, %get3A_152, %get3A_153] {strides = array<i32>} : memref<2x50x4x128xf32, #tpu.memory_space<vmem>>, vector<1x1x1x16xf32>,
        %get3A_155 = vector.shape_cast %get3A_154 : vector<1x1x1x16xf32> to vector<16xf32>
        %sub3A_156 = arith.subf %get3A_147, %get3A_155 : vector<16xf32>
        %abs3A = math.absf %sub3A_156 : vector<16xf32>
        %min3A_157 = arith.constant 1.000000e+00 : f32
        %min3A_158 = vector.broadcast %min3A_157 : f32 to vector<16xf32>
        %min3A_159 = arith.minimumf %abs3A, %min3A_158 : vector<16xf32>
        %mul3A_160 = arith.constant 5.000000e-01 : f32
        %mul3A_161 = vector.broadcast %mul3A_160 : f32 to vector<16xf32>
        %mul3A_162 = arith.mulf %mul3A_161, %min3A_159 : vector<16xf32>
        %sub3A_163 = arith.subf %abs3A, %mul3A_162 : vector<16xf32>
        %mul3A_164 = arith.mulf %min3A_159, %sub3A_163 : vector<16xf32>
        %get3A_165 = arith.constant 0 : i32
        %get3A_166 = arith.constant 1 : i32
        %get3A_167 = arith.index_cast %get3A_165 : i32 to index
        %get3A_168 = arith.index_cast %scan3A_121 : i32 to index
        %get3A_169 = arith.index_cast %get3A_166 : i32 to index
        %get3A_170 = arith.constant 0 : index
        %get3A_171 = tpu.vector_load %arg7[%get3A_167, %get3A_168, %get3A_169, %get3A_170] {strides = array<i32>} : memref<2x50x4x128xf32, #tpu.memory_space<vmem>>, vector<1x1x1x16xf32>,
        %get3A_172 = vector.shape_cast %get3A_171 : vector<1x1x1x16xf32> to vector<16xf32>
        %get3A_173 = arith.constant 0 : i32
        %get3A_174 = arith.constant 1 : i32
        %get3A_175 = arith.index_cast %get3A_173 : i32 to index
        %get3A_176 = arith.index_cast %scan3A_121 : i32 to index
        %get3A_177 = arith.index_cast %get3A_174 : i32 to index
        %get3A_178 = arith.constant 0 : index
        %get3A_179 = tpu.vector_load %arg8[%get3A_175, %get3A_176, %get3A_177, %get3A_178] {strides = array<i32>} : memref<2x50x4x128xf32, #tpu.memory_space<vmem>>, vector<1x1x1x16xf32>,
        %get3A_180 = vector.shape_cast %get3A_179 : vector<1x1x1x16xf32> to vector<16xf32>
        %sub3A_181 = arith.subf %get3A_172, %get3A_180 : vector<16xf32>
        %abs3A_182 = math.absf %sub3A_181 : vector<16xf32>
        %min3A_183 = arith.constant 1.000000e+00 : f32
        %min3A_184 = vector.broadcast %min3A_183 : f32 to vector<16xf32>
        %min3A_185 = arith.minimumf %abs3A_182, %min3A_184 : vector<16xf32>
        %mul3A_186 = arith.constant 5.000000e-01 : f32
        %mul3A_187 = vector.broadcast %mul3A_186 : f32 to vector<16xf32>
        %mul3A_188 = arith.mulf %mul3A_187, %min3A_185 : vector<16xf32>
        %sub3A_189 = arith.subf %abs3A_182, %mul3A_188 : vector<16xf32>
        %mul3A_190 = arith.mulf %min3A_185, %sub3A_189 : vector<16xf32>
        %add3A_191 = arith.addf %mul3A_164, %mul3A_190 : vector<16xf32>
        %get3A_192 = arith.constant 0 : i32
        %get3A_193 = arith.constant 2 : i32
        %get3A_194 = arith.index_cast %get3A_192 : i32 to index
        %get3A_195 = arith.index_cast %scan3A_121 : i32 to index
        %get3A_196 = arith.index_cast %get3A_193 : i32 to index
        %get3A_197 = arith.constant 0 : index
        %get3A_198 = tpu.vector_load %arg7[%get3A_194, %get3A_195, %get3A_196, %get3A_197] {strides = array<i32>} : memref<2x50x4x128xf32, #tpu.memory_space<vmem>>, vector<1x1x1x16xf32>,
        %get3A_199 = vector.shape_cast %get3A_198 : vector<1x1x1x16xf32> to vector<16xf32>
        %get3A_200 = arith.constant 0 : i32
        %get3A_201 = arith.constant 2 : i32
        %get3A_202 = arith.index_cast %get3A_200 : i32 to index
        %get3A_203 = arith.index_cast %scan3A_121 : i32 to index
        %get3A_204 = arith.index_cast %get3A_201 : i32 to index
        %get3A_205 = arith.constant 0 : index
        %get3A_206 = tpu.vector_load %arg8[%get3A_202, %get3A_203, %get3A_204, %get3A_205] {strides = array<i32>} : memref<2x50x4x128xf32, #tpu.memory_space<vmem>>, vector<1x1x1x16xf32>,
        %get3A_207 = vector.shape_cast %get3A_206 : vector<1x1x1x16xf32> to vector<16xf32>
        %sub3A_208 = arith.subf %get3A_199, %get3A_207 : vector<16xf32>
        %abs3A_209 = math.absf %sub3A_208 : vector<16xf32>
        %min3A_210 = arith.constant 1.000000e+00 : f32
        %min3A_211 = vector.broadcast %min3A_210 : f32 to vector<16xf32>
        %min3A_212 = arith.minimumf %abs3A_209, %min3A_211 : vector<16xf32>
        %mul3A_213 = arith.constant 5.000000e-01 : f32
        %mul3A_214 = vector.broadcast %mul3A_213 : f32 to vector<16xf32>
        %mul3A_215 = arith.mulf %mul3A_214, %min3A_212 : vector<16xf32>
        %sub3A_216 = arith.subf %abs3A_209, %mul3A_215 : vector<16xf32>
        %mul3A_217 = arith.mulf %min3A_212, %sub3A_216 : vector<16xf32>
        %add3A_218 = arith.addf %add3A_191, %mul3A_217 : vector<16xf32>
        %get3A_219 = arith.constant 0 : i32
        %get3A_220 = arith.constant 3 : i32
        %get3A_221 = arith.index_cast %get3A_219 : i32 to index
        %get3A_222 = arith.index_cast %scan3A_121 : i32 to index
        %get3A_223 = arith.index_cast %get3A_220 : i32 to index
        %get3A_224 = arith.constant 0 : index
        %get3A_225 = tpu.vector_load %arg7[%get3A_221, %get3A_222, %get3A_223, %get3A_224] {strides = array<i32>} : memref<2x50x4x128xf32, #tpu.memory_space<vmem>>, vector<1x1x1x16xf32>,
        %get3A_226 = vector.shape_cast %get3A_225 : vector<1x1x1x16xf32> to vector<16xf32>
        %get3A_227 = arith.constant 0 : i32
        %get3A_228 = arith.constant 3 : i32
        %get3A_229 = arith.index_cast %get3A_227 : i32 to index
        %get3A_230 = arith.index_cast %scan3A_121 : i32 to index
        %get3A_231 = arith.index_cast %get3A_228 : i32 to index
        %get3A_232 = arith.constant 0 : index
        %get3A_233 = tpu.vector_load %arg8[%get3A_229, %get3A_230, %get3A_231, %get3A_232] {strides = array<i32>} : memref<2x50x4x128xf32, #tpu.memory_space<vmem>>, vector<1x1x1x16xf32>,
        %get3A_234 = vector.shape_cast %get3A_233 : vector<1x1x1x16xf32> to vector<16xf32>
        %sub3A_235 = arith.subf %get3A_226, %get3A_234 : vector<16xf32>
        %abs3A_236 = math.absf %sub3A_235 : vector<16xf32>
        %min3A_237 = arith.constant 1.000000e+00 : f32
        %min3A_238 = vector.broadcast %min3A_237 : f32 to vector<16xf32>
        %min3A_239 = arith.minimumf %abs3A_236, %min3A_238 : vector<16xf32>
        %mul3A_240 = arith.constant 5.000000e-01 : f32
        %mul3A_241 = vector.broadcast %mul3A_240 : f32 to vector<16xf32>
        %mul3A_242 = arith.mulf %mul3A_241, %min3A_239 : vector<16xf32>
        %sub3A_243 = arith.subf %abs3A_236, %mul3A_242 : vector<16xf32>
        %mul3A_244 = arith.mulf %min3A_239, %sub3A_243 : vector<16xf32>
        %add3A_245 = arith.addf %add3A_218, %mul3A_244 : vector<16xf32>
        %jit3A_246 = arith.constant 0.000000e+00 : f32
        %broadcast_in_dim3A_247 = vector.broadcast %jit3A_246 : f32 to vector<16xf32>
        %select_n3A_248 = arith.select %eq3A_133, %add3A_245, %broadcast_in_dim3A_247 : vector<16xi1>, vector<16xf32>
        %add3A_249 = arith.addf %scan3A_122, %select_n3A_248 : vector<16xf32>
        %mul3A_250 = arith.constant 128 : i32
        %mul3A_251 = arith.muli %scan3A_121, %mul3A_250 : i32
        %add3A_252 = arith.constant 16 : i32
        %add3A_253 = arith.addi %mul3A_251, %add3A_252 : i32
        %get3A_254 = arith.constant 0 : i32
        %get3A_255 = arith.index_cast %get3A_254 : i32 to index
        %get3A_256 = arith.index_cast %add3A_253 : i32 to index
        %get3A_257 = tpu.vector_load %arg9[%get3A_255, %get3A_256] {strides = array<i32>} : memref<2x6400xi32, #tpu.memory_space<vmem>>, vector<1x16xi32>,
        %get3A_258 = vector.shape_cast %get3A_257 : vector<1x16xi32> to vector<16xi32>
        %eq3A_259 = arith.constant 1 : i32
        %eq3A_260 = vector.broadcast %eq3A_259 : i32 to vector<16xi32>
        %eq3A_261 = arith.cmpi eq, %get3A_258, %eq3A_260 : vector<16xi32>
        %jit3A_262 = arith.constant 1.000000e+00 : f32
        %jit3A_263 = arith.constant 0.000000e+00 : f32
        %broadcast_in_dim3A_264 = vector.broadcast %jit3A_262 : f32 to vector<16xf32>
        %broadcast_in_dim3A_265 = vector.broadcast %jit3A_263 : f32 to vector<16xf32>
        %select_n3A_266 = arith.select %eq3A_261, %broadcast_in_dim3A_264, %broadcast_in_dim3A_265 : vector<16xi1>, vector<16xf32>
        %add3A_267 = arith.addf %add3A_139, %select_n3A_266 : vector<16xf32>
        %get3A_268 = arith.constant 0 : i32
        %get3A_269 = arith.constant 0 : i32
        %get3A_270 = arith.index_cast %get3A_268 : i32 to index
        %get3A_271 = arith.index_cast %scan3A_121 : i32 to index
        %get3A_272 = arith.index_cast %get3A_269 : i32 to index
        %get3A_273 = arith.constant 16 : index
        %get3A_274 = tpu.vector_load %arg7[%get3A_270, %get3A_271, %get3A_272, %get3A_273] {strides = array<i32>} : memref<2x50x4x128xf32, #tpu.memory_space<vmem>>, vector<1x1x1x16xf32>,
        %get3A_275 = vector.shape_cast %get3A_274 : vector<1x1x1x16xf32> to vector<16xf32>
        %get3A_276 = arith.constant 0 : i32
        %get3A_277 = arith.constant 0 : i32
        %get3A_278 = arith.index_cast %get3A_276 : i32 to index
        %get3A_279 = arith.index_cast %scan3A_121 : i32 to index
        %get3A_280 = arith.index_cast %get3A_277 : i32 to index
        %get3A_281 = arith.constant 16 : index
        %get3A_282 = tpu.vector_load %arg8[%get3A_278, %get3A_279, %get3A_280, %get3A_281] {strides = array<i32>} : memref<2x50x4x128xf32, #tpu.memory_space<vmem>>, vector<1x1x1x16xf32>,
        %get3A_283 = vector.shape_cast %get3A_282 : vector<1x1x1x16xf32> to vector<16xf32>
        %sub3A_284 = arith.subf %get3A_275, %get3A_283 : vector<16xf32>
        %abs3A_285 = math.absf %sub3A_284 : vector<16xf32>
        %min3A_286 = arith.constant 1.000000e+00 : f32
        %min3A_287 = vector.broadcast %min3A_286 : f32 to vector<16xf32>
        %min3A_288 = arith.minimumf %abs3A_285, %min3A_287 : vector<16xf32>
        %mul3A_289 = arith.constant 5.000000e-01 : f32
        %mul3A_290 = vector.broadcast %mul3A_289 : f32 to vector<16xf32>
        %mul3A_291 = arith.mulf %mul3A_290, %min3A_288 : vector<16xf32>
        %sub3A_292 = arith.subf %abs3A_285, %mul3A_291 : vector<16xf32>
        %mul3A_293 = arith.mulf %min3A_288, %sub3A_292 : vector<16xf32>
        %get3A_294 = arith.constant 0 : i32
        %get3A_295 = arith.constant 1 : i32
        %get3A_296 = arith.index_cast %get3A_294 : i32 to index
        %get3A_297 = arith.index_cast %scan3A_121 : i32 to index
        %get3A_298 = arith.index_cast %get3A_295 : i32 to index
        %get3A_299 = arith.constant 16 : index
        %get3A_300 = tpu.vector_load %arg7[%get3A_296, %get3A_297, %get3A_298, %get3A_299] {strides = array<i32>} : memref<2x50x4x128xf32, #tpu.memory_space<vmem>>, vector<1x1x1x16xf32>,
        %get3A_301 = vector.shape_cast %get3A_300 : vector<1x1x1x16xf32> to vector<16xf32>
        %get3A_302 = arith.constant 0 : i32
        %get3A_303 = arith.constant 1 : i32
        %get3A_304 = arith.index_cast %get3A_302 : i32 to index
        %get3A_305 = arith.index_cast %scan3A_121 : i32 to index
        %get3A_306 = arith.index_cast %get3A_303 : i32 to index
        %get3A_307 = arith.constant 16 : index
        %get3A_308 = tpu.vector_load %arg8[%get3A_304, %get3A_305, %get3A_306, %get3A_307] {strides = array<i32>} : memref<2x50x4x128xf32, #tpu.memory_space<vmem>>, vector<1x1x1x16xf32>,
        %get3A_309 = vector.shape_cast %get3A_308 : vector<1x1x1x16xf32> to vector<16xf32>
        %sub3A_310 = arith.subf %get3A_301, %get3A_309 : vector<16xf32>
        %abs3A_311 = math.absf %sub3A_310 : vector<16xf32>
        %min3A_312 = arith.constant 1.000000e+00 : f32
        %min3A_313 = vector.broadcast %min3A_312 : f32 to vector<16xf32>
        %min3A_314 = arith.minimumf %abs3A_311, %min3A_313 : vector<16xf32>
        %mul3A_315 = arith.constant 5.000000e-01 : f32
        %mul3A_316 = vector.broadcast %mul3A_315 : f32 to vector<16xf32>
        %mul3A_317 = arith.mulf %mul3A_316, %min3A_314 : vector<16xf32>
        %sub3A_318 = arith.subf %abs3A_311, %mul3A_317 : vector<16xf32>
        %mul3A_319 = arith.mulf %min3A_314, %sub3A_318 : vector<16xf32>
        %add3A_320 = arith.addf %mul3A_293, %mul3A_319 : vector<16xf32>
        %get3A_321 = arith.constant 0 : i32
        %get3A_322 = arith.constant 2 : i32
        %get3A_323 = arith.index_cast %get3A_321 : i32 to index
        %get3A_324 = arith.index_cast %scan3A_121 : i32 to index
        %get3A_325 = arith.index_cast %get3A_322 : i32 to index
        %get3A_326 = arith.constant 16 : index
        %get3A_327 = tpu.vector_load %arg7[%get3A_323, %get3A_324, %get3A_325, %get3A_326] {strides = array<i32>} : memref<2x50x4x128xf32, #tpu.memory_space<vmem>>, vector<1x1x1x16xf32>,
        %get3A_328 = vector.shape_cast %get3A_327 : vector<1x1x1x16xf32> to vector<16xf32>
        %get3A_329 = arith.constant 0 : i32
        %get3A_330 = arith.constant 2 : i32
        %get3A_331 = arith.index_cast %get3A_329 : i32 to index
        %get3A_332 = arith.index_cast %scan3A_121 : i32 to index
        %get3A_333 = arith.index_cast %get3A_330 : i32 to index
        %get3A_334 = arith.constant 16 : index
        %get3A_335 = tpu.vector_load %arg8[%get3A_331, %get3A_332, %get3A_333, %get3A_334] {strides = array<i32>} : memref<2x50x4x128xf32, #tpu.memory_space<vmem>>, vector<1x1x1x16xf32>,
        %get3A_336 = vector.shape_cast %get3A_335 : vector<1x1x1x16xf32> to vector<16xf32>
        %sub3A_337 = arith.subf %get3A_328, %get3A_336 : vector<16xf32>
        %abs3A_338 = math.absf %sub3A_337 : vector<16xf32>
        %min3A_339 = arith.constant 1.000000e+00 : f32
        %min3A_340 = vector.broadcast %min3A_339 : f32 to vector<16xf32>
        %min3A_341 = arith.minimumf %abs3A_338, %min3A_340 : vector<16xf32>
        %mul3A_342 = arith.constant 5.000000e-01 : f32
        %mul3A_343 = vector.broadcast %mul3A_342 : f32 to vector<16xf32>
        %mul3A_344 = arith.mulf %mul3A_343, %min3A_341 : vector<16xf32>
        %sub3A_345 = arith.subf %abs3A_338, %mul3A_344 : vector<16xf32>
        %mul3A_346 = arith.mulf %min3A_341, %sub3A_345 : vector<16xf32>
        %add3A_347 = arith.addf %add3A_320, %mul3A_346 : vector<16xf32>
        %get3A_348 = arith.constant 0 : i32
        %get3A_349 = arith.constant 3 : i32
        %get3A_350 = arith.index_cast %get3A_348 : i32 to index
        %get3A_351 = arith.index_cast %scan3A_121 : i32 to index
        %get3A_352 = arith.index_cast %get3A_349 : i32 to index
        %get3A_353 = arith.constant 16 : index
        %get3A_354 = tpu.vector_load %arg7[%get3A_350, %get3A_351, %get3A_352, %get3A_353] {strides = array<i32>} : memref<2x50x4x128xf32, #tpu.memory_space<vmem>>, vector<1x1x1x16xf32>,
        %get3A_355 = vector.shape_cast %get3A_354 : vector<1x1x1x16xf32> to vector<16xf32>
        %get3A_356 = arith.constant 0 : i32
        %get3A_357 = arith.constant 3 : i32
        %get3A_358 = arith.index_cast %get3A_356 : i32 to index
        %get3A_359 = arith.index_cast %scan3A_121 : i32 to index
        %get3A_360 = arith.index_cast %get3A_357 : i32 to index
        %get3A_361 = arith.constant 16 : index
        %get3A_362 = tpu.vector_load %arg8[%get3A_358, %get3A_359, %get3A_360, %get3A_361] {strides = array<i32>} : memref<2x50x4x128xf32, #tpu.memory_space<vmem>>, vector<1x1x1x16xf32>,
        %get3A_363 = vector.shape_cast %get3A_362 : vector<1x1x1x16xf32> to vector<16xf32>
        %sub3A_364 = arith.subf %get3A_355, %get3A_363 : vector<16xf32>
        %abs3A_365 = math.absf %sub3A_364 : vector<16xf32>
        %min3A_366 = arith.constant 1.000000e+00 : f32
        %min3A_367 = vector.broadcast %min3A_366 : f32 to vector<16xf32>
        %min3A_368 = arith.minimumf %abs3A_365, %min3A_367 : vector<16xf32>
        %mul3A_369 = arith.constant 5.000000e-01 : f32
        %mul3A_370 = vector.broadcast %mul3A_369 : f32 to vector<16xf32>
        %mul3A_371 = arith.mulf %mul3A_370, %min3A_368 : vector<16xf32>
        %sub3A_372 = arith.subf %abs3A_365, %mul3A_371 : vector<16xf32>
        %mul3A_373 = arith.mulf %min3A_368, %sub3A_372 : vector<16xf32>
        %add3A_374 = arith.addf %add3A_347, %mul3A_373 : vector<16xf32>
        %jit3A_375 = arith.constant 0.000000e+00 : f32
        %broadcast_in_dim3A_376 = vector.broadcast %jit3A_375 : f32 to vector<16xf32>
        %select_n3A_377 = arith.select %eq3A_261, %add3A_374, %broadcast_in_dim3A_376 : vector<16xi1>, vector<16xf32>
        %add3A_378 = arith.addf %add3A_249, %select_n3A_377 : vector<16xf32>
        %mul3A_379 = arith.constant 128 : i32
        %mul3A_380 = arith.muli %scan3A_121, %mul3A_379 : i32
        %add3A_381 = arith.constant 32 : i32
        %add3A_382 = arith.addi %mul3A_380, %add3A_381 : i32
        %get3A_383 = arith.constant 0 : i32
        %get3A_384 = arith.index_cast %get3A_383 : i32 to index
        %get3A_385 = arith.index_cast %add3A_382 : i32 to index
        %get3A_386 = tpu.vector_load %arg9[%get3A_384, %get3A_385] {strides = array<i32>} : memref<2x6400xi32, #tpu.memory_space<vmem>>, vector<1x16xi32>,
        %get3A_387 = vector.shape_cast %get3A_386 : vector<1x16xi32> to vector<16xi32>
        %eq3A_388 = arith.constant 1 : i32
        %eq3A_389 = vector.broadcast %eq3A_388 : i32 to vector<16xi32>
        %eq3A_390 = arith.cmpi eq, %get3A_387, %eq3A_389 : vector<16xi32>
        %jit3A_391 = arith.constant 1.000000e+00 : f32
        %jit3A_392 = arith.constant 0.000000e+00 : f32
        %broadcast_in_dim3A_393 = vector.broadcast %jit3A_391 : f32 to vector<16xf32>
        %broadcast_in_dim3A_394 = vector.broadcast %jit3A_392 : f32 to vector<16xf32>
        %select_n3A_395 = arith.select %eq3A_390, %broadcast_in_dim3A_393, %broadcast_in_dim3A_394 : vector<16xi1>, vector<16xf32>
        %add3A_396 = arith.addf %add3A_267, %select_n3A_395 : vector<16xf32>
        %get3A_397 = arith.constant 0 : i32
        %get3A_398 = arith.constant 0 : i32
        %get3A_399 = arith.index_cast %get3A_397 : i32 to index
        %get3A_400 = arith.index_cast %scan3A_121 : i32 to index
        %get3A_401 = arith.index_cast %get3A_398 : i32 to index
        %get3A_402 = arith.constant 32 : index
        %get3A_403 = tpu.vector_load %arg7[%get3A_399, %get3A_400, %get3A_401, %get3A_402] {strides = array<i32>} : memref<2x50x4x128xf32, #tpu.memory_space<vmem>>, vector<1x1x1x16xf32>,
        %get3A_404 = vector.shape_cast %get3A_403 : vector<1x1x1x16xf32> to vector<16xf32>
        %get3A_405 = arith.constant 0 : i32
        %get3A_406 = arith.constant 0 : i32
        %get3A_407 = arith.index_cast %get3A_405 : i32 to index
        %get3A_408 = arith.index_cast %scan3A_121 : i32 to index
        %get3A_409 = arith.index_cast %get3A_406 : i32 to index
        %get3A_410 = arith.constant 32 : index
        %get3A_411 = tpu.vector_load %arg8[%get3A_407, %get3A_408, %get3A_409, %get3A_410] {strides = array<i32>} : memref<2x50x4x128xf32, #tpu.memory_space<vmem>>, vector<1x1x1x16xf32>,
        %get3A_412 = vector.shape_cast %get3A_411 : vector<1x1x1x16xf32> to vector<16xf32>
        %sub3A_413 = arith.subf %get3A_404, %get3A_412 : vector<16xf32>
        %abs3A_414 = math.absf %sub3A_413 : vector<16xf32>
        %min3A_415 = arith.constant 1.000000e+00 : f32
        %min3A_416 = vector.broadcast %min3A_415 : f32 to vector<16xf32>
        %min3A_417 = arith.minimumf %abs3A_414, %min3A_416 : vector<16xf32>
        %mul3A_418 = arith.constant 5.000000e-01 : f32
        %mul3A_419 = vector.broadcast %mul3A_418 : f32 to vector<16xf32>
        %mul3A_420 = arith.mulf %mul3A_419, %min3A_417 : vector<16xf32>
        %sub3A_421 = arith.subf %abs3A_414, %mul3A_420 : vector<16xf32>
        %mul3A_422 = arith.mulf %min3A_417, %sub3A_421 : vector<16xf32>
        %get3A_423 = arith.constant 0 : i32
        %get3A_424 = arith.constant 1 : i32
        %get3A_425 = arith.index_cast %get3A_423 : i32 to index
        %get3A_426 = arith.index_cast %scan3A_121 : i32 to index
        %get3A_427 = arith.index_cast %get3A_424 : i32 to index
        %get3A_428 = arith.constant 32 : index
        %get3A_429 = tpu.vector_load %arg7[%get3A_425, %get3A_426, %get3A_427, %get3A_428] {strides = array<i32>} : memref<2x50x4x128xf32, #tpu.memory_space<vmem>>, vector<1x1x1x16xf32>,
        %get3A_430 = vector.shape_cast %get3A_429 : vector<1x1x1x16xf32> to vector<16xf32>
        %get3A_431 = arith.constant 0 : i32
        %get3A_432 = arith.constant 1 : i32
        %get3A_433 = arith.index_cast %get3A_431 : i32 to index
        %get3A_434 = arith.index_cast %scan3A_121 : i32 to index
        %get3A_435 = arith.index_cast %get3A_432 : i32 to index
        %get3A_436 = arith.constant 32 : index
        %get3A_437 = tpu.vector_load %arg8[%get3A_433, %get3A_434, %get3A_435, %get3A_436] {strides = array<i32>} : memref<2x50x4x128xf32, #tpu.memory_space<vmem>>, vector<1x1x1x16xf32>,
        %get3A_438 = vector.shape_cast %get3A_437 : vector<1x1x1x16xf32> to vector<16xf32>
        %sub3A_439 = arith.subf %get3A_430, %get3A_438 : vector<16xf32>
        %abs3A_440 = math.absf %sub3A_439 : vector<16xf32>
        %min3A_441 = arith.constant 1.000000e+00 : f32
        %min3A_442 = vector.broadcast %min3A_441 : f32 to vector<16xf32>
        %min3A_443 = arith.minimumf %abs3A_440, %min3A_442 : vector<16xf32>
        %mul3A_444 = arith.constant 5.000000e-01 : f32
        %mul3A_445 = vector.broadcast %mul3A_444 : f32 to vector<16xf32>
        %mul3A_446 = arith.mulf %mul3A_445, %min3A_443 : vector<16xf32>
        %sub3A_447 = arith.subf %abs3A_440, %mul3A_446 : vector<16xf32>
        %mul3A_448 = arith.mulf %min3A_443, %sub3A_447 : vector<16xf32>
        %add3A_449 = arith.addf %mul3A_422, %mul3A_448 : vector<16xf32>
        %get3A_450 = arith.constant 0 : i32
        %get3A_451 = arith.constant 2 : i32
        %get3A_452 = arith.index_cast %get3A_450 : i32 to index
        %get3A_453 = arith.index_cast %scan3A_121 : i32 to index
        %get3A_454 = arith.index_cast %get3A_451 : i32 to index
        %get3A_455 = arith.constant 32 : index
        %get3A_456 = tpu.vector_load %arg7[%get3A_452, %get3A_453, %get3A_454, %get3A_455] {strides = array<i32>} : memref<2x50x4x128xf32, #tpu.memory_space<vmem>>, vector<1x1x1x16xf32>,
        %get3A_457 = vector.shape_cast %get3A_456 : vector<1x1x1x16xf32> to vector<16xf32>
        %get3A_458 = arith.constant 0 : i32
        %get3A_459 = arith.constant 2 : i32
        %get3A_460 = arith.index_cast %get3A_458 : i32 to index
        %get3A_461 = arith.index_cast %scan3A_121 : i32 to index
        %get3A_462 = arith.index_cast %get3A_459 : i32 to index
        %get3A_463 = arith.constant 32 : index
        %get3A_464 = tpu.vector_load %arg8[%get3A_460, %get3A_461, %get3A_462, %get3A_463] {strides = array<i32>} : memref<2x50x4x128xf32, #tpu.memory_space<vmem>>, vector<1x1x1x16xf32>,
        %get3A_465 = vector.shape_cast %get3A_464 : vector<1x1x1x16xf32> to vector<16xf32>
        %sub3A_466 = arith.subf %get3A_457, %get3A_465 : vector<16xf32>
        %abs3A_467 = math.absf %sub3A_466 : vector<16xf32>
        %min3A_468 = arith.constant 1.000000e+00 : f32
        %min3A_469 = vector.broadcast %min3A_468 : f32 to vector<16xf32>
        %min3A_470 = arith.minimumf %abs3A_467, %min3A_469 : vector<16xf32>
        %mul3A_471 = arith.constant 5.000000e-01 : f32
        %mul3A_472 = vector.broadcast %mul3A_471 : f32 to vector<16xf32>
        %mul3A_473 = arith.mulf %mul3A_472, %min3A_470 : vector<16xf32>
        %sub3A_474 = arith.subf %abs3A_467, %mul3A_473 : vector<16xf32>
        %mul3A_475 = arith.mulf %min3A_470, %sub3A_474 : vector<16xf32>
        %add3A_476 = arith.addf %add3A_449, %mul3A_475 : vector<16xf32>
        %get3A_477 = arith.constant 0 : i32
        %get3A_478 = arith.constant 3 : i32
        %get3A_479 = arith.index_cast %get3A_477 : i32 to index
        %get3A_480 = arith.index_cast %scan3A_121 : i32 to index
        %get3A_481 = arith.index_cast %get3A_478 : i32 to index
        %get3A_482 = arith.constant 32 : index
        %get3A_483 = tpu.vector_load %arg7[%get3A_479, %get3A_480, %get3A_481, %get3A_482] {strides = array<i32>} : memref<2x50x4x128xf32, #tpu.memory_space<vmem>>, vector<1x1x1x16xf32>,
        %get3A_484 = vector.shape_cast %get3A_483 : vector<1x1x1x16xf32> to vector<16xf32>
        %get3A_485 = arith.constant 0 : i32
        %get3A_486 = arith.constant 3 : i32
        %get3A_487 = arith.index_cast %get3A_485 : i32 to index
        %get3A_488 = arith.index_cast %scan3A_121 : i32 to index
        %get3A_489 = arith.index_cast %get3A_486 : i32 to index
        %get3A_490 = arith.constant 32 : index
        %get3A_491 = tpu.vector_load %arg8[%get3A_487, %get3A_488, %get3A_489, %get3A_490] {strides = array<i32>} : memref<2x50x4x128xf32, #tpu.memory_space<vmem>>, vector<1x1x1x16xf32>,
        %get3A_492 = vector.shape_cast %get3A_491 : vector<1x1x1x16xf32> to vector<16xf32>
        %sub3A_493 = arith.subf %get3A_484, %get3A_492 : vector<16xf32>
        %abs3A_494 = math.absf %sub3A_493 : vector<16xf32>
        %min3A_495 = arith.constant 1.000000e+00 : f32
        %min3A_496 = vector.broadcast %min3A_495 : f32 to vector<16xf32>
        %min3A_497 = arith.minimumf %abs3A_494, %min3A_496 : vector<16xf32>
        %mul3A_498 = arith.constant 5.000000e-01 : f32
        %mul3A_499 = vector.broadcast %mul3A_498 : f32 to vector<16xf32>
        %mul3A_500 = arith.mulf %mul3A_499, %min3A_497 : vector<16xf32>
        %sub3A_501 = arith.subf %abs3A_494, %mul3A_500 : vector<16xf32>
        %mul3A_502 = arith.mulf %min3A_497, %sub3A_501 : vector<16xf32>
        %add3A_503 = arith.addf %add3A_476, %mul3A_502 : vector<16xf32>
        %jit3A_504 = arith.constant 0.000000e+00 : f32
        %broadcast_in_dim3A_505 = vector.broadcast %jit3A_504 : f32 to vector<16xf32>
        %select_n3A_506 = arith.select %eq3A_390, %add3A_503, %broadcast_in_dim3A_505 : vector<16xi1>, vector<16xf32>
        %add3A_507 = arith.addf %add3A_378, %select_n3A_506 : vector<16xf32>
        %mul3A_508 = arith.constant 128 : i32
        %mul3A_509 = arith.muli %scan3A_121, %mul3A_508 : i32
        %add3A_510 = arith.constant 48 : i32
        %add3A_511 = arith.addi %mul3A_509, %add3A_510 : i32
        %get3A_512 = arith.constant 0 : i32
        %get3A_513 = arith.index_cast %get3A_512 : i32 to index
        %get3A_514 = arith.index_cast %add3A_511 : i32 to index
        %get3A_515 = tpu.vector_load %arg9[%get3A_513, %get3A_514] {strides = array<i32>} : memref<2x6400xi32, #tpu.memory_space<vmem>>, vector<1x16xi32>,
        %get3A_516 = vector.shape_cast %get3A_515 : vector<1x16xi32> to vector<16xi32>
        %eq3A_517 = arith.constant 1 : i32
        %eq3A_518 = vector.broadcast %eq3A_517 : i32 to vector<16xi32>
        %eq3A_519 = arith.cmpi eq, %get3A_516, %eq3A_518 : vector<16xi32>
        %jit3A_520 = arith.constant 1.000000e+00 : f32
        %jit3A_521 = arith.constant 0.000000e+00 : f32
        %broadcast_in_dim3A_522 = vector.broadcast %jit3A_520 : f32 to vector<16xf32>
        %broadcast_in_dim3A_523 = vector.broadcast %jit3A_521 : f32 to vector<16xf32>
        %select_n3A_524 = arith.select %eq3A_519, %broadcast_in_dim3A_522, %broadcast_in_dim3A_523 : vector<16xi1>, vector<16xf32>
        %add3A_525 = arith.addf %add3A_396, %select_n3A_524 : vector<16xf32>
        %get3A_526 = arith.constant 0 : i32
        %get3A_527 = arith.constant 0 : i32
        %get3A_528 = arith.index_cast %get3A_526 : i32 to index
        %get3A_529 = arith.index_cast %scan3A_121 : i32 to index
        %get3A_530 = arith.index_cast %get3A_527 : i32 to index
        %get3A_531 = arith.constant 48 : index
        %get3A_532 = tpu.vector_load %arg7[%get3A_528, %get3A_529, %get3A_530, %get3A_531] {strides = array<i32>} : memref<2x50x4x128xf32, #tpu.memory_space<vmem>>, vector<1x1x1x16xf32>,
        %get3A_533 = vector.shape_cast %get3A_532 : vector<1x1x1x16xf32> to vector<16xf32>
        %get3A_534 = arith.constant 0 : i32
        %get3A_535 = arith.constant 0 : i32
        %get3A_536 = arith.index_cast %get3A_534 : i32 to index
        %get3A_537 = arith.index_cast %scan3A_121 : i32 to index
        %get3A_538 = arith.index_cast %get3A_535 : i32 to index
        %get3A_539 = arith.constant 48 : index
        %get3A_540 = tpu.vector_load %arg8[%get3A_536, %get3A_537, %get3A_538, %get3A_539] {strides = array<i32>} : memref<2x50x4x128xf32, #tpu.memory_space<vmem>>, vector<1x1x1x16xf32>,
        %get3A_541 = vector.shape_cast %get3A_540 : vector<1x1x1x16xf32> to vector<16xf32>
        %sub3A_542 = arith.subf %get3A_533, %get3A_541 : vector<16xf32>
        %abs3A_543 = math.absf %sub3A_542 : vector<16xf32>
        %min3A_544 = arith.constant 1.000000e+00 : f32
        %min3A_545 = vector.broadcast %min3A_544 : f32 to vector<16xf32>
        %min3A_546 = arith.minimumf %abs3A_543, %min3A_545 : vector<16xf32>
        %mul3A_547 = arith.constant 5.000000e-01 : f32
        %mul3A_548 = vector.broadcast %mul3A_547 : f32 to vector<16xf32>
        %mul3A_549 = arith.mulf %mul3A_548, %min3A_546 : vector<16xf32>
        %sub3A_550 = arith.subf %abs3A_543, %mul3A_549 : vector<16xf32>
        %mul3A_551 = arith.mulf %min3A_546, %sub3A_550 : vector<16xf32>
        %get3A_552 = arith.constant 0 : i32
        %get3A_553 = arith.constant 1 : i32
        %get3A_554 = arith.index_cast %get3A_552 : i32 to index
        %get3A_555 = arith.index_cast %scan3A_121 : i32 to index
        %get3A_556 = arith.index_cast %get3A_553 : i32 to index
        %get3A_557 = arith.constant 48 : index
        %get3A_558 = tpu.vector_load %arg7[%get3A_554, %get3A_555, %get3A_556, %get3A_557] {strides = array<i32>} : memref<2x50x4x128xf32, #tpu.memory_space<vmem>>, vector<1x1x1x16xf32>,
        %get3A_559 = vector.shape_cast %get3A_558 : vector<1x1x1x16xf32> to vector<16xf32>
        %get3A_560 = arith.constant 0 : i32
        %get3A_561 = arith.constant 1 : i32
        %get3A_562 = arith.index_cast %get3A_560 : i32 to index
        %get3A_563 = arith.index_cast %scan3A_121 : i32 to index
        %get3A_564 = arith.index_cast %get3A_561 : i32 to index
        %get3A_565 = arith.constant 48 : index
        %get3A_566 = tpu.vector_load %arg8[%get3A_562, %get3A_563, %get3A_564, %get3A_565] {strides = array<i32>} : memref<2x50x4x128xf32, #tpu.memory_space<vmem>>, vector<1x1x1x16xf32>,
        %get3A_567 = vector.shape_cast %get3A_566 : vector<1x1x1x16xf32> to vector<16xf32>
        %sub3A_568 = arith.subf %get3A_559, %get3A_567 : vector<16xf32>
        %abs3A_569 = math.absf %sub3A_568 : vector<16xf32>
        %min3A_570 = arith.constant 1.000000e+00 : f32
        %min3A_571 = vector.broadcast %min3A_570 : f32 to vector<16xf32>
        %min3A_572 = arith.minimumf %abs3A_569, %min3A_571 : vector<16xf32>
        %mul3A_573 = arith.constant 5.000000e-01 : f32
        %mul3A_574 = vector.broadcast %mul3A_573 : f32 to vector<16xf32>
        %mul3A_575 = arith.mulf %mul3A_574, %min3A_572 : vector<16xf32>
        %sub3A_576 = arith.subf %abs3A_569, %mul3A_575 : vector<16xf32>
        %mul3A_577 = arith.mulf %min3A_572, %sub3A_576 : vector<16xf32>
        %add3A_578 = arith.addf %mul3A_551, %mul3A_577 : vector<16xf32>
        %get3A_579 = arith.constant 0 : i32
        %get3A_580 = arith.constant 2 : i32
        %get3A_581 = arith.index_cast %get3A_579 : i32 to index
        %get3A_582 = arith.index_cast %scan3A_121 : i32 to index
        %get3A_583 = arith.index_cast %get3A_580 : i32 to index
        %get3A_584 = arith.constant 48 : index
        %get3A_585 = tpu.vector_load %arg7[%get3A_581, %get3A_582, %get3A_583, %get3A_584] {strides = array<i32>} : memref<2x50x4x128xf32, #tpu.memory_space<vmem>>, vector<1x1x1x16xf32>,
        %get3A_586 = vector.shape_cast %get3A_585 : vector<1x1x1x16xf32> to vector<16xf32>
        %get3A_587 = arith.constant 0 : i32
        %get3A_588 = arith.constant 2 : i32
        %get3A_589 = arith.index_cast %get3A_587 : i32 to index
        %get3A_590 = arith.index_cast %scan3A_121 : i32 to index
        %get3A_591 = arith.index_cast %get3A_588 : i32 to index
        %get3A_592 = arith.constant 48 : index
        %get3A_593 = tpu.vector_load %arg8[%get3A_589, %get3A_590, %get3A_591, %get3A_592] {strides = array<i32>} : memref<2x50x4x128xf32, #tpu.memory_space<vmem>>, vector<1x1x1x16xf32>,
        %get3A_594 = vector.shape_cast %get3A_593 : vector<1x1x1x16xf32> to vector<16xf32>
        %sub3A_595 = arith.subf %get3A_586, %get3A_594 : vector<16xf32>
        %abs3A_596 = math.absf %sub3A_595 : vector<16xf32>
        %min3A_597 = arith.constant 1.000000e+00 : f32
        %min3A_598 = vector.broadcast %min3A_597 : f32 to vector<16xf32>
        %min3A_599 = arith.minimumf %abs3A_596, %min3A_598 : vector<16xf32>
        %mul3A_600 = arith.constant 5.000000e-01 : f32
        %mul3A_601 = vector.broadcast %mul3A_600 : f32 to vector<16xf32>
        %mul3A_602 = arith.mulf %mul3A_601, %min3A_599 : vector<16xf32>
        %sub3A_603 = arith.subf %abs3A_596, %mul3A_602 : vector<16xf32>
        %mul3A_604 = arith.mulf %min3A_599, %sub3A_603 : vector<16xf32>
        %add3A_605 = arith.addf %add3A_578, %mul3A_604 : vector<16xf32>
        %get3A_606 = arith.constant 0 : i32
        %get3A_607 = arith.constant 3 : i32
        %get3A_608 = arith.index_cast %get3A_606 : i32 to index
        %get3A_609 = arith.index_cast %scan3A_121 : i32 to index
        %get3A_610 = arith.index_cast %get3A_607 : i32 to index
        %get3A_611 = arith.constant 48 : index
        %get3A_612 = tpu.vector_load %arg7[%get3A_608, %get3A_609, %get3A_610, %get3A_611] {strides = array<i32>} : memref<2x50x4x128xf32, #tpu.memory_space<vmem>>, vector<1x1x1x16xf32>,
        %get3A_613 = vector.shape_cast %get3A_612 : vector<1x1x1x16xf32> to vector<16xf32>
        %get3A_614 = arith.constant 0 : i32
        %get3A_615 = arith.constant 3 : i32
        %get3A_616 = arith.index_cast %get3A_614 : i32 to index
        %get3A_617 = arith.index_cast %scan3A_121 : i32 to index
        %get3A_618 = arith.index_cast %get3A_615 : i32 to index
        %get3A_619 = arith.constant 48 : index
        %get3A_620 = tpu.vector_load %arg8[%get3A_616, %get3A_617, %get3A_618, %get3A_619] {strides = array<i32>} : memref<2x50x4x128xf32, #tpu.memory_space<vmem>>, vector<1x1x1x16xf32>,
        %get3A_621 = vector.shape_cast %get3A_620 : vector<1x1x1x16xf32> to vector<16xf32>
        %sub3A_622 = arith.subf %get3A_613, %get3A_621 : vector<16xf32>
        %abs3A_623 = math.absf %sub3A_622 : vector<16xf32>
        %min3A_624 = arith.constant 1.000000e+00 : f32
        %min3A_625 = vector.broadcast %min3A_624 : f32 to vector<16xf32>
        %min3A_626 = arith.minimumf %abs3A_623, %min3A_625 : vector<16xf32>
        %mul3A_627 = arith.constant 5.000000e-01 : f32
        %mul3A_628 = vector.broadcast %mul3A_627 : f32 to vector<16xf32>
        %mul3A_629 = arith.mulf %mul3A_628, %min3A_626 : vector<16xf32>
        %sub3A_630 = arith.subf %abs3A_623, %mul3A_629 : vector<16xf32>
        %mul3A_631 = arith.mulf %min3A_626, %sub3A_630 : vector<16xf32>
        %add3A_632 = arith.addf %add3A_605, %mul3A_631 : vector<16xf32>
        %jit3A_633 = arith.constant 0.000000e+00 : f32
        %broadcast_in_dim3A_634 = vector.broadcast %jit3A_633 : f32 to vector<16xf32>
        %select_n3A_635 = arith.select %eq3A_519, %add3A_632, %broadcast_in_dim3A_634 : vector<16xi1>, vector<16xf32>
        %add3A_636 = arith.addf %add3A_507, %select_n3A_635 : vector<16xf32>
        %mul3A_637 = arith.constant 128 : i32
        %mul3A_638 = arith.muli %scan3A_121, %mul3A_637 : i32
        %add3A_639 = arith.constant 64 : i32
        %add3A_640 = arith.addi %mul3A_638, %add3A_639 : i32
        %get3A_641 = arith.constant 0 : i32
        %get3A_642 = arith.index_cast %get3A_641 : i32 to index
        %get3A_643 = arith.index_cast %add3A_640 : i32 to index
        %get3A_644 = tpu.vector_load %arg9[%get3A_642, %get3A_643] {strides = array<i32>} : memref<2x6400xi32, #tpu.memory_space<vmem>>, vector<1x16xi32>,
        %get3A_645 = vector.shape_cast %get3A_644 : vector<1x16xi32> to vector<16xi32>
        %eq3A_646 = arith.constant 1 : i32
        %eq3A_647 = vector.broadcast %eq3A_646 : i32 to vector<16xi32>
        %eq3A_648 = arith.cmpi eq, %get3A_645, %eq3A_647 : vector<16xi32>
        %jit3A_649 = arith.constant 1.000000e+00 : f32
        %jit3A_650 = arith.constant 0.000000e+00 : f32
        %broadcast_in_dim3A_651 = vector.broadcast %jit3A_649 : f32 to vector<16xf32>
        %broadcast_in_dim3A_652 = vector.broadcast %jit3A_650 : f32 to vector<16xf32>
        %select_n3A_653 = arith.select %eq3A_648, %broadcast_in_dim3A_651, %broadcast_in_dim3A_652 : vector<16xi1>, vector<16xf32>
        %add3A_654 = arith.addf %add3A_525, %select_n3A_653 : vector<16xf32>
        %get3A_655 = arith.constant 0 : i32
        %get3A_656 = arith.constant 0 : i32
        %get3A_657 = arith.index_cast %get3A_655 : i32 to index
        %get3A_658 = arith.index_cast %scan3A_121 : i32 to index
        %get3A_659 = arith.index_cast %get3A_656 : i32 to index
        %get3A_660 = arith.constant 64 : index
        %get3A_661 = tpu.vector_load %arg7[%get3A_657, %get3A_658, %get3A_659, %get3A_660] {strides = array<i32>} : memref<2x50x4x128xf32, #tpu.memory_space<vmem>>, vector<1x1x1x16xf32>,
        %get3A_662 = vector.shape_cast %get3A_661 : vector<1x1x1x16xf32> to vector<16xf32>
        %get3A_663 = arith.constant 0 : i32
        %get3A_664 = arith.constant 0 : i32
        %get3A_665 = arith.index_cast %get3A_663 : i32 to index
        %get3A_666 = arith.index_cast %scan3A_121 : i32 to index
        %get3A_667 = arith.index_cast %get3A_664 : i32 to index
        %get3A_668 = arith.constant 64 : index
        %get3A_669 = tpu.vector_load %arg8[%get3A_665, %get3A_666, %get3A_667, %get3A_668] {strides = array<i32>} : memref<2x50x4x128xf32, #tpu.memory_space<vmem>>, vector<1x1x1x16xf32>,
        %get3A_670 = vector.shape_cast %get3A_669 : vector<1x1x1x16xf32> to vector<16xf32>
        %sub3A_671 = arith.subf %get3A_662, %get3A_670 : vector<16xf32>
        %abs3A_672 = math.absf %sub3A_671 : vector<16xf32>
        %min3A_673 = arith.constant 1.000000e+00 : f32
        %min3A_674 = vector.broadcast %min3A_673 : f32 to vector<16xf32>
        %min3A_675 = arith.minimumf %abs3A_672, %min3A_674 : vector<16xf32>
        %mul3A_676 = arith.constant 5.000000e-01 : f32
        %mul3A_677 = vector.broadcast %mul3A_676 : f32 to vector<16xf32>
        %mul3A_678 = arith.mulf %mul3A_677, %min3A_675 : vector<16xf32>
        %sub3A_679 = arith.subf %abs3A_672, %mul3A_678 : vector<16xf32>
        %mul3A_680 = arith.mulf %min3A_675, %sub3A_679 : vector<16xf32>
        %get3A_681 = arith.constant 0 : i32
        %get3A_682 = arith.constant 1 : i32
        %get3A_683 = arith.index_cast %get3A_681 : i32 to index
        %get3A_684 = arith.index_cast %scan3A_121 : i32 to index
        %get3A_685 = arith.index_cast %get3A_682 : i32 to index
        %get3A_686 = arith.constant 64 : index
        %get3A_687 = tpu.vector_load %arg7[%get3A_683, %get3A_684, %get3A_685, %get3A_686] {strides = array<i32>} : memref<2x50x4x128xf32, #tpu.memory_space<vmem>>, vector<1x1x1x16xf32>,
        %get3A_688 = vector.shape_cast %get3A_687 : vector<1x1x1x16xf32> to vector<16xf32>
        %get3A_689 = arith.constant 0 : i32
        %get3A_690 = arith.constant 1 : i32
        %get3A_691 = arith.index_cast %get3A_689 : i32 to index
        %get3A_692 = arith.index_cast %scan3A_121 : i32 to index
        %get3A_693 = arith.index_cast %get3A_690 : i32 to index
        %get3A_694 = arith.constant 64 : index
        %get3A_695 = tpu.vector_load %arg8[%get3A_691, %get3A_692, %get3A_693, %get3A_694] {strides = array<i32>} : memref<2x50x4x128xf32, #tpu.memory_space<vmem>>, vector<1x1x1x16xf32>,
        %get3A_696 = vector.shape_cast %get3A_695 : vector<1x1x1x16xf32> to vector<16xf32>
        %sub3A_697 = arith.subf %get3A_688, %get3A_696 : vector<16xf32>
        %abs3A_698 = math.absf %sub3A_697 : vector<16xf32>
        %min3A_699 = arith.constant 1.000000e+00 : f32
        %min3A_700 = vector.broadcast %min3A_699 : f32 to vector<16xf32>
        %min3A_701 = arith.minimumf %abs3A_698, %min3A_700 : vector<16xf32>
        %mul3A_702 = arith.constant 5.000000e-01 : f32
        %mul3A_703 = vector.broadcast %mul3A_702 : f32 to vector<16xf32>
        %mul3A_704 = arith.mulf %mul3A_703, %min3A_701 : vector<16xf32>
        %sub3A_705 = arith.subf %abs3A_698, %mul3A_704 : vector<16xf32>
        %mul3A_706 = arith.mulf %min3A_701, %sub3A_705 : vector<16xf32>
        %add3A_707 = arith.addf %mul3A_680, %mul3A_706 : vector<16xf32>
        %get3A_708 = arith.constant 0 : i32
        %get3A_709 = arith.constant 2 : i32
        %get3A_710 = arith.index_cast %get3A_708 : i32 to index
        %get3A_711 = arith.index_cast %scan3A_121 : i32 to index
        %get3A_712 = arith.index_cast %get3A_709 : i32 to index
        %get3A_713 = arith.constant 64 : index
        %get3A_714 = tpu.vector_load %arg7[%get3A_710, %get3A_711, %get3A_712, %get3A_713] {strides = array<i32>} : memref<2x50x4x128xf32, #tpu.memory_space<vmem>>, vector<1x1x1x16xf32>,
        %get3A_715 = vector.shape_cast %get3A_714 : vector<1x1x1x16xf32> to vector<16xf32>
        %get3A_716 = arith.constant 0 : i32
        %get3A_717 = arith.constant 2 : i32
        %get3A_718 = arith.index_cast %get3A_716 : i32 to index
        %get3A_719 = arith.index_cast %scan3A_121 : i32 to index
        %get3A_720 = arith.index_cast %get3A_717 : i32 to index
        %get3A_721 = arith.constant 64 : index
        %get3A_722 = tpu.vector_load %arg8[%get3A_718, %get3A_719, %get3A_720, %get3A_721] {strides = array<i32>} : memref<2x50x4x128xf32, #tpu.memory_space<vmem>>, vector<1x1x1x16xf32>,
        %get3A_723 = vector.shape_cast %get3A_722 : vector<1x1x1x16xf32> to vector<16xf32>
        %sub3A_724 = arith.subf %get3A_715, %get3A_723 : vector<16xf32>
        %abs3A_725 = math.absf %sub3A_724 : vector<16xf32>
        %min3A_726 = arith.constant 1.000000e+00 : f32
        %min3A_727 = vector.broadcast %min3A_726 : f32 to vector<16xf32>
        %min3A_728 = arith.minimumf %abs3A_725, %min3A_727 : vector<16xf32>
        %mul3A_729 = arith.constant 5.000000e-01 : f32
        %mul3A_730 = vector.broadcast %mul3A_729 : f32 to vector<16xf32>
        %mul3A_731 = arith.mulf %mul3A_730, %min3A_728 : vector<16xf32>
        %sub3A_732 = arith.subf %abs3A_725, %mul3A_731 : vector<16xf32>
        %mul3A_733 = arith.mulf %min3A_728, %sub3A_732 : vector<16xf32>
        %add3A_734 = arith.addf %add3A_707, %mul3A_733 : vector<16xf32>
        %get3A_735 = arith.constant 0 : i32
        %get3A_736 = arith.constant 3 : i32
        %get3A_737 = arith.index_cast %get3A_735 : i32 to index
        %get3A_738 = arith.index_cast %scan3A_121 : i32 to index
        %get3A_739 = arith.index_cast %get3A_736 : i32 to index
        %get3A_740 = arith.constant 64 : index
        %get3A_741 = tpu.vector_load %arg7[%get3A_737, %get3A_738, %get3A_739, %get3A_740] {strides = array<i32>} : memref<2x50x4x128xf32, #tpu.memory_space<vmem>>, vector<1x1x1x16xf32>,
        %get3A_742 = vector.shape_cast %get3A_741 : vector<1x1x1x16xf32> to vector<16xf32>
        %get3A_743 = arith.constant 0 : i32
        %get3A_744 = arith.constant 3 : i32
        %get3A_745 = arith.index_cast %get3A_743 : i32 to index
        %get3A_746 = arith.index_cast %scan3A_121 : i32 to index
        %get3A_747 = arith.index_cast %get3A_744 : i32 to index
        %get3A_748 = arith.constant 64 : index
        %get3A_749 = tpu.vector_load %arg8[%get3A_745, %get3A_746, %get3A_747, %get3A_748] {strides = array<i32>} : memref<2x50x4x128xf32, #tpu.memory_space<vmem>>, vector<1x1x1x16xf32>,
        %get3A_750 = vector.shape_cast %get3A_749 : vector<1x1x1x16xf32> to vector<16xf32>
        %sub3A_751 = arith.subf %get3A_742, %get3A_750 : vector<16xf32>
        %abs3A_752 = math.absf %sub3A_751 : vector<16xf32>
        %min3A_753 = arith.constant 1.000000e+00 : f32
        %min3A_754 = vector.broadcast %min3A_753 : f32 to vector<16xf32>
        %min3A_755 = arith.minimumf %abs3A_752, %min3A_754 : vector<16xf32>
        %mul3A_756 = arith.constant 5.000000e-01 : f32
        %mul3A_757 = vector.broadcast %mul3A_756 : f32 to vector<16xf32>
        %mul3A_758 = arith.mulf %mul3A_757, %min3A_755 : vector<16xf32>
        %sub3A_759 = arith.subf %abs3A_752, %mul3A_758 : vector<16xf32>
        %mul3A_760 = arith.mulf %min3A_755, %sub3A_759 : vector<16xf32>
        %add3A_761 = arith.addf %add3A_734, %mul3A_760 : vector<16xf32>
        %jit3A_762 = arith.constant 0.000000e+00 : f32
        %broadcast_in_dim3A_763 = vector.broadcast %jit3A_762 : f32 to vector<16xf32>
        %select_n3A_764 = arith.select %eq3A_648, %add3A_761, %broadcast_in_dim3A_763 : vector<16xi1>, vector<16xf32>
        %add3A_765 = arith.addf %add3A_636, %select_n3A_764 : vector<16xf32>
        %mul3A_766 = arith.constant 128 : i32
        %mul3A_767 = arith.muli %scan3A_121, %mul3A_766 : i32
        %add3A_768 = arith.constant 80 : i32
        %add3A_769 = arith.addi %mul3A_767, %add3A_768 : i32
        %get3A_770 = arith.constant 0 : i32
        %get3A_771 = arith.index_cast %get3A_770 : i32 to index
        %get3A_772 = arith.index_cast %add3A_769 : i32 to index
        %get3A_773 = tpu.vector_load %arg9[%get3A_771, %get3A_772] {strides = array<i32>} : memref<2x6400xi32, #tpu.memory_space<vmem>>, vector<1x16xi32>,
        %get3A_774 = vector.shape_cast %get3A_773 : vector<1x16xi32> to vector<16xi32>
        %eq3A_775 = arith.constant 1 : i32
        %eq3A_776 = vector.broadcast %eq3A_775 : i32 to vector<16xi32>
        %eq3A_777 = arith.cmpi eq, %get3A_774, %eq3A_776 : vector<16xi32>
        %jit3A_778 = arith.constant 1.000000e+00 : f32
        %jit3A_779 = arith.constant 0.000000e+00 : f32
        %broadcast_in_dim3A_780 = vector.broadcast %jit3A_778 : f32 to vector<16xf32>
        %broadcast_in_dim3A_781 = vector.broadcast %jit3A_779 : f32 to vector<16xf32>
        %select_n3A_782 = arith.select %eq3A_777, %broadcast_in_dim3A_780, %broadcast_in_dim3A_781 : vector<16xi1>, vector<16xf32>
        %add3A_783 = arith.addf %add3A_654, %select_n3A_782 : vector<16xf32>
        %get3A_784 = arith.constant 0 : i32
        %get3A_785 = arith.constant 0 : i32
        %get3A_786 = arith.index_cast %get3A_784 : i32 to index
        %get3A_787 = arith.index_cast %scan3A_121 : i32 to index
        %get3A_788 = arith.index_cast %get3A_785 : i32 to index
        %get3A_789 = arith.constant 80 : index
        %get3A_790 = tpu.vector_load %arg7[%get3A_786, %get3A_787, %get3A_788, %get3A_789] {strides = array<i32>} : memref<2x50x4x128xf32, #tpu.memory_space<vmem>>, vector<1x1x1x16xf32>,
        %get3A_791 = vector.shape_cast %get3A_790 : vector<1x1x1x16xf32> to vector<16xf32>
        %get3A_792 = arith.constant 0 : i32
        %get3A_793 = arith.constant 0 : i32
        %get3A_794 = arith.index_cast %get3A_792 : i32 to index
        %get3A_795 = arith.index_cast %scan3A_121 : i32 to index
        %get3A_796 = arith.index_cast %get3A_793 : i32 to index
        %get3A_797 = arith.constant 80 : index
        %get3A_798 = tpu.vector_load %arg8[%get3A_794, %get3A_795, %get3A_796, %get3A_797] {strides = array<i32>} : memref<2x50x4x128xf32, #tpu.memory_space<vmem>>, vector<1x1x1x16xf32>,
        %get3A_799 = vector.shape_cast %get3A_798 : vector<1x1x1x16xf32> to vector<16xf32>
        %sub3A_800 = arith.subf %get3A_791, %get3A_799 : vector<16xf32>
        %abs3A_801 = math.absf %sub3A_800 : vector<16xf32>
        %min3A_802 = arith.constant 1.000000e+00 : f32
        %min3A_803 = vector.broadcast %min3A_802 : f32 to vector<16xf32>
        %min3A_804 = arith.minimumf %abs3A_801, %min3A_803 : vector<16xf32>
        %mul3A_805 = arith.constant 5.000000e-01 : f32
        %mul3A_806 = vector.broadcast %mul3A_805 : f32 to vector<16xf32>
        %mul3A_807 = arith.mulf %mul3A_806, %min3A_804 : vector<16xf32>
        %sub3A_808 = arith.subf %abs3A_801, %mul3A_807 : vector<16xf32>
        %mul3A_809 = arith.mulf %min3A_804, %sub3A_808 : vector<16xf32>
        %get3A_810 = arith.constant 0 : i32
        %get3A_811 = arith.constant 1 : i32
        %get3A_812 = arith.index_cast %get3A_810 : i32 to index
        %get3A_813 = arith.index_cast %scan3A_121 : i32 to index
        %get3A_814 = arith.index_cast %get3A_811 : i32 to index
        %get3A_815 = arith.constant 80 : index
        %get3A_816 = tpu.vector_load %arg7[%get3A_812, %get3A_813, %get3A_814, %get3A_815] {strides = array<i32>} : memref<2x50x4x128xf32, #tpu.memory_space<vmem>>, vector<1x1x1x16xf32>,
        %get3A_817 = vector.shape_cast %get3A_816 : vector<1x1x1x16xf32> to vector<16xf32>
        %get3A_818 = arith.constant 0 : i32
        %get3A_819 = arith.constant 1 : i32
        %get3A_820 = arith.index_cast %get3A_818 : i32 to index
        %get3A_821 = arith.index_cast %scan3A_121 : i32 to index
        %get3A_822 = arith.index_cast %get3A_819 : i32 to index
        %get3A_823 = arith.constant 80 : index
        %get3A_824 = tpu.vector_load %arg8[%get3A_820, %get3A_821, %get3A_822, %get3A_823] {strides = array<i32>} : memref<2x50x4x128xf32, #tpu.memory_space<vmem>>, vector<1x1x1x16xf32>,
        %get3A_825 = vector.shape_cast %get3A_824 : vector<1x1x1x16xf32> to vector<16xf32>
        %sub3A_826 = arith.subf %get3A_817, %get3A_825 : vector<16xf32>
        %abs3A_827 = math.absf %sub3A_826 : vector<16xf32>
        %min3A_828 = arith.constant 1.000000e+00 : f32
        %min3A_829 = vector.broadcast %min3A_828 : f32 to vector<16xf32>
        %min3A_830 = arith.minimumf %abs3A_827, %min3A_829 : vector<16xf32>
        %mul3A_831 = arith.constant 5.000000e-01 : f32
        %mul3A_832 = vector.broadcast %mul3A_831 : f32 to vector<16xf32>
        %mul3A_833 = arith.mulf %mul3A_832, %min3A_830 : vector<16xf32>
        %sub3A_834 = arith.subf %abs3A_827, %mul3A_833 : vector<16xf32>
        %mul3A_835 = arith.mulf %min3A_830, %sub3A_834 : vector<16xf32>
        %add3A_836 = arith.addf %mul3A_809, %mul3A_835 : vector<16xf32>
        %get3A_837 = arith.constant 0 : i32
        %get3A_838 = arith.constant 2 : i32
        %get3A_839 = arith.index_cast %get3A_837 : i32 to index
        %get3A_840 = arith.index_cast %scan3A_121 : i32 to index
        %get3A_841 = arith.index_cast %get3A_838 : i32 to index
        %get3A_842 = arith.constant 80 : index
        %get3A_843 = tpu.vector_load %arg7[%get3A_839, %get3A_840, %get3A_841, %get3A_842] {strides = array<i32>} : memref<2x50x4x128xf32, #tpu.memory_space<vmem>>, vector<1x1x1x16xf32>,
        %get3A_844 = vector.shape_cast %get3A_843 : vector<1x1x1x16xf32> to vector<16xf32>
        %get3A_845 = arith.constant 0 : i32
        %get3A_846 = arith.constant 2 : i32
        %get3A_847 = arith.index_cast %get3A_845 : i32 to index
        %get3A_848 = arith.index_cast %scan3A_121 : i32 to index
        %get3A_849 = arith.index_cast %get3A_846 : i32 to index
        %get3A_850 = arith.constant 80 : index
        %get3A_851 = tpu.vector_load %arg8[%get3A_847, %get3A_848, %get3A_849, %get3A_850] {strides = array<i32>} : memref<2x50x4x128xf32, #tpu.memory_space<vmem>>, vector<1x1x1x16xf32>,
        %get3A_852 = vector.shape_cast %get3A_851 : vector<1x1x1x16xf32> to vector<16xf32>
        %sub3A_853 = arith.subf %get3A_844, %get3A_852 : vector<16xf32>
        %abs3A_854 = math.absf %sub3A_853 : vector<16xf32>
        %min3A_855 = arith.constant 1.000000e+00 : f32
        %min3A_856 = vector.broadcast %min3A_855 : f32 to vector<16xf32>
        %min3A_857 = arith.minimumf %abs3A_854, %min3A_856 : vector<16xf32>
        %mul3A_858 = arith.constant 5.000000e-01 : f32
        %mul3A_859 = vector.broadcast %mul3A_858 : f32 to vector<16xf32>
        %mul3A_860 = arith.mulf %mul3A_859, %min3A_857 : vector<16xf32>
        %sub3A_861 = arith.subf %abs3A_854, %mul3A_860 : vector<16xf32>
        %mul3A_862 = arith.mulf %min3A_857, %sub3A_861 : vector<16xf32>
        %add3A_863 = arith.addf %add3A_836, %mul3A_862 : vector<16xf32>
        %get3A_864 = arith.constant 0 : i32
        %get3A_865 = arith.constant 3 : i32
        %get3A_866 = arith.index_cast %get3A_864 : i32 to index
        %get3A_867 = arith.index_cast %scan3A_121 : i32 to index
        %get3A_868 = arith.index_cast %get3A_865 : i32 to index
        %get3A_869 = arith.constant 80 : index
        %get3A_870 = tpu.vector_load %arg7[%get3A_866, %get3A_867, %get3A_868, %get3A_869] {strides = array<i32>} : memref<2x50x4x128xf32, #tpu.memory_space<vmem>>, vector<1x1x1x16xf32>,
        %get3A_871 = vector.shape_cast %get3A_870 : vector<1x1x1x16xf32> to vector<16xf32>
        %get3A_872 = arith.constant 0 : i32
        %get3A_873 = arith.constant 3 : i32
        %get3A_874 = arith.index_cast %get3A_872 : i32 to index
        %get3A_875 = arith.index_cast %scan3A_121 : i32 to index
        %get3A_876 = arith.index_cast %get3A_873 : i32 to index
        %get3A_877 = arith.constant 80 : index
        %get3A_878 = tpu.vector_load %arg8[%get3A_874, %get3A_875, %get3A_876, %get3A_877] {strides = array<i32>} : memref<2x50x4x128xf32, #tpu.memory_space<vmem>>, vector<1x1x1x16xf32>,
        %get3A_879 = vector.shape_cast %get3A_878 : vector<1x1x1x16xf32> to vector<16xf32>
        %sub3A_880 = arith.subf %get3A_871, %get3A_879 : vector<16xf32>
        %abs3A_881 = math.absf %sub3A_880 : vector<16xf32>
        %min3A_882 = arith.constant 1.000000e+00 : f32
        %min3A_883 = vector.broadcast %min3A_882 : f32 to vector<16xf32>
        %min3A_884 = arith.minimumf %abs3A_881, %min3A_883 : vector<16xf32>
        %mul3A_885 = arith.constant 5.000000e-01 : f32
        %mul3A_886 = vector.broadcast %mul3A_885 : f32 to vector<16xf32>
        %mul3A_887 = arith.mulf %mul3A_886, %min3A_884 : vector<16xf32>
        %sub3A_888 = arith.subf %abs3A_881, %mul3A_887 : vector<16xf32>
        %mul3A_889 = arith.mulf %min3A_884, %sub3A_888 : vector<16xf32>
        %add3A_890 = arith.addf %add3A_863, %mul3A_889 : vector<16xf32>
        %jit3A_891 = arith.constant 0.000000e+00 : f32
        %broadcast_in_dim3A_892 = vector.broadcast %jit3A_891 : f32 to vector<16xf32>
        %select_n3A_893 = arith.select %eq3A_777, %add3A_890, %broadcast_in_dim3A_892 : vector<16xi1>, vector<16xf32>
        %add3A_894 = arith.addf %add3A_765, %select_n3A_893 : vector<16xf32>
        %mul3A_895 = arith.constant 128 : i32
        %mul3A_896 = arith.muli %scan3A_121, %mul3A_895 : i32
        %add3A_897 = arith.constant 96 : i32
        %add3A_898 = arith.addi %mul3A_896, %add3A_897 : i32
        %get3A_899 = arith.constant 0 : i32
        %get3A_900 = arith.index_cast %get3A_899 : i32 to index
        %get3A_901 = arith.index_cast %add3A_898 : i32 to index
        %get3A_902 = tpu.vector_load %arg9[%get3A_900, %get3A_901] {strides = array<i32>} : memref<2x6400xi32, #tpu.memory_space<vmem>>, vector<1x16xi32>,
        %get3A_903 = vector.shape_cast %get3A_902 : vector<1x16xi32> to vector<16xi32>
        %eq3A_904 = arith.constant 1 : i32
        %eq3A_905 = vector.broadcast %eq3A_904 : i32 to vector<16xi32>
        %eq3A_906 = arith.cmpi eq, %get3A_903, %eq3A_905 : vector<16xi32>
        %jit3A_907 = arith.constant 1.000000e+00 : f32
        %jit3A_908 = arith.constant 0.000000e+00 : f32
        %broadcast_in_dim3A_909 = vector.broadcast %jit3A_907 : f32 to vector<16xf32>
        %broadcast_in_dim3A_910 = vector.broadcast %jit3A_908 : f32 to vector<16xf32>
        %select_n3A_911 = arith.select %eq3A_906, %broadcast_in_dim3A_909, %broadcast_in_dim3A_910 : vector<16xi1>, vector<16xf32>
        %add3A_912 = arith.addf %add3A_783, %select_n3A_911 : vector<16xf32>
        %get3A_913 = arith.constant 0 : i32
        %get3A_914 = arith.constant 0 : i32
        %get3A_915 = arith.index_cast %get3A_913 : i32 to index
        %get3A_916 = arith.index_cast %scan3A_121 : i32 to index
        %get3A_917 = arith.index_cast %get3A_914 : i32 to index
        %get3A_918 = arith.constant 96 : index
        %get3A_919 = tpu.vector_load %arg7[%get3A_915, %get3A_916, %get3A_917, %get3A_918] {strides = array<i32>} : memref<2x50x4x128xf32, #tpu.memory_space<vmem>>, vector<1x1x1x16xf32>,
        %get3A_920 = vector.shape_cast %get3A_919 : vector<1x1x1x16xf32> to vector<16xf32>
        %get3A_921 = arith.constant 0 : i32
        %get3A_922 = arith.constant 0 : i32
        %get3A_923 = arith.index_cast %get3A_921 : i32 to index
        %get3A_924 = arith.index_cast %scan3A_121 : i32 to index
        %get3A_925 = arith.index_cast %get3A_922 : i32 to index
        %get3A_926 = arith.constant 96 : index
        %get3A_927 = tpu.vector_load %arg8[%get3A_923, %get3A_924, %get3A_925, %get3A_926] {strides = array<i32>} : memref<2x50x4x128xf32, #tpu.memory_space<vmem>>, vector<1x1x1x16xf32>,
        %get3A_928 = vector.shape_cast %get3A_927 : vector<1x1x1x16xf32> to vector<16xf32>
        %sub3A_929 = arith.subf %get3A_920, %get3A_928 : vector<16xf32>
        %abs3A_930 = math.absf %sub3A_929 : vector<16xf32>
        %min3A_931 = arith.constant 1.000000e+00 : f32
        %min3A_932 = vector.broadcast %min3A_931 : f32 to vector<16xf32>
        %min3A_933 = arith.minimumf %abs3A_930, %min3A_932 : vector<16xf32>
        %mul3A_934 = arith.constant 5.000000e-01 : f32
        %mul3A_935 = vector.broadcast %mul3A_934 : f32 to vector<16xf32>
        %mul3A_936 = arith.mulf %mul3A_935, %min3A_933 : vector<16xf32>
        %sub3A_937 = arith.subf %abs3A_930, %mul3A_936 : vector<16xf32>
        %mul3A_938 = arith.mulf %min3A_933, %sub3A_937 : vector<16xf32>
        %get3A_939 = arith.constant 0 : i32
        %get3A_940 = arith.constant 1 : i32
        %get3A_941 = arith.index_cast %get3A_939 : i32 to index
        %get3A_942 = arith.index_cast %scan3A_121 : i32 to index
        %get3A_943 = arith.index_cast %get3A_940 : i32 to index
        %get3A_944 = arith.constant 96 : index
        %get3A_945 = tpu.vector_load %arg7[%get3A_941, %get3A_942, %get3A_943, %get3A_944] {strides = array<i32>} : memref<2x50x4x128xf32, #tpu.memory_space<vmem>>, vector<1x1x1x16xf32>,
        %get3A_946 = vector.shape_cast %get3A_945 : vector<1x1x1x16xf32> to vector<16xf32>
        %get3A_947 = arith.constant 0 : i32
        %get3A_948 = arith.constant 1 : i32
        %get3A_949 = arith.index_cast %get3A_947 : i32 to index
        %get3A_950 = arith.index_cast %scan3A_121 : i32 to index
        %get3A_951 = arith.index_cast %get3A_948 : i32 to index
        %get3A_952 = arith.constant 96 : index
        %get3A_953 = tpu.vector_load %arg8[%get3A_949, %get3A_950, %get3A_951, %get3A_952] {strides = array<i32>} : memref<2x50x4x128xf32, #tpu.memory_space<vmem>>, vector<1x1x1x16xf32>,
        %get3A_954 = vector.shape_cast %get3A_953 : vector<1x1x1x16xf32> to vector<16xf32>
        %sub3A_955 = arith.subf %get3A_946, %get3A_954 : vector<16xf32>
        %abs3A_956 = math.absf %sub3A_955 : vector<16xf32>
        %min3A_957 = arith.constant 1.000000e+00 : f32
        %min3A_958 = vector.broadcast %min3A_957 : f32 to vector<16xf32>
        %min3A_959 = arith.minimumf %abs3A_956, %min3A_958 : vector<16xf32>
        %mul3A_960 = arith.constant 5.000000e-01 : f32
        %mul3A_961 = vector.broadcast %mul3A_960 : f32 to vector<16xf32>
        %mul3A_962 = arith.mulf %mul3A_961, %min3A_959 : vector<16xf32>
        %sub3A_963 = arith.subf %abs3A_956, %mul3A_962 : vector<16xf32>
        %mul3A_964 = arith.mulf %min3A_959, %sub3A_963 : vector<16xf32>
        %add3A_965 = arith.addf %mul3A_938, %mul3A_964 : vector<16xf32>
        %get3A_966 = arith.constant 0 : i32
        %get3A_967 = arith.constant 2 : i32
        %get3A_968 = arith.index_cast %get3A_966 : i32 to index
        %get3A_969 = arith.index_cast %scan3A_121 : i32 to index
        %get3A_970 = arith.index_cast %get3A_967 : i32 to index
        %get3A_971 = arith.constant 96 : index
        %get3A_972 = tpu.vector_load %arg7[%get3A_968, %get3A_969, %get3A_970, %get3A_971] {strides = array<i32>} : memref<2x50x4x128xf32, #tpu.memory_space<vmem>>, vector<1x1x1x16xf32>,
        %get3A_973 = vector.shape_cast %get3A_972 : vector<1x1x1x16xf32> to vector<16xf32>
        %get3A_974 = arith.constant 0 : i32
        %get3A_975 = arith.constant 2 : i32
        %get3A_976 = arith.index_cast %get3A_974 : i32 to index
        %get3A_977 = arith.index_cast %scan3A_121 : i32 to index
        %get3A_978 = arith.index_cast %get3A_975 : i32 to index
        %get3A_979 = arith.constant 96 : index
        %get3A_980 = tpu.vector_load %arg8[%get3A_976, %get3A_977, %get3A_978, %get3A_979] {strides = array<i32>} : memref<2x50x4x128xf32, #tpu.memory_space<vmem>>, vector<1x1x1x16xf32>,
        %get3A_981 = vector.shape_cast %get3A_980 : vector<1x1x1x16xf32> to vector<16xf32>
        %sub3A_982 = arith.subf %get3A_973, %get3A_981 : vector<16xf32>
        %abs3A_983 = math.absf %sub3A_982 : vector<16xf32>
        %min3A_984 = arith.constant 1.000000e+00 : f32
        %min3A_985 = vector.broadcast %min3A_984 : f32 to vector<16xf32>
        %min3A_986 = arith.minimumf %abs3A_983, %min3A_985 : vector<16xf32>
        %mul3A_987 = arith.constant 5.000000e-01 : f32
        %mul3A_988 = vector.broadcast %mul3A_987 : f32 to vector<16xf32>
        %mul3A_989 = arith.mulf %mul3A_988, %min3A_986 : vector<16xf32>
        %sub3A_990 = arith.subf %abs3A_983, %mul3A_989 : vector<16xf32>
        %mul3A_991 = arith.mulf %min3A_986, %sub3A_990 : vector<16xf32>
        %add3A_992 = arith.addf %add3A_965, %mul3A_991 : vector<16xf32>
        %get3A_993 = arith.constant 0 : i32
        %get3A_994 = arith.constant 3 : i32
        %get3A_995 = arith.index_cast %get3A_993 : i32 to index
        %get3A_996 = arith.index_cast %scan3A_121 : i32 to index
        %get3A_997 = arith.index_cast %get3A_994 : i32 to index
        %get3A_998 = arith.constant 96 : index
        %get3A_999 = tpu.vector_load %arg7[%get3A_995, %get3A_996, %get3A_997, %get3A_998] {strides = array<i32>} : memref<2x50x4x128xf32, #tpu.memory_space<vmem>>, vector<1x1x1x16xf32>,
        %get3A_1000 = vector.shape_cast %get3A_999 : vector<1x1x1x16xf32> to vector<16xf32>
        %get3A_1001 = arith.constant 0 : i32
        %get3A_1002 = arith.constant 3 : i32
        %get3A_1003 = arith.index_cast %get3A_1001 : i32 to index
        %get3A_1004 = arith.index_cast %scan3A_121 : i32 to index
        %get3A_1005 = arith.index_cast %get3A_1002 : i32 to index
        %get3A_1006 = arith.constant 96 : index
        %get3A_1007 = tpu.vector_load %arg8[%get3A_1003, %get3A_1004, %get3A_1005, %get3A_1006] {strides = array<i32>} : memref<2x50x4x128xf32, #tpu.memory_space<vmem>>, vector<1x1x1x16xf32>,
        %get3A_1008 = vector.shape_cast %get3A_1007 : vector<1x1x1x16xf32> to vector<16xf32>
        %sub3A_1009 = arith.subf %get3A_1000, %get3A_1008 : vector<16xf32>
        %abs3A_1010 = math.absf %sub3A_1009 : vector<16xf32>
        %min3A_1011 = arith.constant 1.000000e+00 : f32
        %min3A_1012 = vector.broadcast %min3A_1011 : f32 to vector<16xf32>
        %min3A_1013 = arith.minimumf %abs3A_1010, %min3A_1012 : vector<16xf32>
        %mul3A_1014 = arith.constant 5.000000e-01 : f32
        %mul3A_1015 = vector.broadcast %mul3A_1014 : f32 to vector<16xf32>
        %mul3A_1016 = arith.mulf %mul3A_1015, %min3A_1013 : vector<16xf32>
        %sub3A_1017 = arith.subf %abs3A_1010, %mul3A_1016 : vector<16xf32>
        %mul3A_1018 = arith.mulf %min3A_1013, %sub3A_1017 : vector<16xf32>
        %add3A_1019 = arith.addf %add3A_992, %mul3A_1018 : vector<16xf32>
        %jit3A_1020 = arith.constant 0.000000e+00 : f32
        %broadcast_in_dim3A_1021 = vector.broadcast %jit3A_1020 : f32 to vector<16xf32>
        %select_n3A_1022 = arith.select %eq3A_906, %add3A_1019, %broadcast_in_dim3A_1021 : vector<16xi1>, vector<16xf32>
        %add3A_1023 = arith.addf %add3A_894, %select_n3A_1022 : vector<16xf32>
        %mul3A_1024 = arith.constant 128 : i32
        %mul3A_1025 = arith.muli %scan3A_121, %mul3A_1024 : i32
        %add3A_1026 = arith.constant 112 : i32
        %add3A_1027 = arith.addi %mul3A_1025, %add3A_1026 : i32
        %get3A_1028 = arith.constant 0 : i32
        %get3A_1029 = arith.index_cast %get3A_1028 : i32 to index
        %get3A_1030 = arith.index_cast %add3A_1027 : i32 to index
        %get3A_1031 = tpu.vector_load %arg9[%get3A_1029, %get3A_1030] {strides = array<i32>} : memref<2x6400xi32, #tpu.memory_space<vmem>>, vector<1x16xi32>,
        %get3A_1032 = vector.shape_cast %get3A_1031 : vector<1x16xi32> to vector<16xi32>
        %eq3A_1033 = arith.constant 1 : i32
        %eq3A_1034 = vector.broadcast %eq3A_1033 : i32 to vector<16xi32>
        %eq3A_1035 = arith.cmpi eq, %get3A_1032, %eq3A_1034 : vector<16xi32>
        %jit3A_1036 = arith.constant 1.000000e+00 : f32
        %jit3A_1037 = arith.constant 0.000000e+00 : f32
        %broadcast_in_dim3A_1038 = vector.broadcast %jit3A_1036 : f32 to vector<16xf32>
        %broadcast_in_dim3A_1039 = vector.broadcast %jit3A_1037 : f32 to vector<16xf32>
        %select_n3A_1040 = arith.select %eq3A_1035, %broadcast_in_dim3A_1038, %broadcast_in_dim3A_1039 : vector<16xi1>, vector<16xf32>
        %add3A_1041 = arith.addf %add3A_912, %select_n3A_1040 : vector<16xf32>
        %get3A_1042 = arith.constant 0 : i32
        %get3A_1043 = arith.constant 0 : i32
        %get3A_1044 = arith.index_cast %get3A_1042 : i32 to index
        %get3A_1045 = arith.index_cast %scan3A_121 : i32 to index
        %get3A_1046 = arith.index_cast %get3A_1043 : i32 to index
        %get3A_1047 = arith.constant 112 : index
        %get3A_1048 = tpu.vector_load %arg7[%get3A_1044, %get3A_1045, %get3A_1046, %get3A_1047] {strides = array<i32>} : memref<2x50x4x128xf32, #tpu.memory_space<vmem>>, vector<1x1x1x16xf32>,
        %get3A_1049 = vector.shape_cast %get3A_1048 : vector<1x1x1x16xf32> to vector<16xf32>
        %get3A_1050 = arith.constant 0 : i32
        %get3A_1051 = arith.constant 0 : i32
        %get3A_1052 = arith.index_cast %get3A_1050 : i32 to index
        %get3A_1053 = arith.index_cast %scan3A_121 : i32 to index
        %get3A_1054 = arith.index_cast %get3A_1051 : i32 to index
        %get3A_1055 = arith.constant 112 : index
        %get3A_1056 = tpu.vector_load %arg8[%get3A_1052, %get3A_1053, %get3A_1054, %get3A_1055] {strides = array<i32>} : memref<2x50x4x128xf32, #tpu.memory_space<vmem>>, vector<1x1x1x16xf32>,
        %get3A_1057 = vector.shape_cast %get3A_1056 : vector<1x1x1x16xf32> to vector<16xf32>
        %sub3A_1058 = arith.subf %get3A_1049, %get3A_1057 : vector<16xf32>
        %abs3A_1059 = math.absf %sub3A_1058 : vector<16xf32>
        %min3A_1060 = arith.constant 1.000000e+00 : f32
        %min3A_1061 = vector.broadcast %min3A_1060 : f32 to vector<16xf32>
        %min3A_1062 = arith.minimumf %abs3A_1059, %min3A_1061 : vector<16xf32>
        %mul3A_1063 = arith.constant 5.000000e-01 : f32
        %mul3A_1064 = vector.broadcast %mul3A_1063 : f32 to vector<16xf32>
        %mul3A_1065 = arith.mulf %mul3A_1064, %min3A_1062 : vector<16xf32>
        %sub3A_1066 = arith.subf %abs3A_1059, %mul3A_1065 : vector<16xf32>
        %mul3A_1067 = arith.mulf %min3A_1062, %sub3A_1066 : vector<16xf32>
        %get3A_1068 = arith.constant 0 : i32
        %get3A_1069 = arith.constant 1 : i32
        %get3A_1070 = arith.index_cast %get3A_1068 : i32 to index
        %get3A_1071 = arith.index_cast %scan3A_121 : i32 to index
        %get3A_1072 = arith.index_cast %get3A_1069 : i32 to index
        %get3A_1073 = arith.constant 112 : index
        %get3A_1074 = tpu.vector_load %arg7[%get3A_1070, %get3A_1071, %get3A_1072, %get3A_1073] {strides = array<i32>} : memref<2x50x4x128xf32, #tpu.memory_space<vmem>>, vector<1x1x1x16xf32>,
        %get3A_1075 = vector.shape_cast %get3A_1074 : vector<1x1x1x16xf32> to vector<16xf32>
        %get3A_1076 = arith.constant 0 : i32
        %get3A_1077 = arith.constant 1 : i32
        %get3A_1078 = arith.index_cast %get3A_1076 : i32 to index
        %get3A_1079 = arith.index_cast %scan3A_121 : i32 to index
        %get3A_1080 = arith.index_cast %get3A_1077 : i32 to index
        %get3A_1081 = arith.constant 112 : index
        %get3A_1082 = tpu.vector_load %arg8[%get3A_1078, %get3A_1079, %get3A_1080, %get3A_1081] {strides = array<i32>} : memref<2x50x4x128xf32, #tpu.memory_space<vmem>>, vector<1x1x1x16xf32>,
        %get3A_1083 = vector.shape_cast %get3A_1082 : vector<1x1x1x16xf32> to vector<16xf32>
        %sub3A_1084 = arith.subf %get3A_1075, %get3A_1083 : vector<16xf32>
        %abs3A_1085 = math.absf %sub3A_1084 : vector<16xf32>
        %min3A_1086 = arith.constant 1.000000e+00 : f32
        %min3A_1087 = vector.broadcast %min3A_1086 : f32 to vector<16xf32>
        %min3A_1088 = arith.minimumf %abs3A_1085, %min3A_1087 : vector<16xf32>
        %mul3A_1089 = arith.constant 5.000000e-01 : f32
        %mul3A_1090 = vector.broadcast %mul3A_1089 : f32 to vector<16xf32>
        %mul3A_1091 = arith.mulf %mul3A_1090, %min3A_1088 : vector<16xf32>
        %sub3A_1092 = arith.subf %abs3A_1085, %mul3A_1091 : vector<16xf32>
        %mul3A_1093 = arith.mulf %min3A_1088, %sub3A_1092 : vector<16xf32>
        %add3A_1094 = arith.addf %mul3A_1067, %mul3A_1093 : vector<16xf32>
        %get3A_1095 = arith.constant 0 : i32
        %get3A_1096 = arith.constant 2 : i32
        %get3A_1097 = arith.index_cast %get3A_1095 : i32 to index
        %get3A_1098 = arith.index_cast %scan3A_121 : i32 to index
        %get3A_1099 = arith.index_cast %get3A_1096 : i32 to index
        %get3A_1100 = arith.constant 112 : index
        %get3A_1101 = tpu.vector_load %arg7[%get3A_1097, %get3A_1098, %get3A_1099, %get3A_1100] {strides = array<i32>} : memref<2x50x4x128xf32, #tpu.memory_space<vmem>>, vector<1x1x1x16xf32>,
        %get3A_1102 = vector.shape_cast %get3A_1101 : vector<1x1x1x16xf32> to vector<16xf32>
        %get3A_1103 = arith.constant 0 : i32
        %get3A_1104 = arith.constant 2 : i32
        %get3A_1105 = arith.index_cast %get3A_1103 : i32 to index
        %get3A_1106 = arith.index_cast %scan3A_121 : i32 to index
        %get3A_1107 = arith.index_cast %get3A_1104 : i32 to index
        %get3A_1108 = arith.constant 112 : index
        %get3A_1109 = tpu.vector_load %arg8[%get3A_1105, %get3A_1106, %get3A_1107, %get3A_1108] {strides = array<i32>} : memref<2x50x4x128xf32, #tpu.memory_space<vmem>>, vector<1x1x1x16xf32>,
        %get3A_1110 = vector.shape_cast %get3A_1109 : vector<1x1x1x16xf32> to vector<16xf32>
        %sub3A_1111 = arith.subf %get3A_1102, %get3A_1110 : vector<16xf32>
        %abs3A_1112 = math.absf %sub3A_1111 : vector<16xf32>
        %min3A_1113 = arith.constant 1.000000e+00 : f32
        %min3A_1114 = vector.broadcast %min3A_1113 : f32 to vector<16xf32>
        %min3A_1115 = arith.minimumf %abs3A_1112, %min3A_1114 : vector<16xf32>
        %mul3A_1116 = arith.constant 5.000000e-01 : f32
        %mul3A_1117 = vector.broadcast %mul3A_1116 : f32 to vector<16xf32>
        %mul3A_1118 = arith.mulf %mul3A_1117, %min3A_1115 : vector<16xf32>
        %sub3A_1119 = arith.subf %abs3A_1112, %mul3A_1118 : vector<16xf32>
        %mul3A_1120 = arith.mulf %min3A_1115, %sub3A_1119 : vector<16xf32>
        %add3A_1121 = arith.addf %add3A_1094, %mul3A_1120 : vector<16xf32>
        %get3A_1122 = arith.constant 0 : i32
        %get3A_1123 = arith.constant 3 : i32
        %get3A_1124 = arith.index_cast %get3A_1122 : i32 to index
        %get3A_1125 = arith.index_cast %scan3A_121 : i32 to index
        %get3A_1126 = arith.index_cast %get3A_1123 : i32 to index
        %get3A_1127 = arith.constant 112 : index
        %get3A_1128 = tpu.vector_load %arg7[%get3A_1124, %get3A_1125, %get3A_1126, %get3A_1127] {strides = array<i32>} : memref<2x50x4x128xf32, #tpu.memory_space<vmem>>, vector<1x1x1x16xf32>,
        %get3A_1129 = vector.shape_cast %get3A_1128 : vector<1x1x1x16xf32> to vector<16xf32>
        %get3A_1130 = arith.constant 0 : i32
        %get3A_1131 = arith.constant 3 : i32
        %get3A_1132 = arith.index_cast %get3A_1130 : i32 to index
        %get3A_1133 = arith.index_cast %scan3A_121 : i32 to index
        %get3A_1134 = arith.index_cast %get3A_1131 : i32 to index
        %get3A_1135 = arith.constant 112 : index
        %get3A_1136 = tpu.vector_load %arg8[%get3A_1132, %get3A_1133, %get3A_1134, %get3A_1135] {strides = array<i32>} : memref<2x50x4x128xf32, #tpu.memory_space<vmem>>, vector<1x1x1x16xf32>,
        %get3A_1137 = vector.shape_cast %get3A_1136 : vector<1x1x1x16xf32> to vector<16xf32>
        %sub3A_1138 = arith.subf %get3A_1129, %get3A_1137 : vector<16xf32>
        %abs3A_1139 = math.absf %sub3A_1138 : vector<16xf32>
        %min3A_1140 = arith.constant 1.000000e+00 : f32
        %min3A_1141 = vector.broadcast %min3A_1140 : f32 to vector<16xf32>
        %min3A_1142 = arith.minimumf %abs3A_1139, %min3A_1141 : vector<16xf32>
        %mul3A_1143 = arith.constant 5.000000e-01 : f32
        %mul3A_1144 = vector.broadcast %mul3A_1143 : f32 to vector<16xf32>
        %mul3A_1145 = arith.mulf %mul3A_1144, %min3A_1142 : vector<16xf32>
        %sub3A_1146 = arith.subf %abs3A_1139, %mul3A_1145 : vector<16xf32>
        %mul3A_1147 = arith.mulf %min3A_1142, %sub3A_1146 : vector<16xf32>
        %add3A_1148 = arith.addf %add3A_1121, %mul3A_1147 : vector<16xf32>
        %jit3A_1149 = arith.constant 0.000000e+00 : f32
        %broadcast_in_dim3A_1150 = vector.broadcast %jit3A_1149 : f32 to vector<16xf32>
        %select_n3A_1151 = arith.select %eq3A_1035, %add3A_1148, %broadcast_in_dim3A_1150 : vector<16xi1>, vector<16xf32>
        %add3A_1152 = arith.addf %add3A_1023, %select_n3A_1151 : vector<16xf32>
        scf.yield %add3A_1152, %add3A_1041 : vector<16xf32>, vector<16xf32>
      }
      %scan3A_76 = arith.constant 50 : i32
      %jit3A_77 = arith.constant 0.000000e+00 : f32
      %broadcast_in_dim3A_78 = vector.broadcast %jit3A_77 : f32 to vector<16xf32>
      %select_n3A_79 = arith.select %lt3A_66, %scan3A_75#0, %broadcast_in_dim3A_78 : vector<16xf32>
      %add3A_80 = arith.addf %while3A_60, %select_n3A_79 : vector<16xf32>
      %jit3A_81 = arith.constant 0.000000e+00 : f32
      %broadcast_in_dim3A_82 = vector.broadcast %jit3A_81 : f32 to vector<16xf32>
      %select_n3A_83 = arith.select %lt3A_66, %scan3A_75#1, %broadcast_in_dim3A_82 : vector<16xf32>
      %add3A_84 = arith.addf %while3A_61, %select_n3A_83 : vector<16xf32>
      %add3A_85 = arith.constant 2 : i32
      %add3A_86 = arith.addi %add3A_65, %add3A_85 : i32
      %lt3A_87 = arith.cmpi slt, %add3A_86, %add3A_8 : i32
      %convert_element_type3A_88 = arith.extui %lt3A_87 : i1 to i32
      %cond3A_89 = arith.constant 0 : i32
      %cond3A_90 = arith.cmpi ne, %convert_element_type3A_88, %cond3A_89 : i32
      scf.if %cond3A_90 {
        %add3A_121 = arith.constant 2 : i32
        %add3A_122 = arith.addi %add3A_65, %add3A_121 : i32
        %add3A_123 = arith.addi %add3A_4, %add3A_122 : i32
        %mul3A_124 = arith.constant 50 : i32
        %mul3A_125 = arith.muli %add3A_123, %mul3A_124 : i32
        %add3A_126 = arith.constant 10400 : i32
        %add3A_127 = arith.addi %add3A_126, %mul3A_125 : i32
        %dma_start3A = arith.constant 0 : i32
        %dma_start3A_128 = arith.constant 0 : i32
        %dma_start3A_129 = arith.constant 0 : i32
        %dma_start3A_130 = arith.constant 0 : i32
        %dma_start3A_131 = arith.constant 0 : i32
        %dma_start3A_132 = tpu.memref_slice %arg7[%dma_start3A, %dma_start3A_129, %dma_start3A_130, %dma_start3A_131] : memref<2x50x4x128xf32, #tpu.memory_space<vmem>> -> memref<1x50x4x128xf32, #tpu.memory_space<vmem>>
        %dma_start3A_133 = tpu.memref_squeeze %dma_start3A_132 : memref<1x50x4x128xf32, #tpu.memory_space<vmem>> -> memref<50x4x128xf32, #tpu.memory_space<vmem>>
        %dma_start3A_134 = arith.constant 0 : i32
        %dma_start3A_135 = arith.constant 0 : i32
        %dma_start3A_136 = tpu.memref_slice %arg2[%add3A_127, %dma_start3A_134, %dma_start3A_135] : memref<31250x4x128xf32, #tpu.memory_space<hbm>> -> memref<50x4x128xf32, #tpu.memory_space<hbm>>
        %dma_start3A_137 = tpu.memref_slice %arg11[%dma_start3A_128] : memref<2x!tpu.dma_semaphore, #tpu.memory_space<semaphore_mem>> -> memref<1x!tpu.dma_semaphore, #tpu.memory_space<semaphore_mem>>
        %dma_start3A_138 = tpu.memref_squeeze %dma_start3A_137 : memref<1x!tpu.dma_semaphore, #tpu.memory_space<semaphore_mem>> -> memref<!tpu.dma_semaphore, #tpu.memory_space<semaphore_mem>>
        %dma_start3A_139 = arith.constant 0 : i32
        %dma_start3A_140 = arith.constant 0 : i32
        %dma_start3A_141 = arith.constant 0 : i32
        %dma_start3A_142 = tpu.memref_slice %arg7[%dma_start3A, %dma_start3A_139, %dma_start3A_140, %dma_start3A_141] : memref<2x50x4x128xf32, #tpu.memory_space<vmem>> -> memref<1x50x4x128xf32, #tpu.memory_space<vmem>>
        %dma_start3A_143 = tpu.memref_squeeze %dma_start3A_142 : memref<1x50x4x128xf32, #tpu.memory_space<vmem>> -> memref<50x4x128xf32, #tpu.memory_space<vmem>>
        %dma_start3A_144 = arith.constant 0 : i32
        %dma_start3A_145 = arith.constant 0 : i32
        %dma_start3A_146 = tpu.memref_slice %arg2[%add3A_127, %dma_start3A_144, %dma_start3A_145] : memref<31250x4x128xf32, #tpu.memory_space<hbm>> -> memref<50x4x128xf32, #tpu.memory_space<hbm>>
        tpu.enqueue_dma source(%dma_start3A_146 : memref<50x4x128xf32, #tpu.memory_space<hbm>>) target(%dma_start3A_143 : memref<50x4x128xf32, #tpu.memory_space<vmem>>) target_semaphore(%dma_start3A_138 : memref<!tpu.dma_semaphore, #tpu.memory_space<semaphore_mem>>)
        %dma_start3A_147 = arith.constant 0 : i32
        %dma_start3A_148 = arith.constant 0 : i32
        %dma_start3A_149 = arith.constant 0 : i32
        %dma_start3A_150 = arith.constant 0 : i32
        %dma_start3A_151 = arith.constant 0 : i32
        %dma_start3A_152 = tpu.memref_slice %arg8[%dma_start3A_147, %dma_start3A_149, %dma_start3A_150, %dma_start3A_151] : memref<2x50x4x128xf32, #tpu.memory_space<vmem>> -> memref<1x50x4x128xf32, #tpu.memory_space<vmem>>
        %dma_start3A_153 = tpu.memref_squeeze %dma_start3A_152 : memref<1x50x4x128xf32, #tpu.memory_space<vmem>> -> memref<50x4x128xf32, #tpu.memory_space<vmem>>
        %dma_start3A_154 = arith.constant 0 : i32
        %dma_start3A_155 = arith.constant 0 : i32
        %dma_start3A_156 = tpu.memref_slice %arg3[%add3A_127, %dma_start3A_154, %dma_start3A_155] : memref<31250x4x128xf32, #tpu.memory_space<hbm>> -> memref<50x4x128xf32, #tpu.memory_space<hbm>>
        %dma_start3A_157 = tpu.memref_slice %arg11[%dma_start3A_148] : memref<2x!tpu.dma_semaphore, #tpu.memory_space<semaphore_mem>> -> memref<1x!tpu.dma_semaphore, #tpu.memory_space<semaphore_mem>>
        %dma_start3A_158 = tpu.memref_squeeze %dma_start3A_157 : memref<1x!tpu.dma_semaphore, #tpu.memory_space<semaphore_mem>> -> memref<!tpu.dma_semaphore, #tpu.memory_space<semaphore_mem>>
        %dma_start3A_159 = arith.constant 0 : i32
        %dma_start3A_160 = arith.constant 0 : i32
        %dma_start3A_161 = arith.constant 0 : i32
        %dma_start3A_162 = tpu.memref_slice %arg8[%dma_start3A_147, %dma_start3A_159, %dma_start3A_160, %dma_start3A_161] : memref<2x50x4x128xf32, #tpu.memory_space<vmem>> -> memref<1x50x4x128xf32, #tpu.memory_space<vmem>>
        %dma_start3A_163 = tpu.memref_squeeze %dma_start3A_162 : memref<1x50x4x128xf32, #tpu.memory_space<vmem>> -> memref<50x4x128xf32, #tpu.memory_space<vmem>>
        %dma_start3A_164 = arith.constant 0 : i32
        %dma_start3A_165 = arith.constant 0 : i32
        %dma_start3A_166 = tpu.memref_slice %arg3[%add3A_127, %dma_start3A_164, %dma_start3A_165] : memref<31250x4x128xf32, #tpu.memory_space<hbm>> -> memref<50x4x128xf32, #tpu.memory_space<hbm>>
        tpu.enqueue_dma source(%dma_start3A_166 : memref<50x4x128xf32, #tpu.memory_space<hbm>>) target(%dma_start3A_163 : memref<50x4x128xf32, #tpu.memory_space<vmem>>) target_semaphore(%dma_start3A_158 : memref<!tpu.dma_semaphore, #tpu.memory_space<semaphore_mem>>)
        %mul3A_167 = arith.constant 128 : i32
        %mul3A_168 = arith.muli %add3A_127, %mul3A_167 : i32
        %dma_start3A_169 = arith.constant 0 : i32
        %dma_start3A_170 = arith.constant 0 : i32
        %dma_start3A_171 = arith.constant 0 : i32
        %dma_start3A_172 = tpu.memref_slice %arg9[%dma_start3A_169, %dma_start3A_171] : memref<2x6400xi32, #tpu.memory_space<vmem>> -> memref<1x6400xi32, #tpu.memory_space<vmem>>
        %dma_start3A_173 = tpu.memref_squeeze %dma_start3A_172 : memref<1x6400xi32, #tpu.memory_space<vmem>> -> memref<6400xi32, #tpu.memory_space<vmem>>
        %dma_start3A_174 = tpu.memref_slice %arg4[%mul3A_168] : memref<4000000xi32, #tpu.memory_space<hbm>> -> memref<6400xi32, #tpu.memory_space<hbm>>
        %dma_start3A_175 = tpu.memref_slice %arg11[%dma_start3A_170] : memref<2x!tpu.dma_semaphore, #tpu.memory_space<semaphore_mem>> -> memref<1x!tpu.dma_semaphore, #tpu.memory_space<semaphore_mem>>
        %dma_start3A_176 = tpu.memref_squeeze %dma_start3A_175 : memref<1x!tpu.dma_semaphore, #tpu.memory_space<semaphore_mem>> -> memref<!tpu.dma_semaphore, #tpu.memory_space<semaphore_mem>>
        %dma_start3A_177 = arith.constant 0 : i32
        %dma_start3A_178 = tpu.memref_slice %arg9[%dma_start3A_169, %dma_start3A_177] : memref<2x6400xi32, #tpu.memory_space<vmem>> -> memref<1x6400xi32, #tpu.memory_space<vmem>>
        %dma_start3A_179 = tpu.memref_squeeze %dma_start3A_178 : memref<1x6400xi32, #tpu.memory_space<vmem>> -> memref<6400xi32, #tpu.memory_space<vmem>>
        %dma_start3A_180 = tpu.memref_slice %arg4[%mul3A_168] : memref<4000000xi32, #tpu.memory_space<hbm>> -> memref<6400xi32, #tpu.memory_space<hbm>>
        tpu.enqueue_dma source(%dma_start3A_180 : memref<6400xi32, #tpu.memory_space<hbm>>) target(%dma_start3A_179 : memref<6400xi32, #tpu.memory_space<vmem>>) target_semaphore(%dma_start3A_176 : memref<!tpu.dma_semaphore, #tpu.memory_space<semaphore_mem>>)
      } else {
      }
      %mul3A_91 = arith.constant 2 : i32
      %mul3A_92 = arith.muli %mul3A_91, %while3A_59 : i32
      %add3A_93 = arith.constant 1 : i32
      %add3A_94 = arith.addi %mul3A_92, %add3A_93 : i32
      %lt3A_95 = arith.cmpi slt, %add3A_94, %add3A_8 : i32
      %convert_element_type3A_96 = arith.extui %lt3A_95 : i1 to i32
      %cond3A_97 = arith.constant 0 : i32
      %cond3A_98 = arith.cmpi ne, %convert_element_type3A_96, %cond3A_97 : i32
      scf.if %cond3A_98 {
        %add3A_121 = arith.addi %add3A_4, %add3A_94 : i32
        %mul3A_122 = arith.constant 50 : i32
        %mul3A_123 = arith.muli %add3A_121, %mul3A_122 : i32
        %add3A_124 = arith.constant 10400 : i32
        %add3A_125 = arith.addi %add3A_124, %mul3A_123 : i32
        %dma_wait3A = arith.constant 1 : i32
        %dma_wait3A_126 = arith.constant 1 : i32
        %dma_wait3A_127 = arith.constant 0 : i32
        %dma_wait3A_128 = arith.constant 0 : i32
        %dma_wait3A_129 = arith.constant 0 : i32
        %dma_wait3A_130 = tpu.memref_slice %arg7[%dma_wait3A, %dma_wait3A_127, %dma_wait3A_128, %dma_wait3A_129] : memref<2x50x4x128xf32, #tpu.memory_space<vmem>> -> memref<1x50x4x128xf32, #tpu.memory_space<vmem>>
        %dma_wait3A_131 = tpu.memref_squeeze %dma_wait3A_130 : memref<1x50x4x128xf32, #tpu.memory_space<vmem>> -> memref<50x4x128xf32, #tpu.memory_space<vmem>>
        %dma_wait3A_132 = arith.constant 0 : i32
        %dma_wait3A_133 = arith.constant 0 : i32
        %dma_wait3A_134 = tpu.memref_slice %arg2[%add3A_125, %dma_wait3A_132, %dma_wait3A_133] : memref<31250x4x128xf32, #tpu.memory_space<hbm>> -> memref<50x4x128xf32, #tpu.memory_space<hbm>>
        %dma_wait3A_135 = tpu.memref_slice %arg11[%dma_wait3A_126] : memref<2x!tpu.dma_semaphore, #tpu.memory_space<semaphore_mem>> -> memref<1x!tpu.dma_semaphore, #tpu.memory_space<semaphore_mem>>
        %dma_wait3A_136 = tpu.memref_squeeze %dma_wait3A_135 : memref<1x!tpu.dma_semaphore, #tpu.memory_space<semaphore_mem>> -> memref<!tpu.dma_semaphore, #tpu.memory_space<semaphore_mem>>
        %dma_wait3A_137 = arith.constant 0 : i32
        %dma_wait3A_138 = arith.constant 0 : i32
        %dma_wait3A_139 = arith.constant 0 : i32
        %dma_wait3A_140 = tpu.memref_slice %arg7[%dma_wait3A, %dma_wait3A_137, %dma_wait3A_138, %dma_wait3A_139] : memref<2x50x4x128xf32, #tpu.memory_space<vmem>> -> memref<1x50x4x128xf32, #tpu.memory_space<vmem>>
        %dma_wait3A_141 = tpu.memref_squeeze %dma_wait3A_140 : memref<1x50x4x128xf32, #tpu.memory_space<vmem>> -> memref<50x4x128xf32, #tpu.memory_space<vmem>>
        %dma_wait3A_142 = arith.constant 0 : i32
        %dma_wait3A_143 = arith.constant 0 : i32
        %dma_wait3A_144 = tpu.memref_slice %arg2[%add3A_125, %dma_wait3A_142, %dma_wait3A_143] : memref<31250x4x128xf32, #tpu.memory_space<hbm>> -> memref<50x4x128xf32, #tpu.memory_space<hbm>>
        tpu.wait_dma2 semaphore(%dma_wait3A_136 : memref<!tpu.dma_semaphore, #tpu.memory_space<semaphore_mem>>) src(%dma_wait3A_144 : memref<50x4x128xf32, #tpu.memory_space<hbm>>) dst(%dma_wait3A_141 : memref<50x4x128xf32, #tpu.memory_space<vmem>>)
        %dma_wait3A_145 = arith.constant 1 : i32
        %dma_wait3A_146 = arith.constant 1 : i32
        %dma_wait3A_147 = arith.constant 0 : i32
        %dma_wait3A_148 = arith.constant 0 : i32
        %dma_wait3A_149 = arith.constant 0 : i32
        %dma_wait3A_150 = tpu.memref_slice %arg8[%dma_wait3A_145, %dma_wait3A_147, %dma_wait3A_148, %dma_wait3A_149] : memref<2x50x4x128xf32, #tpu.memory_space<vmem>> -> memref<1x50x4x128xf32, #tpu.memory_space<vmem>>
        %dma_wait3A_151 = tpu.memref_squeeze %dma_wait3A_150 : memref<1x50x4x128xf32, #tpu.memory_space<vmem>> -> memref<50x4x128xf32, #tpu.memory_space<vmem>>
        %dma_wait3A_152 = arith.constant 0 : i32
        %dma_wait3A_153 = arith.constant 0 : i32
        %dma_wait3A_154 = tpu.memref_slice %arg3[%add3A_125, %dma_wait3A_152, %dma_wait3A_153] : memref<31250x4x128xf32, #tpu.memory_space<hbm>> -> memref<50x4x128xf32, #tpu.memory_space<hbm>>
        %dma_wait3A_155 = tpu.memref_slice %arg11[%dma_wait3A_146] : memref<2x!tpu.dma_semaphore, #tpu.memory_space<semaphore_mem>> -> memref<1x!tpu.dma_semaphore, #tpu.memory_space<semaphore_mem>>
        %dma_wait3A_156 = tpu.memref_squeeze %dma_wait3A_155 : memref<1x!tpu.dma_semaphore, #tpu.memory_space<semaphore_mem>> -> memref<!tpu.dma_semaphore, #tpu.memory_space<semaphore_mem>>
        %dma_wait3A_157 = arith.constant 0 : i32
        %dma_wait3A_158 = arith.constant 0 : i32
        %dma_wait3A_159 = arith.constant 0 : i32
        %dma_wait3A_160 = tpu.memref_slice %arg8[%dma_wait3A_145, %dma_wait3A_157, %dma_wait3A_158, %dma_wait3A_159] : memref<2x50x4x128xf32, #tpu.memory_space<vmem>> -> memref<1x50x4x128xf32, #tpu.memory_space<vmem>>
        %dma_wait3A_161 = tpu.memref_squeeze %dma_wait3A_160 : memref<1x50x4x128xf32, #tpu.memory_space<vmem>> -> memref<50x4x128xf32, #tpu.memory_space<vmem>>
        %dma_wait3A_162 = arith.constant 0 : i32
        %dma_wait3A_163 = arith.constant 0 : i32
        %dma_wait3A_164 = tpu.memref_slice %arg3[%add3A_125, %dma_wait3A_162, %dma_wait3A_163] : memref<31250x4x128xf32, #tpu.memory_space<hbm>> -> memref<50x4x128xf32, #tpu.memory_space<hbm>>
        tpu.wait_dma2 semaphore(%dma_wait3A_156 : memref<!tpu.dma_semaphore, #tpu.memory_space<semaphore_mem>>) src(%dma_wait3A_164 : memref<50x4x128xf32, #tpu.memory_space<hbm>>) dst(%dma_wait3A_161 : memref<50x4x128xf32, #tpu.memory_space<vmem>>)
        %mul3A_165 = arith.constant 128 : i32
        %mul3A_166 = arith.muli %add3A_125, %mul3A_165 : i32
        %dma_wait3A_167 = arith.constant 1 : i32
        %dma_wait3A_168 = arith.constant 1 : i32
        %dma_wait3A_169 = arith.constant 0 : i32
        %dma_wait3A_170 = tpu.memref_slice %arg9[%dma_wait3A_167, %dma_wait3A_169] : memref<2x6400xi32, #tpu.memory_space<vmem>> -> memref<1x6400xi32, #tpu.memory_space<vmem>>
        %dma_wait3A_171 = tpu.memref_squeeze %dma_wait3A_170 : memref<1x6400xi32, #tpu.memory_space<vmem>> -> memref<6400xi32, #tpu.memory_space<vmem>>
        %dma_wait3A_172 = tpu.memref_slice %arg4[%mul3A_166] : memref<4000000xi32, #tpu.memory_space<hbm>> -> memref<6400xi32, #tpu.memory_space<hbm>>
        %dma_wait3A_173 = tpu.memref_slice %arg11[%dma_wait3A_168] : memref<2x!tpu.dma_semaphore, #tpu.memory_space<semaphore_mem>> -> memref<1x!tpu.dma_semaphore, #tpu.memory_space<semaphore_mem>>
        %dma_wait3A_174 = tpu.memref_squeeze %dma_wait3A_173 : memref<1x!tpu.dma_semaphore, #tpu.memory_space<semaphore_mem>> -> memref<!tpu.dma_semaphore, #tpu.memory_space<semaphore_mem>>
        %dma_wait3A_175 = arith.constant 0 : i32
        %dma_wait3A_176 = tpu.memref_slice %arg9[%dma_wait3A_167, %dma_wait3A_175] : memref<2x6400xi32, #tpu.memory_space<vmem>> -> memref<1x6400xi32, #tpu.memory_space<vmem>>
        %dma_wait3A_177 = tpu.memref_squeeze %dma_wait3A_176 : memref<1x6400xi32, #tpu.memory_space<vmem>> -> memref<6400xi32, #tpu.memory_space<vmem>>
        %dma_wait3A_178 = tpu.memref_slice %arg4[%mul3A_166] : memref<4000000xi32, #tpu.memory_space<hbm>> -> memref<6400xi32, #tpu.memory_space<hbm>>
        tpu.wait_dma2 semaphore(%dma_wait3A_174 : memref<!tpu.dma_semaphore, #tpu.memory_space<semaphore_mem>>) src(%dma_wait3A_178 : memref<6400xi32, #tpu.memory_space<hbm>>) dst(%dma_wait3A_177 : memref<6400xi32, #tpu.memory_space<vmem>>)
      } else {
      }
      %broadcast_in_dim3A_99 = arith.constant 0.000000e+00 : f32
      %broadcast_in_dim3A_100 = vector.broadcast %broadcast_in_dim3A_99 : f32 to vector<16xf32>
      %scan3A_101 = arith.constant 0 : i32
      %scan3A_102 = arith.constant 50 : i32
      %scan3A_103 = arith.addi %scan3A_101, %scan3A_102 : i32
      %scan3A_104 = arith.constant 1 : i32
      %scan3A_105:2 = scf.for %scan3A_121 = %scan3A_101 to %scan3A_103 step %scan3A_104 iter_args(%scan3A_122 = %broadcast_in_dim3A_100, %scan3A_123 = %broadcast_in_dim3A_100) -> (vector<16xf32>, vector<16xf32>)  : i32 {
        %mul3A_124 = arith.constant 128 : i32
        %mul3A_125 = arith.muli %scan3A_121, %mul3A_124 : i32
        %add3A_126 = arith.constant 0 : i32
        %add3A_127 = arith.addi %mul3A_125, %add3A_126 : i32
        %get3A = arith.constant 1 : i32
        %get3A_128 = arith.index_cast %get3A : i32 to index
        %get3A_129 = arith.index_cast %add3A_127 : i32 to index
        %get3A_130 = tpu.vector_load %arg9[%get3A_128, %get3A_129] {strides = array<i32>} : memref<2x6400xi32, #tpu.memory_space<vmem>>, vector<1x16xi32>,
        %get3A_131 = vector.shape_cast %get3A_130 : vector<1x16xi32> to vector<16xi32>
        %eq3A = arith.constant 1 : i32
        %eq3A_132 = vector.broadcast %eq3A : i32 to vector<16xi32>
        %eq3A_133 = arith.cmpi eq, %get3A_131, %eq3A_132 : vector<16xi32>
        %jit3A_134 = arith.constant 1.000000e+00 : f32
        %jit3A_135 = arith.constant 0.000000e+00 : f32
        %broadcast_in_dim3A_136 = vector.broadcast %jit3A_134 : f32 to vector<16xf32>
        %broadcast_in_dim3A_137 = vector.broadcast %jit3A_135 : f32 to vector<16xf32>
        %select_n3A_138 = arith.select %eq3A_133, %broadcast_in_dim3A_136, %broadcast_in_dim3A_137 : vector<16xi1>, vector<16xf32>
        %add3A_139 = arith.addf %scan3A_123, %select_n3A_138 : vector<16xf32>
        %get3A_140 = arith.constant 1 : i32
        %get3A_141 = arith.constant 0 : i32
        %get3A_142 = arith.index_cast %get3A_140 : i32 to index
        %get3A_143 = arith.index_cast %scan3A_121 : i32 to index
        %get3A_144 = arith.index_cast %get3A_141 : i32 to index
        %get3A_145 = arith.constant 0 : index
        %get3A_146 = tpu.vector_load %arg7[%get3A_142, %get3A_143, %get3A_144, %get3A_145] {strides = array<i32>} : memref<2x50x4x128xf32, #tpu.memory_space<vmem>>, vector<1x1x1x16xf32>,
        %get3A_147 = vector.shape_cast %get3A_146 : vector<1x1x1x16xf32> to vector<16xf32>
        %get3A_148 = arith.constant 1 : i32
        %get3A_149 = arith.constant 0 : i32
        %get3A_150 = arith.index_cast %get3A_148 : i32 to index
        %get3A_151 = arith.index_cast %scan3A_121 : i32 to index
        %get3A_152 = arith.index_cast %get3A_149 : i32 to index
        %get3A_153 = arith.constant 0 : index
        %get3A_154 = tpu.vector_load %arg8[%get3A_150, %get3A_151, %get3A_152, %get3A_153] {strides = array<i32>} : memref<2x50x4x128xf32, #tpu.memory_space<vmem>>, vector<1x1x1x16xf32>,
        %get3A_155 = vector.shape_cast %get3A_154 : vector<1x1x1x16xf32> to vector<16xf32>
        %sub3A_156 = arith.subf %get3A_147, %get3A_155 : vector<16xf32>
        %abs3A = math.absf %sub3A_156 : vector<16xf32>
        %min3A_157 = arith.constant 1.000000e+00 : f32
        %min3A_158 = vector.broadcast %min3A_157 : f32 to vector<16xf32>
        %min3A_159 = arith.minimumf %abs3A, %min3A_158 : vector<16xf32>
        %mul3A_160 = arith.constant 5.000000e-01 : f32
        %mul3A_161 = vector.broadcast %mul3A_160 : f32 to vector<16xf32>
        %mul3A_162 = arith.mulf %mul3A_161, %min3A_159 : vector<16xf32>
        %sub3A_163 = arith.subf %abs3A, %mul3A_162 : vector<16xf32>
        %mul3A_164 = arith.mulf %min3A_159, %sub3A_163 : vector<16xf32>
        %get3A_165 = arith.constant 1 : i32
        %get3A_166 = arith.constant 1 : i32
        %get3A_167 = arith.index_cast %get3A_165 : i32 to index
        %get3A_168 = arith.index_cast %scan3A_121 : i32 to index
        %get3A_169 = arith.index_cast %get3A_166 : i32 to index
        %get3A_170 = arith.constant 0 : index
        %get3A_171 = tpu.vector_load %arg7[%get3A_167, %get3A_168, %get3A_169, %get3A_170] {strides = array<i32>} : memref<2x50x4x128xf32, #tpu.memory_space<vmem>>, vector<1x1x1x16xf32>,
        %get3A_172 = vector.shape_cast %get3A_171 : vector<1x1x1x16xf32> to vector<16xf32>
        %get3A_173 = arith.constant 1 : i32
        %get3A_174 = arith.constant 1 : i32
        %get3A_175 = arith.index_cast %get3A_173 : i32 to index
        %get3A_176 = arith.index_cast %scan3A_121 : i32 to index
        %get3A_177 = arith.index_cast %get3A_174 : i32 to index
        %get3A_178 = arith.constant 0 : index
        %get3A_179 = tpu.vector_load %arg8[%get3A_175, %get3A_176, %get3A_177, %get3A_178] {strides = array<i32>} : memref<2x50x4x128xf32, #tpu.memory_space<vmem>>, vector<1x1x1x16xf32>,
        %get3A_180 = vector.shape_cast %get3A_179 : vector<1x1x1x16xf32> to vector<16xf32>
        %sub3A_181 = arith.subf %get3A_172, %get3A_180 : vector<16xf32>
        %abs3A_182 = math.absf %sub3A_181 : vector<16xf32>
        %min3A_183 = arith.constant 1.000000e+00 : f32
        %min3A_184 = vector.broadcast %min3A_183 : f32 to vector<16xf32>
        %min3A_185 = arith.minimumf %abs3A_182, %min3A_184 : vector<16xf32>
        %mul3A_186 = arith.constant 5.000000e-01 : f32
        %mul3A_187 = vector.broadcast %mul3A_186 : f32 to vector<16xf32>
        %mul3A_188 = arith.mulf %mul3A_187, %min3A_185 : vector<16xf32>
        %sub3A_189 = arith.subf %abs3A_182, %mul3A_188 : vector<16xf32>
        %mul3A_190 = arith.mulf %min3A_185, %sub3A_189 : vector<16xf32>
        %add3A_191 = arith.addf %mul3A_164, %mul3A_190 : vector<16xf32>
        %get3A_192 = arith.constant 1 : i32
        %get3A_193 = arith.constant 2 : i32
        %get3A_194 = arith.index_cast %get3A_192 : i32 to index
        %get3A_195 = arith.index_cast %scan3A_121 : i32 to index
        %get3A_196 = arith.index_cast %get3A_193 : i32 to index
        %get3A_197 = arith.constant 0 : index
        %get3A_198 = tpu.vector_load %arg7[%get3A_194, %get3A_195, %get3A_196, %get3A_197] {strides = array<i32>} : memref<2x50x4x128xf32, #tpu.memory_space<vmem>>, vector<1x1x1x16xf32>,
        %get3A_199 = vector.shape_cast %get3A_198 : vector<1x1x1x16xf32> to vector<16xf32>
        %get3A_200 = arith.constant 1 : i32
        %get3A_201 = arith.constant 2 : i32
        %get3A_202 = arith.index_cast %get3A_200 : i32 to index
        %get3A_203 = arith.index_cast %scan3A_121 : i32 to index
        %get3A_204 = arith.index_cast %get3A_201 : i32 to index
        %get3A_205 = arith.constant 0 : index
        %get3A_206 = tpu.vector_load %arg8[%get3A_202, %get3A_203, %get3A_204, %get3A_205] {strides = array<i32>} : memref<2x50x4x128xf32, #tpu.memory_space<vmem>>, vector<1x1x1x16xf32>,
        %get3A_207 = vector.shape_cast %get3A_206 : vector<1x1x1x16xf32> to vector<16xf32>
        %sub3A_208 = arith.subf %get3A_199, %get3A_207 : vector<16xf32>
        %abs3A_209 = math.absf %sub3A_208 : vector<16xf32>
        %min3A_210 = arith.constant 1.000000e+00 : f32
        %min3A_211 = vector.broadcast %min3A_210 : f32 to vector<16xf32>
        %min3A_212 = arith.minimumf %abs3A_209, %min3A_211 : vector<16xf32>
        %mul3A_213 = arith.constant 5.000000e-01 : f32
        %mul3A_214 = vector.broadcast %mul3A_213 : f32 to vector<16xf32>
        %mul3A_215 = arith.mulf %mul3A_214, %min3A_212 : vector<16xf32>
        %sub3A_216 = arith.subf %abs3A_209, %mul3A_215 : vector<16xf32>
        %mul3A_217 = arith.mulf %min3A_212, %sub3A_216 : vector<16xf32>
        %add3A_218 = arith.addf %add3A_191, %mul3A_217 : vector<16xf32>
        %get3A_219 = arith.constant 1 : i32
        %get3A_220 = arith.constant 3 : i32
        %get3A_221 = arith.index_cast %get3A_219 : i32 to index
        %get3A_222 = arith.index_cast %scan3A_121 : i32 to index
        %get3A_223 = arith.index_cast %get3A_220 : i32 to index
        %get3A_224 = arith.constant 0 : index
        %get3A_225 = tpu.vector_load %arg7[%get3A_221, %get3A_222, %get3A_223, %get3A_224] {strides = array<i32>} : memref<2x50x4x128xf32, #tpu.memory_space<vmem>>, vector<1x1x1x16xf32>,
        %get3A_226 = vector.shape_cast %get3A_225 : vector<1x1x1x16xf32> to vector<16xf32>
        %get3A_227 = arith.constant 1 : i32
        %get3A_228 = arith.constant 3 : i32
        %get3A_229 = arith.index_cast %get3A_227 : i32 to index
        %get3A_230 = arith.index_cast %scan3A_121 : i32 to index
        %get3A_231 = arith.index_cast %get3A_228 : i32 to index
        %get3A_232 = arith.constant 0 : index
        %get3A_233 = tpu.vector_load %arg8[%get3A_229, %get3A_230, %get3A_231, %get3A_232] {strides = array<i32>} : memref<2x50x4x128xf32, #tpu.memory_space<vmem>>, vector<1x1x1x16xf32>,
        %get3A_234 = vector.shape_cast %get3A_233 : vector<1x1x1x16xf32> to vector<16xf32>
        %sub3A_235 = arith.subf %get3A_226, %get3A_234 : vector<16xf32>
        %abs3A_236 = math.absf %sub3A_235 : vector<16xf32>
        %min3A_237 = arith.constant 1.000000e+00 : f32
        %min3A_238 = vector.broadcast %min3A_237 : f32 to vector<16xf32>
        %min3A_239 = arith.minimumf %abs3A_236, %min3A_238 : vector<16xf32>
        %mul3A_240 = arith.constant 5.000000e-01 : f32
        %mul3A_241 = vector.broadcast %mul3A_240 : f32 to vector<16xf32>
        %mul3A_242 = arith.mulf %mul3A_241, %min3A_239 : vector<16xf32>
        %sub3A_243 = arith.subf %abs3A_236, %mul3A_242 : vector<16xf32>
        %mul3A_244 = arith.mulf %min3A_239, %sub3A_243 : vector<16xf32>
        %add3A_245 = arith.addf %add3A_218, %mul3A_244 : vector<16xf32>
        %jit3A_246 = arith.constant 0.000000e+00 : f32
        %broadcast_in_dim3A_247 = vector.broadcast %jit3A_246 : f32 to vector<16xf32>
        %select_n3A_248 = arith.select %eq3A_133, %add3A_245, %broadcast_in_dim3A_247 : vector<16xi1>, vector<16xf32>
        %add3A_249 = arith.addf %scan3A_122, %select_n3A_248 : vector<16xf32>
        %mul3A_250 = arith.constant 128 : i32
        %mul3A_251 = arith.muli %scan3A_121, %mul3A_250 : i32
        %add3A_252 = arith.constant 16 : i32
        %add3A_253 = arith.addi %mul3A_251, %add3A_252 : i32
        %get3A_254 = arith.constant 1 : i32
        %get3A_255 = arith.index_cast %get3A_254 : i32 to index
        %get3A_256 = arith.index_cast %add3A_253 : i32 to index
        %get3A_257 = tpu.vector_load %arg9[%get3A_255, %get3A_256] {strides = array<i32>} : memref<2x6400xi32, #tpu.memory_space<vmem>>, vector<1x16xi32>,
        %get3A_258 = vector.shape_cast %get3A_257 : vector<1x16xi32> to vector<16xi32>
        %eq3A_259 = arith.constant 1 : i32
        %eq3A_260 = vector.broadcast %eq3A_259 : i32 to vector<16xi32>
        %eq3A_261 = arith.cmpi eq, %get3A_258, %eq3A_260 : vector<16xi32>
        %jit3A_262 = arith.constant 1.000000e+00 : f32
        %jit3A_263 = arith.constant 0.000000e+00 : f32
        %broadcast_in_dim3A_264 = vector.broadcast %jit3A_262 : f32 to vector<16xf32>
        %broadcast_in_dim3A_265 = vector.broadcast %jit3A_263 : f32 to vector<16xf32>
        %select_n3A_266 = arith.select %eq3A_261, %broadcast_in_dim3A_264, %broadcast_in_dim3A_265 : vector<16xi1>, vector<16xf32>
        %add3A_267 = arith.addf %add3A_139, %select_n3A_266 : vector<16xf32>
        %get3A_268 = arith.constant 1 : i32
        %get3A_269 = arith.constant 0 : i32
        %get3A_270 = arith.index_cast %get3A_268 : i32 to index
        %get3A_271 = arith.index_cast %scan3A_121 : i32 to index
        %get3A_272 = arith.index_cast %get3A_269 : i32 to index
        %get3A_273 = arith.constant 16 : index
        %get3A_274 = tpu.vector_load %arg7[%get3A_270, %get3A_271, %get3A_272, %get3A_273] {strides = array<i32>} : memref<2x50x4x128xf32, #tpu.memory_space<vmem>>, vector<1x1x1x16xf32>,
        %get3A_275 = vector.shape_cast %get3A_274 : vector<1x1x1x16xf32> to vector<16xf32>
        %get3A_276 = arith.constant 1 : i32
        %get3A_277 = arith.constant 0 : i32
        %get3A_278 = arith.index_cast %get3A_276 : i32 to index
        %get3A_279 = arith.index_cast %scan3A_121 : i32 to index
        %get3A_280 = arith.index_cast %get3A_277 : i32 to index
        %get3A_281 = arith.constant 16 : index
        %get3A_282 = tpu.vector_load %arg8[%get3A_278, %get3A_279, %get3A_280, %get3A_281] {strides = array<i32>} : memref<2x50x4x128xf32, #tpu.memory_space<vmem>>, vector<1x1x1x16xf32>,
        %get3A_283 = vector.shape_cast %get3A_282 : vector<1x1x1x16xf32> to vector<16xf32>
        %sub3A_284 = arith.subf %get3A_275, %get3A_283 : vector<16xf32>
        %abs3A_285 = math.absf %sub3A_284 : vector<16xf32>
        %min3A_286 = arith.constant 1.000000e+00 : f32
        %min3A_287 = vector.broadcast %min3A_286 : f32 to vector<16xf32>
        %min3A_288 = arith.minimumf %abs3A_285, %min3A_287 : vector<16xf32>
        %mul3A_289 = arith.constant 5.000000e-01 : f32
        %mul3A_290 = vector.broadcast %mul3A_289 : f32 to vector<16xf32>
        %mul3A_291 = arith.mulf %mul3A_290, %min3A_288 : vector<16xf32>
        %sub3A_292 = arith.subf %abs3A_285, %mul3A_291 : vector<16xf32>
        %mul3A_293 = arith.mulf %min3A_288, %sub3A_292 : vector<16xf32>
        %get3A_294 = arith.constant 1 : i32
        %get3A_295 = arith.constant 1 : i32
        %get3A_296 = arith.index_cast %get3A_294 : i32 to index
        %get3A_297 = arith.index_cast %scan3A_121 : i32 to index
        %get3A_298 = arith.index_cast %get3A_295 : i32 to index
        %get3A_299 = arith.constant 16 : index
        %get3A_300 = tpu.vector_load %arg7[%get3A_296, %get3A_297, %get3A_298, %get3A_299] {strides = array<i32>} : memref<2x50x4x128xf32, #tpu.memory_space<vmem>>, vector<1x1x1x16xf32>,
        %get3A_301 = vector.shape_cast %get3A_300 : vector<1x1x1x16xf32> to vector<16xf32>
        %get3A_302 = arith.constant 1 : i32
        %get3A_303 = arith.constant 1 : i32
        %get3A_304 = arith.index_cast %get3A_302 : i32 to index
        %get3A_305 = arith.index_cast %scan3A_121 : i32 to index
        %get3A_306 = arith.index_cast %get3A_303 : i32 to index
        %get3A_307 = arith.constant 16 : index
        %get3A_308 = tpu.vector_load %arg8[%get3A_304, %get3A_305, %get3A_306, %get3A_307] {strides = array<i32>} : memref<2x50x4x128xf32, #tpu.memory_space<vmem>>, vector<1x1x1x16xf32>,
        %get3A_309 = vector.shape_cast %get3A_308 : vector<1x1x1x16xf32> to vector<16xf32>
        %sub3A_310 = arith.subf %get3A_301, %get3A_309 : vector<16xf32>
        %abs3A_311 = math.absf %sub3A_310 : vector<16xf32>
        %min3A_312 = arith.constant 1.000000e+00 : f32
        %min3A_313 = vector.broadcast %min3A_312 : f32 to vector<16xf32>
        %min3A_314 = arith.minimumf %abs3A_311, %min3A_313 : vector<16xf32>
        %mul3A_315 = arith.constant 5.000000e-01 : f32
        %mul3A_316 = vector.broadcast %mul3A_315 : f32 to vector<16xf32>
        %mul3A_317 = arith.mulf %mul3A_316, %min3A_314 : vector<16xf32>
        %sub3A_318 = arith.subf %abs3A_311, %mul3A_317 : vector<16xf32>
        %mul3A_319 = arith.mulf %min3A_314, %sub3A_318 : vector<16xf32>
        %add3A_320 = arith.addf %mul3A_293, %mul3A_319 : vector<16xf32>
        %get3A_321 = arith.constant 1 : i32
        %get3A_322 = arith.constant 2 : i32
        %get3A_323 = arith.index_cast %get3A_321 : i32 to index
        %get3A_324 = arith.index_cast %scan3A_121 : i32 to index
        %get3A_325 = arith.index_cast %get3A_322 : i32 to index
        %get3A_326 = arith.constant 16 : index
        %get3A_327 = tpu.vector_load %arg7[%get3A_323, %get3A_324, %get3A_325, %get3A_326] {strides = array<i32>} : memref<2x50x4x128xf32, #tpu.memory_space<vmem>>, vector<1x1x1x16xf32>,
        %get3A_328 = vector.shape_cast %get3A_327 : vector<1x1x1x16xf32> to vector<16xf32>
        %get3A_329 = arith.constant 1 : i32
        %get3A_330 = arith.constant 2 : i32
        %get3A_331 = arith.index_cast %get3A_329 : i32 to index
        %get3A_332 = arith.index_cast %scan3A_121 : i32 to index
        %get3A_333 = arith.index_cast %get3A_330 : i32 to index
        %get3A_334 = arith.constant 16 : index
        %get3A_335 = tpu.vector_load %arg8[%get3A_331, %get3A_332, %get3A_333, %get3A_334] {strides = array<i32>} : memref<2x50x4x128xf32, #tpu.memory_space<vmem>>, vector<1x1x1x16xf32>,
        %get3A_336 = vector.shape_cast %get3A_335 : vector<1x1x1x16xf32> to vector<16xf32>
        %sub3A_337 = arith.subf %get3A_328, %get3A_336 : vector<16xf32>
        %abs3A_338 = math.absf %sub3A_337 : vector<16xf32>
        %min3A_339 = arith.constant 1.000000e+00 : f32
        %min3A_340 = vector.broadcast %min3A_339 : f32 to vector<16xf32>
        %min3A_341 = arith.minimumf %abs3A_338, %min3A_340 : vector<16xf32>
        %mul3A_342 = arith.constant 5.000000e-01 : f32
        %mul3A_343 = vector.broadcast %mul3A_342 : f32 to vector<16xf32>
        %mul3A_344 = arith.mulf %mul3A_343, %min3A_341 : vector<16xf32>
        %sub3A_345 = arith.subf %abs3A_338, %mul3A_344 : vector<16xf32>
        %mul3A_346 = arith.mulf %min3A_341, %sub3A_345 : vector<16xf32>
        %add3A_347 = arith.addf %add3A_320, %mul3A_346 : vector<16xf32>
        %get3A_348 = arith.constant 1 : i32
        %get3A_349 = arith.constant 3 : i32
        %get3A_350 = arith.index_cast %get3A_348 : i32 to index
        %get3A_351 = arith.index_cast %scan3A_121 : i32 to index
        %get3A_352 = arith.index_cast %get3A_349 : i32 to index
        %get3A_353 = arith.constant 16 : index
        %get3A_354 = tpu.vector_load %arg7[%get3A_350, %get3A_351, %get3A_352, %get3A_353] {strides = array<i32>} : memref<2x50x4x128xf32, #tpu.memory_space<vmem>>, vector<1x1x1x16xf32>,
        %get3A_355 = vector.shape_cast %get3A_354 : vector<1x1x1x16xf32> to vector<16xf32>
        %get3A_356 = arith.constant 1 : i32
        %get3A_357 = arith.constant 3 : i32
        %get3A_358 = arith.index_cast %get3A_356 : i32 to index
        %get3A_359 = arith.index_cast %scan3A_121 : i32 to index
        %get3A_360 = arith.index_cast %get3A_357 : i32 to index
        %get3A_361 = arith.constant 16 : index
        %get3A_362 = tpu.vector_load %arg8[%get3A_358, %get3A_359, %get3A_360, %get3A_361] {strides = array<i32>} : memref<2x50x4x128xf32, #tpu.memory_space<vmem>>, vector<1x1x1x16xf32>,
        %get3A_363 = vector.shape_cast %get3A_362 : vector<1x1x1x16xf32> to vector<16xf32>
        %sub3A_364 = arith.subf %get3A_355, %get3A_363 : vector<16xf32>
        %abs3A_365 = math.absf %sub3A_364 : vector<16xf32>
        %min3A_366 = arith.constant 1.000000e+00 : f32
        %min3A_367 = vector.broadcast %min3A_366 : f32 to vector<16xf32>
        %min3A_368 = arith.minimumf %abs3A_365, %min3A_367 : vector<16xf32>
        %mul3A_369 = arith.constant 5.000000e-01 : f32
        %mul3A_370 = vector.broadcast %mul3A_369 : f32 to vector<16xf32>
        %mul3A_371 = arith.mulf %mul3A_370, %min3A_368 : vector<16xf32>
        %sub3A_372 = arith.subf %abs3A_365, %mul3A_371 : vector<16xf32>
        %mul3A_373 = arith.mulf %min3A_368, %sub3A_372 : vector<16xf32>
        %add3A_374 = arith.addf %add3A_347, %mul3A_373 : vector<16xf32>
        %jit3A_375 = arith.constant 0.000000e+00 : f32
        %broadcast_in_dim3A_376 = vector.broadcast %jit3A_375 : f32 to vector<16xf32>
        %select_n3A_377 = arith.select %eq3A_261, %add3A_374, %broadcast_in_dim3A_376 : vector<16xi1>, vector<16xf32>
        %add3A_378 = arith.addf %add3A_249, %select_n3A_377 : vector<16xf32>
        %mul3A_379 = arith.constant 128 : i32
        %mul3A_380 = arith.muli %scan3A_121, %mul3A_379 : i32
        %add3A_381 = arith.constant 32 : i32
        %add3A_382 = arith.addi %mul3A_380, %add3A_381 : i32
        %get3A_383 = arith.constant 1 : i32
        %get3A_384 = arith.index_cast %get3A_383 : i32 to index
        %get3A_385 = arith.index_cast %add3A_382 : i32 to index
        %get3A_386 = tpu.vector_load %arg9[%get3A_384, %get3A_385] {strides = array<i32>} : memref<2x6400xi32, #tpu.memory_space<vmem>>, vector<1x16xi32>,
        %get3A_387 = vector.shape_cast %get3A_386 : vector<1x16xi32> to vector<16xi32>
        %eq3A_388 = arith.constant 1 : i32
        %eq3A_389 = vector.broadcast %eq3A_388 : i32 to vector<16xi32>
        %eq3A_390 = arith.cmpi eq, %get3A_387, %eq3A_389 : vector<16xi32>
        %jit3A_391 = arith.constant 1.000000e+00 : f32
        %jit3A_392 = arith.constant 0.000000e+00 : f32
        %broadcast_in_dim3A_393 = vector.broadcast %jit3A_391 : f32 to vector<16xf32>
        %broadcast_in_dim3A_394 = vector.broadcast %jit3A_392 : f32 to vector<16xf32>
        %select_n3A_395 = arith.select %eq3A_390, %broadcast_in_dim3A_393, %broadcast_in_dim3A_394 : vector<16xi1>, vector<16xf32>
        %add3A_396 = arith.addf %add3A_267, %select_n3A_395 : vector<16xf32>
        %get3A_397 = arith.constant 1 : i32
        %get3A_398 = arith.constant 0 : i32
        %get3A_399 = arith.index_cast %get3A_397 : i32 to index
        %get3A_400 = arith.index_cast %scan3A_121 : i32 to index
        %get3A_401 = arith.index_cast %get3A_398 : i32 to index
        %get3A_402 = arith.constant 32 : index
        %get3A_403 = tpu.vector_load %arg7[%get3A_399, %get3A_400, %get3A_401, %get3A_402] {strides = array<i32>} : memref<2x50x4x128xf32, #tpu.memory_space<vmem>>, vector<1x1x1x16xf32>,
        %get3A_404 = vector.shape_cast %get3A_403 : vector<1x1x1x16xf32> to vector<16xf32>
        %get3A_405 = arith.constant 1 : i32
        %get3A_406 = arith.constant 0 : i32
        %get3A_407 = arith.index_cast %get3A_405 : i32 to index
        %get3A_408 = arith.index_cast %scan3A_121 : i32 to index
        %get3A_409 = arith.index_cast %get3A_406 : i32 to index
        %get3A_410 = arith.constant 32 : index
        %get3A_411 = tpu.vector_load %arg8[%get3A_407, %get3A_408, %get3A_409, %get3A_410] {strides = array<i32>} : memref<2x50x4x128xf32, #tpu.memory_space<vmem>>, vector<1x1x1x16xf32>,
        %get3A_412 = vector.shape_cast %get3A_411 : vector<1x1x1x16xf32> to vector<16xf32>
        %sub3A_413 = arith.subf %get3A_404, %get3A_412 : vector<16xf32>
        %abs3A_414 = math.absf %sub3A_413 : vector<16xf32>
        %min3A_415 = arith.constant 1.000000e+00 : f32
        %min3A_416 = vector.broadcast %min3A_415 : f32 to vector<16xf32>
        %min3A_417 = arith.minimumf %abs3A_414, %min3A_416 : vector<16xf32>
        %mul3A_418 = arith.constant 5.000000e-01 : f32
        %mul3A_419 = vector.broadcast %mul3A_418 : f32 to vector<16xf32>
        %mul3A_420 = arith.mulf %mul3A_419, %min3A_417 : vector<16xf32>
        %sub3A_421 = arith.subf %abs3A_414, %mul3A_420 : vector<16xf32>
        %mul3A_422 = arith.mulf %min3A_417, %sub3A_421 : vector<16xf32>
        %get3A_423 = arith.constant 1 : i32
        %get3A_424 = arith.constant 1 : i32
        %get3A_425 = arith.index_cast %get3A_423 : i32 to index
        %get3A_426 = arith.index_cast %scan3A_121 : i32 to index
        %get3A_427 = arith.index_cast %get3A_424 : i32 to index
        %get3A_428 = arith.constant 32 : index
        %get3A_429 = tpu.vector_load %arg7[%get3A_425, %get3A_426, %get3A_427, %get3A_428] {strides = array<i32>} : memref<2x50x4x128xf32, #tpu.memory_space<vmem>>, vector<1x1x1x16xf32>,
        %get3A_430 = vector.shape_cast %get3A_429 : vector<1x1x1x16xf32> to vector<16xf32>
        %get3A_431 = arith.constant 1 : i32
        %get3A_432 = arith.constant 1 : i32
        %get3A_433 = arith.index_cast %get3A_431 : i32 to index
        %get3A_434 = arith.index_cast %scan3A_121 : i32 to index
        %get3A_435 = arith.index_cast %get3A_432 : i32 to index
        %get3A_436 = arith.constant 32 : index
        %get3A_437 = tpu.vector_load %arg8[%get3A_433, %get3A_434, %get3A_435, %get3A_436] {strides = array<i32>} : memref<2x50x4x128xf32, #tpu.memory_space<vmem>>, vector<1x1x1x16xf32>,
        %get3A_438 = vector.shape_cast %get3A_437 : vector<1x1x1x16xf32> to vector<16xf32>
        %sub3A_439 = arith.subf %get3A_430, %get3A_438 : vector<16xf32>
        %abs3A_440 = math.absf %sub3A_439 : vector<16xf32>
        %min3A_441 = arith.constant 1.000000e+00 : f32
        %min3A_442 = vector.broadcast %min3A_441 : f32 to vector<16xf32>
        %min3A_443 = arith.minimumf %abs3A_440, %min3A_442 : vector<16xf32>
        %mul3A_444 = arith.constant 5.000000e-01 : f32
        %mul3A_445 = vector.broadcast %mul3A_444 : f32 to vector<16xf32>
        %mul3A_446 = arith.mulf %mul3A_445, %min3A_443 : vector<16xf32>
        %sub3A_447 = arith.subf %abs3A_440, %mul3A_446 : vector<16xf32>
        %mul3A_448 = arith.mulf %min3A_443, %sub3A_447 : vector<16xf32>
        %add3A_449 = arith.addf %mul3A_422, %mul3A_448 : vector<16xf32>
        %get3A_450 = arith.constant 1 : i32
        %get3A_451 = arith.constant 2 : i32
        %get3A_452 = arith.index_cast %get3A_450 : i32 to index
        %get3A_453 = arith.index_cast %scan3A_121 : i32 to index
        %get3A_454 = arith.index_cast %get3A_451 : i32 to index
        %get3A_455 = arith.constant 32 : index
        %get3A_456 = tpu.vector_load %arg7[%get3A_452, %get3A_453, %get3A_454, %get3A_455] {strides = array<i32>} : memref<2x50x4x128xf32, #tpu.memory_space<vmem>>, vector<1x1x1x16xf32>,
        %get3A_457 = vector.shape_cast %get3A_456 : vector<1x1x1x16xf32> to vector<16xf32>
        %get3A_458 = arith.constant 1 : i32
        %get3A_459 = arith.constant 2 : i32
        %get3A_460 = arith.index_cast %get3A_458 : i32 to index
        %get3A_461 = arith.index_cast %scan3A_121 : i32 to index
        %get3A_462 = arith.index_cast %get3A_459 : i32 to index
        %get3A_463 = arith.constant 32 : index
        %get3A_464 = tpu.vector_load %arg8[%get3A_460, %get3A_461, %get3A_462, %get3A_463] {strides = array<i32>} : memref<2x50x4x128xf32, #tpu.memory_space<vmem>>, vector<1x1x1x16xf32>,
        %get3A_465 = vector.shape_cast %get3A_464 : vector<1x1x1x16xf32> to vector<16xf32>
        %sub3A_466 = arith.subf %get3A_457, %get3A_465 : vector<16xf32>
        %abs3A_467 = math.absf %sub3A_466 : vector<16xf32>
        %min3A_468 = arith.constant 1.000000e+00 : f32
        %min3A_469 = vector.broadcast %min3A_468 : f32 to vector<16xf32>
        %min3A_470 = arith.minimumf %abs3A_467, %min3A_469 : vector<16xf32>
        %mul3A_471 = arith.constant 5.000000e-01 : f32
        %mul3A_472 = vector.broadcast %mul3A_471 : f32 to vector<16xf32>
        %mul3A_473 = arith.mulf %mul3A_472, %min3A_470 : vector<16xf32>
        %sub3A_474 = arith.subf %abs3A_467, %mul3A_473 : vector<16xf32>
        %mul3A_475 = arith.mulf %min3A_470, %sub3A_474 : vector<16xf32>
        %add3A_476 = arith.addf %add3A_449, %mul3A_475 : vector<16xf32>
        %get3A_477 = arith.constant 1 : i32
        %get3A_478 = arith.constant 3 : i32
        %get3A_479 = arith.index_cast %get3A_477 : i32 to index
        %get3A_480 = arith.index_cast %scan3A_121 : i32 to index
        %get3A_481 = arith.index_cast %get3A_478 : i32 to index
        %get3A_482 = arith.constant 32 : index
        %get3A_483 = tpu.vector_load %arg7[%get3A_479, %get3A_480, %get3A_481, %get3A_482] {strides = array<i32>} : memref<2x50x4x128xf32, #tpu.memory_space<vmem>>, vector<1x1x1x16xf32>,
        %get3A_484 = vector.shape_cast %get3A_483 : vector<1x1x1x16xf32> to vector<16xf32>
        %get3A_485 = arith.constant 1 : i32
        %get3A_486 = arith.constant 3 : i32
        %get3A_487 = arith.index_cast %get3A_485 : i32 to index
        %get3A_488 = arith.index_cast %scan3A_121 : i32 to index
        %get3A_489 = arith.index_cast %get3A_486 : i32 to index
        %get3A_490 = arith.constant 32 : index
        %get3A_491 = tpu.vector_load %arg8[%get3A_487, %get3A_488, %get3A_489, %get3A_490] {strides = array<i32>} : memref<2x50x4x128xf32, #tpu.memory_space<vmem>>, vector<1x1x1x16xf32>,
        %get3A_492 = vector.shape_cast %get3A_491 : vector<1x1x1x16xf32> to vector<16xf32>
        %sub3A_493 = arith.subf %get3A_484, %get3A_492 : vector<16xf32>
        %abs3A_494 = math.absf %sub3A_493 : vector<16xf32>
        %min3A_495 = arith.constant 1.000000e+00 : f32
        %min3A_496 = vector.broadcast %min3A_495 : f32 to vector<16xf32>
        %min3A_497 = arith.minimumf %abs3A_494, %min3A_496 : vector<16xf32>
        %mul3A_498 = arith.constant 5.000000e-01 : f32
        %mul3A_499 = vector.broadcast %mul3A_498 : f32 to vector<16xf32>
        %mul3A_500 = arith.mulf %mul3A_499, %min3A_497 : vector<16xf32>
        %sub3A_501 = arith.subf %abs3A_494, %mul3A_500 : vector<16xf32>
        %mul3A_502 = arith.mulf %min3A_497, %sub3A_501 : vector<16xf32>
        %add3A_503 = arith.addf %add3A_476, %mul3A_502 : vector<16xf32>
        %jit3A_504 = arith.constant 0.000000e+00 : f32
        %broadcast_in_dim3A_505 = vector.broadcast %jit3A_504 : f32 to vector<16xf32>
        %select_n3A_506 = arith.select %eq3A_390, %add3A_503, %broadcast_in_dim3A_505 : vector<16xi1>, vector<16xf32>
        %add3A_507 = arith.addf %add3A_378, %select_n3A_506 : vector<16xf32>
        %mul3A_508 = arith.constant 128 : i32
        %mul3A_509 = arith.muli %scan3A_121, %mul3A_508 : i32
        %add3A_510 = arith.constant 48 : i32
        %add3A_511 = arith.addi %mul3A_509, %add3A_510 : i32
        %get3A_512 = arith.constant 1 : i32
        %get3A_513 = arith.index_cast %get3A_512 : i32 to index
        %get3A_514 = arith.index_cast %add3A_511 : i32 to index
        %get3A_515 = tpu.vector_load %arg9[%get3A_513, %get3A_514] {strides = array<i32>} : memref<2x6400xi32, #tpu.memory_space<vmem>>, vector<1x16xi32>,
        %get3A_516 = vector.shape_cast %get3A_515 : vector<1x16xi32> to vector<16xi32>
        %eq3A_517 = arith.constant 1 : i32
        %eq3A_518 = vector.broadcast %eq3A_517 : i32 to vector<16xi32>
        %eq3A_519 = arith.cmpi eq, %get3A_516, %eq3A_518 : vector<16xi32>
        %jit3A_520 = arith.constant 1.000000e+00 : f32
        %jit3A_521 = arith.constant 0.000000e+00 : f32
        %broadcast_in_dim3A_522 = vector.broadcast %jit3A_520 : f32 to vector<16xf32>
        %broadcast_in_dim3A_523 = vector.broadcast %jit3A_521 : f32 to vector<16xf32>
        %select_n3A_524 = arith.select %eq3A_519, %broadcast_in_dim3A_522, %broadcast_in_dim3A_523 : vector<16xi1>, vector<16xf32>
        %add3A_525 = arith.addf %add3A_396, %select_n3A_524 : vector<16xf32>
        %get3A_526 = arith.constant 1 : i32
        %get3A_527 = arith.constant 0 : i32
        %get3A_528 = arith.index_cast %get3A_526 : i32 to index
        %get3A_529 = arith.index_cast %scan3A_121 : i32 to index
        %get3A_530 = arith.index_cast %get3A_527 : i32 to index
        %get3A_531 = arith.constant 48 : index
        %get3A_532 = tpu.vector_load %arg7[%get3A_528, %get3A_529, %get3A_530, %get3A_531] {strides = array<i32>} : memref<2x50x4x128xf32, #tpu.memory_space<vmem>>, vector<1x1x1x16xf32>,
        %get3A_533 = vector.shape_cast %get3A_532 : vector<1x1x1x16xf32> to vector<16xf32>
        %get3A_534 = arith.constant 1 : i32
        %get3A_535 = arith.constant 0 : i32
        %get3A_536 = arith.index_cast %get3A_534 : i32 to index
        %get3A_537 = arith.index_cast %scan3A_121 : i32 to index
        %get3A_538 = arith.index_cast %get3A_535 : i32 to index
        %get3A_539 = arith.constant 48 : index
        %get3A_540 = tpu.vector_load %arg8[%get3A_536, %get3A_537, %get3A_538, %get3A_539] {strides = array<i32>} : memref<2x50x4x128xf32, #tpu.memory_space<vmem>>, vector<1x1x1x16xf32>,
        %get3A_541 = vector.shape_cast %get3A_540 : vector<1x1x1x16xf32> to vector<16xf32>
        %sub3A_542 = arith.subf %get3A_533, %get3A_541 : vector<16xf32>
        %abs3A_543 = math.absf %sub3A_542 : vector<16xf32>
        %min3A_544 = arith.constant 1.000000e+00 : f32
        %min3A_545 = vector.broadcast %min3A_544 : f32 to vector<16xf32>
        %min3A_546 = arith.minimumf %abs3A_543, %min3A_545 : vector<16xf32>
        %mul3A_547 = arith.constant 5.000000e-01 : f32
        %mul3A_548 = vector.broadcast %mul3A_547 : f32 to vector<16xf32>
        %mul3A_549 = arith.mulf %mul3A_548, %min3A_546 : vector<16xf32>
        %sub3A_550 = arith.subf %abs3A_543, %mul3A_549 : vector<16xf32>
        %mul3A_551 = arith.mulf %min3A_546, %sub3A_550 : vector<16xf32>
        %get3A_552 = arith.constant 1 : i32
        %get3A_553 = arith.constant 1 : i32
        %get3A_554 = arith.index_cast %get3A_552 : i32 to index
        %get3A_555 = arith.index_cast %scan3A_121 : i32 to index
        %get3A_556 = arith.index_cast %get3A_553 : i32 to index
        %get3A_557 = arith.constant 48 : index
        %get3A_558 = tpu.vector_load %arg7[%get3A_554, %get3A_555, %get3A_556, %get3A_557] {strides = array<i32>} : memref<2x50x4x128xf32, #tpu.memory_space<vmem>>, vector<1x1x1x16xf32>,
        %get3A_559 = vector.shape_cast %get3A_558 : vector<1x1x1x16xf32> to vector<16xf32>
        %get3A_560 = arith.constant 1 : i32
        %get3A_561 = arith.constant 1 : i32
        %get3A_562 = arith.index_cast %get3A_560 : i32 to index
        %get3A_563 = arith.index_cast %scan3A_121 : i32 to index
        %get3A_564 = arith.index_cast %get3A_561 : i32 to index
        %get3A_565 = arith.constant 48 : index
        %get3A_566 = tpu.vector_load %arg8[%get3A_562, %get3A_563, %get3A_564, %get3A_565] {strides = array<i32>} : memref<2x50x4x128xf32, #tpu.memory_space<vmem>>, vector<1x1x1x16xf32>,
        %get3A_567 = vector.shape_cast %get3A_566 : vector<1x1x1x16xf32> to vector<16xf32>
        %sub3A_568 = arith.subf %get3A_559, %get3A_567 : vector<16xf32>
        %abs3A_569 = math.absf %sub3A_568 : vector<16xf32>
        %min3A_570 = arith.constant 1.000000e+00 : f32
        %min3A_571 = vector.broadcast %min3A_570 : f32 to vector<16xf32>
        %min3A_572 = arith.minimumf %abs3A_569, %min3A_571 : vector<16xf32>
        %mul3A_573 = arith.constant 5.000000e-01 : f32
        %mul3A_574 = vector.broadcast %mul3A_573 : f32 to vector<16xf32>
        %mul3A_575 = arith.mulf %mul3A_574, %min3A_572 : vector<16xf32>
        %sub3A_576 = arith.subf %abs3A_569, %mul3A_575 : vector<16xf32>
        %mul3A_577 = arith.mulf %min3A_572, %sub3A_576 : vector<16xf32>
        %add3A_578 = arith.addf %mul3A_551, %mul3A_577 : vector<16xf32>
        %get3A_579 = arith.constant 1 : i32
        %get3A_580 = arith.constant 2 : i32
        %get3A_581 = arith.index_cast %get3A_579 : i32 to index
        %get3A_582 = arith.index_cast %scan3A_121 : i32 to index
        %get3A_583 = arith.index_cast %get3A_580 : i32 to index
        %get3A_584 = arith.constant 48 : index
        %get3A_585 = tpu.vector_load %arg7[%get3A_581, %get3A_582, %get3A_583, %get3A_584] {strides = array<i32>} : memref<2x50x4x128xf32, #tpu.memory_space<vmem>>, vector<1x1x1x16xf32>,
        %get3A_586 = vector.shape_cast %get3A_585 : vector<1x1x1x16xf32> to vector<16xf32>
        %get3A_587 = arith.constant 1 : i32
        %get3A_588 = arith.constant 2 : i32
        %get3A_589 = arith.index_cast %get3A_587 : i32 to index
        %get3A_590 = arith.index_cast %scan3A_121 : i32 to index
        %get3A_591 = arith.index_cast %get3A_588 : i32 to index
        %get3A_592 = arith.constant 48 : index
        %get3A_593 = tpu.vector_load %arg8[%get3A_589, %get3A_590, %get3A_591, %get3A_592] {strides = array<i32>} : memref<2x50x4x128xf32, #tpu.memory_space<vmem>>, vector<1x1x1x16xf32>,
        %get3A_594 = vector.shape_cast %get3A_593 : vector<1x1x1x16xf32> to vector<16xf32>
        %sub3A_595 = arith.subf %get3A_586, %get3A_594 : vector<16xf32>
        %abs3A_596 = math.absf %sub3A_595 : vector<16xf32>
        %min3A_597 = arith.constant 1.000000e+00 : f32
        %min3A_598 = vector.broadcast %min3A_597 : f32 to vector<16xf32>
        %min3A_599 = arith.minimumf %abs3A_596, %min3A_598 : vector<16xf32>
        %mul3A_600 = arith.constant 5.000000e-01 : f32
        %mul3A_601 = vector.broadcast %mul3A_600 : f32 to vector<16xf32>
        %mul3A_602 = arith.mulf %mul3A_601, %min3A_599 : vector<16xf32>
        %sub3A_603 = arith.subf %abs3A_596, %mul3A_602 : vector<16xf32>
        %mul3A_604 = arith.mulf %min3A_599, %sub3A_603 : vector<16xf32>
        %add3A_605 = arith.addf %add3A_578, %mul3A_604 : vector<16xf32>
        %get3A_606 = arith.constant 1 : i32
        %get3A_607 = arith.constant 3 : i32
        %get3A_608 = arith.index_cast %get3A_606 : i32 to index
        %get3A_609 = arith.index_cast %scan3A_121 : i32 to index
        %get3A_610 = arith.index_cast %get3A_607 : i32 to index
        %get3A_611 = arith.constant 48 : index
        %get3A_612 = tpu.vector_load %arg7[%get3A_608, %get3A_609, %get3A_610, %get3A_611] {strides = array<i32>} : memref<2x50x4x128xf32, #tpu.memory_space<vmem>>, vector<1x1x1x16xf32>,
        %get3A_613 = vector.shape_cast %get3A_612 : vector<1x1x1x16xf32> to vector<16xf32>
        %get3A_614 = arith.constant 1 : i32
        %get3A_615 = arith.constant 3 : i32
        %get3A_616 = arith.index_cast %get3A_614 : i32 to index
        %get3A_617 = arith.index_cast %scan3A_121 : i32 to index
        %get3A_618 = arith.index_cast %get3A_615 : i32 to index
        %get3A_619 = arith.constant 48 : index
        %get3A_620 = tpu.vector_load %arg8[%get3A_616, %get3A_617, %get3A_618, %get3A_619] {strides = array<i32>} : memref<2x50x4x128xf32, #tpu.memory_space<vmem>>, vector<1x1x1x16xf32>,
        %get3A_621 = vector.shape_cast %get3A_620 : vector<1x1x1x16xf32> to vector<16xf32>
        %sub3A_622 = arith.subf %get3A_613, %get3A_621 : vector<16xf32>
        %abs3A_623 = math.absf %sub3A_622 : vector<16xf32>
        %min3A_624 = arith.constant 1.000000e+00 : f32
        %min3A_625 = vector.broadcast %min3A_624 : f32 to vector<16xf32>
        %min3A_626 = arith.minimumf %abs3A_623, %min3A_625 : vector<16xf32>
        %mul3A_627 = arith.constant 5.000000e-01 : f32
        %mul3A_628 = vector.broadcast %mul3A_627 : f32 to vector<16xf32>
        %mul3A_629 = arith.mulf %mul3A_628, %min3A_626 : vector<16xf32>
        %sub3A_630 = arith.subf %abs3A_623, %mul3A_629 : vector<16xf32>
        %mul3A_631 = arith.mulf %min3A_626, %sub3A_630 : vector<16xf32>
        %add3A_632 = arith.addf %add3A_605, %mul3A_631 : vector<16xf32>
        %jit3A_633 = arith.constant 0.000000e+00 : f32
        %broadcast_in_dim3A_634 = vector.broadcast %jit3A_633 : f32 to vector<16xf32>
        %select_n3A_635 = arith.select %eq3A_519, %add3A_632, %broadcast_in_dim3A_634 : vector<16xi1>, vector<16xf32>
        %add3A_636 = arith.addf %add3A_507, %select_n3A_635 : vector<16xf32>
        %mul3A_637 = arith.constant 128 : i32
        %mul3A_638 = arith.muli %scan3A_121, %mul3A_637 : i32
        %add3A_639 = arith.constant 64 : i32
        %add3A_640 = arith.addi %mul3A_638, %add3A_639 : i32
        %get3A_641 = arith.constant 1 : i32
        %get3A_642 = arith.index_cast %get3A_641 : i32 to index
        %get3A_643 = arith.index_cast %add3A_640 : i32 to index
        %get3A_644 = tpu.vector_load %arg9[%get3A_642, %get3A_643] {strides = array<i32>} : memref<2x6400xi32, #tpu.memory_space<vmem>>, vector<1x16xi32>,
        %get3A_645 = vector.shape_cast %get3A_644 : vector<1x16xi32> to vector<16xi32>
        %eq3A_646 = arith.constant 1 : i32
        %eq3A_647 = vector.broadcast %eq3A_646 : i32 to vector<16xi32>
        %eq3A_648 = arith.cmpi eq, %get3A_645, %eq3A_647 : vector<16xi32>
        %jit3A_649 = arith.constant 1.000000e+00 : f32
        %jit3A_650 = arith.constant 0.000000e+00 : f32
        %broadcast_in_dim3A_651 = vector.broadcast %jit3A_649 : f32 to vector<16xf32>
        %broadcast_in_dim3A_652 = vector.broadcast %jit3A_650 : f32 to vector<16xf32>
        %select_n3A_653 = arith.select %eq3A_648, %broadcast_in_dim3A_651, %broadcast_in_dim3A_652 : vector<16xi1>, vector<16xf32>
        %add3A_654 = arith.addf %add3A_525, %select_n3A_653 : vector<16xf32>
        %get3A_655 = arith.constant 1 : i32
        %get3A_656 = arith.constant 0 : i32
        %get3A_657 = arith.index_cast %get3A_655 : i32 to index
        %get3A_658 = arith.index_cast %scan3A_121 : i32 to index
        %get3A_659 = arith.index_cast %get3A_656 : i32 to index
        %get3A_660 = arith.constant 64 : index
        %get3A_661 = tpu.vector_load %arg7[%get3A_657, %get3A_658, %get3A_659, %get3A_660] {strides = array<i32>} : memref<2x50x4x128xf32, #tpu.memory_space<vmem>>, vector<1x1x1x16xf32>,
        %get3A_662 = vector.shape_cast %get3A_661 : vector<1x1x1x16xf32> to vector<16xf32>
        %get3A_663 = arith.constant 1 : i32
        %get3A_664 = arith.constant 0 : i32
        %get3A_665 = arith.index_cast %get3A_663 : i32 to index
        %get3A_666 = arith.index_cast %scan3A_121 : i32 to index
        %get3A_667 = arith.index_cast %get3A_664 : i32 to index
        %get3A_668 = arith.constant 64 : index
        %get3A_669 = tpu.vector_load %arg8[%get3A_665, %get3A_666, %get3A_667, %get3A_668] {strides = array<i32>} : memref<2x50x4x128xf32, #tpu.memory_space<vmem>>, vector<1x1x1x16xf32>,
        %get3A_670 = vector.shape_cast %get3A_669 : vector<1x1x1x16xf32> to vector<16xf32>
        %sub3A_671 = arith.subf %get3A_662, %get3A_670 : vector<16xf32>
        %abs3A_672 = math.absf %sub3A_671 : vector<16xf32>
        %min3A_673 = arith.constant 1.000000e+00 : f32
        %min3A_674 = vector.broadcast %min3A_673 : f32 to vector<16xf32>
        %min3A_675 = arith.minimumf %abs3A_672, %min3A_674 : vector<16xf32>
        %mul3A_676 = arith.constant 5.000000e-01 : f32
        %mul3A_677 = vector.broadcast %mul3A_676 : f32 to vector<16xf32>
        %mul3A_678 = arith.mulf %mul3A_677, %min3A_675 : vector<16xf32>
        %sub3A_679 = arith.subf %abs3A_672, %mul3A_678 : vector<16xf32>
        %mul3A_680 = arith.mulf %min3A_675, %sub3A_679 : vector<16xf32>
        %get3A_681 = arith.constant 1 : i32
        %get3A_682 = arith.constant 1 : i32
        %get3A_683 = arith.index_cast %get3A_681 : i32 to index
        %get3A_684 = arith.index_cast %scan3A_121 : i32 to index
        %get3A_685 = arith.index_cast %get3A_682 : i32 to index
        %get3A_686 = arith.constant 64 : index
        %get3A_687 = tpu.vector_load %arg7[%get3A_683, %get3A_684, %get3A_685, %get3A_686] {strides = array<i32>} : memref<2x50x4x128xf32, #tpu.memory_space<vmem>>, vector<1x1x1x16xf32>,
        %get3A_688 = vector.shape_cast %get3A_687 : vector<1x1x1x16xf32> to vector<16xf32>
        %get3A_689 = arith.constant 1 : i32
        %get3A_690 = arith.constant 1 : i32
        %get3A_691 = arith.index_cast %get3A_689 : i32 to index
        %get3A_692 = arith.index_cast %scan3A_121 : i32 to index
        %get3A_693 = arith.index_cast %get3A_690 : i32 to index
        %get3A_694 = arith.constant 64 : index
        %get3A_695 = tpu.vector_load %arg8[%get3A_691, %get3A_692, %get3A_693, %get3A_694] {strides = array<i32>} : memref<2x50x4x128xf32, #tpu.memory_space<vmem>>, vector<1x1x1x16xf32>,
        %get3A_696 = vector.shape_cast %get3A_695 : vector<1x1x1x16xf32> to vector<16xf32>
        %sub3A_697 = arith.subf %get3A_688, %get3A_696 : vector<16xf32>
        %abs3A_698 = math.absf %sub3A_697 : vector<16xf32>
        %min3A_699 = arith.constant 1.000000e+00 : f32
        %min3A_700 = vector.broadcast %min3A_699 : f32 to vector<16xf32>
        %min3A_701 = arith.minimumf %abs3A_698, %min3A_700 : vector<16xf32>
        %mul3A_702 = arith.constant 5.000000e-01 : f32
        %mul3A_703 = vector.broadcast %mul3A_702 : f32 to vector<16xf32>
        %mul3A_704 = arith.mulf %mul3A_703, %min3A_701 : vector<16xf32>
        %sub3A_705 = arith.subf %abs3A_698, %mul3A_704 : vector<16xf32>
        %mul3A_706 = arith.mulf %min3A_701, %sub3A_705 : vector<16xf32>
        %add3A_707 = arith.addf %mul3A_680, %mul3A_706 : vector<16xf32>
        %get3A_708 = arith.constant 1 : i32
        %get3A_709 = arith.constant 2 : i32
        %get3A_710 = arith.index_cast %get3A_708 : i32 to index
        %get3A_711 = arith.index_cast %scan3A_121 : i32 to index
        %get3A_712 = arith.index_cast %get3A_709 : i32 to index
        %get3A_713 = arith.constant 64 : index
        %get3A_714 = tpu.vector_load %arg7[%get3A_710, %get3A_711, %get3A_712, %get3A_713] {strides = array<i32>} : memref<2x50x4x128xf32, #tpu.memory_space<vmem>>, vector<1x1x1x16xf32>,
        %get3A_715 = vector.shape_cast %get3A_714 : vector<1x1x1x16xf32> to vector<16xf32>
        %get3A_716 = arith.constant 1 : i32
        %get3A_717 = arith.constant 2 : i32
        %get3A_718 = arith.index_cast %get3A_716 : i32 to index
        %get3A_719 = arith.index_cast %scan3A_121 : i32 to index
        %get3A_720 = arith.index_cast %get3A_717 : i32 to index
        %get3A_721 = arith.constant 64 : index
        %get3A_722 = tpu.vector_load %arg8[%get3A_718, %get3A_719, %get3A_720, %get3A_721] {strides = array<i32>} : memref<2x50x4x128xf32, #tpu.memory_space<vmem>>, vector<1x1x1x16xf32>,
        %get3A_723 = vector.shape_cast %get3A_722 : vector<1x1x1x16xf32> to vector<16xf32>
        %sub3A_724 = arith.subf %get3A_715, %get3A_723 : vector<16xf32>
        %abs3A_725 = math.absf %sub3A_724 : vector<16xf32>
        %min3A_726 = arith.constant 1.000000e+00 : f32
        %min3A_727 = vector.broadcast %min3A_726 : f32 to vector<16xf32>
        %min3A_728 = arith.minimumf %abs3A_725, %min3A_727 : vector<16xf32>
        %mul3A_729 = arith.constant 5.000000e-01 : f32
        %mul3A_730 = vector.broadcast %mul3A_729 : f32 to vector<16xf32>
        %mul3A_731 = arith.mulf %mul3A_730, %min3A_728 : vector<16xf32>
        %sub3A_732 = arith.subf %abs3A_725, %mul3A_731 : vector<16xf32>
        %mul3A_733 = arith.mulf %min3A_728, %sub3A_732 : vector<16xf32>
        %add3A_734 = arith.addf %add3A_707, %mul3A_733 : vector<16xf32>
        %get3A_735 = arith.constant 1 : i32
        %get3A_736 = arith.constant 3 : i32
        %get3A_737 = arith.index_cast %get3A_735 : i32 to index
        %get3A_738 = arith.index_cast %scan3A_121 : i32 to index
        %get3A_739 = arith.index_cast %get3A_736 : i32 to index
        %get3A_740 = arith.constant 64 : index
        %get3A_741 = tpu.vector_load %arg7[%get3A_737, %get3A_738, %get3A_739, %get3A_740] {strides = array<i32>} : memref<2x50x4x128xf32, #tpu.memory_space<vmem>>, vector<1x1x1x16xf32>,
        %get3A_742 = vector.shape_cast %get3A_741 : vector<1x1x1x16xf32> to vector<16xf32>
        %get3A_743 = arith.constant 1 : i32
        %get3A_744 = arith.constant 3 : i32
        %get3A_745 = arith.index_cast %get3A_743 : i32 to index
        %get3A_746 = arith.index_cast %scan3A_121 : i32 to index
        %get3A_747 = arith.index_cast %get3A_744 : i32 to index
        %get3A_748 = arith.constant 64 : index
        %get3A_749 = tpu.vector_load %arg8[%get3A_745, %get3A_746, %get3A_747, %get3A_748] {strides = array<i32>} : memref<2x50x4x128xf32, #tpu.memory_space<vmem>>, vector<1x1x1x16xf32>,
        %get3A_750 = vector.shape_cast %get3A_749 : vector<1x1x1x16xf32> to vector<16xf32>
        %sub3A_751 = arith.subf %get3A_742, %get3A_750 : vector<16xf32>
        %abs3A_752 = math.absf %sub3A_751 : vector<16xf32>
        %min3A_753 = arith.constant 1.000000e+00 : f32
        %min3A_754 = vector.broadcast %min3A_753 : f32 to vector<16xf32>
        %min3A_755 = arith.minimumf %abs3A_752, %min3A_754 : vector<16xf32>
        %mul3A_756 = arith.constant 5.000000e-01 : f32
        %mul3A_757 = vector.broadcast %mul3A_756 : f32 to vector<16xf32>
        %mul3A_758 = arith.mulf %mul3A_757, %min3A_755 : vector<16xf32>
        %sub3A_759 = arith.subf %abs3A_752, %mul3A_758 : vector<16xf32>
        %mul3A_760 = arith.mulf %min3A_755, %sub3A_759 : vector<16xf32>
        %add3A_761 = arith.addf %add3A_734, %mul3A_760 : vector<16xf32>
        %jit3A_762 = arith.constant 0.000000e+00 : f32
        %broadcast_in_dim3A_763 = vector.broadcast %jit3A_762 : f32 to vector<16xf32>
        %select_n3A_764 = arith.select %eq3A_648, %add3A_761, %broadcast_in_dim3A_763 : vector<16xi1>, vector<16xf32>
        %add3A_765 = arith.addf %add3A_636, %select_n3A_764 : vector<16xf32>
        %mul3A_766 = arith.constant 128 : i32
        %mul3A_767 = arith.muli %scan3A_121, %mul3A_766 : i32
        %add3A_768 = arith.constant 80 : i32
        %add3A_769 = arith.addi %mul3A_767, %add3A_768 : i32
        %get3A_770 = arith.constant 1 : i32
        %get3A_771 = arith.index_cast %get3A_770 : i32 to index
        %get3A_772 = arith.index_cast %add3A_769 : i32 to index
        %get3A_773 = tpu.vector_load %arg9[%get3A_771, %get3A_772] {strides = array<i32>} : memref<2x6400xi32, #tpu.memory_space<vmem>>, vector<1x16xi32>,
        %get3A_774 = vector.shape_cast %get3A_773 : vector<1x16xi32> to vector<16xi32>
        %eq3A_775 = arith.constant 1 : i32
        %eq3A_776 = vector.broadcast %eq3A_775 : i32 to vector<16xi32>
        %eq3A_777 = arith.cmpi eq, %get3A_774, %eq3A_776 : vector<16xi32>
        %jit3A_778 = arith.constant 1.000000e+00 : f32
        %jit3A_779 = arith.constant 0.000000e+00 : f32
        %broadcast_in_dim3A_780 = vector.broadcast %jit3A_778 : f32 to vector<16xf32>
        %broadcast_in_dim3A_781 = vector.broadcast %jit3A_779 : f32 to vector<16xf32>
        %select_n3A_782 = arith.select %eq3A_777, %broadcast_in_dim3A_780, %broadcast_in_dim3A_781 : vector<16xi1>, vector<16xf32>
        %add3A_783 = arith.addf %add3A_654, %select_n3A_782 : vector<16xf32>
        %get3A_784 = arith.constant 1 : i32
        %get3A_785 = arith.constant 0 : i32
        %get3A_786 = arith.index_cast %get3A_784 : i32 to index
        %get3A_787 = arith.index_cast %scan3A_121 : i32 to index
        %get3A_788 = arith.index_cast %get3A_785 : i32 to index
        %get3A_789 = arith.constant 80 : index
        %get3A_790 = tpu.vector_load %arg7[%get3A_786, %get3A_787, %get3A_788, %get3A_789] {strides = array<i32>} : memref<2x50x4x128xf32, #tpu.memory_space<vmem>>, vector<1x1x1x16xf32>,
        %get3A_791 = vector.shape_cast %get3A_790 : vector<1x1x1x16xf32> to vector<16xf32>
        %get3A_792 = arith.constant 1 : i32
        %get3A_793 = arith.constant 0 : i32
        %get3A_794 = arith.index_cast %get3A_792 : i32 to index
        %get3A_795 = arith.index_cast %scan3A_121 : i32 to index
        %get3A_796 = arith.index_cast %get3A_793 : i32 to index
        %get3A_797 = arith.constant 80 : index
        %get3A_798 = tpu.vector_load %arg8[%get3A_794, %get3A_795, %get3A_796, %get3A_797] {strides = array<i32>} : memref<2x50x4x128xf32, #tpu.memory_space<vmem>>, vector<1x1x1x16xf32>,
        %get3A_799 = vector.shape_cast %get3A_798 : vector<1x1x1x16xf32> to vector<16xf32>
        %sub3A_800 = arith.subf %get3A_791, %get3A_799 : vector<16xf32>
        %abs3A_801 = math.absf %sub3A_800 : vector<16xf32>
        %min3A_802 = arith.constant 1.000000e+00 : f32
        %min3A_803 = vector.broadcast %min3A_802 : f32 to vector<16xf32>
        %min3A_804 = arith.minimumf %abs3A_801, %min3A_803 : vector<16xf32>
        %mul3A_805 = arith.constant 5.000000e-01 : f32
        %mul3A_806 = vector.broadcast %mul3A_805 : f32 to vector<16xf32>
        %mul3A_807 = arith.mulf %mul3A_806, %min3A_804 : vector<16xf32>
        %sub3A_808 = arith.subf %abs3A_801, %mul3A_807 : vector<16xf32>
        %mul3A_809 = arith.mulf %min3A_804, %sub3A_808 : vector<16xf32>
        %get3A_810 = arith.constant 1 : i32
        %get3A_811 = arith.constant 1 : i32
        %get3A_812 = arith.index_cast %get3A_810 : i32 to index
        %get3A_813 = arith.index_cast %scan3A_121 : i32 to index
        %get3A_814 = arith.index_cast %get3A_811 : i32 to index
        %get3A_815 = arith.constant 80 : index
        %get3A_816 = tpu.vector_load %arg7[%get3A_812, %get3A_813, %get3A_814, %get3A_815] {strides = array<i32>} : memref<2x50x4x128xf32, #tpu.memory_space<vmem>>, vector<1x1x1x16xf32>,
        %get3A_817 = vector.shape_cast %get3A_816 : vector<1x1x1x16xf32> to vector<16xf32>
        %get3A_818 = arith.constant 1 : i32
        %get3A_819 = arith.constant 1 : i32
        %get3A_820 = arith.index_cast %get3A_818 : i32 to index
        %get3A_821 = arith.index_cast %scan3A_121 : i32 to index
        %get3A_822 = arith.index_cast %get3A_819 : i32 to index
        %get3A_823 = arith.constant 80 : index
        %get3A_824 = tpu.vector_load %arg8[%get3A_820, %get3A_821, %get3A_822, %get3A_823] {strides = array<i32>} : memref<2x50x4x128xf32, #tpu.memory_space<vmem>>, vector<1x1x1x16xf32>,
        %get3A_825 = vector.shape_cast %get3A_824 : vector<1x1x1x16xf32> to vector<16xf32>
        %sub3A_826 = arith.subf %get3A_817, %get3A_825 : vector<16xf32>
        %abs3A_827 = math.absf %sub3A_826 : vector<16xf32>
        %min3A_828 = arith.constant 1.000000e+00 : f32
        %min3A_829 = vector.broadcast %min3A_828 : f32 to vector<16xf32>
        %min3A_830 = arith.minimumf %abs3A_827, %min3A_829 : vector<16xf32>
        %mul3A_831 = arith.constant 5.000000e-01 : f32
        %mul3A_832 = vector.broadcast %mul3A_831 : f32 to vector<16xf32>
        %mul3A_833 = arith.mulf %mul3A_832, %min3A_830 : vector<16xf32>
        %sub3A_834 = arith.subf %abs3A_827, %mul3A_833 : vector<16xf32>
        %mul3A_835 = arith.mulf %min3A_830, %sub3A_834 : vector<16xf32>
        %add3A_836 = arith.addf %mul3A_809, %mul3A_835 : vector<16xf32>
        %get3A_837 = arith.constant 1 : i32
        %get3A_838 = arith.constant 2 : i32
        %get3A_839 = arith.index_cast %get3A_837 : i32 to index
        %get3A_840 = arith.index_cast %scan3A_121 : i32 to index
        %get3A_841 = arith.index_cast %get3A_838 : i32 to index
        %get3A_842 = arith.constant 80 : index
        %get3A_843 = tpu.vector_load %arg7[%get3A_839, %get3A_840, %get3A_841, %get3A_842] {strides = array<i32>} : memref<2x50x4x128xf32, #tpu.memory_space<vmem>>, vector<1x1x1x16xf32>,
        %get3A_844 = vector.shape_cast %get3A_843 : vector<1x1x1x16xf32> to vector<16xf32>
        %get3A_845 = arith.constant 1 : i32
        %get3A_846 = arith.constant 2 : i32
        %get3A_847 = arith.index_cast %get3A_845 : i32 to index
        %get3A_848 = arith.index_cast %scan3A_121 : i32 to index
        %get3A_849 = arith.index_cast %get3A_846 : i32 to index
        %get3A_850 = arith.constant 80 : index
        %get3A_851 = tpu.vector_load %arg8[%get3A_847, %get3A_848, %get3A_849, %get3A_850] {strides = array<i32>} : memref<2x50x4x128xf32, #tpu.memory_space<vmem>>, vector<1x1x1x16xf32>,
        %get3A_852 = vector.shape_cast %get3A_851 : vector<1x1x1x16xf32> to vector<16xf32>
        %sub3A_853 = arith.subf %get3A_844, %get3A_852 : vector<16xf32>
        %abs3A_854 = math.absf %sub3A_853 : vector<16xf32>
        %min3A_855 = arith.constant 1.000000e+00 : f32
        %min3A_856 = vector.broadcast %min3A_855 : f32 to vector<16xf32>
        %min3A_857 = arith.minimumf %abs3A_854, %min3A_856 : vector<16xf32>
        %mul3A_858 = arith.constant 5.000000e-01 : f32
        %mul3A_859 = vector.broadcast %mul3A_858 : f32 to vector<16xf32>
        %mul3A_860 = arith.mulf %mul3A_859, %min3A_857 : vector<16xf32>
        %sub3A_861 = arith.subf %abs3A_854, %mul3A_860 : vector<16xf32>
        %mul3A_862 = arith.mulf %min3A_857, %sub3A_861 : vector<16xf32>
        %add3A_863 = arith.addf %add3A_836, %mul3A_862 : vector<16xf32>
        %get3A_864 = arith.constant 1 : i32
        %get3A_865 = arith.constant 3 : i32
        %get3A_866 = arith.index_cast %get3A_864 : i32 to index
        %get3A_867 = arith.index_cast %scan3A_121 : i32 to index
        %get3A_868 = arith.index_cast %get3A_865 : i32 to index
        %get3A_869 = arith.constant 80 : index
        %get3A_870 = tpu.vector_load %arg7[%get3A_866, %get3A_867, %get3A_868, %get3A_869] {strides = array<i32>} : memref<2x50x4x128xf32, #tpu.memory_space<vmem>>, vector<1x1x1x16xf32>,
        %get3A_871 = vector.shape_cast %get3A_870 : vector<1x1x1x16xf32> to vector<16xf32>
        %get3A_872 = arith.constant 1 : i32
        %get3A_873 = arith.constant 3 : i32
        %get3A_874 = arith.index_cast %get3A_872 : i32 to index
        %get3A_875 = arith.index_cast %scan3A_121 : i32 to index
        %get3A_876 = arith.index_cast %get3A_873 : i32 to index
        %get3A_877 = arith.constant 80 : index
        %get3A_878 = tpu.vector_load %arg8[%get3A_874, %get3A_875, %get3A_876, %get3A_877] {strides = array<i32>} : memref<2x50x4x128xf32, #tpu.memory_space<vmem>>, vector<1x1x1x16xf32>,
        %get3A_879 = vector.shape_cast %get3A_878 : vector<1x1x1x16xf32> to vector<16xf32>
        %sub3A_880 = arith.subf %get3A_871, %get3A_879 : vector<16xf32>
        %abs3A_881 = math.absf %sub3A_880 : vector<16xf32>
        %min3A_882 = arith.constant 1.000000e+00 : f32
        %min3A_883 = vector.broadcast %min3A_882 : f32 to vector<16xf32>
        %min3A_884 = arith.minimumf %abs3A_881, %min3A_883 : vector<16xf32>
        %mul3A_885 = arith.constant 5.000000e-01 : f32
        %mul3A_886 = vector.broadcast %mul3A_885 : f32 to vector<16xf32>
        %mul3A_887 = arith.mulf %mul3A_886, %min3A_884 : vector<16xf32>
        %sub3A_888 = arith.subf %abs3A_881, %mul3A_887 : vector<16xf32>
        %mul3A_889 = arith.mulf %min3A_884, %sub3A_888 : vector<16xf32>
        %add3A_890 = arith.addf %add3A_863, %mul3A_889 : vector<16xf32>
        %jit3A_891 = arith.constant 0.000000e+00 : f32
        %broadcast_in_dim3A_892 = vector.broadcast %jit3A_891 : f32 to vector<16xf32>
        %select_n3A_893 = arith.select %eq3A_777, %add3A_890, %broadcast_in_dim3A_892 : vector<16xi1>, vector<16xf32>
        %add3A_894 = arith.addf %add3A_765, %select_n3A_893 : vector<16xf32>
        %mul3A_895 = arith.constant 128 : i32
        %mul3A_896 = arith.muli %scan3A_121, %mul3A_895 : i32
        %add3A_897 = arith.constant 96 : i32
        %add3A_898 = arith.addi %mul3A_896, %add3A_897 : i32
        %get3A_899 = arith.constant 1 : i32
        %get3A_900 = arith.index_cast %get3A_899 : i32 to index
        %get3A_901 = arith.index_cast %add3A_898 : i32 to index
        %get3A_902 = tpu.vector_load %arg9[%get3A_900, %get3A_901] {strides = array<i32>} : memref<2x6400xi32, #tpu.memory_space<vmem>>, vector<1x16xi32>,
        %get3A_903 = vector.shape_cast %get3A_902 : vector<1x16xi32> to vector<16xi32>
        %eq3A_904 = arith.constant 1 : i32
        %eq3A_905 = vector.broadcast %eq3A_904 : i32 to vector<16xi32>
        %eq3A_906 = arith.cmpi eq, %get3A_903, %eq3A_905 : vector<16xi32>
        %jit3A_907 = arith.constant 1.000000e+00 : f32
        %jit3A_908 = arith.constant 0.000000e+00 : f32
        %broadcast_in_dim3A_909 = vector.broadcast %jit3A_907 : f32 to vector<16xf32>
        %broadcast_in_dim3A_910 = vector.broadcast %jit3A_908 : f32 to vector<16xf32>
        %select_n3A_911 = arith.select %eq3A_906, %broadcast_in_dim3A_909, %broadcast_in_dim3A_910 : vector<16xi1>, vector<16xf32>
        %add3A_912 = arith.addf %add3A_783, %select_n3A_911 : vector<16xf32>
        %get3A_913 = arith.constant 1 : i32
        %get3A_914 = arith.constant 0 : i32
        %get3A_915 = arith.index_cast %get3A_913 : i32 to index
        %get3A_916 = arith.index_cast %scan3A_121 : i32 to index
        %get3A_917 = arith.index_cast %get3A_914 : i32 to index
        %get3A_918 = arith.constant 96 : index
        %get3A_919 = tpu.vector_load %arg7[%get3A_915, %get3A_916, %get3A_917, %get3A_918] {strides = array<i32>} : memref<2x50x4x128xf32, #tpu.memory_space<vmem>>, vector<1x1x1x16xf32>,
        %get3A_920 = vector.shape_cast %get3A_919 : vector<1x1x1x16xf32> to vector<16xf32>
        %get3A_921 = arith.constant 1 : i32
        %get3A_922 = arith.constant 0 : i32
        %get3A_923 = arith.index_cast %get3A_921 : i32 to index
        %get3A_924 = arith.index_cast %scan3A_121 : i32 to index
        %get3A_925 = arith.index_cast %get3A_922 : i32 to index
        %get3A_926 = arith.constant 96 : index
        %get3A_927 = tpu.vector_load %arg8[%get3A_923, %get3A_924, %get3A_925, %get3A_926] {strides = array<i32>} : memref<2x50x4x128xf32, #tpu.memory_space<vmem>>, vector<1x1x1x16xf32>,
        %get3A_928 = vector.shape_cast %get3A_927 : vector<1x1x1x16xf32> to vector<16xf32>
        %sub3A_929 = arith.subf %get3A_920, %get3A_928 : vector<16xf32>
        %abs3A_930 = math.absf %sub3A_929 : vector<16xf32>
        %min3A_931 = arith.constant 1.000000e+00 : f32
        %min3A_932 = vector.broadcast %min3A_931 : f32 to vector<16xf32>
        %min3A_933 = arith.minimumf %abs3A_930, %min3A_932 : vector<16xf32>
        %mul3A_934 = arith.constant 5.000000e-01 : f32
        %mul3A_935 = vector.broadcast %mul3A_934 : f32 to vector<16xf32>
        %mul3A_936 = arith.mulf %mul3A_935, %min3A_933 : vector<16xf32>
        %sub3A_937 = arith.subf %abs3A_930, %mul3A_936 : vector<16xf32>
        %mul3A_938 = arith.mulf %min3A_933, %sub3A_937 : vector<16xf32>
        %get3A_939 = arith.constant 1 : i32
        %get3A_940 = arith.constant 1 : i32
        %get3A_941 = arith.index_cast %get3A_939 : i32 to index
        %get3A_942 = arith.index_cast %scan3A_121 : i32 to index
        %get3A_943 = arith.index_cast %get3A_940 : i32 to index
        %get3A_944 = arith.constant 96 : index
        %get3A_945 = tpu.vector_load %arg7[%get3A_941, %get3A_942, %get3A_943, %get3A_944] {strides = array<i32>} : memref<2x50x4x128xf32, #tpu.memory_space<vmem>>, vector<1x1x1x16xf32>,
        %get3A_946 = vector.shape_cast %get3A_945 : vector<1x1x1x16xf32> to vector<16xf32>
        %get3A_947 = arith.constant 1 : i32
        %get3A_948 = arith.constant 1 : i32
        %get3A_949 = arith.index_cast %get3A_947 : i32 to index
        %get3A_950 = arith.index_cast %scan3A_121 : i32 to index
        %get3A_951 = arith.index_cast %get3A_948 : i32 to index
        %get3A_952 = arith.constant 96 : index
        %get3A_953 = tpu.vector_load %arg8[%get3A_949, %get3A_950, %get3A_951, %get3A_952] {strides = array<i32>} : memref<2x50x4x128xf32, #tpu.memory_space<vmem>>, vector<1x1x1x16xf32>,
        %get3A_954 = vector.shape_cast %get3A_953 : vector<1x1x1x16xf32> to vector<16xf32>
        %sub3A_955 = arith.subf %get3A_946, %get3A_954 : vector<16xf32>
        %abs3A_956 = math.absf %sub3A_955 : vector<16xf32>
        %min3A_957 = arith.constant 1.000000e+00 : f32
        %min3A_958 = vector.broadcast %min3A_957 : f32 to vector<16xf32>
        %min3A_959 = arith.minimumf %abs3A_956, %min3A_958 : vector<16xf32>
        %mul3A_960 = arith.constant 5.000000e-01 : f32
        %mul3A_961 = vector.broadcast %mul3A_960 : f32 to vector<16xf32>
        %mul3A_962 = arith.mulf %mul3A_961, %min3A_959 : vector<16xf32>
        %sub3A_963 = arith.subf %abs3A_956, %mul3A_962 : vector<16xf32>
        %mul3A_964 = arith.mulf %min3A_959, %sub3A_963 : vector<16xf32>
        %add3A_965 = arith.addf %mul3A_938, %mul3A_964 : vector<16xf32>
        %get3A_966 = arith.constant 1 : i32
        %get3A_967 = arith.constant 2 : i32
        %get3A_968 = arith.index_cast %get3A_966 : i32 to index
        %get3A_969 = arith.index_cast %scan3A_121 : i32 to index
        %get3A_970 = arith.index_cast %get3A_967 : i32 to index
        %get3A_971 = arith.constant 96 : index
        %get3A_972 = tpu.vector_load %arg7[%get3A_968, %get3A_969, %get3A_970, %get3A_971] {strides = array<i32>} : memref<2x50x4x128xf32, #tpu.memory_space<vmem>>, vector<1x1x1x16xf32>,
        %get3A_973 = vector.shape_cast %get3A_972 : vector<1x1x1x16xf32> to vector<16xf32>
        %get3A_974 = arith.constant 1 : i32
        %get3A_975 = arith.constant 2 : i32
        %get3A_976 = arith.index_cast %get3A_974 : i32 to index
        %get3A_977 = arith.index_cast %scan3A_121 : i32 to index
        %get3A_978 = arith.index_cast %get3A_975 : i32 to index
        %get3A_979 = arith.constant 96 : index
        %get3A_980 = tpu.vector_load %arg8[%get3A_976, %get3A_977, %get3A_978, %get3A_979] {strides = array<i32>} : memref<2x50x4x128xf32, #tpu.memory_space<vmem>>, vector<1x1x1x16xf32>,
        %get3A_981 = vector.shape_cast %get3A_980 : vector<1x1x1x16xf32> to vector<16xf32>
        %sub3A_982 = arith.subf %get3A_973, %get3A_981 : vector<16xf32>
        %abs3A_983 = math.absf %sub3A_982 : vector<16xf32>
        %min3A_984 = arith.constant 1.000000e+00 : f32
        %min3A_985 = vector.broadcast %min3A_984 : f32 to vector<16xf32>
        %min3A_986 = arith.minimumf %abs3A_983, %min3A_985 : vector<16xf32>
        %mul3A_987 = arith.constant 5.000000e-01 : f32
        %mul3A_988 = vector.broadcast %mul3A_987 : f32 to vector<16xf32>
        %mul3A_989 = arith.mulf %mul3A_988, %min3A_986 : vector<16xf32>
        %sub3A_990 = arith.subf %abs3A_983, %mul3A_989 : vector<16xf32>
        %mul3A_991 = arith.mulf %min3A_986, %sub3A_990 : vector<16xf32>
        %add3A_992 = arith.addf %add3A_965, %mul3A_991 : vector<16xf32>
        %get3A_993 = arith.constant 1 : i32
        %get3A_994 = arith.constant 3 : i32
        %get3A_995 = arith.index_cast %get3A_993 : i32 to index
        %get3A_996 = arith.index_cast %scan3A_121 : i32 to index
        %get3A_997 = arith.index_cast %get3A_994 : i32 to index
        %get3A_998 = arith.constant 96 : index
        %get3A_999 = tpu.vector_load %arg7[%get3A_995, %get3A_996, %get3A_997, %get3A_998] {strides = array<i32>} : memref<2x50x4x128xf32, #tpu.memory_space<vmem>>, vector<1x1x1x16xf32>,
        %get3A_1000 = vector.shape_cast %get3A_999 : vector<1x1x1x16xf32> to vector<16xf32>
        %get3A_1001 = arith.constant 1 : i32
        %get3A_1002 = arith.constant 3 : i32
        %get3A_1003 = arith.index_cast %get3A_1001 : i32 to index
        %get3A_1004 = arith.index_cast %scan3A_121 : i32 to index
        %get3A_1005 = arith.index_cast %get3A_1002 : i32 to index
        %get3A_1006 = arith.constant 96 : index
        %get3A_1007 = tpu.vector_load %arg8[%get3A_1003, %get3A_1004, %get3A_1005, %get3A_1006] {strides = array<i32>} : memref<2x50x4x128xf32, #tpu.memory_space<vmem>>, vector<1x1x1x16xf32>,
        %get3A_1008 = vector.shape_cast %get3A_1007 : vector<1x1x1x16xf32> to vector<16xf32>
        %sub3A_1009 = arith.subf %get3A_1000, %get3A_1008 : vector<16xf32>
        %abs3A_1010 = math.absf %sub3A_1009 : vector<16xf32>
        %min3A_1011 = arith.constant 1.000000e+00 : f32
        %min3A_1012 = vector.broadcast %min3A_1011 : f32 to vector<16xf32>
        %min3A_1013 = arith.minimumf %abs3A_1010, %min3A_1012 : vector<16xf32>
        %mul3A_1014 = arith.constant 5.000000e-01 : f32
        %mul3A_1015 = vector.broadcast %mul3A_1014 : f32 to vector<16xf32>
        %mul3A_1016 = arith.mulf %mul3A_1015, %min3A_1013 : vector<16xf32>
        %sub3A_1017 = arith.subf %abs3A_1010, %mul3A_1016 : vector<16xf32>
        %mul3A_1018 = arith.mulf %min3A_1013, %sub3A_1017 : vector<16xf32>
        %add3A_1019 = arith.addf %add3A_992, %mul3A_1018 : vector<16xf32>
        %jit3A_1020 = arith.constant 0.000000e+00 : f32
        %broadcast_in_dim3A_1021 = vector.broadcast %jit3A_1020 : f32 to vector<16xf32>
        %select_n3A_1022 = arith.select %eq3A_906, %add3A_1019, %broadcast_in_dim3A_1021 : vector<16xi1>, vector<16xf32>
        %add3A_1023 = arith.addf %add3A_894, %select_n3A_1022 : vector<16xf32>
        %mul3A_1024 = arith.constant 128 : i32
        %mul3A_1025 = arith.muli %scan3A_121, %mul3A_1024 : i32
        %add3A_1026 = arith.constant 112 : i32
        %add3A_1027 = arith.addi %mul3A_1025, %add3A_1026 : i32
        %get3A_1028 = arith.constant 1 : i32
        %get3A_1029 = arith.index_cast %get3A_1028 : i32 to index
        %get3A_1030 = arith.index_cast %add3A_1027 : i32 to index
        %get3A_1031 = tpu.vector_load %arg9[%get3A_1029, %get3A_1030] {strides = array<i32>} : memref<2x6400xi32, #tpu.memory_space<vmem>>, vector<1x16xi32>,
        %get3A_1032 = vector.shape_cast %get3A_1031 : vector<1x16xi32> to vector<16xi32>
        %eq3A_1033 = arith.constant 1 : i32
        %eq3A_1034 = vector.broadcast %eq3A_1033 : i32 to vector<16xi32>
        %eq3A_1035 = arith.cmpi eq, %get3A_1032, %eq3A_1034 : vector<16xi32>
        %jit3A_1036 = arith.constant 1.000000e+00 : f32
        %jit3A_1037 = arith.constant 0.000000e+00 : f32
        %broadcast_in_dim3A_1038 = vector.broadcast %jit3A_1036 : f32 to vector<16xf32>
        %broadcast_in_dim3A_1039 = vector.broadcast %jit3A_1037 : f32 to vector<16xf32>
        %select_n3A_1040 = arith.select %eq3A_1035, %broadcast_in_dim3A_1038, %broadcast_in_dim3A_1039 : vector<16xi1>, vector<16xf32>
        %add3A_1041 = arith.addf %add3A_912, %select_n3A_1040 : vector<16xf32>
        %get3A_1042 = arith.constant 1 : i32
        %get3A_1043 = arith.constant 0 : i32
        %get3A_1044 = arith.index_cast %get3A_1042 : i32 to index
        %get3A_1045 = arith.index_cast %scan3A_121 : i32 to index
        %get3A_1046 = arith.index_cast %get3A_1043 : i32 to index
        %get3A_1047 = arith.constant 112 : index
        %get3A_1048 = tpu.vector_load %arg7[%get3A_1044, %get3A_1045, %get3A_1046, %get3A_1047] {strides = array<i32>} : memref<2x50x4x128xf32, #tpu.memory_space<vmem>>, vector<1x1x1x16xf32>,
        %get3A_1049 = vector.shape_cast %get3A_1048 : vector<1x1x1x16xf32> to vector<16xf32>
        %get3A_1050 = arith.constant 1 : i32
        %get3A_1051 = arith.constant 0 : i32
        %get3A_1052 = arith.index_cast %get3A_1050 : i32 to index
        %get3A_1053 = arith.index_cast %scan3A_121 : i32 to index
        %get3A_1054 = arith.index_cast %get3A_1051 : i32 to index
        %get3A_1055 = arith.constant 112 : index
        %get3A_1056 = tpu.vector_load %arg8[%get3A_1052, %get3A_1053, %get3A_1054, %get3A_1055] {strides = array<i32>} : memref<2x50x4x128xf32, #tpu.memory_space<vmem>>, vector<1x1x1x16xf32>,
        %get3A_1057 = vector.shape_cast %get3A_1056 : vector<1x1x1x16xf32> to vector<16xf32>
        %sub3A_1058 = arith.subf %get3A_1049, %get3A_1057 : vector<16xf32>
        %abs3A_1059 = math.absf %sub3A_1058 : vector<16xf32>
        %min3A_1060 = arith.constant 1.000000e+00 : f32
        %min3A_1061 = vector.broadcast %min3A_1060 : f32 to vector<16xf32>
        %min3A_1062 = arith.minimumf %abs3A_1059, %min3A_1061 : vector<16xf32>
        %mul3A_1063 = arith.constant 5.000000e-01 : f32
        %mul3A_1064 = vector.broadcast %mul3A_1063 : f32 to vector<16xf32>
        %mul3A_1065 = arith.mulf %mul3A_1064, %min3A_1062 : vector<16xf32>
        %sub3A_1066 = arith.subf %abs3A_1059, %mul3A_1065 : vector<16xf32>
        %mul3A_1067 = arith.mulf %min3A_1062, %sub3A_1066 : vector<16xf32>
        %get3A_1068 = arith.constant 1 : i32
        %get3A_1069 = arith.constant 1 : i32
        %get3A_1070 = arith.index_cast %get3A_1068 : i32 to index
        %get3A_1071 = arith.index_cast %scan3A_121 : i32 to index
        %get3A_1072 = arith.index_cast %get3A_1069 : i32 to index
        %get3A_1073 = arith.constant 112 : index
        %get3A_1074 = tpu.vector_load %arg7[%get3A_1070, %get3A_1071, %get3A_1072, %get3A_1073] {strides = array<i32>} : memref<2x50x4x128xf32, #tpu.memory_space<vmem>>, vector<1x1x1x16xf32>,
        %get3A_1075 = vector.shape_cast %get3A_1074 : vector<1x1x1x16xf32> to vector<16xf32>
        %get3A_1076 = arith.constant 1 : i32
        %get3A_1077 = arith.constant 1 : i32
        %get3A_1078 = arith.index_cast %get3A_1076 : i32 to index
        %get3A_1079 = arith.index_cast %scan3A_121 : i32 to index
        %get3A_1080 = arith.index_cast %get3A_1077 : i32 to index
        %get3A_1081 = arith.constant 112 : index
        %get3A_1082 = tpu.vector_load %arg8[%get3A_1078, %get3A_1079, %get3A_1080, %get3A_1081] {strides = array<i32>} : memref<2x50x4x128xf32, #tpu.memory_space<vmem>>, vector<1x1x1x16xf32>,
        %get3A_1083 = vector.shape_cast %get3A_1082 : vector<1x1x1x16xf32> to vector<16xf32>
        %sub3A_1084 = arith.subf %get3A_1075, %get3A_1083 : vector<16xf32>
        %abs3A_1085 = math.absf %sub3A_1084 : vector<16xf32>
        %min3A_1086 = arith.constant 1.000000e+00 : f32
        %min3A_1087 = vector.broadcast %min3A_1086 : f32 to vector<16xf32>
        %min3A_1088 = arith.minimumf %abs3A_1085, %min3A_1087 : vector<16xf32>
        %mul3A_1089 = arith.constant 5.000000e-01 : f32
        %mul3A_1090 = vector.broadcast %mul3A_1089 : f32 to vector<16xf32>
        %mul3A_1091 = arith.mulf %mul3A_1090, %min3A_1088 : vector<16xf32>
        %sub3A_1092 = arith.subf %abs3A_1085, %mul3A_1091 : vector<16xf32>
        %mul3A_1093 = arith.mulf %min3A_1088, %sub3A_1092 : vector<16xf32>
        %add3A_1094 = arith.addf %mul3A_1067, %mul3A_1093 : vector<16xf32>
        %get3A_1095 = arith.constant 1 : i32
        %get3A_1096 = arith.constant 2 : i32
        %get3A_1097 = arith.index_cast %get3A_1095 : i32 to index
        %get3A_1098 = arith.index_cast %scan3A_121 : i32 to index
        %get3A_1099 = arith.index_cast %get3A_1096 : i32 to index
        %get3A_1100 = arith.constant 112 : index
        %get3A_1101 = tpu.vector_load %arg7[%get3A_1097, %get3A_1098, %get3A_1099, %get3A_1100] {strides = array<i32>} : memref<2x50x4x128xf32, #tpu.memory_space<vmem>>, vector<1x1x1x16xf32>,
        %get3A_1102 = vector.shape_cast %get3A_1101 : vector<1x1x1x16xf32> to vector<16xf32>
        %get3A_1103 = arith.constant 1 : i32
        %get3A_1104 = arith.constant 2 : i32
        %get3A_1105 = arith.index_cast %get3A_1103 : i32 to index
        %get3A_1106 = arith.index_cast %scan3A_121 : i32 to index
        %get3A_1107 = arith.index_cast %get3A_1104 : i32 to index
        %get3A_1108 = arith.constant 112 : index
        %get3A_1109 = tpu.vector_load %arg8[%get3A_1105, %get3A_1106, %get3A_1107, %get3A_1108] {strides = array<i32>} : memref<2x50x4x128xf32, #tpu.memory_space<vmem>>, vector<1x1x1x16xf32>,
        %get3A_1110 = vector.shape_cast %get3A_1109 : vector<1x1x1x16xf32> to vector<16xf32>
        %sub3A_1111 = arith.subf %get3A_1102, %get3A_1110 : vector<16xf32>
        %abs3A_1112 = math.absf %sub3A_1111 : vector<16xf32>
        %min3A_1113 = arith.constant 1.000000e+00 : f32
        %min3A_1114 = vector.broadcast %min3A_1113 : f32 to vector<16xf32>
        %min3A_1115 = arith.minimumf %abs3A_1112, %min3A_1114 : vector<16xf32>
        %mul3A_1116 = arith.constant 5.000000e-01 : f32
        %mul3A_1117 = vector.broadcast %mul3A_1116 : f32 to vector<16xf32>
        %mul3A_1118 = arith.mulf %mul3A_1117, %min3A_1115 : vector<16xf32>
        %sub3A_1119 = arith.subf %abs3A_1112, %mul3A_1118 : vector<16xf32>
        %mul3A_1120 = arith.mulf %min3A_1115, %sub3A_1119 : vector<16xf32>
        %add3A_1121 = arith.addf %add3A_1094, %mul3A_1120 : vector<16xf32>
        %get3A_1122 = arith.constant 1 : i32
        %get3A_1123 = arith.constant 3 : i32
        %get3A_1124 = arith.index_cast %get3A_1122 : i32 to index
        %get3A_1125 = arith.index_cast %scan3A_121 : i32 to index
        %get3A_1126 = arith.index_cast %get3A_1123 : i32 to index
        %get3A_1127 = arith.constant 112 : index
        %get3A_1128 = tpu.vector_load %arg7[%get3A_1124, %get3A_1125, %get3A_1126, %get3A_1127] {strides = array<i32>} : memref<2x50x4x128xf32, #tpu.memory_space<vmem>>, vector<1x1x1x16xf32>,
        %get3A_1129 = vector.shape_cast %get3A_1128 : vector<1x1x1x16xf32> to vector<16xf32>
        %get3A_1130 = arith.constant 1 : i32
        %get3A_1131 = arith.constant 3 : i32
        %get3A_1132 = arith.index_cast %get3A_1130 : i32 to index
        %get3A_1133 = arith.index_cast %scan3A_121 : i32 to index
        %get3A_1134 = arith.index_cast %get3A_1131 : i32 to index
        %get3A_1135 = arith.constant 112 : index
        %get3A_1136 = tpu.vector_load %arg8[%get3A_1132, %get3A_1133, %get3A_1134, %get3A_1135] {strides = array<i32>} : memref<2x50x4x128xf32, #tpu.memory_space<vmem>>, vector<1x1x1x16xf32>,
        %get3A_1137 = vector.shape_cast %get3A_1136 : vector<1x1x1x16xf32> to vector<16xf32>
        %sub3A_1138 = arith.subf %get3A_1129, %get3A_1137 : vector<16xf32>
        %abs3A_1139 = math.absf %sub3A_1138 : vector<16xf32>
        %min3A_1140 = arith.constant 1.000000e+00 : f32
        %min3A_1141 = vector.broadcast %min3A_1140 : f32 to vector<16xf32>
        %min3A_1142 = arith.minimumf %abs3A_1139, %min3A_1141 : vector<16xf32>
        %mul3A_1143 = arith.constant 5.000000e-01 : f32
        %mul3A_1144 = vector.broadcast %mul3A_1143 : f32 to vector<16xf32>
        %mul3A_1145 = arith.mulf %mul3A_1144, %min3A_1142 : vector<16xf32>
        %sub3A_1146 = arith.subf %abs3A_1139, %mul3A_1145 : vector<16xf32>
        %mul3A_1147 = arith.mulf %min3A_1142, %sub3A_1146 : vector<16xf32>
        %add3A_1148 = arith.addf %add3A_1121, %mul3A_1147 : vector<16xf32>
        %jit3A_1149 = arith.constant 0.000000e+00 : f32
        %broadcast_in_dim3A_1150 = vector.broadcast %jit3A_1149 : f32 to vector<16xf32>
        %select_n3A_1151 = arith.select %eq3A_1035, %add3A_1148, %broadcast_in_dim3A_1150 : vector<16xi1>, vector<16xf32>
        %add3A_1152 = arith.addf %add3A_1023, %select_n3A_1151 : vector<16xf32>
        scf.yield %add3A_1152, %add3A_1041 : vector<16xf32>, vector<16xf32>
      }
      %scan3A_106 = arith.constant 50 : i32
      %jit3A_107 = arith.constant 0.000000e+00 : f32
      %broadcast_in_dim3A_108 = vector.broadcast %jit3A_107 : f32 to vector<16xf32>
      %select_n3A_109 = arith.select %lt3A_95, %scan3A_105#0, %broadcast_in_dim3A_108 : vector<16xf32>
      %add3A_110 = arith.addf %add3A_80, %select_n3A_109 : vector<16xf32>
      %jit3A_111 = arith.constant 0.000000e+00 : f32
      %broadcast_in_dim3A_112 = vector.broadcast %jit3A_111 : f32 to vector<16xf32>
      %select_n3A_113 = arith.select %lt3A_95, %scan3A_105#1, %broadcast_in_dim3A_112 : vector<16xf32>
      %add3A_114 = arith.addf %add3A_84, %select_n3A_113 : vector<16xf32>
      %add3A_115 = arith.constant 2 : i32
      %add3A_116 = arith.addi %add3A_94, %add3A_115 : i32
      %lt3A_117 = arith.cmpi slt, %add3A_116, %add3A_8 : i32
      %convert_element_type3A_118 = arith.extui %lt3A_117 : i1 to i32
      %cond3A_119 = arith.constant 0 : i32
      %cond3A_120 = arith.cmpi ne, %convert_element_type3A_118, %cond3A_119 : i32
      scf.if %cond3A_120 {
        %add3A_121 = arith.constant 2 : i32
        %add3A_122 = arith.addi %add3A_94, %add3A_121 : i32
        %add3A_123 = arith.addi %add3A_4, %add3A_122 : i32
        %mul3A_124 = arith.constant 50 : i32
        %mul3A_125 = arith.muli %add3A_123, %mul3A_124 : i32
        %add3A_126 = arith.constant 10400 : i32
        %add3A_127 = arith.addi %add3A_126, %mul3A_125 : i32
        %dma_start3A = arith.constant 1 : i32
        %dma_start3A_128 = arith.constant 1 : i32
        %dma_start3A_129 = arith.constant 0 : i32
        %dma_start3A_130 = arith.constant 0 : i32
        %dma_start3A_131 = arith.constant 0 : i32
        %dma_start3A_132 = tpu.memref_slice %arg7[%dma_start3A, %dma_start3A_129, %dma_start3A_130, %dma_start3A_131] : memref<2x50x4x128xf32, #tpu.memory_space<vmem>> -> memref<1x50x4x128xf32, #tpu.memory_space<vmem>>
        %dma_start3A_133 = tpu.memref_squeeze %dma_start3A_132 : memref<1x50x4x128xf32, #tpu.memory_space<vmem>> -> memref<50x4x128xf32, #tpu.memory_space<vmem>>
        %dma_start3A_134 = arith.constant 0 : i32
        %dma_start3A_135 = arith.constant 0 : i32
        %dma_start3A_136 = tpu.memref_slice %arg2[%add3A_127, %dma_start3A_134, %dma_start3A_135] : memref<31250x4x128xf32, #tpu.memory_space<hbm>> -> memref<50x4x128xf32, #tpu.memory_space<hbm>>
        %dma_start3A_137 = tpu.memref_slice %arg11[%dma_start3A_128] : memref<2x!tpu.dma_semaphore, #tpu.memory_space<semaphore_mem>> -> memref<1x!tpu.dma_semaphore, #tpu.memory_space<semaphore_mem>>
        %dma_start3A_138 = tpu.memref_squeeze %dma_start3A_137 : memref<1x!tpu.dma_semaphore, #tpu.memory_space<semaphore_mem>> -> memref<!tpu.dma_semaphore, #tpu.memory_space<semaphore_mem>>
        %dma_start3A_139 = arith.constant 0 : i32
        %dma_start3A_140 = arith.constant 0 : i32
        %dma_start3A_141 = arith.constant 0 : i32
        %dma_start3A_142 = tpu.memref_slice %arg7[%dma_start3A, %dma_start3A_139, %dma_start3A_140, %dma_start3A_141] : memref<2x50x4x128xf32, #tpu.memory_space<vmem>> -> memref<1x50x4x128xf32, #tpu.memory_space<vmem>>
        %dma_start3A_143 = tpu.memref_squeeze %dma_start3A_142 : memref<1x50x4x128xf32, #tpu.memory_space<vmem>> -> memref<50x4x128xf32, #tpu.memory_space<vmem>>
        %dma_start3A_144 = arith.constant 0 : i32
        %dma_start3A_145 = arith.constant 0 : i32
        %dma_start3A_146 = tpu.memref_slice %arg2[%add3A_127, %dma_start3A_144, %dma_start3A_145] : memref<31250x4x128xf32, #tpu.memory_space<hbm>> -> memref<50x4x128xf32, #tpu.memory_space<hbm>>
        tpu.enqueue_dma source(%dma_start3A_146 : memref<50x4x128xf32, #tpu.memory_space<hbm>>) target(%dma_start3A_143 : memref<50x4x128xf32, #tpu.memory_space<vmem>>) target_semaphore(%dma_start3A_138 : memref<!tpu.dma_semaphore, #tpu.memory_space<semaphore_mem>>)
        %dma_start3A_147 = arith.constant 1 : i32
        %dma_start3A_148 = arith.constant 1 : i32
        %dma_start3A_149 = arith.constant 0 : i32
        %dma_start3A_150 = arith.constant 0 : i32
        %dma_start3A_151 = arith.constant 0 : i32
        %dma_start3A_152 = tpu.memref_slice %arg8[%dma_start3A_147, %dma_start3A_149, %dma_start3A_150, %dma_start3A_151] : memref<2x50x4x128xf32, #tpu.memory_space<vmem>> -> memref<1x50x4x128xf32, #tpu.memory_space<vmem>>
        %dma_start3A_153 = tpu.memref_squeeze %dma_start3A_152 : memref<1x50x4x128xf32, #tpu.memory_space<vmem>> -> memref<50x4x128xf32, #tpu.memory_space<vmem>>
        %dma_start3A_154 = arith.constant 0 : i32
        %dma_start3A_155 = arith.constant 0 : i32
        %dma_start3A_156 = tpu.memref_slice %arg3[%add3A_127, %dma_start3A_154, %dma_start3A_155] : memref<31250x4x128xf32, #tpu.memory_space<hbm>> -> memref<50x4x128xf32, #tpu.memory_space<hbm>>
        %dma_start3A_157 = tpu.memref_slice %arg11[%dma_start3A_148] : memref<2x!tpu.dma_semaphore, #tpu.memory_space<semaphore_mem>> -> memref<1x!tpu.dma_semaphore, #tpu.memory_space<semaphore_mem>>
        %dma_start3A_158 = tpu.memref_squeeze %dma_start3A_157 : memref<1x!tpu.dma_semaphore, #tpu.memory_space<semaphore_mem>> -> memref<!tpu.dma_semaphore, #tpu.memory_space<semaphore_mem>>
        %dma_start3A_159 = arith.constant 0 : i32
        %dma_start3A_160 = arith.constant 0 : i32
        %dma_start3A_161 = arith.constant 0 : i32
        %dma_start3A_162 = tpu.memref_slice %arg8[%dma_start3A_147, %dma_start3A_159, %dma_start3A_160, %dma_start3A_161] : memref<2x50x4x128xf32, #tpu.memory_space<vmem>> -> memref<1x50x4x128xf32, #tpu.memory_space<vmem>>
        %dma_start3A_163 = tpu.memref_squeeze %dma_start3A_162 : memref<1x50x4x128xf32, #tpu.memory_space<vmem>> -> memref<50x4x128xf32, #tpu.memory_space<vmem>>
        %dma_start3A_164 = arith.constant 0 : i32
        %dma_start3A_165 = arith.constant 0 : i32
        %dma_start3A_166 = tpu.memref_slice %arg3[%add3A_127, %dma_start3A_164, %dma_start3A_165] : memref<31250x4x128xf32, #tpu.memory_space<hbm>> -> memref<50x4x128xf32, #tpu.memory_space<hbm>>
        tpu.enqueue_dma source(%dma_start3A_166 : memref<50x4x128xf32, #tpu.memory_space<hbm>>) target(%dma_start3A_163 : memref<50x4x128xf32, #tpu.memory_space<vmem>>) target_semaphore(%dma_start3A_158 : memref<!tpu.dma_semaphore, #tpu.memory_space<semaphore_mem>>)
        %mul3A_167 = arith.constant 128 : i32
        %mul3A_168 = arith.muli %add3A_127, %mul3A_167 : i32
        %dma_start3A_169 = arith.constant 1 : i32
        %dma_start3A_170 = arith.constant 1 : i32
        %dma_start3A_171 = arith.constant 0 : i32
        %dma_start3A_172 = tpu.memref_slice %arg9[%dma_start3A_169, %dma_start3A_171] : memref<2x6400xi32, #tpu.memory_space<vmem>> -> memref<1x6400xi32, #tpu.memory_space<vmem>>
        %dma_start3A_173 = tpu.memref_squeeze %dma_start3A_172 : memref<1x6400xi32, #tpu.memory_space<vmem>> -> memref<6400xi32, #tpu.memory_space<vmem>>
        %dma_start3A_174 = tpu.memref_slice %arg4[%mul3A_168] : memref<4000000xi32, #tpu.memory_space<hbm>> -> memref<6400xi32, #tpu.memory_space<hbm>>
        %dma_start3A_175 = tpu.memref_slice %arg11[%dma_start3A_170] : memref<2x!tpu.dma_semaphore, #tpu.memory_space<semaphore_mem>> -> memref<1x!tpu.dma_semaphore, #tpu.memory_space<semaphore_mem>>
        %dma_start3A_176 = tpu.memref_squeeze %dma_start3A_175 : memref<1x!tpu.dma_semaphore, #tpu.memory_space<semaphore_mem>> -> memref<!tpu.dma_semaphore, #tpu.memory_space<semaphore_mem>>
        %dma_start3A_177 = arith.constant 0 : i32
        %dma_start3A_178 = tpu.memref_slice %arg9[%dma_start3A_169, %dma_start3A_177] : memref<2x6400xi32, #tpu.memory_space<vmem>> -> memref<1x6400xi32, #tpu.memory_space<vmem>>
        %dma_start3A_179 = tpu.memref_squeeze %dma_start3A_178 : memref<1x6400xi32, #tpu.memory_space<vmem>> -> memref<6400xi32, #tpu.memory_space<vmem>>
        %dma_start3A_180 = tpu.memref_slice %arg4[%mul3A_168] : memref<4000000xi32, #tpu.memory_space<hbm>> -> memref<6400xi32, #tpu.memory_space<hbm>>
        tpu.enqueue_dma source(%dma_start3A_180 : memref<6400xi32, #tpu.memory_space<hbm>>) target(%dma_start3A_179 : memref<6400xi32, #tpu.memory_space<vmem>>) target_semaphore(%dma_start3A_176 : memref<!tpu.dma_semaphore, #tpu.memory_space<semaphore_mem>>)
      } else {
      }
      scf.yield %add3A_110, %add3A_114 : vector<16xf32>, vector<16xf32>
    }
    %while3A_45 = arith.constant 1 : i32
    %while3A_46:2 = scf.for %while3A_59 = %while3A_42 to %while3A_38 step %while3A_45 iter_args(%while3A_60 = %while3A_44#0, %while3A_61 = %while3A_44#1) -> (vector<16xf32>, vector<16xf32>)  : i32 {
      %mul3A_62 = arith.constant 2 : i32
      %mul3A_63 = arith.muli %mul3A_62, %while3A_59 : i32
      %add3A_64 = arith.constant 0 : i32
      %add3A_65 = arith.addi %mul3A_63, %add3A_64 : i32
      %lt3A_66 = arith.cmpi slt, %add3A_65, %add3A_8 : i32
      %convert_element_type3A_67 = arith.extui %lt3A_66 : i1 to i32
      %cond3A_68 = arith.constant 0 : i32
      %cond3A_69 = arith.cmpi ne, %convert_element_type3A_67, %cond3A_68 : i32
      scf.if %cond3A_69 {
        %add3A_121 = arith.addi %add3A_4, %add3A_65 : i32
        %mul3A_122 = arith.constant 50 : i32
        %mul3A_123 = arith.muli %add3A_121, %mul3A_122 : i32
        %add3A_124 = arith.constant 10400 : i32
        %add3A_125 = arith.addi %add3A_124, %mul3A_123 : i32
        %dma_wait3A = arith.constant 0 : i32
        %dma_wait3A_126 = arith.constant 0 : i32
        %dma_wait3A_127 = arith.constant 0 : i32
        %dma_wait3A_128 = arith.constant 0 : i32
        %dma_wait3A_129 = arith.constant 0 : i32
        %dma_wait3A_130 = tpu.memref_slice %arg7[%dma_wait3A, %dma_wait3A_127, %dma_wait3A_128, %dma_wait3A_129] : memref<2x50x4x128xf32, #tpu.memory_space<vmem>> -> memref<1x50x4x128xf32, #tpu.memory_space<vmem>>
        %dma_wait3A_131 = tpu.memref_squeeze %dma_wait3A_130 : memref<1x50x4x128xf32, #tpu.memory_space<vmem>> -> memref<50x4x128xf32, #tpu.memory_space<vmem>>
        %dma_wait3A_132 = arith.constant 0 : i32
        %dma_wait3A_133 = arith.constant 0 : i32
        %dma_wait3A_134 = tpu.memref_slice %arg2[%add3A_125, %dma_wait3A_132, %dma_wait3A_133] : memref<31250x4x128xf32, #tpu.memory_space<hbm>> -> memref<50x4x128xf32, #tpu.memory_space<hbm>>
        %dma_wait3A_135 = tpu.memref_slice %arg11[%dma_wait3A_126] : memref<2x!tpu.dma_semaphore, #tpu.memory_space<semaphore_mem>> -> memref<1x!tpu.dma_semaphore, #tpu.memory_space<semaphore_mem>>
        %dma_wait3A_136 = tpu.memref_squeeze %dma_wait3A_135 : memref<1x!tpu.dma_semaphore, #tpu.memory_space<semaphore_mem>> -> memref<!tpu.dma_semaphore, #tpu.memory_space<semaphore_mem>>
        %dma_wait3A_137 = arith.constant 0 : i32
        %dma_wait3A_138 = arith.constant 0 : i32
        %dma_wait3A_139 = arith.constant 0 : i32
        %dma_wait3A_140 = tpu.memref_slice %arg7[%dma_wait3A, %dma_wait3A_137, %dma_wait3A_138, %dma_wait3A_139] : memref<2x50x4x128xf32, #tpu.memory_space<vmem>> -> memref<1x50x4x128xf32, #tpu.memory_space<vmem>>
        %dma_wait3A_141 = tpu.memref_squeeze %dma_wait3A_140 : memref<1x50x4x128xf32, #tpu.memory_space<vmem>> -> memref<50x4x128xf32, #tpu.memory_space<vmem>>
        %dma_wait3A_142 = arith.constant 0 : i32
        %dma_wait3A_143 = arith.constant 0 : i32
        %dma_wait3A_144 = tpu.memref_slice %arg2[%add3A_125, %dma_wait3A_142, %dma_wait3A_143] : memref<31250x4x128xf32, #tpu.memory_space<hbm>> -> memref<50x4x128xf32, #tpu.memory_space<hbm>>
        tpu.wait_dma2 semaphore(%dma_wait3A_136 : memref<!tpu.dma_semaphore, #tpu.memory_space<semaphore_mem>>) src(%dma_wait3A_144 : memref<50x4x128xf32, #tpu.memory_space<hbm>>) dst(%dma_wait3A_141 : memref<50x4x128xf32, #tpu.memory_space<vmem>>)
        %dma_wait3A_145 = arith.constant 0 : i32
        %dma_wait3A_146 = arith.constant 0 : i32
        %dma_wait3A_147 = arith.constant 0 : i32
        %dma_wait3A_148 = arith.constant 0 : i32
        %dma_wait3A_149 = arith.constant 0 : i32
        %dma_wait3A_150 = tpu.memref_slice %arg8[%dma_wait3A_145, %dma_wait3A_147, %dma_wait3A_148, %dma_wait3A_149] : memref<2x50x4x128xf32, #tpu.memory_space<vmem>> -> memref<1x50x4x128xf32, #tpu.memory_space<vmem>>
        %dma_wait3A_151 = tpu.memref_squeeze %dma_wait3A_150 : memref<1x50x4x128xf32, #tpu.memory_space<vmem>> -> memref<50x4x128xf32, #tpu.memory_space<vmem>>
        %dma_wait3A_152 = arith.constant 0 : i32
        %dma_wait3A_153 = arith.constant 0 : i32
        %dma_wait3A_154 = tpu.memref_slice %arg3[%add3A_125, %dma_wait3A_152, %dma_wait3A_153] : memref<31250x4x128xf32, #tpu.memory_space<hbm>> -> memref<50x4x128xf32, #tpu.memory_space<hbm>>
        %dma_wait3A_155 = tpu.memref_slice %arg11[%dma_wait3A_146] : memref<2x!tpu.dma_semaphore, #tpu.memory_space<semaphore_mem>> -> memref<1x!tpu.dma_semaphore, #tpu.memory_space<semaphore_mem>>
        %dma_wait3A_156 = tpu.memref_squeeze %dma_wait3A_155 : memref<1x!tpu.dma_semaphore, #tpu.memory_space<semaphore_mem>> -> memref<!tpu.dma_semaphore, #tpu.memory_space<semaphore_mem>>
        %dma_wait3A_157 = arith.constant 0 : i32
        %dma_wait3A_158 = arith.constant 0 : i32
        %dma_wait3A_159 = arith.constant 0 : i32
        %dma_wait3A_160 = tpu.memref_slice %arg8[%dma_wait3A_145, %dma_wait3A_157, %dma_wait3A_158, %dma_wait3A_159] : memref<2x50x4x128xf32, #tpu.memory_space<vmem>> -> memref<1x50x4x128xf32, #tpu.memory_space<vmem>>
        %dma_wait3A_161 = tpu.memref_squeeze %dma_wait3A_160 : memref<1x50x4x128xf32, #tpu.memory_space<vmem>> -> memref<50x4x128xf32, #tpu.memory_space<vmem>>
        %dma_wait3A_162 = arith.constant 0 : i32
        %dma_wait3A_163 = arith.constant 0 : i32
        %dma_wait3A_164 = tpu.memref_slice %arg3[%add3A_125, %dma_wait3A_162, %dma_wait3A_163] : memref<31250x4x128xf32, #tpu.memory_space<hbm>> -> memref<50x4x128xf32, #tpu.memory_space<hbm>>
        tpu.wait_dma2 semaphore(%dma_wait3A_156 : memref<!tpu.dma_semaphore, #tpu.memory_space<semaphore_mem>>) src(%dma_wait3A_164 : memref<50x4x128xf32, #tpu.memory_space<hbm>>) dst(%dma_wait3A_161 : memref<50x4x128xf32, #tpu.memory_space<vmem>>)
        %mul3A_165 = arith.constant 128 : i32
        %mul3A_166 = arith.muli %add3A_125, %mul3A_165 : i32
        %dma_wait3A_167 = arith.constant 0 : i32
        %dma_wait3A_168 = arith.constant 0 : i32
        %dma_wait3A_169 = arith.constant 0 : i32
        %dma_wait3A_170 = tpu.memref_slice %arg9[%dma_wait3A_167, %dma_wait3A_169] : memref<2x6400xi32, #tpu.memory_space<vmem>> -> memref<1x6400xi32, #tpu.memory_space<vmem>>
        %dma_wait3A_171 = tpu.memref_squeeze %dma_wait3A_170 : memref<1x6400xi32, #tpu.memory_space<vmem>> -> memref<6400xi32, #tpu.memory_space<vmem>>
        %dma_wait3A_172 = tpu.memref_slice %arg4[%mul3A_166] : memref<4000000xi32, #tpu.memory_space<hbm>> -> memref<6400xi32, #tpu.memory_space<hbm>>
        %dma_wait3A_173 = tpu.memref_slice %arg11[%dma_wait3A_168] : memref<2x!tpu.dma_semaphore, #tpu.memory_space<semaphore_mem>> -> memref<1x!tpu.dma_semaphore, #tpu.memory_space<semaphore_mem>>
        %dma_wait3A_174 = tpu.memref_squeeze %dma_wait3A_173 : memref<1x!tpu.dma_semaphore, #tpu.memory_space<semaphore_mem>> -> memref<!tpu.dma_semaphore, #tpu.memory_space<semaphore_mem>>
        %dma_wait3A_175 = arith.constant 0 : i32
        %dma_wait3A_176 = tpu.memref_slice %arg9[%dma_wait3A_167, %dma_wait3A_175] : memref<2x6400xi32, #tpu.memory_space<vmem>> -> memref<1x6400xi32, #tpu.memory_space<vmem>>
        %dma_wait3A_177 = tpu.memref_squeeze %dma_wait3A_176 : memref<1x6400xi32, #tpu.memory_space<vmem>> -> memref<6400xi32, #tpu.memory_space<vmem>>
        %dma_wait3A_178 = tpu.memref_slice %arg4[%mul3A_166] : memref<4000000xi32, #tpu.memory_space<hbm>> -> memref<6400xi32, #tpu.memory_space<hbm>>
        tpu.wait_dma2 semaphore(%dma_wait3A_174 : memref<!tpu.dma_semaphore, #tpu.memory_space<semaphore_mem>>) src(%dma_wait3A_178 : memref<6400xi32, #tpu.memory_space<hbm>>) dst(%dma_wait3A_177 : memref<6400xi32, #tpu.memory_space<vmem>>)
      } else {
      }
      %broadcast_in_dim3A_70 = arith.constant 0.000000e+00 : f32
      %broadcast_in_dim3A_71 = vector.broadcast %broadcast_in_dim3A_70 : f32 to vector<16xf32>
      %scan3A = arith.constant 0 : i32
      %scan3A_72 = arith.constant 50 : i32
      %scan3A_73 = arith.addi %scan3A, %scan3A_72 : i32
      %scan3A_74 = arith.constant 1 : i32
      %scan3A_75:2 = scf.for %scan3A_121 = %scan3A to %scan3A_73 step %scan3A_74 iter_args(%scan3A_122 = %broadcast_in_dim3A_71, %scan3A_123 = %broadcast_in_dim3A_71) -> (vector<16xf32>, vector<16xf32>)  : i32 {
        %mul3A_124 = arith.constant 128 : i32
        %mul3A_125 = arith.muli %scan3A_121, %mul3A_124 : i32
        %add3A_126 = arith.constant 0 : i32
        %add3A_127 = arith.addi %mul3A_125, %add3A_126 : i32
        %get3A = arith.constant 0 : i32
        %get3A_128 = arith.index_cast %get3A : i32 to index
        %get3A_129 = arith.index_cast %add3A_127 : i32 to index
        %get3A_130 = tpu.vector_load %arg9[%get3A_128, %get3A_129] {strides = array<i32>} : memref<2x6400xi32, #tpu.memory_space<vmem>>, vector<1x16xi32>,
        %get3A_131 = vector.shape_cast %get3A_130 : vector<1x16xi32> to vector<16xi32>
        %eq3A = arith.constant 1 : i32
        %eq3A_132 = vector.broadcast %eq3A : i32 to vector<16xi32>
        %eq3A_133 = arith.cmpi eq, %get3A_131, %eq3A_132 : vector<16xi32>
        %jit3A_134 = arith.constant 1.000000e+00 : f32
        %jit3A_135 = arith.constant 0.000000e+00 : f32
        %broadcast_in_dim3A_136 = vector.broadcast %jit3A_134 : f32 to vector<16xf32>
        %broadcast_in_dim3A_137 = vector.broadcast %jit3A_135 : f32 to vector<16xf32>
        %select_n3A_138 = arith.select %eq3A_133, %broadcast_in_dim3A_136, %broadcast_in_dim3A_137 : vector<16xi1>, vector<16xf32>
        %add3A_139 = arith.addf %scan3A_123, %select_n3A_138 : vector<16xf32>
        %get3A_140 = arith.constant 0 : i32
        %get3A_141 = arith.constant 0 : i32
        %get3A_142 = arith.index_cast %get3A_140 : i32 to index
        %get3A_143 = arith.index_cast %scan3A_121 : i32 to index
        %get3A_144 = arith.index_cast %get3A_141 : i32 to index
        %get3A_145 = arith.constant 0 : index
        %get3A_146 = tpu.vector_load %arg7[%get3A_142, %get3A_143, %get3A_144, %get3A_145] {strides = array<i32>} : memref<2x50x4x128xf32, #tpu.memory_space<vmem>>, vector<1x1x1x16xf32>,
        %get3A_147 = vector.shape_cast %get3A_146 : vector<1x1x1x16xf32> to vector<16xf32>
        %get3A_148 = arith.constant 0 : i32
        %get3A_149 = arith.constant 0 : i32
        %get3A_150 = arith.index_cast %get3A_148 : i32 to index
        %get3A_151 = arith.index_cast %scan3A_121 : i32 to index
        %get3A_152 = arith.index_cast %get3A_149 : i32 to index
        %get3A_153 = arith.constant 0 : index
        %get3A_154 = tpu.vector_load %arg8[%get3A_150, %get3A_151, %get3A_152, %get3A_153] {strides = array<i32>} : memref<2x50x4x128xf32, #tpu.memory_space<vmem>>, vector<1x1x1x16xf32>,
        %get3A_155 = vector.shape_cast %get3A_154 : vector<1x1x1x16xf32> to vector<16xf32>
        %sub3A_156 = arith.subf %get3A_147, %get3A_155 : vector<16xf32>
        %abs3A = math.absf %sub3A_156 : vector<16xf32>
        %min3A_157 = arith.constant 1.000000e+00 : f32
        %min3A_158 = vector.broadcast %min3A_157 : f32 to vector<16xf32>
        %min3A_159 = arith.minimumf %abs3A, %min3A_158 : vector<16xf32>
        %mul3A_160 = arith.constant 5.000000e-01 : f32
        %mul3A_161 = vector.broadcast %mul3A_160 : f32 to vector<16xf32>
        %mul3A_162 = arith.mulf %mul3A_161, %min3A_159 : vector<16xf32>
        %sub3A_163 = arith.subf %abs3A, %mul3A_162 : vector<16xf32>
        %mul3A_164 = arith.mulf %min3A_159, %sub3A_163 : vector<16xf32>
        %get3A_165 = arith.constant 0 : i32
        %get3A_166 = arith.constant 1 : i32
        %get3A_167 = arith.index_cast %get3A_165 : i32 to index
        %get3A_168 = arith.index_cast %scan3A_121 : i32 to index
        %get3A_169 = arith.index_cast %get3A_166 : i32 to index
        %get3A_170 = arith.constant 0 : index
        %get3A_171 = tpu.vector_load %arg7[%get3A_167, %get3A_168, %get3A_169, %get3A_170] {strides = array<i32>} : memref<2x50x4x128xf32, #tpu.memory_space<vmem>>, vector<1x1x1x16xf32>,
        %get3A_172 = vector.shape_cast %get3A_171 : vector<1x1x1x16xf32> to vector<16xf32>
        %get3A_173 = arith.constant 0 : i32
        %get3A_174 = arith.constant 1 : i32
        %get3A_175 = arith.index_cast %get3A_173 : i32 to index
        %get3A_176 = arith.index_cast %scan3A_121 : i32 to index
        %get3A_177 = arith.index_cast %get3A_174 : i32 to index
        %get3A_178 = arith.constant 0 : index
        %get3A_179 = tpu.vector_load %arg8[%get3A_175, %get3A_176, %get3A_177, %get3A_178] {strides = array<i32>} : memref<2x50x4x128xf32, #tpu.memory_space<vmem>>, vector<1x1x1x16xf32>,
        %get3A_180 = vector.shape_cast %get3A_179 : vector<1x1x1x16xf32> to vector<16xf32>
        %sub3A_181 = arith.subf %get3A_172, %get3A_180 : vector<16xf32>
        %abs3A_182 = math.absf %sub3A_181 : vector<16xf32>
        %min3A_183 = arith.constant 1.000000e+00 : f32
        %min3A_184 = vector.broadcast %min3A_183 : f32 to vector<16xf32>
        %min3A_185 = arith.minimumf %abs3A_182, %min3A_184 : vector<16xf32>
        %mul3A_186 = arith.constant 5.000000e-01 : f32
        %mul3A_187 = vector.broadcast %mul3A_186 : f32 to vector<16xf32>
        %mul3A_188 = arith.mulf %mul3A_187, %min3A_185 : vector<16xf32>
        %sub3A_189 = arith.subf %abs3A_182, %mul3A_188 : vector<16xf32>
        %mul3A_190 = arith.mulf %min3A_185, %sub3A_189 : vector<16xf32>
        %add3A_191 = arith.addf %mul3A_164, %mul3A_190 : vector<16xf32>
        %get3A_192 = arith.constant 0 : i32
        %get3A_193 = arith.constant 2 : i32
        %get3A_194 = arith.index_cast %get3A_192 : i32 to index
        %get3A_195 = arith.index_cast %scan3A_121 : i32 to index
        %get3A_196 = arith.index_cast %get3A_193 : i32 to index
        %get3A_197 = arith.constant 0 : index
        %get3A_198 = tpu.vector_load %arg7[%get3A_194, %get3A_195, %get3A_196, %get3A_197] {strides = array<i32>} : memref<2x50x4x128xf32, #tpu.memory_space<vmem>>, vector<1x1x1x16xf32>,
        %get3A_199 = vector.shape_cast %get3A_198 : vector<1x1x1x16xf32> to vector<16xf32>
        %get3A_200 = arith.constant 0 : i32
        %get3A_201 = arith.constant 2 : i32
        %get3A_202 = arith.index_cast %get3A_200 : i32 to index
        %get3A_203 = arith.index_cast %scan3A_121 : i32 to index
        %get3A_204 = arith.index_cast %get3A_201 : i32 to index
        %get3A_205 = arith.constant 0 : index
        %get3A_206 = tpu.vector_load %arg8[%get3A_202, %get3A_203, %get3A_204, %get3A_205] {strides = array<i32>} : memref<2x50x4x128xf32, #tpu.memory_space<vmem>>, vector<1x1x1x16xf32>,
        %get3A_207 = vector.shape_cast %get3A_206 : vector<1x1x1x16xf32> to vector<16xf32>
        %sub3A_208 = arith.subf %get3A_199, %get3A_207 : vector<16xf32>
        %abs3A_209 = math.absf %sub3A_208 : vector<16xf32>
        %min3A_210 = arith.constant 1.000000e+00 : f32
        %min3A_211 = vector.broadcast %min3A_210 : f32 to vector<16xf32>
        %min3A_212 = arith.minimumf %abs3A_209, %min3A_211 : vector<16xf32>
        %mul3A_213 = arith.constant 5.000000e-01 : f32
        %mul3A_214 = vector.broadcast %mul3A_213 : f32 to vector<16xf32>
        %mul3A_215 = arith.mulf %mul3A_214, %min3A_212 : vector<16xf32>
        %sub3A_216 = arith.subf %abs3A_209, %mul3A_215 : vector<16xf32>
        %mul3A_217 = arith.mulf %min3A_212, %sub3A_216 : vector<16xf32>
        %add3A_218 = arith.addf %add3A_191, %mul3A_217 : vector<16xf32>
        %get3A_219 = arith.constant 0 : i32
        %get3A_220 = arith.constant 3 : i32
        %get3A_221 = arith.index_cast %get3A_219 : i32 to index
        %get3A_222 = arith.index_cast %scan3A_121 : i32 to index
        %get3A_223 = arith.index_cast %get3A_220 : i32 to index
        %get3A_224 = arith.constant 0 : index
        %get3A_225 = tpu.vector_load %arg7[%get3A_221, %get3A_222, %get3A_223, %get3A_224] {strides = array<i32>} : memref<2x50x4x128xf32, #tpu.memory_space<vmem>>, vector<1x1x1x16xf32>,
        %get3A_226 = vector.shape_cast %get3A_225 : vector<1x1x1x16xf32> to vector<16xf32>
        %get3A_227 = arith.constant 0 : i32
        %get3A_228 = arith.constant 3 : i32
        %get3A_229 = arith.index_cast %get3A_227 : i32 to index
        %get3A_230 = arith.index_cast %scan3A_121 : i32 to index
        %get3A_231 = arith.index_cast %get3A_228 : i32 to index
        %get3A_232 = arith.constant 0 : index
        %get3A_233 = tpu.vector_load %arg8[%get3A_229, %get3A_230, %get3A_231, %get3A_232] {strides = array<i32>} : memref<2x50x4x128xf32, #tpu.memory_space<vmem>>, vector<1x1x1x16xf32>,
        %get3A_234 = vector.shape_cast %get3A_233 : vector<1x1x1x16xf32> to vector<16xf32>
        %sub3A_235 = arith.subf %get3A_226, %get3A_234 : vector<16xf32>
        %abs3A_236 = math.absf %sub3A_235 : vector<16xf32>
        %min3A_237 = arith.constant 1.000000e+00 : f32
        %min3A_238 = vector.broadcast %min3A_237 : f32 to vector<16xf32>
        %min3A_239 = arith.minimumf %abs3A_236, %min3A_238 : vector<16xf32>
        %mul3A_240 = arith.constant 5.000000e-01 : f32
        %mul3A_241 = vector.broadcast %mul3A_240 : f32 to vector<16xf32>
        %mul3A_242 = arith.mulf %mul3A_241, %min3A_239 : vector<16xf32>
        %sub3A_243 = arith.subf %abs3A_236, %mul3A_242 : vector<16xf32>
        %mul3A_244 = arith.mulf %min3A_239, %sub3A_243 : vector<16xf32>
        %add3A_245 = arith.addf %add3A_218, %mul3A_244 : vector<16xf32>
        %jit3A_246 = arith.constant 0.000000e+00 : f32
        %broadcast_in_dim3A_247 = vector.broadcast %jit3A_246 : f32 to vector<16xf32>
        %select_n3A_248 = arith.select %eq3A_133, %add3A_245, %broadcast_in_dim3A_247 : vector<16xi1>, vector<16xf32>
        %add3A_249 = arith.addf %scan3A_122, %select_n3A_248 : vector<16xf32>
        %mul3A_250 = arith.constant 128 : i32
        %mul3A_251 = arith.muli %scan3A_121, %mul3A_250 : i32
        %add3A_252 = arith.constant 16 : i32
        %add3A_253 = arith.addi %mul3A_251, %add3A_252 : i32
        %get3A_254 = arith.constant 0 : i32
        %get3A_255 = arith.index_cast %get3A_254 : i32 to index
        %get3A_256 = arith.index_cast %add3A_253 : i32 to index
        %get3A_257 = tpu.vector_load %arg9[%get3A_255, %get3A_256] {strides = array<i32>} : memref<2x6400xi32, #tpu.memory_space<vmem>>, vector<1x16xi32>,
        %get3A_258 = vector.shape_cast %get3A_257 : vector<1x16xi32> to vector<16xi32>
        %eq3A_259 = arith.constant 1 : i32
        %eq3A_260 = vector.broadcast %eq3A_259 : i32 to vector<16xi32>
        %eq3A_261 = arith.cmpi eq, %get3A_258, %eq3A_260 : vector<16xi32>
        %jit3A_262 = arith.constant 1.000000e+00 : f32
        %jit3A_263 = arith.constant 0.000000e+00 : f32
        %broadcast_in_dim3A_264 = vector.broadcast %jit3A_262 : f32 to vector<16xf32>
        %broadcast_in_dim3A_265 = vector.broadcast %jit3A_263 : f32 to vector<16xf32>
        %select_n3A_266 = arith.select %eq3A_261, %broadcast_in_dim3A_264, %broadcast_in_dim3A_265 : vector<16xi1>, vector<16xf32>
        %add3A_267 = arith.addf %add3A_139, %select_n3A_266 : vector<16xf32>
        %get3A_268 = arith.constant 0 : i32
        %get3A_269 = arith.constant 0 : i32
        %get3A_270 = arith.index_cast %get3A_268 : i32 to index
        %get3A_271 = arith.index_cast %scan3A_121 : i32 to index
        %get3A_272 = arith.index_cast %get3A_269 : i32 to index
        %get3A_273 = arith.constant 16 : index
        %get3A_274 = tpu.vector_load %arg7[%get3A_270, %get3A_271, %get3A_272, %get3A_273] {strides = array<i32>} : memref<2x50x4x128xf32, #tpu.memory_space<vmem>>, vector<1x1x1x16xf32>,
        %get3A_275 = vector.shape_cast %get3A_274 : vector<1x1x1x16xf32> to vector<16xf32>
        %get3A_276 = arith.constant 0 : i32
        %get3A_277 = arith.constant 0 : i32
        %get3A_278 = arith.index_cast %get3A_276 : i32 to index
        %get3A_279 = arith.index_cast %scan3A_121 : i32 to index
        %get3A_280 = arith.index_cast %get3A_277 : i32 to index
        %get3A_281 = arith.constant 16 : index
        %get3A_282 = tpu.vector_load %arg8[%get3A_278, %get3A_279, %get3A_280, %get3A_281] {strides = array<i32>} : memref<2x50x4x128xf32, #tpu.memory_space<vmem>>, vector<1x1x1x16xf32>,
        %get3A_283 = vector.shape_cast %get3A_282 : vector<1x1x1x16xf32> to vector<16xf32>
        %sub3A_284 = arith.subf %get3A_275, %get3A_283 : vector<16xf32>
        %abs3A_285 = math.absf %sub3A_284 : vector<16xf32>
        %min3A_286 = arith.constant 1.000000e+00 : f32
        %min3A_287 = vector.broadcast %min3A_286 : f32 to vector<16xf32>
        %min3A_288 = arith.minimumf %abs3A_285, %min3A_287 : vector<16xf32>
        %mul3A_289 = arith.constant 5.000000e-01 : f32
        %mul3A_290 = vector.broadcast %mul3A_289 : f32 to vector<16xf32>
        %mul3A_291 = arith.mulf %mul3A_290, %min3A_288 : vector<16xf32>
        %sub3A_292 = arith.subf %abs3A_285, %mul3A_291 : vector<16xf32>
        %mul3A_293 = arith.mulf %min3A_288, %sub3A_292 : vector<16xf32>
        %get3A_294 = arith.constant 0 : i32
        %get3A_295 = arith.constant 1 : i32
        %get3A_296 = arith.index_cast %get3A_294 : i32 to index
        %get3A_297 = arith.index_cast %scan3A_121 : i32 to index
        %get3A_298 = arith.index_cast %get3A_295 : i32 to index
        %get3A_299 = arith.constant 16 : index
        %get3A_300 = tpu.vector_load %arg7[%get3A_296, %get3A_297, %get3A_298, %get3A_299] {strides = array<i32>} : memref<2x50x4x128xf32, #tpu.memory_space<vmem>>, vector<1x1x1x16xf32>,
        %get3A_301 = vector.shape_cast %get3A_300 : vector<1x1x1x16xf32> to vector<16xf32>
        %get3A_302 = arith.constant 0 : i32
        %get3A_303 = arith.constant 1 : i32
        %get3A_304 = arith.index_cast %get3A_302 : i32 to index
        %get3A_305 = arith.index_cast %scan3A_121 : i32 to index
        %get3A_306 = arith.index_cast %get3A_303 : i32 to index
        %get3A_307 = arith.constant 16 : index
        %get3A_308 = tpu.vector_load %arg8[%get3A_304, %get3A_305, %get3A_306, %get3A_307] {strides = array<i32>} : memref<2x50x4x128xf32, #tpu.memory_space<vmem>>, vector<1x1x1x16xf32>,
        %get3A_309 = vector.shape_cast %get3A_308 : vector<1x1x1x16xf32> to vector<16xf32>
        %sub3A_310 = arith.subf %get3A_301, %get3A_309 : vector<16xf32>
        %abs3A_311 = math.absf %sub3A_310 : vector<16xf32>
        %min3A_312 = arith.constant 1.000000e+00 : f32
        %min3A_313 = vector.broadcast %min3A_312 : f32 to vector<16xf32>
        %min3A_314 = arith.minimumf %abs3A_311, %min3A_313 : vector<16xf32>
        %mul3A_315 = arith.constant 5.000000e-01 : f32
        %mul3A_316 = vector.broadcast %mul3A_315 : f32 to vector<16xf32>
        %mul3A_317 = arith.mulf %mul3A_316, %min3A_314 : vector<16xf32>
        %sub3A_318 = arith.subf %abs3A_311, %mul3A_317 : vector<16xf32>
        %mul3A_319 = arith.mulf %min3A_314, %sub3A_318 : vector<16xf32>
        %add3A_320 = arith.addf %mul3A_293, %mul3A_319 : vector<16xf32>
        %get3A_321 = arith.constant 0 : i32
        %get3A_322 = arith.constant 2 : i32
        %get3A_323 = arith.index_cast %get3A_321 : i32 to index
        %get3A_324 = arith.index_cast %scan3A_121 : i32 to index
        %get3A_325 = arith.index_cast %get3A_322 : i32 to index
        %get3A_326 = arith.constant 16 : index
        %get3A_327 = tpu.vector_load %arg7[%get3A_323, %get3A_324, %get3A_325, %get3A_326] {strides = array<i32>} : memref<2x50x4x128xf32, #tpu.memory_space<vmem>>, vector<1x1x1x16xf32>,
        %get3A_328 = vector.shape_cast %get3A_327 : vector<1x1x1x16xf32> to vector<16xf32>
        %get3A_329 = arith.constant 0 : i32
        %get3A_330 = arith.constant 2 : i32
        %get3A_331 = arith.index_cast %get3A_329 : i32 to index
        %get3A_332 = arith.index_cast %scan3A_121 : i32 to index
        %get3A_333 = arith.index_cast %get3A_330 : i32 to index
        %get3A_334 = arith.constant 16 : index
        %get3A_335 = tpu.vector_load %arg8[%get3A_331, %get3A_332, %get3A_333, %get3A_334] {strides = array<i32>} : memref<2x50x4x128xf32, #tpu.memory_space<vmem>>, vector<1x1x1x16xf32>,
        %get3A_336 = vector.shape_cast %get3A_335 : vector<1x1x1x16xf32> to vector<16xf32>
        %sub3A_337 = arith.subf %get3A_328, %get3A_336 : vector<16xf32>
        %abs3A_338 = math.absf %sub3A_337 : vector<16xf32>
        %min3A_339 = arith.constant 1.000000e+00 : f32
        %min3A_340 = vector.broadcast %min3A_339 : f32 to vector<16xf32>
        %min3A_341 = arith.minimumf %abs3A_338, %min3A_340 : vector<16xf32>
        %mul3A_342 = arith.constant 5.000000e-01 : f32
        %mul3A_343 = vector.broadcast %mul3A_342 : f32 to vector<16xf32>
        %mul3A_344 = arith.mulf %mul3A_343, %min3A_341 : vector<16xf32>
        %sub3A_345 = arith.subf %abs3A_338, %mul3A_344 : vector<16xf32>
        %mul3A_346 = arith.mulf %min3A_341, %sub3A_345 : vector<16xf32>
        %add3A_347 = arith.addf %add3A_320, %mul3A_346 : vector<16xf32>
        %get3A_348 = arith.constant 0 : i32
        %get3A_349 = arith.constant 3 : i32
        %get3A_350 = arith.index_cast %get3A_348 : i32 to index
        %get3A_351 = arith.index_cast %scan3A_121 : i32 to index
        %get3A_352 = arith.index_cast %get3A_349 : i32 to index
        %get3A_353 = arith.constant 16 : index
        %get3A_354 = tpu.vector_load %arg7[%get3A_350, %get3A_351, %get3A_352, %get3A_353] {strides = array<i32>} : memref<2x50x4x128xf32, #tpu.memory_space<vmem>>, vector<1x1x1x16xf32>,
        %get3A_355 = vector.shape_cast %get3A_354 : vector<1x1x1x16xf32> to vector<16xf32>
        %get3A_356 = arith.constant 0 : i32
        %get3A_357 = arith.constant 3 : i32
        %get3A_358 = arith.index_cast %get3A_356 : i32 to index
        %get3A_359 = arith.index_cast %scan3A_121 : i32 to index
        %get3A_360 = arith.index_cast %get3A_357 : i32 to index
        %get3A_361 = arith.constant 16 : index
        %get3A_362 = tpu.vector_load %arg8[%get3A_358, %get3A_359, %get3A_360, %get3A_361] {strides = array<i32>} : memref<2x50x4x128xf32, #tpu.memory_space<vmem>>, vector<1x1x1x16xf32>,
        %get3A_363 = vector.shape_cast %get3A_362 : vector<1x1x1x16xf32> to vector<16xf32>
        %sub3A_364 = arith.subf %get3A_355, %get3A_363 : vector<16xf32>
        %abs3A_365 = math.absf %sub3A_364 : vector<16xf32>
        %min3A_366 = arith.constant 1.000000e+00 : f32
        %min3A_367 = vector.broadcast %min3A_366 : f32 to vector<16xf32>
        %min3A_368 = arith.minimumf %abs3A_365, %min3A_367 : vector<16xf32>
        %mul3A_369 = arith.constant 5.000000e-01 : f32
        %mul3A_370 = vector.broadcast %mul3A_369 : f32 to vector<16xf32>
        %mul3A_371 = arith.mulf %mul3A_370, %min3A_368 : vector<16xf32>
        %sub3A_372 = arith.subf %abs3A_365, %mul3A_371 : vector<16xf32>
        %mul3A_373 = arith.mulf %min3A_368, %sub3A_372 : vector<16xf32>
        %add3A_374 = arith.addf %add3A_347, %mul3A_373 : vector<16xf32>
        %jit3A_375 = arith.constant 0.000000e+00 : f32
        %broadcast_in_dim3A_376 = vector.broadcast %jit3A_375 : f32 to vector<16xf32>
        %select_n3A_377 = arith.select %eq3A_261, %add3A_374, %broadcast_in_dim3A_376 : vector<16xi1>, vector<16xf32>
        %add3A_378 = arith.addf %add3A_249, %select_n3A_377 : vector<16xf32>
        %mul3A_379 = arith.constant 128 : i32
        %mul3A_380 = arith.muli %scan3A_121, %mul3A_379 : i32
        %add3A_381 = arith.constant 32 : i32
        %add3A_382 = arith.addi %mul3A_380, %add3A_381 : i32
        %get3A_383 = arith.constant 0 : i32
        %get3A_384 = arith.index_cast %get3A_383 : i32 to index
        %get3A_385 = arith.index_cast %add3A_382 : i32 to index
        %get3A_386 = tpu.vector_load %arg9[%get3A_384, %get3A_385] {strides = array<i32>} : memref<2x6400xi32, #tpu.memory_space<vmem>>, vector<1x16xi32>,
        %get3A_387 = vector.shape_cast %get3A_386 : vector<1x16xi32> to vector<16xi32>
        %eq3A_388 = arith.constant 1 : i32
        %eq3A_389 = vector.broadcast %eq3A_388 : i32 to vector<16xi32>
        %eq3A_390 = arith.cmpi eq, %get3A_387, %eq3A_389 : vector<16xi32>
        %jit3A_391 = arith.constant 1.000000e+00 : f32
        %jit3A_392 = arith.constant 0.000000e+00 : f32
        %broadcast_in_dim3A_393 = vector.broadcast %jit3A_391 : f32 to vector<16xf32>
        %broadcast_in_dim3A_394 = vector.broadcast %jit3A_392 : f32 to vector<16xf32>
        %select_n3A_395 = arith.select %eq3A_390, %broadcast_in_dim3A_393, %broadcast_in_dim3A_394 : vector<16xi1>, vector<16xf32>
        %add3A_396 = arith.addf %add3A_267, %select_n3A_395 : vector<16xf32>
        %get3A_397 = arith.constant 0 : i32
        %get3A_398 = arith.constant 0 : i32
        %get3A_399 = arith.index_cast %get3A_397 : i32 to index
        %get3A_400 = arith.index_cast %scan3A_121 : i32 to index
        %get3A_401 = arith.index_cast %get3A_398 : i32 to index
        %get3A_402 = arith.constant 32 : index
        %get3A_403 = tpu.vector_load %arg7[%get3A_399, %get3A_400, %get3A_401, %get3A_402] {strides = array<i32>} : memref<2x50x4x128xf32, #tpu.memory_space<vmem>>, vector<1x1x1x16xf32>,
        %get3A_404 = vector.shape_cast %get3A_403 : vector<1x1x1x16xf32> to vector<16xf32>
        %get3A_405 = arith.constant 0 : i32
        %get3A_406 = arith.constant 0 : i32
        %get3A_407 = arith.index_cast %get3A_405 : i32 to index
        %get3A_408 = arith.index_cast %scan3A_121 : i32 to index
        %get3A_409 = arith.index_cast %get3A_406 : i32 to index
        %get3A_410 = arith.constant 32 : index
        %get3A_411 = tpu.vector_load %arg8[%get3A_407, %get3A_408, %get3A_409, %get3A_410] {strides = array<i32>} : memref<2x50x4x128xf32, #tpu.memory_space<vmem>>, vector<1x1x1x16xf32>,
        %get3A_412 = vector.shape_cast %get3A_411 : vector<1x1x1x16xf32> to vector<16xf32>
        %sub3A_413 = arith.subf %get3A_404, %get3A_412 : vector<16xf32>
        %abs3A_414 = math.absf %sub3A_413 : vector<16xf32>
        %min3A_415 = arith.constant 1.000000e+00 : f32
        %min3A_416 = vector.broadcast %min3A_415 : f32 to vector<16xf32>
        %min3A_417 = arith.minimumf %abs3A_414, %min3A_416 : vector<16xf32>
        %mul3A_418 = arith.constant 5.000000e-01 : f32
        %mul3A_419 = vector.broadcast %mul3A_418 : f32 to vector<16xf32>
        %mul3A_420 = arith.mulf %mul3A_419, %min3A_417 : vector<16xf32>
        %sub3A_421 = arith.subf %abs3A_414, %mul3A_420 : vector<16xf32>
        %mul3A_422 = arith.mulf %min3A_417, %sub3A_421 : vector<16xf32>
        %get3A_423 = arith.constant 0 : i32
        %get3A_424 = arith.constant 1 : i32
        %get3A_425 = arith.index_cast %get3A_423 : i32 to index
        %get3A_426 = arith.index_cast %scan3A_121 : i32 to index
        %get3A_427 = arith.index_cast %get3A_424 : i32 to index
        %get3A_428 = arith.constant 32 : index
        %get3A_429 = tpu.vector_load %arg7[%get3A_425, %get3A_426, %get3A_427, %get3A_428] {strides = array<i32>} : memref<2x50x4x128xf32, #tpu.memory_space<vmem>>, vector<1x1x1x16xf32>,
        %get3A_430 = vector.shape_cast %get3A_429 : vector<1x1x1x16xf32> to vector<16xf32>
        %get3A_431 = arith.constant 0 : i32
        %get3A_432 = arith.constant 1 : i32
        %get3A_433 = arith.index_cast %get3A_431 : i32 to index
        %get3A_434 = arith.index_cast %scan3A_121 : i32 to index
        %get3A_435 = arith.index_cast %get3A_432 : i32 to index
        %get3A_436 = arith.constant 32 : index
        %get3A_437 = tpu.vector_load %arg8[%get3A_433, %get3A_434, %get3A_435, %get3A_436] {strides = array<i32>} : memref<2x50x4x128xf32, #tpu.memory_space<vmem>>, vector<1x1x1x16xf32>,
        %get3A_438 = vector.shape_cast %get3A_437 : vector<1x1x1x16xf32> to vector<16xf32>
        %sub3A_439 = arith.subf %get3A_430, %get3A_438 : vector<16xf32>
        %abs3A_440 = math.absf %sub3A_439 : vector<16xf32>
        %min3A_441 = arith.constant 1.000000e+00 : f32
        %min3A_442 = vector.broadcast %min3A_441 : f32 to vector<16xf32>
        %min3A_443 = arith.minimumf %abs3A_440, %min3A_442 : vector<16xf32>
        %mul3A_444 = arith.constant 5.000000e-01 : f32
        %mul3A_445 = vector.broadcast %mul3A_444 : f32 to vector<16xf32>
        %mul3A_446 = arith.mulf %mul3A_445, %min3A_443 : vector<16xf32>
        %sub3A_447 = arith.subf %abs3A_440, %mul3A_446 : vector<16xf32>
        %mul3A_448 = arith.mulf %min3A_443, %sub3A_447 : vector<16xf32>
        %add3A_449 = arith.addf %mul3A_422, %mul3A_448 : vector<16xf32>
        %get3A_450 = arith.constant 0 : i32
        %get3A_451 = arith.constant 2 : i32
        %get3A_452 = arith.index_cast %get3A_450 : i32 to index
        %get3A_453 = arith.index_cast %scan3A_121 : i32 to index
        %get3A_454 = arith.index_cast %get3A_451 : i32 to index
        %get3A_455 = arith.constant 32 : index
        %get3A_456 = tpu.vector_load %arg7[%get3A_452, %get3A_453, %get3A_454, %get3A_455] {strides = array<i32>} : memref<2x50x4x128xf32, #tpu.memory_space<vmem>>, vector<1x1x1x16xf32>,
        %get3A_457 = vector.shape_cast %get3A_456 : vector<1x1x1x16xf32> to vector<16xf32>
        %get3A_458 = arith.constant 0 : i32
        %get3A_459 = arith.constant 2 : i32
        %get3A_460 = arith.index_cast %get3A_458 : i32 to index
        %get3A_461 = arith.index_cast %scan3A_121 : i32 to index
        %get3A_462 = arith.index_cast %get3A_459 : i32 to index
        %get3A_463 = arith.constant 32 : index
        %get3A_464 = tpu.vector_load %arg8[%get3A_460, %get3A_461, %get3A_462, %get3A_463] {strides = array<i32>} : memref<2x50x4x128xf32, #tpu.memory_space<vmem>>, vector<1x1x1x16xf32>,
        %get3A_465 = vector.shape_cast %get3A_464 : vector<1x1x1x16xf32> to vector<16xf32>
        %sub3A_466 = arith.subf %get3A_457, %get3A_465 : vector<16xf32>
        %abs3A_467 = math.absf %sub3A_466 : vector<16xf32>
        %min3A_468 = arith.constant 1.000000e+00 : f32
        %min3A_469 = vector.broadcast %min3A_468 : f32 to vector<16xf32>
        %min3A_470 = arith.minimumf %abs3A_467, %min3A_469 : vector<16xf32>
        %mul3A_471 = arith.constant 5.000000e-01 : f32
        %mul3A_472 = vector.broadcast %mul3A_471 : f32 to vector<16xf32>
        %mul3A_473 = arith.mulf %mul3A_472, %min3A_470 : vector<16xf32>
        %sub3A_474 = arith.subf %abs3A_467, %mul3A_473 : vector<16xf32>
        %mul3A_475 = arith.mulf %min3A_470, %sub3A_474 : vector<16xf32>
        %add3A_476 = arith.addf %add3A_449, %mul3A_475 : vector<16xf32>
        %get3A_477 = arith.constant 0 : i32
        %get3A_478 = arith.constant 3 : i32
        %get3A_479 = arith.index_cast %get3A_477 : i32 to index
        %get3A_480 = arith.index_cast %scan3A_121 : i32 to index
        %get3A_481 = arith.index_cast %get3A_478 : i32 to index
        %get3A_482 = arith.constant 32 : index
        %get3A_483 = tpu.vector_load %arg7[%get3A_479, %get3A_480, %get3A_481, %get3A_482] {strides = array<i32>} : memref<2x50x4x128xf32, #tpu.memory_space<vmem>>, vector<1x1x1x16xf32>,
        %get3A_484 = vector.shape_cast %get3A_483 : vector<1x1x1x16xf32> to vector<16xf32>
        %get3A_485 = arith.constant 0 : i32
        %get3A_486 = arith.constant 3 : i32
        %get3A_487 = arith.index_cast %get3A_485 : i32 to index
        %get3A_488 = arith.index_cast %scan3A_121 : i32 to index
        %get3A_489 = arith.index_cast %get3A_486 : i32 to index
        %get3A_490 = arith.constant 32 : index
        %get3A_491 = tpu.vector_load %arg8[%get3A_487, %get3A_488, %get3A_489, %get3A_490] {strides = array<i32>} : memref<2x50x4x128xf32, #tpu.memory_space<vmem>>, vector<1x1x1x16xf32>,
        %get3A_492 = vector.shape_cast %get3A_491 : vector<1x1x1x16xf32> to vector<16xf32>
        %sub3A_493 = arith.subf %get3A_484, %get3A_492 : vector<16xf32>
        %abs3A_494 = math.absf %sub3A_493 : vector<16xf32>
        %min3A_495 = arith.constant 1.000000e+00 : f32
        %min3A_496 = vector.broadcast %min3A_495 : f32 to vector<16xf32>
        %min3A_497 = arith.minimumf %abs3A_494, %min3A_496 : vector<16xf32>
        %mul3A_498 = arith.constant 5.000000e-01 : f32
        %mul3A_499 = vector.broadcast %mul3A_498 : f32 to vector<16xf32>
        %mul3A_500 = arith.mulf %mul3A_499, %min3A_497 : vector<16xf32>
        %sub3A_501 = arith.subf %abs3A_494, %mul3A_500 : vector<16xf32>
        %mul3A_502 = arith.mulf %min3A_497, %sub3A_501 : vector<16xf32>
        %add3A_503 = arith.addf %add3A_476, %mul3A_502 : vector<16xf32>
        %jit3A_504 = arith.constant 0.000000e+00 : f32
        %broadcast_in_dim3A_505 = vector.broadcast %jit3A_504 : f32 to vector<16xf32>
        %select_n3A_506 = arith.select %eq3A_390, %add3A_503, %broadcast_in_dim3A_505 : vector<16xi1>, vector<16xf32>
        %add3A_507 = arith.addf %add3A_378, %select_n3A_506 : vector<16xf32>
        %mul3A_508 = arith.constant 128 : i32
        %mul3A_509 = arith.muli %scan3A_121, %mul3A_508 : i32
        %add3A_510 = arith.constant 48 : i32
        %add3A_511 = arith.addi %mul3A_509, %add3A_510 : i32
        %get3A_512 = arith.constant 0 : i32
        %get3A_513 = arith.index_cast %get3A_512 : i32 to index
        %get3A_514 = arith.index_cast %add3A_511 : i32 to index
        %get3A_515 = tpu.vector_load %arg9[%get3A_513, %get3A_514] {strides = array<i32>} : memref<2x6400xi32, #tpu.memory_space<vmem>>, vector<1x16xi32>,
        %get3A_516 = vector.shape_cast %get3A_515 : vector<1x16xi32> to vector<16xi32>
        %eq3A_517 = arith.constant 1 : i32
        %eq3A_518 = vector.broadcast %eq3A_517 : i32 to vector<16xi32>
        %eq3A_519 = arith.cmpi eq, %get3A_516, %eq3A_518 : vector<16xi32>
        %jit3A_520 = arith.constant 1.000000e+00 : f32
        %jit3A_521 = arith.constant 0.000000e+00 : f32
        %broadcast_in_dim3A_522 = vector.broadcast %jit3A_520 : f32 to vector<16xf32>
        %broadcast_in_dim3A_523 = vector.broadcast %jit3A_521 : f32 to vector<16xf32>
        %select_n3A_524 = arith.select %eq3A_519, %broadcast_in_dim3A_522, %broadcast_in_dim3A_523 : vector<16xi1>, vector<16xf32>
        %add3A_525 = arith.addf %add3A_396, %select_n3A_524 : vector<16xf32>
        %get3A_526 = arith.constant 0 : i32
        %get3A_527 = arith.constant 0 : i32
        %get3A_528 = arith.index_cast %get3A_526 : i32 to index
        %get3A_529 = arith.index_cast %scan3A_121 : i32 to index
        %get3A_530 = arith.index_cast %get3A_527 : i32 to index
        %get3A_531 = arith.constant 48 : index
        %get3A_532 = tpu.vector_load %arg7[%get3A_528, %get3A_529, %get3A_530, %get3A_531] {strides = array<i32>} : memref<2x50x4x128xf32, #tpu.memory_space<vmem>>, vector<1x1x1x16xf32>,
        %get3A_533 = vector.shape_cast %get3A_532 : vector<1x1x1x16xf32> to vector<16xf32>
        %get3A_534 = arith.constant 0 : i32
        %get3A_535 = arith.constant 0 : i32
        %get3A_536 = arith.index_cast %get3A_534 : i32 to index
        %get3A_537 = arith.index_cast %scan3A_121 : i32 to index
        %get3A_538 = arith.index_cast %get3A_535 : i32 to index
        %get3A_539 = arith.constant 48 : index
        %get3A_540 = tpu.vector_load %arg8[%get3A_536, %get3A_537, %get3A_538, %get3A_539] {strides = array<i32>} : memref<2x50x4x128xf32, #tpu.memory_space<vmem>>, vector<1x1x1x16xf32>,
        %get3A_541 = vector.shape_cast %get3A_540 : vector<1x1x1x16xf32> to vector<16xf32>
        %sub3A_542 = arith.subf %get3A_533, %get3A_541 : vector<16xf32>
        %abs3A_543 = math.absf %sub3A_542 : vector<16xf32>
        %min3A_544 = arith.constant 1.000000e+00 : f32
        %min3A_545 = vector.broadcast %min3A_544 : f32 to vector<16xf32>
        %min3A_546 = arith.minimumf %abs3A_543, %min3A_545 : vector<16xf32>
        %mul3A_547 = arith.constant 5.000000e-01 : f32
        %mul3A_548 = vector.broadcast %mul3A_547 : f32 to vector<16xf32>
        %mul3A_549 = arith.mulf %mul3A_548, %min3A_546 : vector<16xf32>
        %sub3A_550 = arith.subf %abs3A_543, %mul3A_549 : vector<16xf32>
        %mul3A_551 = arith.mulf %min3A_546, %sub3A_550 : vector<16xf32>
        %get3A_552 = arith.constant 0 : i32
        %get3A_553 = arith.constant 1 : i32
        %get3A_554 = arith.index_cast %get3A_552 : i32 to index
        %get3A_555 = arith.index_cast %scan3A_121 : i32 to index
        %get3A_556 = arith.index_cast %get3A_553 : i32 to index
        %get3A_557 = arith.constant 48 : index
        %get3A_558 = tpu.vector_load %arg7[%get3A_554, %get3A_555, %get3A_556, %get3A_557] {strides = array<i32>} : memref<2x50x4x128xf32, #tpu.memory_space<vmem>>, vector<1x1x1x16xf32>,
        %get3A_559 = vector.shape_cast %get3A_558 : vector<1x1x1x16xf32> to vector<16xf32>
        %get3A_560 = arith.constant 0 : i32
        %get3A_561 = arith.constant 1 : i32
        %get3A_562 = arith.index_cast %get3A_560 : i32 to index
        %get3A_563 = arith.index_cast %scan3A_121 : i32 to index
        %get3A_564 = arith.index_cast %get3A_561 : i32 to index
        %get3A_565 = arith.constant 48 : index
        %get3A_566 = tpu.vector_load %arg8[%get3A_562, %get3A_563, %get3A_564, %get3A_565] {strides = array<i32>} : memref<2x50x4x128xf32, #tpu.memory_space<vmem>>, vector<1x1x1x16xf32>,
        %get3A_567 = vector.shape_cast %get3A_566 : vector<1x1x1x16xf32> to vector<16xf32>
        %sub3A_568 = arith.subf %get3A_559, %get3A_567 : vector<16xf32>
        %abs3A_569 = math.absf %sub3A_568 : vector<16xf32>
        %min3A_570 = arith.constant 1.000000e+00 : f32
        %min3A_571 = vector.broadcast %min3A_570 : f32 to vector<16xf32>
        %min3A_572 = arith.minimumf %abs3A_569, %min3A_571 : vector<16xf32>
        %mul3A_573 = arith.constant 5.000000e-01 : f32
        %mul3A_574 = vector.broadcast %mul3A_573 : f32 to vector<16xf32>
        %mul3A_575 = arith.mulf %mul3A_574, %min3A_572 : vector<16xf32>
        %sub3A_576 = arith.subf %abs3A_569, %mul3A_575 : vector<16xf32>
        %mul3A_577 = arith.mulf %min3A_572, %sub3A_576 : vector<16xf32>
        %add3A_578 = arith.addf %mul3A_551, %mul3A_577 : vector<16xf32>
        %get3A_579 = arith.constant 0 : i32
        %get3A_580 = arith.constant 2 : i32
        %get3A_581 = arith.index_cast %get3A_579 : i32 to index
        %get3A_582 = arith.index_cast %scan3A_121 : i32 to index
        %get3A_583 = arith.index_cast %get3A_580 : i32 to index
        %get3A_584 = arith.constant 48 : index
        %get3A_585 = tpu.vector_load %arg7[%get3A_581, %get3A_582, %get3A_583, %get3A_584] {strides = array<i32>} : memref<2x50x4x128xf32, #tpu.memory_space<vmem>>, vector<1x1x1x16xf32>,
        %get3A_586 = vector.shape_cast %get3A_585 : vector<1x1x1x16xf32> to vector<16xf32>
        %get3A_587 = arith.constant 0 : i32
        %get3A_588 = arith.constant 2 : i32
        %get3A_589 = arith.index_cast %get3A_587 : i32 to index
        %get3A_590 = arith.index_cast %scan3A_121 : i32 to index
        %get3A_591 = arith.index_cast %get3A_588 : i32 to index
        %get3A_592 = arith.constant 48 : index
        %get3A_593 = tpu.vector_load %arg8[%get3A_589, %get3A_590, %get3A_591, %get3A_592] {strides = array<i32>} : memref<2x50x4x128xf32, #tpu.memory_space<vmem>>, vector<1x1x1x16xf32>,
        %get3A_594 = vector.shape_cast %get3A_593 : vector<1x1x1x16xf32> to vector<16xf32>
        %sub3A_595 = arith.subf %get3A_586, %get3A_594 : vector<16xf32>
        %abs3A_596 = math.absf %sub3A_595 : vector<16xf32>
        %min3A_597 = arith.constant 1.000000e+00 : f32
        %min3A_598 = vector.broadcast %min3A_597 : f32 to vector<16xf32>
        %min3A_599 = arith.minimumf %abs3A_596, %min3A_598 : vector<16xf32>
        %mul3A_600 = arith.constant 5.000000e-01 : f32
        %mul3A_601 = vector.broadcast %mul3A_600 : f32 to vector<16xf32>
        %mul3A_602 = arith.mulf %mul3A_601, %min3A_599 : vector<16xf32>
        %sub3A_603 = arith.subf %abs3A_596, %mul3A_602 : vector<16xf32>
        %mul3A_604 = arith.mulf %min3A_599, %sub3A_603 : vector<16xf32>
        %add3A_605 = arith.addf %add3A_578, %mul3A_604 : vector<16xf32>
        %get3A_606 = arith.constant 0 : i32
        %get3A_607 = arith.constant 3 : i32
        %get3A_608 = arith.index_cast %get3A_606 : i32 to index
        %get3A_609 = arith.index_cast %scan3A_121 : i32 to index
        %get3A_610 = arith.index_cast %get3A_607 : i32 to index
        %get3A_611 = arith.constant 48 : index
        %get3A_612 = tpu.vector_load %arg7[%get3A_608, %get3A_609, %get3A_610, %get3A_611] {strides = array<i32>} : memref<2x50x4x128xf32, #tpu.memory_space<vmem>>, vector<1x1x1x16xf32>,
        %get3A_613 = vector.shape_cast %get3A_612 : vector<1x1x1x16xf32> to vector<16xf32>
        %get3A_614 = arith.constant 0 : i32
        %get3A_615 = arith.constant 3 : i32
        %get3A_616 = arith.index_cast %get3A_614 : i32 to index
        %get3A_617 = arith.index_cast %scan3A_121 : i32 to index
        %get3A_618 = arith.index_cast %get3A_615 : i32 to index
        %get3A_619 = arith.constant 48 : index
        %get3A_620 = tpu.vector_load %arg8[%get3A_616, %get3A_617, %get3A_618, %get3A_619] {strides = array<i32>} : memref<2x50x4x128xf32, #tpu.memory_space<vmem>>, vector<1x1x1x16xf32>,
        %get3A_621 = vector.shape_cast %get3A_620 : vector<1x1x1x16xf32> to vector<16xf32>
        %sub3A_622 = arith.subf %get3A_613, %get3A_621 : vector<16xf32>
        %abs3A_623 = math.absf %sub3A_622 : vector<16xf32>
        %min3A_624 = arith.constant 1.000000e+00 : f32
        %min3A_625 = vector.broadcast %min3A_624 : f32 to vector<16xf32>
        %min3A_626 = arith.minimumf %abs3A_623, %min3A_625 : vector<16xf32>
        %mul3A_627 = arith.constant 5.000000e-01 : f32
        %mul3A_628 = vector.broadcast %mul3A_627 : f32 to vector<16xf32>
        %mul3A_629 = arith.mulf %mul3A_628, %min3A_626 : vector<16xf32>
        %sub3A_630 = arith.subf %abs3A_623, %mul3A_629 : vector<16xf32>
        %mul3A_631 = arith.mulf %min3A_626, %sub3A_630 : vector<16xf32>
        %add3A_632 = arith.addf %add3A_605, %mul3A_631 : vector<16xf32>
        %jit3A_633 = arith.constant 0.000000e+00 : f32
        %broadcast_in_dim3A_634 = vector.broadcast %jit3A_633 : f32 to vector<16xf32>
        %select_n3A_635 = arith.select %eq3A_519, %add3A_632, %broadcast_in_dim3A_634 : vector<16xi1>, vector<16xf32>
        %add3A_636 = arith.addf %add3A_507, %select_n3A_635 : vector<16xf32>
        %mul3A_637 = arith.constant 128 : i32
        %mul3A_638 = arith.muli %scan3A_121, %mul3A_637 : i32
        %add3A_639 = arith.constant 64 : i32
        %add3A_640 = arith.addi %mul3A_638, %add3A_639 : i32
        %get3A_641 = arith.constant 0 : i32
        %get3A_642 = arith.index_cast %get3A_641 : i32 to index
        %get3A_643 = arith.index_cast %add3A_640 : i32 to index
        %get3A_644 = tpu.vector_load %arg9[%get3A_642, %get3A_643] {strides = array<i32>} : memref<2x6400xi32, #tpu.memory_space<vmem>>, vector<1x16xi32>,
        %get3A_645 = vector.shape_cast %get3A_644 : vector<1x16xi32> to vector<16xi32>
        %eq3A_646 = arith.constant 1 : i32
        %eq3A_647 = vector.broadcast %eq3A_646 : i32 to vector<16xi32>
        %eq3A_648 = arith.cmpi eq, %get3A_645, %eq3A_647 : vector<16xi32>
        %jit3A_649 = arith.constant 1.000000e+00 : f32
        %jit3A_650 = arith.constant 0.000000e+00 : f32
        %broadcast_in_dim3A_651 = vector.broadcast %jit3A_649 : f32 to vector<16xf32>
        %broadcast_in_dim3A_652 = vector.broadcast %jit3A_650 : f32 to vector<16xf32>
        %select_n3A_653 = arith.select %eq3A_648, %broadcast_in_dim3A_651, %broadcast_in_dim3A_652 : vector<16xi1>, vector<16xf32>
        %add3A_654 = arith.addf %add3A_525, %select_n3A_653 : vector<16xf32>
        %get3A_655 = arith.constant 0 : i32
        %get3A_656 = arith.constant 0 : i32
        %get3A_657 = arith.index_cast %get3A_655 : i32 to index
        %get3A_658 = arith.index_cast %scan3A_121 : i32 to index
        %get3A_659 = arith.index_cast %get3A_656 : i32 to index
        %get3A_660 = arith.constant 64 : index
        %get3A_661 = tpu.vector_load %arg7[%get3A_657, %get3A_658, %get3A_659, %get3A_660] {strides = array<i32>} : memref<2x50x4x128xf32, #tpu.memory_space<vmem>>, vector<1x1x1x16xf32>,
        %get3A_662 = vector.shape_cast %get3A_661 : vector<1x1x1x16xf32> to vector<16xf32>
        %get3A_663 = arith.constant 0 : i32
        %get3A_664 = arith.constant 0 : i32
        %get3A_665 = arith.index_cast %get3A_663 : i32 to index
        %get3A_666 = arith.index_cast %scan3A_121 : i32 to index
        %get3A_667 = arith.index_cast %get3A_664 : i32 to index
        %get3A_668 = arith.constant 64 : index
        %get3A_669 = tpu.vector_load %arg8[%get3A_665, %get3A_666, %get3A_667, %get3A_668] {strides = array<i32>} : memref<2x50x4x128xf32, #tpu.memory_space<vmem>>, vector<1x1x1x16xf32>,
        %get3A_670 = vector.shape_cast %get3A_669 : vector<1x1x1x16xf32> to vector<16xf32>
        %sub3A_671 = arith.subf %get3A_662, %get3A_670 : vector<16xf32>
        %abs3A_672 = math.absf %sub3A_671 : vector<16xf32>
        %min3A_673 = arith.constant 1.000000e+00 : f32
        %min3A_674 = vector.broadcast %min3A_673 : f32 to vector<16xf32>
        %min3A_675 = arith.minimumf %abs3A_672, %min3A_674 : vector<16xf32>
        %mul3A_676 = arith.constant 5.000000e-01 : f32
        %mul3A_677 = vector.broadcast %mul3A_676 : f32 to vector<16xf32>
        %mul3A_678 = arith.mulf %mul3A_677, %min3A_675 : vector<16xf32>
        %sub3A_679 = arith.subf %abs3A_672, %mul3A_678 : vector<16xf32>
        %mul3A_680 = arith.mulf %min3A_675, %sub3A_679 : vector<16xf32>
        %get3A_681 = arith.constant 0 : i32
        %get3A_682 = arith.constant 1 : i32
        %get3A_683 = arith.index_cast %get3A_681 : i32 to index
        %get3A_684 = arith.index_cast %scan3A_121 : i32 to index
        %get3A_685 = arith.index_cast %get3A_682 : i32 to index
        %get3A_686 = arith.constant 64 : index
        %get3A_687 = tpu.vector_load %arg7[%get3A_683, %get3A_684, %get3A_685, %get3A_686] {strides = array<i32>} : memref<2x50x4x128xf32, #tpu.memory_space<vmem>>, vector<1x1x1x16xf32>,
        %get3A_688 = vector.shape_cast %get3A_687 : vector<1x1x1x16xf32> to vector<16xf32>
        %get3A_689 = arith.constant 0 : i32
        %get3A_690 = arith.constant 1 : i32
        %get3A_691 = arith.index_cast %get3A_689 : i32 to index
        %get3A_692 = arith.index_cast %scan3A_121 : i32 to index
        %get3A_693 = arith.index_cast %get3A_690 : i32 to index
        %get3A_694 = arith.constant 64 : index
        %get3A_695 = tpu.vector_load %arg8[%get3A_691, %get3A_692, %get3A_693, %get3A_694] {strides = array<i32>} : memref<2x50x4x128xf32, #tpu.memory_space<vmem>>, vector<1x1x1x16xf32>,
        %get3A_696 = vector.shape_cast %get3A_695 : vector<1x1x1x16xf32> to vector<16xf32>
        %sub3A_697 = arith.subf %get3A_688, %get3A_696 : vector<16xf32>
        %abs3A_698 = math.absf %sub3A_697 : vector<16xf32>
        %min3A_699 = arith.constant 1.000000e+00 : f32
        %min3A_700 = vector.broadcast %min3A_699 : f32 to vector<16xf32>
        %min3A_701 = arith.minimumf %abs3A_698, %min3A_700 : vector<16xf32>
        %mul3A_702 = arith.constant 5.000000e-01 : f32
        %mul3A_703 = vector.broadcast %mul3A_702 : f32 to vector<16xf32>
        %mul3A_704 = arith.mulf %mul3A_703, %min3A_701 : vector<16xf32>
        %sub3A_705 = arith.subf %abs3A_698, %mul3A_704 : vector<16xf32>
        %mul3A_706 = arith.mulf %min3A_701, %sub3A_705 : vector<16xf32>
        %add3A_707 = arith.addf %mul3A_680, %mul3A_706 : vector<16xf32>
        %get3A_708 = arith.constant 0 : i32
        %get3A_709 = arith.constant 2 : i32
        %get3A_710 = arith.index_cast %get3A_708 : i32 to index
        %get3A_711 = arith.index_cast %scan3A_121 : i32 to index
        %get3A_712 = arith.index_cast %get3A_709 : i32 to index
        %get3A_713 = arith.constant 64 : index
        %get3A_714 = tpu.vector_load %arg7[%get3A_710, %get3A_711, %get3A_712, %get3A_713] {strides = array<i32>} : memref<2x50x4x128xf32, #tpu.memory_space<vmem>>, vector<1x1x1x16xf32>,
        %get3A_715 = vector.shape_cast %get3A_714 : vector<1x1x1x16xf32> to vector<16xf32>
        %get3A_716 = arith.constant 0 : i32
        %get3A_717 = arith.constant 2 : i32
        %get3A_718 = arith.index_cast %get3A_716 : i32 to index
        %get3A_719 = arith.index_cast %scan3A_121 : i32 to index
        %get3A_720 = arith.index_cast %get3A_717 : i32 to index
        %get3A_721 = arith.constant 64 : index
        %get3A_722 = tpu.vector_load %arg8[%get3A_718, %get3A_719, %get3A_720, %get3A_721] {strides = array<i32>} : memref<2x50x4x128xf32, #tpu.memory_space<vmem>>, vector<1x1x1x16xf32>,
        %get3A_723 = vector.shape_cast %get3A_722 : vector<1x1x1x16xf32> to vector<16xf32>
        %sub3A_724 = arith.subf %get3A_715, %get3A_723 : vector<16xf32>
        %abs3A_725 = math.absf %sub3A_724 : vector<16xf32>
        %min3A_726 = arith.constant 1.000000e+00 : f32
        %min3A_727 = vector.broadcast %min3A_726 : f32 to vector<16xf32>
        %min3A_728 = arith.minimumf %abs3A_725, %min3A_727 : vector<16xf32>
        %mul3A_729 = arith.constant 5.000000e-01 : f32
        %mul3A_730 = vector.broadcast %mul3A_729 : f32 to vector<16xf32>
        %mul3A_731 = arith.mulf %mul3A_730, %min3A_728 : vector<16xf32>
        %sub3A_732 = arith.subf %abs3A_725, %mul3A_731 : vector<16xf32>
        %mul3A_733 = arith.mulf %min3A_728, %sub3A_732 : vector<16xf32>
        %add3A_734 = arith.addf %add3A_707, %mul3A_733 : vector<16xf32>
        %get3A_735 = arith.constant 0 : i32
        %get3A_736 = arith.constant 3 : i32
        %get3A_737 = arith.index_cast %get3A_735 : i32 to index
        %get3A_738 = arith.index_cast %scan3A_121 : i32 to index
        %get3A_739 = arith.index_cast %get3A_736 : i32 to index
        %get3A_740 = arith.constant 64 : index
        %get3A_741 = tpu.vector_load %arg7[%get3A_737, %get3A_738, %get3A_739, %get3A_740] {strides = array<i32>} : memref<2x50x4x128xf32, #tpu.memory_space<vmem>>, vector<1x1x1x16xf32>,
        %get3A_742 = vector.shape_cast %get3A_741 : vector<1x1x1x16xf32> to vector<16xf32>
        %get3A_743 = arith.constant 0 : i32
        %get3A_744 = arith.constant 3 : i32
        %get3A_745 = arith.index_cast %get3A_743 : i32 to index
        %get3A_746 = arith.index_cast %scan3A_121 : i32 to index
        %get3A_747 = arith.index_cast %get3A_744 : i32 to index
        %get3A_748 = arith.constant 64 : index
        %get3A_749 = tpu.vector_load %arg8[%get3A_745, %get3A_746, %get3A_747, %get3A_748] {strides = array<i32>} : memref<2x50x4x128xf32, #tpu.memory_space<vmem>>, vector<1x1x1x16xf32>,
        %get3A_750 = vector.shape_cast %get3A_749 : vector<1x1x1x16xf32> to vector<16xf32>
        %sub3A_751 = arith.subf %get3A_742, %get3A_750 : vector<16xf32>
        %abs3A_752 = math.absf %sub3A_751 : vector<16xf32>
        %min3A_753 = arith.constant 1.000000e+00 : f32
        %min3A_754 = vector.broadcast %min3A_753 : f32 to vector<16xf32>
        %min3A_755 = arith.minimumf %abs3A_752, %min3A_754 : vector<16xf32>
        %mul3A_756 = arith.constant 5.000000e-01 : f32
        %mul3A_757 = vector.broadcast %mul3A_756 : f32 to vector<16xf32>
        %mul3A_758 = arith.mulf %mul3A_757, %min3A_755 : vector<16xf32>
        %sub3A_759 = arith.subf %abs3A_752, %mul3A_758 : vector<16xf32>
        %mul3A_760 = arith.mulf %min3A_755, %sub3A_759 : vector<16xf32>
        %add3A_761 = arith.addf %add3A_734, %mul3A_760 : vector<16xf32>
        %jit3A_762 = arith.constant 0.000000e+00 : f32
        %broadcast_in_dim3A_763 = vector.broadcast %jit3A_762 : f32 to vector<16xf32>
        %select_n3A_764 = arith.select %eq3A_648, %add3A_761, %broadcast_in_dim3A_763 : vector<16xi1>, vector<16xf32>
        %add3A_765 = arith.addf %add3A_636, %select_n3A_764 : vector<16xf32>
        %mul3A_766 = arith.constant 128 : i32
        %mul3A_767 = arith.muli %scan3A_121, %mul3A_766 : i32
        %add3A_768 = arith.constant 80 : i32
        %add3A_769 = arith.addi %mul3A_767, %add3A_768 : i32
        %get3A_770 = arith.constant 0 : i32
        %get3A_771 = arith.index_cast %get3A_770 : i32 to index
        %get3A_772 = arith.index_cast %add3A_769 : i32 to index
        %get3A_773 = tpu.vector_load %arg9[%get3A_771, %get3A_772] {strides = array<i32>} : memref<2x6400xi32, #tpu.memory_space<vmem>>, vector<1x16xi32>,
        %get3A_774 = vector.shape_cast %get3A_773 : vector<1x16xi32> to vector<16xi32>
        %eq3A_775 = arith.constant 1 : i32
        %eq3A_776 = vector.broadcast %eq3A_775 : i32 to vector<16xi32>
        %eq3A_777 = arith.cmpi eq, %get3A_774, %eq3A_776 : vector<16xi32>
        %jit3A_778 = arith.constant 1.000000e+00 : f32
        %jit3A_779 = arith.constant 0.000000e+00 : f32
        %broadcast_in_dim3A_780 = vector.broadcast %jit3A_778 : f32 to vector<16xf32>
        %broadcast_in_dim3A_781 = vector.broadcast %jit3A_779 : f32 to vector<16xf32>
        %select_n3A_782 = arith.select %eq3A_777, %broadcast_in_dim3A_780, %broadcast_in_dim3A_781 : vector<16xi1>, vector<16xf32>
        %add3A_783 = arith.addf %add3A_654, %select_n3A_782 : vector<16xf32>
        %get3A_784 = arith.constant 0 : i32
        %get3A_785 = arith.constant 0 : i32
        %get3A_786 = arith.index_cast %get3A_784 : i32 to index
        %get3A_787 = arith.index_cast %scan3A_121 : i32 to index
        %get3A_788 = arith.index_cast %get3A_785 : i32 to index
        %get3A_789 = arith.constant 80 : index
        %get3A_790 = tpu.vector_load %arg7[%get3A_786, %get3A_787, %get3A_788, %get3A_789] {strides = array<i32>} : memref<2x50x4x128xf32, #tpu.memory_space<vmem>>, vector<1x1x1x16xf32>,
        %get3A_791 = vector.shape_cast %get3A_790 : vector<1x1x1x16xf32> to vector<16xf32>
        %get3A_792 = arith.constant 0 : i32
        %get3A_793 = arith.constant 0 : i32
        %get3A_794 = arith.index_cast %get3A_792 : i32 to index
        %get3A_795 = arith.index_cast %scan3A_121 : i32 to index
        %get3A_796 = arith.index_cast %get3A_793 : i32 to index
        %get3A_797 = arith.constant 80 : index
        %get3A_798 = tpu.vector_load %arg8[%get3A_794, %get3A_795, %get3A_796, %get3A_797] {strides = array<i32>} : memref<2x50x4x128xf32, #tpu.memory_space<vmem>>, vector<1x1x1x16xf32>,
        %get3A_799 = vector.shape_cast %get3A_798 : vector<1x1x1x16xf32> to vector<16xf32>
        %sub3A_800 = arith.subf %get3A_791, %get3A_799 : vector<16xf32>
        %abs3A_801 = math.absf %sub3A_800 : vector<16xf32>
        %min3A_802 = arith.constant 1.000000e+00 : f32
        %min3A_803 = vector.broadcast %min3A_802 : f32 to vector<16xf32>
        %min3A_804 = arith.minimumf %abs3A_801, %min3A_803 : vector<16xf32>
        %mul3A_805 = arith.constant 5.000000e-01 : f32
        %mul3A_806 = vector.broadcast %mul3A_805 : f32 to vector<16xf32>
        %mul3A_807 = arith.mulf %mul3A_806, %min3A_804 : vector<16xf32>
        %sub3A_808 = arith.subf %abs3A_801, %mul3A_807 : vector<16xf32>
        %mul3A_809 = arith.mulf %min3A_804, %sub3A_808 : vector<16xf32>
        %get3A_810 = arith.constant 0 : i32
        %get3A_811 = arith.constant 1 : i32
        %get3A_812 = arith.index_cast %get3A_810 : i32 to index
        %get3A_813 = arith.index_cast %scan3A_121 : i32 to index
        %get3A_814 = arith.index_cast %get3A_811 : i32 to index
        %get3A_815 = arith.constant 80 : index
        %get3A_816 = tpu.vector_load %arg7[%get3A_812, %get3A_813, %get3A_814, %get3A_815] {strides = array<i32>} : memref<2x50x4x128xf32, #tpu.memory_space<vmem>>, vector<1x1x1x16xf32>,
        %get3A_817 = vector.shape_cast %get3A_816 : vector<1x1x1x16xf32> to vector<16xf32>
        %get3A_818 = arith.constant 0 : i32
        %get3A_819 = arith.constant 1 : i32
        %get3A_820 = arith.index_cast %get3A_818 : i32 to index
        %get3A_821 = arith.index_cast %scan3A_121 : i32 to index
        %get3A_822 = arith.index_cast %get3A_819 : i32 to index
        %get3A_823 = arith.constant 80 : index
        %get3A_824 = tpu.vector_load %arg8[%get3A_820, %get3A_821, %get3A_822, %get3A_823] {strides = array<i32>} : memref<2x50x4x128xf32, #tpu.memory_space<vmem>>, vector<1x1x1x16xf32>,
        %get3A_825 = vector.shape_cast %get3A_824 : vector<1x1x1x16xf32> to vector<16xf32>
        %sub3A_826 = arith.subf %get3A_817, %get3A_825 : vector<16xf32>
        %abs3A_827 = math.absf %sub3A_826 : vector<16xf32>
        %min3A_828 = arith.constant 1.000000e+00 : f32
        %min3A_829 = vector.broadcast %min3A_828 : f32 to vector<16xf32>
        %min3A_830 = arith.minimumf %abs3A_827, %min3A_829 : vector<16xf32>
        %mul3A_831 = arith.constant 5.000000e-01 : f32
        %mul3A_832 = vector.broadcast %mul3A_831 : f32 to vector<16xf32>
        %mul3A_833 = arith.mulf %mul3A_832, %min3A_830 : vector<16xf32>
        %sub3A_834 = arith.subf %abs3A_827, %mul3A_833 : vector<16xf32>
        %mul3A_835 = arith.mulf %min3A_830, %sub3A_834 : vector<16xf32>
        %add3A_836 = arith.addf %mul3A_809, %mul3A_835 : vector<16xf32>
        %get3A_837 = arith.constant 0 : i32
        %get3A_838 = arith.constant 2 : i32
        %get3A_839 = arith.index_cast %get3A_837 : i32 to index
        %get3A_840 = arith.index_cast %scan3A_121 : i32 to index
        %get3A_841 = arith.index_cast %get3A_838 : i32 to index
        %get3A_842 = arith.constant 80 : index
        %get3A_843 = tpu.vector_load %arg7[%get3A_839, %get3A_840, %get3A_841, %get3A_842] {strides = array<i32>} : memref<2x50x4x128xf32, #tpu.memory_space<vmem>>, vector<1x1x1x16xf32>,
        %get3A_844 = vector.shape_cast %get3A_843 : vector<1x1x1x16xf32> to vector<16xf32>
        %get3A_845 = arith.constant 0 : i32
        %get3A_846 = arith.constant 2 : i32
        %get3A_847 = arith.index_cast %get3A_845 : i32 to index
        %get3A_848 = arith.index_cast %scan3A_121 : i32 to index
        %get3A_849 = arith.index_cast %get3A_846 : i32 to index
        %get3A_850 = arith.constant 80 : index
        %get3A_851 = tpu.vector_load %arg8[%get3A_847, %get3A_848, %get3A_849, %get3A_850] {strides = array<i32>} : memref<2x50x4x128xf32, #tpu.memory_space<vmem>>, vector<1x1x1x16xf32>,
        %get3A_852 = vector.shape_cast %get3A_851 : vector<1x1x1x16xf32> to vector<16xf32>
        %sub3A_853 = arith.subf %get3A_844, %get3A_852 : vector<16xf32>
        %abs3A_854 = math.absf %sub3A_853 : vector<16xf32>
        %min3A_855 = arith.constant 1.000000e+00 : f32
        %min3A_856 = vector.broadcast %min3A_855 : f32 to vector<16xf32>
        %min3A_857 = arith.minimumf %abs3A_854, %min3A_856 : vector<16xf32>
        %mul3A_858 = arith.constant 5.000000e-01 : f32
        %mul3A_859 = vector.broadcast %mul3A_858 : f32 to vector<16xf32>
        %mul3A_860 = arith.mulf %mul3A_859, %min3A_857 : vector<16xf32>
        %sub3A_861 = arith.subf %abs3A_854, %mul3A_860 : vector<16xf32>
        %mul3A_862 = arith.mulf %min3A_857, %sub3A_861 : vector<16xf32>
        %add3A_863 = arith.addf %add3A_836, %mul3A_862 : vector<16xf32>
        %get3A_864 = arith.constant 0 : i32
        %get3A_865 = arith.constant 3 : i32
        %get3A_866 = arith.index_cast %get3A_864 : i32 to index
        %get3A_867 = arith.index_cast %scan3A_121 : i32 to index
        %get3A_868 = arith.index_cast %get3A_865 : i32 to index
        %get3A_869 = arith.constant 80 : index
        %get3A_870 = tpu.vector_load %arg7[%get3A_866, %get3A_867, %get3A_868, %get3A_869] {strides = array<i32>} : memref<2x50x4x128xf32, #tpu.memory_space<vmem>>, vector<1x1x1x16xf32>,
        %get3A_871 = vector.shape_cast %get3A_870 : vector<1x1x1x16xf32> to vector<16xf32>
        %get3A_872 = arith.constant 0 : i32
        %get3A_873 = arith.constant 3 : i32
        %get3A_874 = arith.index_cast %get3A_872 : i32 to index
        %get3A_875 = arith.index_cast %scan3A_121 : i32 to index
        %get3A_876 = arith.index_cast %get3A_873 : i32 to index
        %get3A_877 = arith.constant 80 : index
        %get3A_878 = tpu.vector_load %arg8[%get3A_874, %get3A_875, %get3A_876, %get3A_877] {strides = array<i32>} : memref<2x50x4x128xf32, #tpu.memory_space<vmem>>, vector<1x1x1x16xf32>,
        %get3A_879 = vector.shape_cast %get3A_878 : vector<1x1x1x16xf32> to vector<16xf32>
        %sub3A_880 = arith.subf %get3A_871, %get3A_879 : vector<16xf32>
        %abs3A_881 = math.absf %sub3A_880 : vector<16xf32>
        %min3A_882 = arith.constant 1.000000e+00 : f32
        %min3A_883 = vector.broadcast %min3A_882 : f32 to vector<16xf32>
        %min3A_884 = arith.minimumf %abs3A_881, %min3A_883 : vector<16xf32>
        %mul3A_885 = arith.constant 5.000000e-01 : f32
        %mul3A_886 = vector.broadcast %mul3A_885 : f32 to vector<16xf32>
        %mul3A_887 = arith.mulf %mul3A_886, %min3A_884 : vector<16xf32>
        %sub3A_888 = arith.subf %abs3A_881, %mul3A_887 : vector<16xf32>
        %mul3A_889 = arith.mulf %min3A_884, %sub3A_888 : vector<16xf32>
        %add3A_890 = arith.addf %add3A_863, %mul3A_889 : vector<16xf32>
        %jit3A_891 = arith.constant 0.000000e+00 : f32
        %broadcast_in_dim3A_892 = vector.broadcast %jit3A_891 : f32 to vector<16xf32>
        %select_n3A_893 = arith.select %eq3A_777, %add3A_890, %broadcast_in_dim3A_892 : vector<16xi1>, vector<16xf32>
        %add3A_894 = arith.addf %add3A_765, %select_n3A_893 : vector<16xf32>
        %mul3A_895 = arith.constant 128 : i32
        %mul3A_896 = arith.muli %scan3A_121, %mul3A_895 : i32
        %add3A_897 = arith.constant 96 : i32
        %add3A_898 = arith.addi %mul3A_896, %add3A_897 : i32
        %get3A_899 = arith.constant 0 : i32
        %get3A_900 = arith.index_cast %get3A_899 : i32 to index
        %get3A_901 = arith.index_cast %add3A_898 : i32 to index
        %get3A_902 = tpu.vector_load %arg9[%get3A_900, %get3A_901] {strides = array<i32>} : memref<2x6400xi32, #tpu.memory_space<vmem>>, vector<1x16xi32>,
        %get3A_903 = vector.shape_cast %get3A_902 : vector<1x16xi32> to vector<16xi32>
        %eq3A_904 = arith.constant 1 : i32
        %eq3A_905 = vector.broadcast %eq3A_904 : i32 to vector<16xi32>
        %eq3A_906 = arith.cmpi eq, %get3A_903, %eq3A_905 : vector<16xi32>
        %jit3A_907 = arith.constant 1.000000e+00 : f32
        %jit3A_908 = arith.constant 0.000000e+00 : f32
        %broadcast_in_dim3A_909 = vector.broadcast %jit3A_907 : f32 to vector<16xf32>
        %broadcast_in_dim3A_910 = vector.broadcast %jit3A_908 : f32 to vector<16xf32>
        %select_n3A_911 = arith.select %eq3A_906, %broadcast_in_dim3A_909, %broadcast_in_dim3A_910 : vector<16xi1>, vector<16xf32>
        %add3A_912 = arith.addf %add3A_783, %select_n3A_911 : vector<16xf32>
        %get3A_913 = arith.constant 0 : i32
        %get3A_914 = arith.constant 0 : i32
        %get3A_915 = arith.index_cast %get3A_913 : i32 to index
        %get3A_916 = arith.index_cast %scan3A_121 : i32 to index
        %get3A_917 = arith.index_cast %get3A_914 : i32 to index
        %get3A_918 = arith.constant 96 : index
        %get3A_919 = tpu.vector_load %arg7[%get3A_915, %get3A_916, %get3A_917, %get3A_918] {strides = array<i32>} : memref<2x50x4x128xf32, #tpu.memory_space<vmem>>, vector<1x1x1x16xf32>,
        %get3A_920 = vector.shape_cast %get3A_919 : vector<1x1x1x16xf32> to vector<16xf32>
        %get3A_921 = arith.constant 0 : i32
        %get3A_922 = arith.constant 0 : i32
        %get3A_923 = arith.index_cast %get3A_921 : i32 to index
        %get3A_924 = arith.index_cast %scan3A_121 : i32 to index
        %get3A_925 = arith.index_cast %get3A_922 : i32 to index
        %get3A_926 = arith.constant 96 : index
        %get3A_927 = tpu.vector_load %arg8[%get3A_923, %get3A_924, %get3A_925, %get3A_926] {strides = array<i32>} : memref<2x50x4x128xf32, #tpu.memory_space<vmem>>, vector<1x1x1x16xf32>,
        %get3A_928 = vector.shape_cast %get3A_927 : vector<1x1x1x16xf32> to vector<16xf32>
        %sub3A_929 = arith.subf %get3A_920, %get3A_928 : vector<16xf32>
        %abs3A_930 = math.absf %sub3A_929 : vector<16xf32>
        %min3A_931 = arith.constant 1.000000e+00 : f32
        %min3A_932 = vector.broadcast %min3A_931 : f32 to vector<16xf32>
        %min3A_933 = arith.minimumf %abs3A_930, %min3A_932 : vector<16xf32>
        %mul3A_934 = arith.constant 5.000000e-01 : f32
        %mul3A_935 = vector.broadcast %mul3A_934 : f32 to vector<16xf32>
        %mul3A_936 = arith.mulf %mul3A_935, %min3A_933 : vector<16xf32>
        %sub3A_937 = arith.subf %abs3A_930, %mul3A_936 : vector<16xf32>
        %mul3A_938 = arith.mulf %min3A_933, %sub3A_937 : vector<16xf32>
        %get3A_939 = arith.constant 0 : i32
        %get3A_940 = arith.constant 1 : i32
        %get3A_941 = arith.index_cast %get3A_939 : i32 to index
        %get3A_942 = arith.index_cast %scan3A_121 : i32 to index
        %get3A_943 = arith.index_cast %get3A_940 : i32 to index
        %get3A_944 = arith.constant 96 : index
        %get3A_945 = tpu.vector_load %arg7[%get3A_941, %get3A_942, %get3A_943, %get3A_944] {strides = array<i32>} : memref<2x50x4x128xf32, #tpu.memory_space<vmem>>, vector<1x1x1x16xf32>,
        %get3A_946 = vector.shape_cast %get3A_945 : vector<1x1x1x16xf32> to vector<16xf32>
        %get3A_947 = arith.constant 0 : i32
        %get3A_948 = arith.constant 1 : i32
        %get3A_949 = arith.index_cast %get3A_947 : i32 to index
        %get3A_950 = arith.index_cast %scan3A_121 : i32 to index
        %get3A_951 = arith.index_cast %get3A_948 : i32 to index
        %get3A_952 = arith.constant 96 : index
        %get3A_953 = tpu.vector_load %arg8[%get3A_949, %get3A_950, %get3A_951, %get3A_952] {strides = array<i32>} : memref<2x50x4x128xf32, #tpu.memory_space<vmem>>, vector<1x1x1x16xf32>,
        %get3A_954 = vector.shape_cast %get3A_953 : vector<1x1x1x16xf32> to vector<16xf32>
        %sub3A_955 = arith.subf %get3A_946, %get3A_954 : vector<16xf32>
        %abs3A_956 = math.absf %sub3A_955 : vector<16xf32>
        %min3A_957 = arith.constant 1.000000e+00 : f32
        %min3A_958 = vector.broadcast %min3A_957 : f32 to vector<16xf32>
        %min3A_959 = arith.minimumf %abs3A_956, %min3A_958 : vector<16xf32>
        %mul3A_960 = arith.constant 5.000000e-01 : f32
        %mul3A_961 = vector.broadcast %mul3A_960 : f32 to vector<16xf32>
        %mul3A_962 = arith.mulf %mul3A_961, %min3A_959 : vector<16xf32>
        %sub3A_963 = arith.subf %abs3A_956, %mul3A_962 : vector<16xf32>
        %mul3A_964 = arith.mulf %min3A_959, %sub3A_963 : vector<16xf32>
        %add3A_965 = arith.addf %mul3A_938, %mul3A_964 : vector<16xf32>
        %get3A_966 = arith.constant 0 : i32
        %get3A_967 = arith.constant 2 : i32
        %get3A_968 = arith.index_cast %get3A_966 : i32 to index
        %get3A_969 = arith.index_cast %scan3A_121 : i32 to index
        %get3A_970 = arith.index_cast %get3A_967 : i32 to index
        %get3A_971 = arith.constant 96 : index
        %get3A_972 = tpu.vector_load %arg7[%get3A_968, %get3A_969, %get3A_970, %get3A_971] {strides = array<i32>} : memref<2x50x4x128xf32, #tpu.memory_space<vmem>>, vector<1x1x1x16xf32>,
        %get3A_973 = vector.shape_cast %get3A_972 : vector<1x1x1x16xf32> to vector<16xf32>
        %get3A_974 = arith.constant 0 : i32
        %get3A_975 = arith.constant 2 : i32
        %get3A_976 = arith.index_cast %get3A_974 : i32 to index
        %get3A_977 = arith.index_cast %scan3A_121 : i32 to index
        %get3A_978 = arith.index_cast %get3A_975 : i32 to index
        %get3A_979 = arith.constant 96 : index
        %get3A_980 = tpu.vector_load %arg8[%get3A_976, %get3A_977, %get3A_978, %get3A_979] {strides = array<i32>} : memref<2x50x4x128xf32, #tpu.memory_space<vmem>>, vector<1x1x1x16xf32>,
        %get3A_981 = vector.shape_cast %get3A_980 : vector<1x1x1x16xf32> to vector<16xf32>
        %sub3A_982 = arith.subf %get3A_973, %get3A_981 : vector<16xf32>
        %abs3A_983 = math.absf %sub3A_982 : vector<16xf32>
        %min3A_984 = arith.constant 1.000000e+00 : f32
        %min3A_985 = vector.broadcast %min3A_984 : f32 to vector<16xf32>
        %min3A_986 = arith.minimumf %abs3A_983, %min3A_985 : vector<16xf32>
        %mul3A_987 = arith.constant 5.000000e-01 : f32
        %mul3A_988 = vector.broadcast %mul3A_987 : f32 to vector<16xf32>
        %mul3A_989 = arith.mulf %mul3A_988, %min3A_986 : vector<16xf32>
        %sub3A_990 = arith.subf %abs3A_983, %mul3A_989 : vector<16xf32>
        %mul3A_991 = arith.mulf %min3A_986, %sub3A_990 : vector<16xf32>
        %add3A_992 = arith.addf %add3A_965, %mul3A_991 : vector<16xf32>
        %get3A_993 = arith.constant 0 : i32
        %get3A_994 = arith.constant 3 : i32
        %get3A_995 = arith.index_cast %get3A_993 : i32 to index
        %get3A_996 = arith.index_cast %scan3A_121 : i32 to index
        %get3A_997 = arith.index_cast %get3A_994 : i32 to index
        %get3A_998 = arith.constant 96 : index
        %get3A_999 = tpu.vector_load %arg7[%get3A_995, %get3A_996, %get3A_997, %get3A_998] {strides = array<i32>} : memref<2x50x4x128xf32, #tpu.memory_space<vmem>>, vector<1x1x1x16xf32>,
        %get3A_1000 = vector.shape_cast %get3A_999 : vector<1x1x1x16xf32> to vector<16xf32>
        %get3A_1001 = arith.constant 0 : i32
        %get3A_1002 = arith.constant 3 : i32
        %get3A_1003 = arith.index_cast %get3A_1001 : i32 to index
        %get3A_1004 = arith.index_cast %scan3A_121 : i32 to index
        %get3A_1005 = arith.index_cast %get3A_1002 : i32 to index
        %get3A_1006 = arith.constant 96 : index
        %get3A_1007 = tpu.vector_load %arg8[%get3A_1003, %get3A_1004, %get3A_1005, %get3A_1006] {strides = array<i32>} : memref<2x50x4x128xf32, #tpu.memory_space<vmem>>, vector<1x1x1x16xf32>,
        %get3A_1008 = vector.shape_cast %get3A_1007 : vector<1x1x1x16xf32> to vector<16xf32>
        %sub3A_1009 = arith.subf %get3A_1000, %get3A_1008 : vector<16xf32>
        %abs3A_1010 = math.absf %sub3A_1009 : vector<16xf32>
        %min3A_1011 = arith.constant 1.000000e+00 : f32
        %min3A_1012 = vector.broadcast %min3A_1011 : f32 to vector<16xf32>
        %min3A_1013 = arith.minimumf %abs3A_1010, %min3A_1012 : vector<16xf32>
        %mul3A_1014 = arith.constant 5.000000e-01 : f32
        %mul3A_1015 = vector.broadcast %mul3A_1014 : f32 to vector<16xf32>
        %mul3A_1016 = arith.mulf %mul3A_1015, %min3A_1013 : vector<16xf32>
        %sub3A_1017 = arith.subf %abs3A_1010, %mul3A_1016 : vector<16xf32>
        %mul3A_1018 = arith.mulf %min3A_1013, %sub3A_1017 : vector<16xf32>
        %add3A_1019 = arith.addf %add3A_992, %mul3A_1018 : vector<16xf32>
        %jit3A_1020 = arith.constant 0.000000e+00 : f32
        %broadcast_in_dim3A_1021 = vector.broadcast %jit3A_1020 : f32 to vector<16xf32>
        %select_n3A_1022 = arith.select %eq3A_906, %add3A_1019, %broadcast_in_dim3A_1021 : vector<16xi1>, vector<16xf32>
        %add3A_1023 = arith.addf %add3A_894, %select_n3A_1022 : vector<16xf32>
        %mul3A_1024 = arith.constant 128 : i32
        %mul3A_1025 = arith.muli %scan3A_121, %mul3A_1024 : i32
        %add3A_1026 = arith.constant 112 : i32
        %add3A_1027 = arith.addi %mul3A_1025, %add3A_1026 : i32
        %get3A_1028 = arith.constant 0 : i32
        %get3A_1029 = arith.index_cast %get3A_1028 : i32 to index
        %get3A_1030 = arith.index_cast %add3A_1027 : i32 to index
        %get3A_1031 = tpu.vector_load %arg9[%get3A_1029, %get3A_1030] {strides = array<i32>} : memref<2x6400xi32, #tpu.memory_space<vmem>>, vector<1x16xi32>,
        %get3A_1032 = vector.shape_cast %get3A_1031 : vector<1x16xi32> to vector<16xi32>
        %eq3A_1033 = arith.constant 1 : i32
        %eq3A_1034 = vector.broadcast %eq3A_1033 : i32 to vector<16xi32>
        %eq3A_1035 = arith.cmpi eq, %get3A_1032, %eq3A_1034 : vector<16xi32>
        %jit3A_1036 = arith.constant 1.000000e+00 : f32
        %jit3A_1037 = arith.constant 0.000000e+00 : f32
        %broadcast_in_dim3A_1038 = vector.broadcast %jit3A_1036 : f32 to vector<16xf32>
        %broadcast_in_dim3A_1039 = vector.broadcast %jit3A_1037 : f32 to vector<16xf32>
        %select_n3A_1040 = arith.select %eq3A_1035, %broadcast_in_dim3A_1038, %broadcast_in_dim3A_1039 : vector<16xi1>, vector<16xf32>
        %add3A_1041 = arith.addf %add3A_912, %select_n3A_1040 : vector<16xf32>
        %get3A_1042 = arith.constant 0 : i32
        %get3A_1043 = arith.constant 0 : i32
        %get3A_1044 = arith.index_cast %get3A_1042 : i32 to index
        %get3A_1045 = arith.index_cast %scan3A_121 : i32 to index
        %get3A_1046 = arith.index_cast %get3A_1043 : i32 to index
        %get3A_1047 = arith.constant 112 : index
        %get3A_1048 = tpu.vector_load %arg7[%get3A_1044, %get3A_1045, %get3A_1046, %get3A_1047] {strides = array<i32>} : memref<2x50x4x128xf32, #tpu.memory_space<vmem>>, vector<1x1x1x16xf32>,
        %get3A_1049 = vector.shape_cast %get3A_1048 : vector<1x1x1x16xf32> to vector<16xf32>
        %get3A_1050 = arith.constant 0 : i32
        %get3A_1051 = arith.constant 0 : i32
        %get3A_1052 = arith.index_cast %get3A_1050 : i32 to index
        %get3A_1053 = arith.index_cast %scan3A_121 : i32 to index
        %get3A_1054 = arith.index_cast %get3A_1051 : i32 to index
        %get3A_1055 = arith.constant 112 : index
        %get3A_1056 = tpu.vector_load %arg8[%get3A_1052, %get3A_1053, %get3A_1054, %get3A_1055] {strides = array<i32>} : memref<2x50x4x128xf32, #tpu.memory_space<vmem>>, vector<1x1x1x16xf32>,
        %get3A_1057 = vector.shape_cast %get3A_1056 : vector<1x1x1x16xf32> to vector<16xf32>
        %sub3A_1058 = arith.subf %get3A_1049, %get3A_1057 : vector<16xf32>
        %abs3A_1059 = math.absf %sub3A_1058 : vector<16xf32>
        %min3A_1060 = arith.constant 1.000000e+00 : f32
        %min3A_1061 = vector.broadcast %min3A_1060 : f32 to vector<16xf32>
        %min3A_1062 = arith.minimumf %abs3A_1059, %min3A_1061 : vector<16xf32>
        %mul3A_1063 = arith.constant 5.000000e-01 : f32
        %mul3A_1064 = vector.broadcast %mul3A_1063 : f32 to vector<16xf32>
        %mul3A_1065 = arith.mulf %mul3A_1064, %min3A_1062 : vector<16xf32>
        %sub3A_1066 = arith.subf %abs3A_1059, %mul3A_1065 : vector<16xf32>
        %mul3A_1067 = arith.mulf %min3A_1062, %sub3A_1066 : vector<16xf32>
        %get3A_1068 = arith.constant 0 : i32
        %get3A_1069 = arith.constant 1 : i32
        %get3A_1070 = arith.index_cast %get3A_1068 : i32 to index
        %get3A_1071 = arith.index_cast %scan3A_121 : i32 to index
        %get3A_1072 = arith.index_cast %get3A_1069 : i32 to index
        %get3A_1073 = arith.constant 112 : index
        %get3A_1074 = tpu.vector_load %arg7[%get3A_1070, %get3A_1071, %get3A_1072, %get3A_1073] {strides = array<i32>} : memref<2x50x4x128xf32, #tpu.memory_space<vmem>>, vector<1x1x1x16xf32>,
        %get3A_1075 = vector.shape_cast %get3A_1074 : vector<1x1x1x16xf32> to vector<16xf32>
        %get3A_1076 = arith.constant 0 : i32
        %get3A_1077 = arith.constant 1 : i32
        %get3A_1078 = arith.index_cast %get3A_1076 : i32 to index
        %get3A_1079 = arith.index_cast %scan3A_121 : i32 to index
        %get3A_1080 = arith.index_cast %get3A_1077 : i32 to index
        %get3A_1081 = arith.constant 112 : index
        %get3A_1082 = tpu.vector_load %arg8[%get3A_1078, %get3A_1079, %get3A_1080, %get3A_1081] {strides = array<i32>} : memref<2x50x4x128xf32, #tpu.memory_space<vmem>>, vector<1x1x1x16xf32>,
        %get3A_1083 = vector.shape_cast %get3A_1082 : vector<1x1x1x16xf32> to vector<16xf32>
        %sub3A_1084 = arith.subf %get3A_1075, %get3A_1083 : vector<16xf32>
        %abs3A_1085 = math.absf %sub3A_1084 : vector<16xf32>
        %min3A_1086 = arith.constant 1.000000e+00 : f32
        %min3A_1087 = vector.broadcast %min3A_1086 : f32 to vector<16xf32>
        %min3A_1088 = arith.minimumf %abs3A_1085, %min3A_1087 : vector<16xf32>
        %mul3A_1089 = arith.constant 5.000000e-01 : f32
        %mul3A_1090 = vector.broadcast %mul3A_1089 : f32 to vector<16xf32>
        %mul3A_1091 = arith.mulf %mul3A_1090, %min3A_1088 : vector<16xf32>
        %sub3A_1092 = arith.subf %abs3A_1085, %mul3A_1091 : vector<16xf32>
        %mul3A_1093 = arith.mulf %min3A_1088, %sub3A_1092 : vector<16xf32>
        %add3A_1094 = arith.addf %mul3A_1067, %mul3A_1093 : vector<16xf32>
        %get3A_1095 = arith.constant 0 : i32
        %get3A_1096 = arith.constant 2 : i32
        %get3A_1097 = arith.index_cast %get3A_1095 : i32 to index
        %get3A_1098 = arith.index_cast %scan3A_121 : i32 to index
        %get3A_1099 = arith.index_cast %get3A_1096 : i32 to index
        %get3A_1100 = arith.constant 112 : index
        %get3A_1101 = tpu.vector_load %arg7[%get3A_1097, %get3A_1098, %get3A_1099, %get3A_1100] {strides = array<i32>} : memref<2x50x4x128xf32, #tpu.memory_space<vmem>>, vector<1x1x1x16xf32>,
        %get3A_1102 = vector.shape_cast %get3A_1101 : vector<1x1x1x16xf32> to vector<16xf32>
        %get3A_1103 = arith.constant 0 : i32
        %get3A_1104 = arith.constant 2 : i32
        %get3A_1105 = arith.index_cast %get3A_1103 : i32 to index
        %get3A_1106 = arith.index_cast %scan3A_121 : i32 to index
        %get3A_1107 = arith.index_cast %get3A_1104 : i32 to index
        %get3A_1108 = arith.constant 112 : index
        %get3A_1109 = tpu.vector_load %arg8[%get3A_1105, %get3A_1106, %get3A_1107, %get3A_1108] {strides = array<i32>} : memref<2x50x4x128xf32, #tpu.memory_space<vmem>>, vector<1x1x1x16xf32>,
        %get3A_1110 = vector.shape_cast %get3A_1109 : vector<1x1x1x16xf32> to vector<16xf32>
        %sub3A_1111 = arith.subf %get3A_1102, %get3A_1110 : vector<16xf32>
        %abs3A_1112 = math.absf %sub3A_1111 : vector<16xf32>
        %min3A_1113 = arith.constant 1.000000e+00 : f32
        %min3A_1114 = vector.broadcast %min3A_1113 : f32 to vector<16xf32>
        %min3A_1115 = arith.minimumf %abs3A_1112, %min3A_1114 : vector<16xf32>
        %mul3A_1116 = arith.constant 5.000000e-01 : f32
        %mul3A_1117 = vector.broadcast %mul3A_1116 : f32 to vector<16xf32>
        %mul3A_1118 = arith.mulf %mul3A_1117, %min3A_1115 : vector<16xf32>
        %sub3A_1119 = arith.subf %abs3A_1112, %mul3A_1118 : vector<16xf32>
        %mul3A_1120 = arith.mulf %min3A_1115, %sub3A_1119 : vector<16xf32>
        %add3A_1121 = arith.addf %add3A_1094, %mul3A_1120 : vector<16xf32>
        %get3A_1122 = arith.constant 0 : i32
        %get3A_1123 = arith.constant 3 : i32
        %get3A_1124 = arith.index_cast %get3A_1122 : i32 to index
        %get3A_1125 = arith.index_cast %scan3A_121 : i32 to index
        %get3A_1126 = arith.index_cast %get3A_1123 : i32 to index
        %get3A_1127 = arith.constant 112 : index
        %get3A_1128 = tpu.vector_load %arg7[%get3A_1124, %get3A_1125, %get3A_1126, %get3A_1127] {strides = array<i32>} : memref<2x50x4x128xf32, #tpu.memory_space<vmem>>, vector<1x1x1x16xf32>,
        %get3A_1129 = vector.shape_cast %get3A_1128 : vector<1x1x1x16xf32> to vector<16xf32>
        %get3A_1130 = arith.constant 0 : i32
        %get3A_1131 = arith.constant 3 : i32
        %get3A_1132 = arith.index_cast %get3A_1130 : i32 to index
        %get3A_1133 = arith.index_cast %scan3A_121 : i32 to index
        %get3A_1134 = arith.index_cast %get3A_1131 : i32 to index
        %get3A_1135 = arith.constant 112 : index
        %get3A_1136 = tpu.vector_load %arg8[%get3A_1132, %get3A_1133, %get3A_1134, %get3A_1135] {strides = array<i32>} : memref<2x50x4x128xf32, #tpu.memory_space<vmem>>, vector<1x1x1x16xf32>,
        %get3A_1137 = vector.shape_cast %get3A_1136 : vector<1x1x1x16xf32> to vector<16xf32>
        %sub3A_1138 = arith.subf %get3A_1129, %get3A_1137 : vector<16xf32>
        %abs3A_1139 = math.absf %sub3A_1138 : vector<16xf32>
        %min3A_1140 = arith.constant 1.000000e+00 : f32
        %min3A_1141 = vector.broadcast %min3A_1140 : f32 to vector<16xf32>
        %min3A_1142 = arith.minimumf %abs3A_1139, %min3A_1141 : vector<16xf32>
        %mul3A_1143 = arith.constant 5.000000e-01 : f32
        %mul3A_1144 = vector.broadcast %mul3A_1143 : f32 to vector<16xf32>
        %mul3A_1145 = arith.mulf %mul3A_1144, %min3A_1142 : vector<16xf32>
        %sub3A_1146 = arith.subf %abs3A_1139, %mul3A_1145 : vector<16xf32>
        %mul3A_1147 = arith.mulf %min3A_1142, %sub3A_1146 : vector<16xf32>
        %add3A_1148 = arith.addf %add3A_1121, %mul3A_1147 : vector<16xf32>
        %jit3A_1149 = arith.constant 0.000000e+00 : f32
        %broadcast_in_dim3A_1150 = vector.broadcast %jit3A_1149 : f32 to vector<16xf32>
        %select_n3A_1151 = arith.select %eq3A_1035, %add3A_1148, %broadcast_in_dim3A_1150 : vector<16xi1>, vector<16xf32>
        %add3A_1152 = arith.addf %add3A_1023, %select_n3A_1151 : vector<16xf32>
        scf.yield %add3A_1152, %add3A_1041 : vector<16xf32>, vector<16xf32>
      }
      %scan3A_76 = arith.constant 50 : i32
      %jit3A_77 = arith.constant 0.000000e+00 : f32
      %broadcast_in_dim3A_78 = vector.broadcast %jit3A_77 : f32 to vector<16xf32>
      %select_n3A_79 = arith.select %lt3A_66, %scan3A_75#0, %broadcast_in_dim3A_78 : vector<16xf32>
      %add3A_80 = arith.addf %while3A_60, %select_n3A_79 : vector<16xf32>
      %jit3A_81 = arith.constant 0.000000e+00 : f32
      %broadcast_in_dim3A_82 = vector.broadcast %jit3A_81 : f32 to vector<16xf32>
      %select_n3A_83 = arith.select %lt3A_66, %scan3A_75#1, %broadcast_in_dim3A_82 : vector<16xf32>
      %add3A_84 = arith.addf %while3A_61, %select_n3A_83 : vector<16xf32>
      %add3A_85 = arith.constant 2 : i32
      %add3A_86 = arith.addi %add3A_65, %add3A_85 : i32
      %lt3A_87 = arith.cmpi slt, %add3A_86, %add3A_8 : i32
      %convert_element_type3A_88 = arith.extui %lt3A_87 : i1 to i32
      %cond3A_89 = arith.constant 0 : i32
      %cond3A_90 = arith.cmpi ne, %convert_element_type3A_88, %cond3A_89 : i32
      scf.if %cond3A_90 {
        %add3A_121 = arith.constant 2 : i32
        %add3A_122 = arith.addi %add3A_65, %add3A_121 : i32
        %add3A_123 = arith.addi %add3A_4, %add3A_122 : i32
        %mul3A_124 = arith.constant 50 : i32
        %mul3A_125 = arith.muli %add3A_123, %mul3A_124 : i32
        %add3A_126 = arith.constant 10400 : i32
        %add3A_127 = arith.addi %add3A_126, %mul3A_125 : i32
        %dma_start3A = arith.constant 0 : i32
        %dma_start3A_128 = arith.constant 0 : i32
        %dma_start3A_129 = arith.constant 0 : i32
        %dma_start3A_130 = arith.constant 0 : i32
        %dma_start3A_131 = arith.constant 0 : i32
        %dma_start3A_132 = tpu.memref_slice %arg7[%dma_start3A, %dma_start3A_129, %dma_start3A_130, %dma_start3A_131] : memref<2x50x4x128xf32, #tpu.memory_space<vmem>> -> memref<1x50x4x128xf32, #tpu.memory_space<vmem>>
        %dma_start3A_133 = tpu.memref_squeeze %dma_start3A_132 : memref<1x50x4x128xf32, #tpu.memory_space<vmem>> -> memref<50x4x128xf32, #tpu.memory_space<vmem>>
        %dma_start3A_134 = arith.constant 0 : i32
        %dma_start3A_135 = arith.constant 0 : i32
        %dma_start3A_136 = tpu.memref_slice %arg2[%add3A_127, %dma_start3A_134, %dma_start3A_135] : memref<31250x4x128xf32, #tpu.memory_space<hbm>> -> memref<50x4x128xf32, #tpu.memory_space<hbm>>
        %dma_start3A_137 = tpu.memref_slice %arg11[%dma_start3A_128] : memref<2x!tpu.dma_semaphore, #tpu.memory_space<semaphore_mem>> -> memref<1x!tpu.dma_semaphore, #tpu.memory_space<semaphore_mem>>
        %dma_start3A_138 = tpu.memref_squeeze %dma_start3A_137 : memref<1x!tpu.dma_semaphore, #tpu.memory_space<semaphore_mem>> -> memref<!tpu.dma_semaphore, #tpu.memory_space<semaphore_mem>>
        %dma_start3A_139 = arith.constant 0 : i32
        %dma_start3A_140 = arith.constant 0 : i32
        %dma_start3A_141 = arith.constant 0 : i32
        %dma_start3A_142 = tpu.memref_slice %arg7[%dma_start3A, %dma_start3A_139, %dma_start3A_140, %dma_start3A_141] : memref<2x50x4x128xf32, #tpu.memory_space<vmem>> -> memref<1x50x4x128xf32, #tpu.memory_space<vmem>>
        %dma_start3A_143 = tpu.memref_squeeze %dma_start3A_142 : memref<1x50x4x128xf32, #tpu.memory_space<vmem>> -> memref<50x4x128xf32, #tpu.memory_space<vmem>>
        %dma_start3A_144 = arith.constant 0 : i32
        %dma_start3A_145 = arith.constant 0 : i32
        %dma_start3A_146 = tpu.memref_slice %arg2[%add3A_127, %dma_start3A_144, %dma_start3A_145] : memref<31250x4x128xf32, #tpu.memory_space<hbm>> -> memref<50x4x128xf32, #tpu.memory_space<hbm>>
        tpu.enqueue_dma source(%dma_start3A_146 : memref<50x4x128xf32, #tpu.memory_space<hbm>>) target(%dma_start3A_143 : memref<50x4x128xf32, #tpu.memory_space<vmem>>) target_semaphore(%dma_start3A_138 : memref<!tpu.dma_semaphore, #tpu.memory_space<semaphore_mem>>)
        %dma_start3A_147 = arith.constant 0 : i32
        %dma_start3A_148 = arith.constant 0 : i32
        %dma_start3A_149 = arith.constant 0 : i32
        %dma_start3A_150 = arith.constant 0 : i32
        %dma_start3A_151 = arith.constant 0 : i32
        %dma_start3A_152 = tpu.memref_slice %arg8[%dma_start3A_147, %dma_start3A_149, %dma_start3A_150, %dma_start3A_151] : memref<2x50x4x128xf32, #tpu.memory_space<vmem>> -> memref<1x50x4x128xf32, #tpu.memory_space<vmem>>
        %dma_start3A_153 = tpu.memref_squeeze %dma_start3A_152 : memref<1x50x4x128xf32, #tpu.memory_space<vmem>> -> memref<50x4x128xf32, #tpu.memory_space<vmem>>
        %dma_start3A_154 = arith.constant 0 : i32
        %dma_start3A_155 = arith.constant 0 : i32
        %dma_start3A_156 = tpu.memref_slice %arg3[%add3A_127, %dma_start3A_154, %dma_start3A_155] : memref<31250x4x128xf32, #tpu.memory_space<hbm>> -> memref<50x4x128xf32, #tpu.memory_space<hbm>>
        %dma_start3A_157 = tpu.memref_slice %arg11[%dma_start3A_148] : memref<2x!tpu.dma_semaphore, #tpu.memory_space<semaphore_mem>> -> memref<1x!tpu.dma_semaphore, #tpu.memory_space<semaphore_mem>>
        %dma_start3A_158 = tpu.memref_squeeze %dma_start3A_157 : memref<1x!tpu.dma_semaphore, #tpu.memory_space<semaphore_mem>> -> memref<!tpu.dma_semaphore, #tpu.memory_space<semaphore_mem>>
        %dma_start3A_159 = arith.constant 0 : i32
        %dma_start3A_160 = arith.constant 0 : i32
        %dma_start3A_161 = arith.constant 0 : i32
        %dma_start3A_162 = tpu.memref_slice %arg8[%dma_start3A_147, %dma_start3A_159, %dma_start3A_160, %dma_start3A_161] : memref<2x50x4x128xf32, #tpu.memory_space<vmem>> -> memref<1x50x4x128xf32, #tpu.memory_space<vmem>>
        %dma_start3A_163 = tpu.memref_squeeze %dma_start3A_162 : memref<1x50x4x128xf32, #tpu.memory_space<vmem>> -> memref<50x4x128xf32, #tpu.memory_space<vmem>>
        %dma_start3A_164 = arith.constant 0 : i32
        %dma_start3A_165 = arith.constant 0 : i32
        %dma_start3A_166 = tpu.memref_slice %arg3[%add3A_127, %dma_start3A_164, %dma_start3A_165] : memref<31250x4x128xf32, #tpu.memory_space<hbm>> -> memref<50x4x128xf32, #tpu.memory_space<hbm>>
        tpu.enqueue_dma source(%dma_start3A_166 : memref<50x4x128xf32, #tpu.memory_space<hbm>>) target(%dma_start3A_163 : memref<50x4x128xf32, #tpu.memory_space<vmem>>) target_semaphore(%dma_start3A_158 : memref<!tpu.dma_semaphore, #tpu.memory_space<semaphore_mem>>)
        %mul3A_167 = arith.constant 128 : i32
        %mul3A_168 = arith.muli %add3A_127, %mul3A_167 : i32
        %dma_start3A_169 = arith.constant 0 : i32
        %dma_start3A_170 = arith.constant 0 : i32
        %dma_start3A_171 = arith.constant 0 : i32
        %dma_start3A_172 = tpu.memref_slice %arg9[%dma_start3A_169, %dma_start3A_171] : memref<2x6400xi32, #tpu.memory_space<vmem>> -> memref<1x6400xi32, #tpu.memory_space<vmem>>
        %dma_start3A_173 = tpu.memref_squeeze %dma_start3A_172 : memref<1x6400xi32, #tpu.memory_space<vmem>> -> memref<6400xi32, #tpu.memory_space<vmem>>
        %dma_start3A_174 = tpu.memref_slice %arg4[%mul3A_168] : memref<4000000xi32, #tpu.memory_space<hbm>> -> memref<6400xi32, #tpu.memory_space<hbm>>
        %dma_start3A_175 = tpu.memref_slice %arg11[%dma_start3A_170] : memref<2x!tpu.dma_semaphore, #tpu.memory_space<semaphore_mem>> -> memref<1x!tpu.dma_semaphore, #tpu.memory_space<semaphore_mem>>
        %dma_start3A_176 = tpu.memref_squeeze %dma_start3A_175 : memref<1x!tpu.dma_semaphore, #tpu.memory_space<semaphore_mem>> -> memref<!tpu.dma_semaphore, #tpu.memory_space<semaphore_mem>>
        %dma_start3A_177 = arith.constant 0 : i32
        %dma_start3A_178 = tpu.memref_slice %arg9[%dma_start3A_169, %dma_start3A_177] : memref<2x6400xi32, #tpu.memory_space<vmem>> -> memref<1x6400xi32, #tpu.memory_space<vmem>>
        %dma_start3A_179 = tpu.memref_squeeze %dma_start3A_178 : memref<1x6400xi32, #tpu.memory_space<vmem>> -> memref<6400xi32, #tpu.memory_space<vmem>>
        %dma_start3A_180 = tpu.memref_slice %arg4[%mul3A_168] : memref<4000000xi32, #tpu.memory_space<hbm>> -> memref<6400xi32, #tpu.memory_space<hbm>>
        tpu.enqueue_dma source(%dma_start3A_180 : memref<6400xi32, #tpu.memory_space<hbm>>) target(%dma_start3A_179 : memref<6400xi32, #tpu.memory_space<vmem>>) target_semaphore(%dma_start3A_176 : memref<!tpu.dma_semaphore, #tpu.memory_space<semaphore_mem>>)
      } else {
      }
      %mul3A_91 = arith.constant 2 : i32
      %mul3A_92 = arith.muli %mul3A_91, %while3A_59 : i32
      %add3A_93 = arith.constant 1 : i32
      %add3A_94 = arith.addi %mul3A_92, %add3A_93 : i32
      %lt3A_95 = arith.cmpi slt, %add3A_94, %add3A_8 : i32
      %convert_element_type3A_96 = arith.extui %lt3A_95 : i1 to i32
      %cond3A_97 = arith.constant 0 : i32
      %cond3A_98 = arith.cmpi ne, %convert_element_type3A_96, %cond3A_97 : i32
      scf.if %cond3A_98 {
        %add3A_121 = arith.addi %add3A_4, %add3A_94 : i32
        %mul3A_122 = arith.constant 50 : i32
        %mul3A_123 = arith.muli %add3A_121, %mul3A_122 : i32
        %add3A_124 = arith.constant 10400 : i32
        %add3A_125 = arith.addi %add3A_124, %mul3A_123 : i32
        %dma_wait3A = arith.constant 1 : i32
        %dma_wait3A_126 = arith.constant 1 : i32
        %dma_wait3A_127 = arith.constant 0 : i32
        %dma_wait3A_128 = arith.constant 0 : i32
        %dma_wait3A_129 = arith.constant 0 : i32
        %dma_wait3A_130 = tpu.memref_slice %arg7[%dma_wait3A, %dma_wait3A_127, %dma_wait3A_128, %dma_wait3A_129] : memref<2x50x4x128xf32, #tpu.memory_space<vmem>> -> memref<1x50x4x128xf32, #tpu.memory_space<vmem>>
        %dma_wait3A_131 = tpu.memref_squeeze %dma_wait3A_130 : memref<1x50x4x128xf32, #tpu.memory_space<vmem>> -> memref<50x4x128xf32, #tpu.memory_space<vmem>>
        %dma_wait3A_132 = arith.constant 0 : i32
        %dma_wait3A_133 = arith.constant 0 : i32
        %dma_wait3A_134 = tpu.memref_slice %arg2[%add3A_125, %dma_wait3A_132, %dma_wait3A_133] : memref<31250x4x128xf32, #tpu.memory_space<hbm>> -> memref<50x4x128xf32, #tpu.memory_space<hbm>>
        %dma_wait3A_135 = tpu.memref_slice %arg11[%dma_wait3A_126] : memref<2x!tpu.dma_semaphore, #tpu.memory_space<semaphore_mem>> -> memref<1x!tpu.dma_semaphore, #tpu.memory_space<semaphore_mem>>
        %dma_wait3A_136 = tpu.memref_squeeze %dma_wait3A_135 : memref<1x!tpu.dma_semaphore, #tpu.memory_space<semaphore_mem>> -> memref<!tpu.dma_semaphore, #tpu.memory_space<semaphore_mem>>
        %dma_wait3A_137 = arith.constant 0 : i32
        %dma_wait3A_138 = arith.constant 0 : i32
        %dma_wait3A_139 = arith.constant 0 : i32
        %dma_wait3A_140 = tpu.memref_slice %arg7[%dma_wait3A, %dma_wait3A_137, %dma_wait3A_138, %dma_wait3A_139] : memref<2x50x4x128xf32, #tpu.memory_space<vmem>> -> memref<1x50x4x128xf32, #tpu.memory_space<vmem>>
        %dma_wait3A_141 = tpu.memref_squeeze %dma_wait3A_140 : memref<1x50x4x128xf32, #tpu.memory_space<vmem>> -> memref<50x4x128xf32, #tpu.memory_space<vmem>>
        %dma_wait3A_142 = arith.constant 0 : i32
        %dma_wait3A_143 = arith.constant 0 : i32
        %dma_wait3A_144 = tpu.memref_slice %arg2[%add3A_125, %dma_wait3A_142, %dma_wait3A_143] : memref<31250x4x128xf32, #tpu.memory_space<hbm>> -> memref<50x4x128xf32, #tpu.memory_space<hbm>>
        tpu.wait_dma2 semaphore(%dma_wait3A_136 : memref<!tpu.dma_semaphore, #tpu.memory_space<semaphore_mem>>) src(%dma_wait3A_144 : memref<50x4x128xf32, #tpu.memory_space<hbm>>) dst(%dma_wait3A_141 : memref<50x4x128xf32, #tpu.memory_space<vmem>>)
        %dma_wait3A_145 = arith.constant 1 : i32
        %dma_wait3A_146 = arith.constant 1 : i32
        %dma_wait3A_147 = arith.constant 0 : i32
        %dma_wait3A_148 = arith.constant 0 : i32
        %dma_wait3A_149 = arith.constant 0 : i32
        %dma_wait3A_150 = tpu.memref_slice %arg8[%dma_wait3A_145, %dma_wait3A_147, %dma_wait3A_148, %dma_wait3A_149] : memref<2x50x4x128xf32, #tpu.memory_space<vmem>> -> memref<1x50x4x128xf32, #tpu.memory_space<vmem>>
        %dma_wait3A_151 = tpu.memref_squeeze %dma_wait3A_150 : memref<1x50x4x128xf32, #tpu.memory_space<vmem>> -> memref<50x4x128xf32, #tpu.memory_space<vmem>>
        %dma_wait3A_152 = arith.constant 0 : i32
        %dma_wait3A_153 = arith.constant 0 : i32
        %dma_wait3A_154 = tpu.memref_slice %arg3[%add3A_125, %dma_wait3A_152, %dma_wait3A_153] : memref<31250x4x128xf32, #tpu.memory_space<hbm>> -> memref<50x4x128xf32, #tpu.memory_space<hbm>>
        %dma_wait3A_155 = tpu.memref_slice %arg11[%dma_wait3A_146] : memref<2x!tpu.dma_semaphore, #tpu.memory_space<semaphore_mem>> -> memref<1x!tpu.dma_semaphore, #tpu.memory_space<semaphore_mem>>
        %dma_wait3A_156 = tpu.memref_squeeze %dma_wait3A_155 : memref<1x!tpu.dma_semaphore, #tpu.memory_space<semaphore_mem>> -> memref<!tpu.dma_semaphore, #tpu.memory_space<semaphore_mem>>
        %dma_wait3A_157 = arith.constant 0 : i32
        %dma_wait3A_158 = arith.constant 0 : i32
        %dma_wait3A_159 = arith.constant 0 : i32
        %dma_wait3A_160 = tpu.memref_slice %arg8[%dma_wait3A_145, %dma_wait3A_157, %dma_wait3A_158, %dma_wait3A_159] : memref<2x50x4x128xf32, #tpu.memory_space<vmem>> -> memref<1x50x4x128xf32, #tpu.memory_space<vmem>>
        %dma_wait3A_161 = tpu.memref_squeeze %dma_wait3A_160 : memref<1x50x4x128xf32, #tpu.memory_space<vmem>> -> memref<50x4x128xf32, #tpu.memory_space<vmem>>
        %dma_wait3A_162 = arith.constant 0 : i32
        %dma_wait3A_163 = arith.constant 0 : i32
        %dma_wait3A_164 = tpu.memref_slice %arg3[%add3A_125, %dma_wait3A_162, %dma_wait3A_163] : memref<31250x4x128xf32, #tpu.memory_space<hbm>> -> memref<50x4x128xf32, #tpu.memory_space<hbm>>
        tpu.wait_dma2 semaphore(%dma_wait3A_156 : memref<!tpu.dma_semaphore, #tpu.memory_space<semaphore_mem>>) src(%dma_wait3A_164 : memref<50x4x128xf32, #tpu.memory_space<hbm>>) dst(%dma_wait3A_161 : memref<50x4x128xf32, #tpu.memory_space<vmem>>)
        %mul3A_165 = arith.constant 128 : i32
        %mul3A_166 = arith.muli %add3A_125, %mul3A_165 : i32
        %dma_wait3A_167 = arith.constant 1 : i32
        %dma_wait3A_168 = arith.constant 1 : i32
        %dma_wait3A_169 = arith.constant 0 : i32
        %dma_wait3A_170 = tpu.memref_slice %arg9[%dma_wait3A_167, %dma_wait3A_169] : memref<2x6400xi32, #tpu.memory_space<vmem>> -> memref<1x6400xi32, #tpu.memory_space<vmem>>
        %dma_wait3A_171 = tpu.memref_squeeze %dma_wait3A_170 : memref<1x6400xi32, #tpu.memory_space<vmem>> -> memref<6400xi32, #tpu.memory_space<vmem>>
        %dma_wait3A_172 = tpu.memref_slice %arg4[%mul3A_166] : memref<4000000xi32, #tpu.memory_space<hbm>> -> memref<6400xi32, #tpu.memory_space<hbm>>
        %dma_wait3A_173 = tpu.memref_slice %arg11[%dma_wait3A_168] : memref<2x!tpu.dma_semaphore, #tpu.memory_space<semaphore_mem>> -> memref<1x!tpu.dma_semaphore, #tpu.memory_space<semaphore_mem>>
        %dma_wait3A_174 = tpu.memref_squeeze %dma_wait3A_173 : memref<1x!tpu.dma_semaphore, #tpu.memory_space<semaphore_mem>> -> memref<!tpu.dma_semaphore, #tpu.memory_space<semaphore_mem>>
        %dma_wait3A_175 = arith.constant 0 : i32
        %dma_wait3A_176 = tpu.memref_slice %arg9[%dma_wait3A_167, %dma_wait3A_175] : memref<2x6400xi32, #tpu.memory_space<vmem>> -> memref<1x6400xi32, #tpu.memory_space<vmem>>
        %dma_wait3A_177 = tpu.memref_squeeze %dma_wait3A_176 : memref<1x6400xi32, #tpu.memory_space<vmem>> -> memref<6400xi32, #tpu.memory_space<vmem>>
        %dma_wait3A_178 = tpu.memref_slice %arg4[%mul3A_166] : memref<4000000xi32, #tpu.memory_space<hbm>> -> memref<6400xi32, #tpu.memory_space<hbm>>
        tpu.wait_dma2 semaphore(%dma_wait3A_174 : memref<!tpu.dma_semaphore, #tpu.memory_space<semaphore_mem>>) src(%dma_wait3A_178 : memref<6400xi32, #tpu.memory_space<hbm>>) dst(%dma_wait3A_177 : memref<6400xi32, #tpu.memory_space<vmem>>)
      } else {
      }
      %broadcast_in_dim3A_99 = arith.constant 0.000000e+00 : f32
      %broadcast_in_dim3A_100 = vector.broadcast %broadcast_in_dim3A_99 : f32 to vector<16xf32>
      %scan3A_101 = arith.constant 0 : i32
      %scan3A_102 = arith.constant 50 : i32
      %scan3A_103 = arith.addi %scan3A_101, %scan3A_102 : i32
      %scan3A_104 = arith.constant 1 : i32
      %scan3A_105:2 = scf.for %scan3A_121 = %scan3A_101 to %scan3A_103 step %scan3A_104 iter_args(%scan3A_122 = %broadcast_in_dim3A_100, %scan3A_123 = %broadcast_in_dim3A_100) -> (vector<16xf32>, vector<16xf32>)  : i32 {
        %mul3A_124 = arith.constant 128 : i32
        %mul3A_125 = arith.muli %scan3A_121, %mul3A_124 : i32
        %add3A_126 = arith.constant 0 : i32
        %add3A_127 = arith.addi %mul3A_125, %add3A_126 : i32
        %get3A = arith.constant 1 : i32
        %get3A_128 = arith.index_cast %get3A : i32 to index
        %get3A_129 = arith.index_cast %add3A_127 : i32 to index
        %get3A_130 = tpu.vector_load %arg9[%get3A_128, %get3A_129] {strides = array<i32>} : memref<2x6400xi32, #tpu.memory_space<vmem>>, vector<1x16xi32>,
        %get3A_131 = vector.shape_cast %get3A_130 : vector<1x16xi32> to vector<16xi32>
        %eq3A = arith.constant 1 : i32
        %eq3A_132 = vector.broadcast %eq3A : i32 to vector<16xi32>
        %eq3A_133 = arith.cmpi eq, %get3A_131, %eq3A_132 : vector<16xi32>
        %jit3A_134 = arith.constant 1.000000e+00 : f32
        %jit3A_135 = arith.constant 0.000000e+00 : f32
        %broadcast_in_dim3A_136 = vector.broadcast %jit3A_134 : f32 to vector<16xf32>
        %broadcast_in_dim3A_137 = vector.broadcast %jit3A_135 : f32 to vector<16xf32>
        %select_n3A_138 = arith.select %eq3A_133, %broadcast_in_dim3A_136, %broadcast_in_dim3A_137 : vector<16xi1>, vector<16xf32>
        %add3A_139 = arith.addf %scan3A_123, %select_n3A_138 : vector<16xf32>
        %get3A_140 = arith.constant 1 : i32
        %get3A_141 = arith.constant 0 : i32
        %get3A_142 = arith.index_cast %get3A_140 : i32 to index
        %get3A_143 = arith.index_cast %scan3A_121 : i32 to index
        %get3A_144 = arith.index_cast %get3A_141 : i32 to index
        %get3A_145 = arith.constant 0 : index
        %get3A_146 = tpu.vector_load %arg7[%get3A_142, %get3A_143, %get3A_144, %get3A_145] {strides = array<i32>} : memref<2x50x4x128xf32, #tpu.memory_space<vmem>>, vector<1x1x1x16xf32>,
        %get3A_147 = vector.shape_cast %get3A_146 : vector<1x1x1x16xf32> to vector<16xf32>
        %get3A_148 = arith.constant 1 : i32
        %get3A_149 = arith.constant 0 : i32
        %get3A_150 = arith.index_cast %get3A_148 : i32 to index
        %get3A_151 = arith.index_cast %scan3A_121 : i32 to index
        %get3A_152 = arith.index_cast %get3A_149 : i32 to index
        %get3A_153 = arith.constant 0 : index
        %get3A_154 = tpu.vector_load %arg8[%get3A_150, %get3A_151, %get3A_152, %get3A_153] {strides = array<i32>} : memref<2x50x4x128xf32, #tpu.memory_space<vmem>>, vector<1x1x1x16xf32>,
        %get3A_155 = vector.shape_cast %get3A_154 : vector<1x1x1x16xf32> to vector<16xf32>
        %sub3A_156 = arith.subf %get3A_147, %get3A_155 : vector<16xf32>
        %abs3A = math.absf %sub3A_156 : vector<16xf32>
        %min3A_157 = arith.constant 1.000000e+00 : f32
        %min3A_158 = vector.broadcast %min3A_157 : f32 to vector<16xf32>
        %min3A_159 = arith.minimumf %abs3A, %min3A_158 : vector<16xf32>
        %mul3A_160 = arith.constant 5.000000e-01 : f32
        %mul3A_161 = vector.broadcast %mul3A_160 : f32 to vector<16xf32>
        %mul3A_162 = arith.mulf %mul3A_161, %min3A_159 : vector<16xf32>
        %sub3A_163 = arith.subf %abs3A, %mul3A_162 : vector<16xf32>
        %mul3A_164 = arith.mulf %min3A_159, %sub3A_163 : vector<16xf32>
        %get3A_165 = arith.constant 1 : i32
        %get3A_166 = arith.constant 1 : i32
        %get3A_167 = arith.index_cast %get3A_165 : i32 to index
        %get3A_168 = arith.index_cast %scan3A_121 : i32 to index
        %get3A_169 = arith.index_cast %get3A_166 : i32 to index
        %get3A_170 = arith.constant 0 : index
        %get3A_171 = tpu.vector_load %arg7[%get3A_167, %get3A_168, %get3A_169, %get3A_170] {strides = array<i32>} : memref<2x50x4x128xf32, #tpu.memory_space<vmem>>, vector<1x1x1x16xf32>,
        %get3A_172 = vector.shape_cast %get3A_171 : vector<1x1x1x16xf32> to vector<16xf32>
        %get3A_173 = arith.constant 1 : i32
        %get3A_174 = arith.constant 1 : i32
        %get3A_175 = arith.index_cast %get3A_173 : i32 to index
        %get3A_176 = arith.index_cast %scan3A_121 : i32 to index
        %get3A_177 = arith.index_cast %get3A_174 : i32 to index
        %get3A_178 = arith.constant 0 : index
        %get3A_179 = tpu.vector_load %arg8[%get3A_175, %get3A_176, %get3A_177, %get3A_178] {strides = array<i32>} : memref<2x50x4x128xf32, #tpu.memory_space<vmem>>, vector<1x1x1x16xf32>,
        %get3A_180 = vector.shape_cast %get3A_179 : vector<1x1x1x16xf32> to vector<16xf32>
        %sub3A_181 = arith.subf %get3A_172, %get3A_180 : vector<16xf32>
        %abs3A_182 = math.absf %sub3A_181 : vector<16xf32>
        %min3A_183 = arith.constant 1.000000e+00 : f32
        %min3A_184 = vector.broadcast %min3A_183 : f32 to vector<16xf32>
        %min3A_185 = arith.minimumf %abs3A_182, %min3A_184 : vector<16xf32>
        %mul3A_186 = arith.constant 5.000000e-01 : f32
        %mul3A_187 = vector.broadcast %mul3A_186 : f32 to vector<16xf32>
        %mul3A_188 = arith.mulf %mul3A_187, %min3A_185 : vector<16xf32>
        %sub3A_189 = arith.subf %abs3A_182, %mul3A_188 : vector<16xf32>
        %mul3A_190 = arith.mulf %min3A_185, %sub3A_189 : vector<16xf32>
        %add3A_191 = arith.addf %mul3A_164, %mul3A_190 : vector<16xf32>
        %get3A_192 = arith.constant 1 : i32
        %get3A_193 = arith.constant 2 : i32
        %get3A_194 = arith.index_cast %get3A_192 : i32 to index
        %get3A_195 = arith.index_cast %scan3A_121 : i32 to index
        %get3A_196 = arith.index_cast %get3A_193 : i32 to index
        %get3A_197 = arith.constant 0 : index
        %get3A_198 = tpu.vector_load %arg7[%get3A_194, %get3A_195, %get3A_196, %get3A_197] {strides = array<i32>} : memref<2x50x4x128xf32, #tpu.memory_space<vmem>>, vector<1x1x1x16xf32>,
        %get3A_199 = vector.shape_cast %get3A_198 : vector<1x1x1x16xf32> to vector<16xf32>
        %get3A_200 = arith.constant 1 : i32
        %get3A_201 = arith.constant 2 : i32
        %get3A_202 = arith.index_cast %get3A_200 : i32 to index
        %get3A_203 = arith.index_cast %scan3A_121 : i32 to index
        %get3A_204 = arith.index_cast %get3A_201 : i32 to index
        %get3A_205 = arith.constant 0 : index
        %get3A_206 = tpu.vector_load %arg8[%get3A_202, %get3A_203, %get3A_204, %get3A_205] {strides = array<i32>} : memref<2x50x4x128xf32, #tpu.memory_space<vmem>>, vector<1x1x1x16xf32>,
        %get3A_207 = vector.shape_cast %get3A_206 : vector<1x1x1x16xf32> to vector<16xf32>
        %sub3A_208 = arith.subf %get3A_199, %get3A_207 : vector<16xf32>
        %abs3A_209 = math.absf %sub3A_208 : vector<16xf32>
        %min3A_210 = arith.constant 1.000000e+00 : f32
        %min3A_211 = vector.broadcast %min3A_210 : f32 to vector<16xf32>
        %min3A_212 = arith.minimumf %abs3A_209, %min3A_211 : vector<16xf32>
        %mul3A_213 = arith.constant 5.000000e-01 : f32
        %mul3A_214 = vector.broadcast %mul3A_213 : f32 to vector<16xf32>
        %mul3A_215 = arith.mulf %mul3A_214, %min3A_212 : vector<16xf32>
        %sub3A_216 = arith.subf %abs3A_209, %mul3A_215 : vector<16xf32>
        %mul3A_217 = arith.mulf %min3A_212, %sub3A_216 : vector<16xf32>
        %add3A_218 = arith.addf %add3A_191, %mul3A_217 : vector<16xf32>
        %get3A_219 = arith.constant 1 : i32
        %get3A_220 = arith.constant 3 : i32
        %get3A_221 = arith.index_cast %get3A_219 : i32 to index
        %get3A_222 = arith.index_cast %scan3A_121 : i32 to index
        %get3A_223 = arith.index_cast %get3A_220 : i32 to index
        %get3A_224 = arith.constant 0 : index
        %get3A_225 = tpu.vector_load %arg7[%get3A_221, %get3A_222, %get3A_223, %get3A_224] {strides = array<i32>} : memref<2x50x4x128xf32, #tpu.memory_space<vmem>>, vector<1x1x1x16xf32>,
        %get3A_226 = vector.shape_cast %get3A_225 : vector<1x1x1x16xf32> to vector<16xf32>
        %get3A_227 = arith.constant 1 : i32
        %get3A_228 = arith.constant 3 : i32
        %get3A_229 = arith.index_cast %get3A_227 : i32 to index
        %get3A_230 = arith.index_cast %scan3A_121 : i32 to index
        %get3A_231 = arith.index_cast %get3A_228 : i32 to index
        %get3A_232 = arith.constant 0 : index
        %get3A_233 = tpu.vector_load %arg8[%get3A_229, %get3A_230, %get3A_231, %get3A_232] {strides = array<i32>} : memref<2x50x4x128xf32, #tpu.memory_space<vmem>>, vector<1x1x1x16xf32>,
        %get3A_234 = vector.shape_cast %get3A_233 : vector<1x1x1x16xf32> to vector<16xf32>
        %sub3A_235 = arith.subf %get3A_226, %get3A_234 : vector<16xf32>
        %abs3A_236 = math.absf %sub3A_235 : vector<16xf32>
        %min3A_237 = arith.constant 1.000000e+00 : f32
        %min3A_238 = vector.broadcast %min3A_237 : f32 to vector<16xf32>
        %min3A_239 = arith.minimumf %abs3A_236, %min3A_238 : vector<16xf32>
        %mul3A_240 = arith.constant 5.000000e-01 : f32
        %mul3A_241 = vector.broadcast %mul3A_240 : f32 to vector<16xf32>
        %mul3A_242 = arith.mulf %mul3A_241, %min3A_239 : vector<16xf32>
        %sub3A_243 = arith.subf %abs3A_236, %mul3A_242 : vector<16xf32>
        %mul3A_244 = arith.mulf %min3A_239, %sub3A_243 : vector<16xf32>
        %add3A_245 = arith.addf %add3A_218, %mul3A_244 : vector<16xf32>
        %jit3A_246 = arith.constant 0.000000e+00 : f32
        %broadcast_in_dim3A_247 = vector.broadcast %jit3A_246 : f32 to vector<16xf32>
        %select_n3A_248 = arith.select %eq3A_133, %add3A_245, %broadcast_in_dim3A_247 : vector<16xi1>, vector<16xf32>
        %add3A_249 = arith.addf %scan3A_122, %select_n3A_248 : vector<16xf32>
        %mul3A_250 = arith.constant 128 : i32
        %mul3A_251 = arith.muli %scan3A_121, %mul3A_250 : i32
        %add3A_252 = arith.constant 16 : i32
        %add3A_253 = arith.addi %mul3A_251, %add3A_252 : i32
        %get3A_254 = arith.constant 1 : i32
        %get3A_255 = arith.index_cast %get3A_254 : i32 to index
        %get3A_256 = arith.index_cast %add3A_253 : i32 to index
        %get3A_257 = tpu.vector_load %arg9[%get3A_255, %get3A_256] {strides = array<i32>} : memref<2x6400xi32, #tpu.memory_space<vmem>>, vector<1x16xi32>,
        %get3A_258 = vector.shape_cast %get3A_257 : vector<1x16xi32> to vector<16xi32>
        %eq3A_259 = arith.constant 1 : i32
        %eq3A_260 = vector.broadcast %eq3A_259 : i32 to vector<16xi32>
        %eq3A_261 = arith.cmpi eq, %get3A_258, %eq3A_260 : vector<16xi32>
        %jit3A_262 = arith.constant 1.000000e+00 : f32
        %jit3A_263 = arith.constant 0.000000e+00 : f32
        %broadcast_in_dim3A_264 = vector.broadcast %jit3A_262 : f32 to vector<16xf32>
        %broadcast_in_dim3A_265 = vector.broadcast %jit3A_263 : f32 to vector<16xf32>
        %select_n3A_266 = arith.select %eq3A_261, %broadcast_in_dim3A_264, %broadcast_in_dim3A_265 : vector<16xi1>, vector<16xf32>
        %add3A_267 = arith.addf %add3A_139, %select_n3A_266 : vector<16xf32>
        %get3A_268 = arith.constant 1 : i32
        %get3A_269 = arith.constant 0 : i32
        %get3A_270 = arith.index_cast %get3A_268 : i32 to index
        %get3A_271 = arith.index_cast %scan3A_121 : i32 to index
        %get3A_272 = arith.index_cast %get3A_269 : i32 to index
        %get3A_273 = arith.constant 16 : index
        %get3A_274 = tpu.vector_load %arg7[%get3A_270, %get3A_271, %get3A_272, %get3A_273] {strides = array<i32>} : memref<2x50x4x128xf32, #tpu.memory_space<vmem>>, vector<1x1x1x16xf32>,
        %get3A_275 = vector.shape_cast %get3A_274 : vector<1x1x1x16xf32> to vector<16xf32>
        %get3A_276 = arith.constant 1 : i32
        %get3A_277 = arith.constant 0 : i32
        %get3A_278 = arith.index_cast %get3A_276 : i32 to index
        %get3A_279 = arith.index_cast %scan3A_121 : i32 to index
        %get3A_280 = arith.index_cast %get3A_277 : i32 to index
        %get3A_281 = arith.constant 16 : index
        %get3A_282 = tpu.vector_load %arg8[%get3A_278, %get3A_279, %get3A_280, %get3A_281] {strides = array<i32>} : memref<2x50x4x128xf32, #tpu.memory_space<vmem>>, vector<1x1x1x16xf32>,
        %get3A_283 = vector.shape_cast %get3A_282 : vector<1x1x1x16xf32> to vector<16xf32>
        %sub3A_284 = arith.subf %get3A_275, %get3A_283 : vector<16xf32>
        %abs3A_285 = math.absf %sub3A_284 : vector<16xf32>
        %min3A_286 = arith.constant 1.000000e+00 : f32
        %min3A_287 = vector.broadcast %min3A_286 : f32 to vector<16xf32>
        %min3A_288 = arith.minimumf %abs3A_285, %min3A_287 : vector<16xf32>
        %mul3A_289 = arith.constant 5.000000e-01 : f32
        %mul3A_290 = vector.broadcast %mul3A_289 : f32 to vector<16xf32>
        %mul3A_291 = arith.mulf %mul3A_290, %min3A_288 : vector<16xf32>
        %sub3A_292 = arith.subf %abs3A_285, %mul3A_291 : vector<16xf32>
        %mul3A_293 = arith.mulf %min3A_288, %sub3A_292 : vector<16xf32>
        %get3A_294 = arith.constant 1 : i32
        %get3A_295 = arith.constant 1 : i32
        %get3A_296 = arith.index_cast %get3A_294 : i32 to index
        %get3A_297 = arith.index_cast %scan3A_121 : i32 to index
        %get3A_298 = arith.index_cast %get3A_295 : i32 to index
        %get3A_299 = arith.constant 16 : index
        %get3A_300 = tpu.vector_load %arg7[%get3A_296, %get3A_297, %get3A_298, %get3A_299] {strides = array<i32>} : memref<2x50x4x128xf32, #tpu.memory_space<vmem>>, vector<1x1x1x16xf32>,
        %get3A_301 = vector.shape_cast %get3A_300 : vector<1x1x1x16xf32> to vector<16xf32>
        %get3A_302 = arith.constant 1 : i32
        %get3A_303 = arith.constant 1 : i32
        %get3A_304 = arith.index_cast %get3A_302 : i32 to index
        %get3A_305 = arith.index_cast %scan3A_121 : i32 to index
        %get3A_306 = arith.index_cast %get3A_303 : i32 to index
        %get3A_307 = arith.constant 16 : index
        %get3A_308 = tpu.vector_load %arg8[%get3A_304, %get3A_305, %get3A_306, %get3A_307] {strides = array<i32>} : memref<2x50x4x128xf32, #tpu.memory_space<vmem>>, vector<1x1x1x16xf32>,
        %get3A_309 = vector.shape_cast %get3A_308 : vector<1x1x1x16xf32> to vector<16xf32>
        %sub3A_310 = arith.subf %get3A_301, %get3A_309 : vector<16xf32>
        %abs3A_311 = math.absf %sub3A_310 : vector<16xf32>
        %min3A_312 = arith.constant 1.000000e+00 : f32
        %min3A_313 = vector.broadcast %min3A_312 : f32 to vector<16xf32>
        %min3A_314 = arith.minimumf %abs3A_311, %min3A_313 : vector<16xf32>
        %mul3A_315 = arith.constant 5.000000e-01 : f32
        %mul3A_316 = vector.broadcast %mul3A_315 : f32 to vector<16xf32>
        %mul3A_317 = arith.mulf %mul3A_316, %min3A_314 : vector<16xf32>
        %sub3A_318 = arith.subf %abs3A_311, %mul3A_317 : vector<16xf32>
        %mul3A_319 = arith.mulf %min3A_314, %sub3A_318 : vector<16xf32>
        %add3A_320 = arith.addf %mul3A_293, %mul3A_319 : vector<16xf32>
        %get3A_321 = arith.constant 1 : i32
        %get3A_322 = arith.constant 2 : i32
        %get3A_323 = arith.index_cast %get3A_321 : i32 to index
        %get3A_324 = arith.index_cast %scan3A_121 : i32 to index
        %get3A_325 = arith.index_cast %get3A_322 : i32 to index
        %get3A_326 = arith.constant 16 : index
        %get3A_327 = tpu.vector_load %arg7[%get3A_323, %get3A_324, %get3A_325, %get3A_326] {strides = array<i32>} : memref<2x50x4x128xf32, #tpu.memory_space<vmem>>, vector<1x1x1x16xf32>,
        %get3A_328 = vector.shape_cast %get3A_327 : vector<1x1x1x16xf32> to vector<16xf32>
        %get3A_329 = arith.constant 1 : i32
        %get3A_330 = arith.constant 2 : i32
        %get3A_331 = arith.index_cast %get3A_329 : i32 to index
        %get3A_332 = arith.index_cast %scan3A_121 : i32 to index
        %get3A_333 = arith.index_cast %get3A_330 : i32 to index
        %get3A_334 = arith.constant 16 : index
        %get3A_335 = tpu.vector_load %arg8[%get3A_331, %get3A_332, %get3A_333, %get3A_334] {strides = array<i32>} : memref<2x50x4x128xf32, #tpu.memory_space<vmem>>, vector<1x1x1x16xf32>,
        %get3A_336 = vector.shape_cast %get3A_335 : vector<1x1x1x16xf32> to vector<16xf32>
        %sub3A_337 = arith.subf %get3A_328, %get3A_336 : vector<16xf32>
        %abs3A_338 = math.absf %sub3A_337 : vector<16xf32>
        %min3A_339 = arith.constant 1.000000e+00 : f32
        %min3A_340 = vector.broadcast %min3A_339 : f32 to vector<16xf32>
        %min3A_341 = arith.minimumf %abs3A_338, %min3A_340 : vector<16xf32>
        %mul3A_342 = arith.constant 5.000000e-01 : f32
        %mul3A_343 = vector.broadcast %mul3A_342 : f32 to vector<16xf32>
        %mul3A_344 = arith.mulf %mul3A_343, %min3A_341 : vector<16xf32>
        %sub3A_345 = arith.subf %abs3A_338, %mul3A_344 : vector<16xf32>
        %mul3A_346 = arith.mulf %min3A_341, %sub3A_345 : vector<16xf32>
        %add3A_347 = arith.addf %add3A_320, %mul3A_346 : vector<16xf32>
        %get3A_348 = arith.constant 1 : i32
        %get3A_349 = arith.constant 3 : i32
        %get3A_350 = arith.index_cast %get3A_348 : i32 to index
        %get3A_351 = arith.index_cast %scan3A_121 : i32 to index
        %get3A_352 = arith.index_cast %get3A_349 : i32 to index
        %get3A_353 = arith.constant 16 : index
        %get3A_354 = tpu.vector_load %arg7[%get3A_350, %get3A_351, %get3A_352, %get3A_353] {strides = array<i32>} : memref<2x50x4x128xf32, #tpu.memory_space<vmem>>, vector<1x1x1x16xf32>,
        %get3A_355 = vector.shape_cast %get3A_354 : vector<1x1x1x16xf32> to vector<16xf32>
        %get3A_356 = arith.constant 1 : i32
        %get3A_357 = arith.constant 3 : i32
        %get3A_358 = arith.index_cast %get3A_356 : i32 to index
        %get3A_359 = arith.index_cast %scan3A_121 : i32 to index
        %get3A_360 = arith.index_cast %get3A_357 : i32 to index
        %get3A_361 = arith.constant 16 : index
        %get3A_362 = tpu.vector_load %arg8[%get3A_358, %get3A_359, %get3A_360, %get3A_361] {strides = array<i32>} : memref<2x50x4x128xf32, #tpu.memory_space<vmem>>, vector<1x1x1x16xf32>,
        %get3A_363 = vector.shape_cast %get3A_362 : vector<1x1x1x16xf32> to vector<16xf32>
        %sub3A_364 = arith.subf %get3A_355, %get3A_363 : vector<16xf32>
        %abs3A_365 = math.absf %sub3A_364 : vector<16xf32>
        %min3A_366 = arith.constant 1.000000e+00 : f32
        %min3A_367 = vector.broadcast %min3A_366 : f32 to vector<16xf32>
        %min3A_368 = arith.minimumf %abs3A_365, %min3A_367 : vector<16xf32>
        %mul3A_369 = arith.constant 5.000000e-01 : f32
        %mul3A_370 = vector.broadcast %mul3A_369 : f32 to vector<16xf32>
        %mul3A_371 = arith.mulf %mul3A_370, %min3A_368 : vector<16xf32>
        %sub3A_372 = arith.subf %abs3A_365, %mul3A_371 : vector<16xf32>
        %mul3A_373 = arith.mulf %min3A_368, %sub3A_372 : vector<16xf32>
        %add3A_374 = arith.addf %add3A_347, %mul3A_373 : vector<16xf32>
        %jit3A_375 = arith.constant 0.000000e+00 : f32
        %broadcast_in_dim3A_376 = vector.broadcast %jit3A_375 : f32 to vector<16xf32>
        %select_n3A_377 = arith.select %eq3A_261, %add3A_374, %broadcast_in_dim3A_376 : vector<16xi1>, vector<16xf32>
        %add3A_378 = arith.addf %add3A_249, %select_n3A_377 : vector<16xf32>
        %mul3A_379 = arith.constant 128 : i32
        %mul3A_380 = arith.muli %scan3A_121, %mul3A_379 : i32
        %add3A_381 = arith.constant 32 : i32
        %add3A_382 = arith.addi %mul3A_380, %add3A_381 : i32
        %get3A_383 = arith.constant 1 : i32
        %get3A_384 = arith.index_cast %get3A_383 : i32 to index
        %get3A_385 = arith.index_cast %add3A_382 : i32 to index
        %get3A_386 = tpu.vector_load %arg9[%get3A_384, %get3A_385] {strides = array<i32>} : memref<2x6400xi32, #tpu.memory_space<vmem>>, vector<1x16xi32>,
        %get3A_387 = vector.shape_cast %get3A_386 : vector<1x16xi32> to vector<16xi32>
        %eq3A_388 = arith.constant 1 : i32
        %eq3A_389 = vector.broadcast %eq3A_388 : i32 to vector<16xi32>
        %eq3A_390 = arith.cmpi eq, %get3A_387, %eq3A_389 : vector<16xi32>
        %jit3A_391 = arith.constant 1.000000e+00 : f32
        %jit3A_392 = arith.constant 0.000000e+00 : f32
        %broadcast_in_dim3A_393 = vector.broadcast %jit3A_391 : f32 to vector<16xf32>
        %broadcast_in_dim3A_394 = vector.broadcast %jit3A_392 : f32 to vector<16xf32>
        %select_n3A_395 = arith.select %eq3A_390, %broadcast_in_dim3A_393, %broadcast_in_dim3A_394 : vector<16xi1>, vector<16xf32>
        %add3A_396 = arith.addf %add3A_267, %select_n3A_395 : vector<16xf32>
        %get3A_397 = arith.constant 1 : i32
        %get3A_398 = arith.constant 0 : i32
        %get3A_399 = arith.index_cast %get3A_397 : i32 to index
        %get3A_400 = arith.index_cast %scan3A_121 : i32 to index
        %get3A_401 = arith.index_cast %get3A_398 : i32 to index
        %get3A_402 = arith.constant 32 : index
        %get3A_403 = tpu.vector_load %arg7[%get3A_399, %get3A_400, %get3A_401, %get3A_402] {strides = array<i32>} : memref<2x50x4x128xf32, #tpu.memory_space<vmem>>, vector<1x1x1x16xf32>,
        %get3A_404 = vector.shape_cast %get3A_403 : vector<1x1x1x16xf32> to vector<16xf32>
        %get3A_405 = arith.constant 1 : i32
        %get3A_406 = arith.constant 0 : i32
        %get3A_407 = arith.index_cast %get3A_405 : i32 to index
        %get3A_408 = arith.index_cast %scan3A_121 : i32 to index
        %get3A_409 = arith.index_cast %get3A_406 : i32 to index
        %get3A_410 = arith.constant 32 : index
        %get3A_411 = tpu.vector_load %arg8[%get3A_407, %get3A_408, %get3A_409, %get3A_410] {strides = array<i32>} : memref<2x50x4x128xf32, #tpu.memory_space<vmem>>, vector<1x1x1x16xf32>,
        %get3A_412 = vector.shape_cast %get3A_411 : vector<1x1x1x16xf32> to vector<16xf32>
        %sub3A_413 = arith.subf %get3A_404, %get3A_412 : vector<16xf32>
        %abs3A_414 = math.absf %sub3A_413 : vector<16xf32>
        %min3A_415 = arith.constant 1.000000e+00 : f32
        %min3A_416 = vector.broadcast %min3A_415 : f32 to vector<16xf32>
        %min3A_417 = arith.minimumf %abs3A_414, %min3A_416 : vector<16xf32>
        %mul3A_418 = arith.constant 5.000000e-01 : f32
        %mul3A_419 = vector.broadcast %mul3A_418 : f32 to vector<16xf32>
        %mul3A_420 = arith.mulf %mul3A_419, %min3A_417 : vector<16xf32>
        %sub3A_421 = arith.subf %abs3A_414, %mul3A_420 : vector<16xf32>
        %mul3A_422 = arith.mulf %min3A_417, %sub3A_421 : vector<16xf32>
        %get3A_423 = arith.constant 1 : i32
        %get3A_424 = arith.constant 1 : i32
        %get3A_425 = arith.index_cast %get3A_423 : i32 to index
        %get3A_426 = arith.index_cast %scan3A_121 : i32 to index
        %get3A_427 = arith.index_cast %get3A_424 : i32 to index
        %get3A_428 = arith.constant 32 : index
        %get3A_429 = tpu.vector_load %arg7[%get3A_425, %get3A_426, %get3A_427, %get3A_428] {strides = array<i32>} : memref<2x50x4x128xf32, #tpu.memory_space<vmem>>, vector<1x1x1x16xf32>,
        %get3A_430 = vector.shape_cast %get3A_429 : vector<1x1x1x16xf32> to vector<16xf32>
        %get3A_431 = arith.constant 1 : i32
        %get3A_432 = arith.constant 1 : i32
        %get3A_433 = arith.index_cast %get3A_431 : i32 to index
        %get3A_434 = arith.index_cast %scan3A_121 : i32 to index
        %get3A_435 = arith.index_cast %get3A_432 : i32 to index
        %get3A_436 = arith.constant 32 : index
        %get3A_437 = tpu.vector_load %arg8[%get3A_433, %get3A_434, %get3A_435, %get3A_436] {strides = array<i32>} : memref<2x50x4x128xf32, #tpu.memory_space<vmem>>, vector<1x1x1x16xf32>,
        %get3A_438 = vector.shape_cast %get3A_437 : vector<1x1x1x16xf32> to vector<16xf32>
        %sub3A_439 = arith.subf %get3A_430, %get3A_438 : vector<16xf32>
        %abs3A_440 = math.absf %sub3A_439 : vector<16xf32>
        %min3A_441 = arith.constant 1.000000e+00 : f32
        %min3A_442 = vector.broadcast %min3A_441 : f32 to vector<16xf32>
        %min3A_443 = arith.minimumf %abs3A_440, %min3A_442 : vector<16xf32>
        %mul3A_444 = arith.constant 5.000000e-01 : f32
        %mul3A_445 = vector.broadcast %mul3A_444 : f32 to vector<16xf32>
        %mul3A_446 = arith.mulf %mul3A_445, %min3A_443 : vector<16xf32>
        %sub3A_447 = arith.subf %abs3A_440, %mul3A_446 : vector<16xf32>
        %mul3A_448 = arith.mulf %min3A_443, %sub3A_447 : vector<16xf32>
        %add3A_449 = arith.addf %mul3A_422, %mul3A_448 : vector<16xf32>
        %get3A_450 = arith.constant 1 : i32
        %get3A_451 = arith.constant 2 : i32
        %get3A_452 = arith.index_cast %get3A_450 : i32 to index
        %get3A_453 = arith.index_cast %scan3A_121 : i32 to index
        %get3A_454 = arith.index_cast %get3A_451 : i32 to index
        %get3A_455 = arith.constant 32 : index
        %get3A_456 = tpu.vector_load %arg7[%get3A_452, %get3A_453, %get3A_454, %get3A_455] {strides = array<i32>} : memref<2x50x4x128xf32, #tpu.memory_space<vmem>>, vector<1x1x1x16xf32>,
        %get3A_457 = vector.shape_cast %get3A_456 : vector<1x1x1x16xf32> to vector<16xf32>
        %get3A_458 = arith.constant 1 : i32
        %get3A_459 = arith.constant 2 : i32
        %get3A_460 = arith.index_cast %get3A_458 : i32 to index
        %get3A_461 = arith.index_cast %scan3A_121 : i32 to index
        %get3A_462 = arith.index_cast %get3A_459 : i32 to index
        %get3A_463 = arith.constant 32 : index
        %get3A_464 = tpu.vector_load %arg8[%get3A_460, %get3A_461, %get3A_462, %get3A_463] {strides = array<i32>} : memref<2x50x4x128xf32, #tpu.memory_space<vmem>>, vector<1x1x1x16xf32>,
        %get3A_465 = vector.shape_cast %get3A_464 : vector<1x1x1x16xf32> to vector<16xf32>
        %sub3A_466 = arith.subf %get3A_457, %get3A_465 : vector<16xf32>
        %abs3A_467 = math.absf %sub3A_466 : vector<16xf32>
        %min3A_468 = arith.constant 1.000000e+00 : f32
        %min3A_469 = vector.broadcast %min3A_468 : f32 to vector<16xf32>
        %min3A_470 = arith.minimumf %abs3A_467, %min3A_469 : vector<16xf32>
        %mul3A_471 = arith.constant 5.000000e-01 : f32
        %mul3A_472 = vector.broadcast %mul3A_471 : f32 to vector<16xf32>
        %mul3A_473 = arith.mulf %mul3A_472, %min3A_470 : vector<16xf32>
        %sub3A_474 = arith.subf %abs3A_467, %mul3A_473 : vector<16xf32>
        %mul3A_475 = arith.mulf %min3A_470, %sub3A_474 : vector<16xf32>
        %add3A_476 = arith.addf %add3A_449, %mul3A_475 : vector<16xf32>
        %get3A_477 = arith.constant 1 : i32
        %get3A_478 = arith.constant 3 : i32
        %get3A_479 = arith.index_cast %get3A_477 : i32 to index
        %get3A_480 = arith.index_cast %scan3A_121 : i32 to index
        %get3A_481 = arith.index_cast %get3A_478 : i32 to index
        %get3A_482 = arith.constant 32 : index
        %get3A_483 = tpu.vector_load %arg7[%get3A_479, %get3A_480, %get3A_481, %get3A_482] {strides = array<i32>} : memref<2x50x4x128xf32, #tpu.memory_space<vmem>>, vector<1x1x1x16xf32>,
        %get3A_484 = vector.shape_cast %get3A_483 : vector<1x1x1x16xf32> to vector<16xf32>
        %get3A_485 = arith.constant 1 : i32
        %get3A_486 = arith.constant 3 : i32
        %get3A_487 = arith.index_cast %get3A_485 : i32 to index
        %get3A_488 = arith.index_cast %scan3A_121 : i32 to index
        %get3A_489 = arith.index_cast %get3A_486 : i32 to index
        %get3A_490 = arith.constant 32 : index
        %get3A_491 = tpu.vector_load %arg8[%get3A_487, %get3A_488, %get3A_489, %get3A_490] {strides = array<i32>} : memref<2x50x4x128xf32, #tpu.memory_space<vmem>>, vector<1x1x1x16xf32>,
        %get3A_492 = vector.shape_cast %get3A_491 : vector<1x1x1x16xf32> to vector<16xf32>
        %sub3A_493 = arith.subf %get3A_484, %get3A_492 : vector<16xf32>
        %abs3A_494 = math.absf %sub3A_493 : vector<16xf32>
        %min3A_495 = arith.constant 1.000000e+00 : f32
        %min3A_496 = vector.broadcast %min3A_495 : f32 to vector<16xf32>
        %min3A_497 = arith.minimumf %abs3A_494, %min3A_496 : vector<16xf32>
        %mul3A_498 = arith.constant 5.000000e-01 : f32
        %mul3A_499 = vector.broadcast %mul3A_498 : f32 to vector<16xf32>
        %mul3A_500 = arith.mulf %mul3A_499, %min3A_497 : vector<16xf32>
        %sub3A_501 = arith.subf %abs3A_494, %mul3A_500 : vector<16xf32>
        %mul3A_502 = arith.mulf %min3A_497, %sub3A_501 : vector<16xf32>
        %add3A_503 = arith.addf %add3A_476, %mul3A_502 : vector<16xf32>
        %jit3A_504 = arith.constant 0.000000e+00 : f32
        %broadcast_in_dim3A_505 = vector.broadcast %jit3A_504 : f32 to vector<16xf32>
        %select_n3A_506 = arith.select %eq3A_390, %add3A_503, %broadcast_in_dim3A_505 : vector<16xi1>, vector<16xf32>
        %add3A_507 = arith.addf %add3A_378, %select_n3A_506 : vector<16xf32>
        %mul3A_508 = arith.constant 128 : i32
        %mul3A_509 = arith.muli %scan3A_121, %mul3A_508 : i32
        %add3A_510 = arith.constant 48 : i32
        %add3A_511 = arith.addi %mul3A_509, %add3A_510 : i32
        %get3A_512 = arith.constant 1 : i32
        %get3A_513 = arith.index_cast %get3A_512 : i32 to index
        %get3A_514 = arith.index_cast %add3A_511 : i32 to index
        %get3A_515 = tpu.vector_load %arg9[%get3A_513, %get3A_514] {strides = array<i32>} : memref<2x6400xi32, #tpu.memory_space<vmem>>, vector<1x16xi32>,
        %get3A_516 = vector.shape_cast %get3A_515 : vector<1x16xi32> to vector<16xi32>
        %eq3A_517 = arith.constant 1 : i32
        %eq3A_518 = vector.broadcast %eq3A_517 : i32 to vector<16xi32>
        %eq3A_519 = arith.cmpi eq, %get3A_516, %eq3A_518 : vector<16xi32>
        %jit3A_520 = arith.constant 1.000000e+00 : f32
        %jit3A_521 = arith.constant 0.000000e+00 : f32
        %broadcast_in_dim3A_522 = vector.broadcast %jit3A_520 : f32 to vector<16xf32>
        %broadcast_in_dim3A_523 = vector.broadcast %jit3A_521 : f32 to vector<16xf32>
        %select_n3A_524 = arith.select %eq3A_519, %broadcast_in_dim3A_522, %broadcast_in_dim3A_523 : vector<16xi1>, vector<16xf32>
        %add3A_525 = arith.addf %add3A_396, %select_n3A_524 : vector<16xf32>
        %get3A_526 = arith.constant 1 : i32
        %get3A_527 = arith.constant 0 : i32
        %get3A_528 = arith.index_cast %get3A_526 : i32 to index
        %get3A_529 = arith.index_cast %scan3A_121 : i32 to index
        %get3A_530 = arith.index_cast %get3A_527 : i32 to index
        %get3A_531 = arith.constant 48 : index
        %get3A_532 = tpu.vector_load %arg7[%get3A_528, %get3A_529, %get3A_530, %get3A_531] {strides = array<i32>} : memref<2x50x4x128xf32, #tpu.memory_space<vmem>>, vector<1x1x1x16xf32>,
        %get3A_533 = vector.shape_cast %get3A_532 : vector<1x1x1x16xf32> to vector<16xf32>
        %get3A_534 = arith.constant 1 : i32
        %get3A_535 = arith.constant 0 : i32
        %get3A_536 = arith.index_cast %get3A_534 : i32 to index
        %get3A_537 = arith.index_cast %scan3A_121 : i32 to index
        %get3A_538 = arith.index_cast %get3A_535 : i32 to index
        %get3A_539 = arith.constant 48 : index
        %get3A_540 = tpu.vector_load %arg8[%get3A_536, %get3A_537, %get3A_538, %get3A_539] {strides = array<i32>} : memref<2x50x4x128xf32, #tpu.memory_space<vmem>>, vector<1x1x1x16xf32>,
        %get3A_541 = vector.shape_cast %get3A_540 : vector<1x1x1x16xf32> to vector<16xf32>
        %sub3A_542 = arith.subf %get3A_533, %get3A_541 : vector<16xf32>
        %abs3A_543 = math.absf %sub3A_542 : vector<16xf32>
        %min3A_544 = arith.constant 1.000000e+00 : f32
        %min3A_545 = vector.broadcast %min3A_544 : f32 to vector<16xf32>
        %min3A_546 = arith.minimumf %abs3A_543, %min3A_545 : vector<16xf32>
        %mul3A_547 = arith.constant 5.000000e-01 : f32
        %mul3A_548 = vector.broadcast %mul3A_547 : f32 to vector<16xf32>
        %mul3A_549 = arith.mulf %mul3A_548, %min3A_546 : vector<16xf32>
        %sub3A_550 = arith.subf %abs3A_543, %mul3A_549 : vector<16xf32>
        %mul3A_551 = arith.mulf %min3A_546, %sub3A_550 : vector<16xf32>
        %get3A_552 = arith.constant 1 : i32
        %get3A_553 = arith.constant 1 : i32
        %get3A_554 = arith.index_cast %get3A_552 : i32 to index
        %get3A_555 = arith.index_cast %scan3A_121 : i32 to index
        %get3A_556 = arith.index_cast %get3A_553 : i32 to index
        %get3A_557 = arith.constant 48 : index
        %get3A_558 = tpu.vector_load %arg7[%get3A_554, %get3A_555, %get3A_556, %get3A_557] {strides = array<i32>} : memref<2x50x4x128xf32, #tpu.memory_space<vmem>>, vector<1x1x1x16xf32>,
        %get3A_559 = vector.shape_cast %get3A_558 : vector<1x1x1x16xf32> to vector<16xf32>
        %get3A_560 = arith.constant 1 : i32
        %get3A_561 = arith.constant 1 : i32
        %get3A_562 = arith.index_cast %get3A_560 : i32 to index
        %get3A_563 = arith.index_cast %scan3A_121 : i32 to index
        %get3A_564 = arith.index_cast %get3A_561 : i32 to index
        %get3A_565 = arith.constant 48 : index
        %get3A_566 = tpu.vector_load %arg8[%get3A_562, %get3A_563, %get3A_564, %get3A_565] {strides = array<i32>} : memref<2x50x4x128xf32, #tpu.memory_space<vmem>>, vector<1x1x1x16xf32>,
        %get3A_567 = vector.shape_cast %get3A_566 : vector<1x1x1x16xf32> to vector<16xf32>
        %sub3A_568 = arith.subf %get3A_559, %get3A_567 : vector<16xf32>
        %abs3A_569 = math.absf %sub3A_568 : vector<16xf32>
        %min3A_570 = arith.constant 1.000000e+00 : f32
        %min3A_571 = vector.broadcast %min3A_570 : f32 to vector<16xf32>
        %min3A_572 = arith.minimumf %abs3A_569, %min3A_571 : vector<16xf32>
        %mul3A_573 = arith.constant 5.000000e-01 : f32
        %mul3A_574 = vector.broadcast %mul3A_573 : f32 to vector<16xf32>
        %mul3A_575 = arith.mulf %mul3A_574, %min3A_572 : vector<16xf32>
        %sub3A_576 = arith.subf %abs3A_569, %mul3A_575 : vector<16xf32>
        %mul3A_577 = arith.mulf %min3A_572, %sub3A_576 : vector<16xf32>
        %add3A_578 = arith.addf %mul3A_551, %mul3A_577 : vector<16xf32>
        %get3A_579 = arith.constant 1 : i32
        %get3A_580 = arith.constant 2 : i32
        %get3A_581 = arith.index_cast %get3A_579 : i32 to index
        %get3A_582 = arith.index_cast %scan3A_121 : i32 to index
        %get3A_583 = arith.index_cast %get3A_580 : i32 to index
        %get3A_584 = arith.constant 48 : index
        %get3A_585 = tpu.vector_load %arg7[%get3A_581, %get3A_582, %get3A_583, %get3A_584] {strides = array<i32>} : memref<2x50x4x128xf32, #tpu.memory_space<vmem>>, vector<1x1x1x16xf32>,
        %get3A_586 = vector.shape_cast %get3A_585 : vector<1x1x1x16xf32> to vector<16xf32>
        %get3A_587 = arith.constant 1 : i32
        %get3A_588 = arith.constant 2 : i32
        %get3A_589 = arith.index_cast %get3A_587 : i32 to index
        %get3A_590 = arith.index_cast %scan3A_121 : i32 to index
        %get3A_591 = arith.index_cast %get3A_588 : i32 to index
        %get3A_592 = arith.constant 48 : index
        %get3A_593 = tpu.vector_load %arg8[%get3A_589, %get3A_590, %get3A_591, %get3A_592] {strides = array<i32>} : memref<2x50x4x128xf32, #tpu.memory_space<vmem>>, vector<1x1x1x16xf32>,
        %get3A_594 = vector.shape_cast %get3A_593 : vector<1x1x1x16xf32> to vector<16xf32>
        %sub3A_595 = arith.subf %get3A_586, %get3A_594 : vector<16xf32>
        %abs3A_596 = math.absf %sub3A_595 : vector<16xf32>
        %min3A_597 = arith.constant 1.000000e+00 : f32
        %min3A_598 = vector.broadcast %min3A_597 : f32 to vector<16xf32>
        %min3A_599 = arith.minimumf %abs3A_596, %min3A_598 : vector<16xf32>
        %mul3A_600 = arith.constant 5.000000e-01 : f32
        %mul3A_601 = vector.broadcast %mul3A_600 : f32 to vector<16xf32>
        %mul3A_602 = arith.mulf %mul3A_601, %min3A_599 : vector<16xf32>
        %sub3A_603 = arith.subf %abs3A_596, %mul3A_602 : vector<16xf32>
        %mul3A_604 = arith.mulf %min3A_599, %sub3A_603 : vector<16xf32>
        %add3A_605 = arith.addf %add3A_578, %mul3A_604 : vector<16xf32>
        %get3A_606 = arith.constant 1 : i32
        %get3A_607 = arith.constant 3 : i32
        %get3A_608 = arith.index_cast %get3A_606 : i32 to index
        %get3A_609 = arith.index_cast %scan3A_121 : i32 to index
        %get3A_610 = arith.index_cast %get3A_607 : i32 to index
        %get3A_611 = arith.constant 48 : index
        %get3A_612 = tpu.vector_load %arg7[%get3A_608, %get3A_609, %get3A_610, %get3A_611] {strides = array<i32>} : memref<2x50x4x128xf32, #tpu.memory_space<vmem>>, vector<1x1x1x16xf32>,
        %get3A_613 = vector.shape_cast %get3A_612 : vector<1x1x1x16xf32> to vector<16xf32>
        %get3A_614 = arith.constant 1 : i32
        %get3A_615 = arith.constant 3 : i32
        %get3A_616 = arith.index_cast %get3A_614 : i32 to index
        %get3A_617 = arith.index_cast %scan3A_121 : i32 to index
        %get3A_618 = arith.index_cast %get3A_615 : i32 to index
        %get3A_619 = arith.constant 48 : index
        %get3A_620 = tpu.vector_load %arg8[%get3A_616, %get3A_617, %get3A_618, %get3A_619] {strides = array<i32>} : memref<2x50x4x128xf32, #tpu.memory_space<vmem>>, vector<1x1x1x16xf32>,
        %get3A_621 = vector.shape_cast %get3A_620 : vector<1x1x1x16xf32> to vector<16xf32>
        %sub3A_622 = arith.subf %get3A_613, %get3A_621 : vector<16xf32>
        %abs3A_623 = math.absf %sub3A_622 : vector<16xf32>
        %min3A_624 = arith.constant 1.000000e+00 : f32
        %min3A_625 = vector.broadcast %min3A_624 : f32 to vector<16xf32>
        %min3A_626 = arith.minimumf %abs3A_623, %min3A_625 : vector<16xf32>
        %mul3A_627 = arith.constant 5.000000e-01 : f32
        %mul3A_628 = vector.broadcast %mul3A_627 : f32 to vector<16xf32>
        %mul3A_629 = arith.mulf %mul3A_628, %min3A_626 : vector<16xf32>
        %sub3A_630 = arith.subf %abs3A_623, %mul3A_629 : vector<16xf32>
        %mul3A_631 = arith.mulf %min3A_626, %sub3A_630 : vector<16xf32>
        %add3A_632 = arith.addf %add3A_605, %mul3A_631 : vector<16xf32>
        %jit3A_633 = arith.constant 0.000000e+00 : f32
        %broadcast_in_dim3A_634 = vector.broadcast %jit3A_633 : f32 to vector<16xf32>
        %select_n3A_635 = arith.select %eq3A_519, %add3A_632, %broadcast_in_dim3A_634 : vector<16xi1>, vector<16xf32>
        %add3A_636 = arith.addf %add3A_507, %select_n3A_635 : vector<16xf32>
        %mul3A_637 = arith.constant 128 : i32
        %mul3A_638 = arith.muli %scan3A_121, %mul3A_637 : i32
        %add3A_639 = arith.constant 64 : i32
        %add3A_640 = arith.addi %mul3A_638, %add3A_639 : i32
        %get3A_641 = arith.constant 1 : i32
        %get3A_642 = arith.index_cast %get3A_641 : i32 to index
        %get3A_643 = arith.index_cast %add3A_640 : i32 to index
        %get3A_644 = tpu.vector_load %arg9[%get3A_642, %get3A_643] {strides = array<i32>} : memref<2x6400xi32, #tpu.memory_space<vmem>>, vector<1x16xi32>,
        %get3A_645 = vector.shape_cast %get3A_644 : vector<1x16xi32> to vector<16xi32>
        %eq3A_646 = arith.constant 1 : i32
        %eq3A_647 = vector.broadcast %eq3A_646 : i32 to vector<16xi32>
        %eq3A_648 = arith.cmpi eq, %get3A_645, %eq3A_647 : vector<16xi32>
        %jit3A_649 = arith.constant 1.000000e+00 : f32
        %jit3A_650 = arith.constant 0.000000e+00 : f32
        %broadcast_in_dim3A_651 = vector.broadcast %jit3A_649 : f32 to vector<16xf32>
        %broadcast_in_dim3A_652 = vector.broadcast %jit3A_650 : f32 to vector<16xf32>
        %select_n3A_653 = arith.select %eq3A_648, %broadcast_in_dim3A_651, %broadcast_in_dim3A_652 : vector<16xi1>, vector<16xf32>
        %add3A_654 = arith.addf %add3A_525, %select_n3A_653 : vector<16xf32>
        %get3A_655 = arith.constant 1 : i32
        %get3A_656 = arith.constant 0 : i32
        %get3A_657 = arith.index_cast %get3A_655 : i32 to index
        %get3A_658 = arith.index_cast %scan3A_121 : i32 to index
        %get3A_659 = arith.index_cast %get3A_656 : i32 to index
        %get3A_660 = arith.constant 64 : index
        %get3A_661 = tpu.vector_load %arg7[%get3A_657, %get3A_658, %get3A_659, %get3A_660] {strides = array<i32>} : memref<2x50x4x128xf32, #tpu.memory_space<vmem>>, vector<1x1x1x16xf32>,
        %get3A_662 = vector.shape_cast %get3A_661 : vector<1x1x1x16xf32> to vector<16xf32>
        %get3A_663 = arith.constant 1 : i32
        %get3A_664 = arith.constant 0 : i32
        %get3A_665 = arith.index_cast %get3A_663 : i32 to index
        %get3A_666 = arith.index_cast %scan3A_121 : i32 to index
        %get3A_667 = arith.index_cast %get3A_664 : i32 to index
        %get3A_668 = arith.constant 64 : index
        %get3A_669 = tpu.vector_load %arg8[%get3A_665, %get3A_666, %get3A_667, %get3A_668] {strides = array<i32>} : memref<2x50x4x128xf32, #tpu.memory_space<vmem>>, vector<1x1x1x16xf32>,
        %get3A_670 = vector.shape_cast %get3A_669 : vector<1x1x1x16xf32> to vector<16xf32>
        %sub3A_671 = arith.subf %get3A_662, %get3A_670 : vector<16xf32>
        %abs3A_672 = math.absf %sub3A_671 : vector<16xf32>
        %min3A_673 = arith.constant 1.000000e+00 : f32
        %min3A_674 = vector.broadcast %min3A_673 : f32 to vector<16xf32>
        %min3A_675 = arith.minimumf %abs3A_672, %min3A_674 : vector<16xf32>
        %mul3A_676 = arith.constant 5.000000e-01 : f32
        %mul3A_677 = vector.broadcast %mul3A_676 : f32 to vector<16xf32>
        %mul3A_678 = arith.mulf %mul3A_677, %min3A_675 : vector<16xf32>
        %sub3A_679 = arith.subf %abs3A_672, %mul3A_678 : vector<16xf32>
        %mul3A_680 = arith.mulf %min3A_675, %sub3A_679 : vector<16xf32>
        %get3A_681 = arith.constant 1 : i32
        %get3A_682 = arith.constant 1 : i32
        %get3A_683 = arith.index_cast %get3A_681 : i32 to index
        %get3A_684 = arith.index_cast %scan3A_121 : i32 to index
        %get3A_685 = arith.index_cast %get3A_682 : i32 to index
        %get3A_686 = arith.constant 64 : index
        %get3A_687 = tpu.vector_load %arg7[%get3A_683, %get3A_684, %get3A_685, %get3A_686] {strides = array<i32>} : memref<2x50x4x128xf32, #tpu.memory_space<vmem>>, vector<1x1x1x16xf32>,
        %get3A_688 = vector.shape_cast %get3A_687 : vector<1x1x1x16xf32> to vector<16xf32>
        %get3A_689 = arith.constant 1 : i32
        %get3A_690 = arith.constant 1 : i32
        %get3A_691 = arith.index_cast %get3A_689 : i32 to index
        %get3A_692 = arith.index_cast %scan3A_121 : i32 to index
        %get3A_693 = arith.index_cast %get3A_690 : i32 to index
        %get3A_694 = arith.constant 64 : index
        %get3A_695 = tpu.vector_load %arg8[%get3A_691, %get3A_692, %get3A_693, %get3A_694] {strides = array<i32>} : memref<2x50x4x128xf32, #tpu.memory_space<vmem>>, vector<1x1x1x16xf32>,
        %get3A_696 = vector.shape_cast %get3A_695 : vector<1x1x1x16xf32> to vector<16xf32>
        %sub3A_697 = arith.subf %get3A_688, %get3A_696 : vector<16xf32>
        %abs3A_698 = math.absf %sub3A_697 : vector<16xf32>
        %min3A_699 = arith.constant 1.000000e+00 : f32
        %min3A_700 = vector.broadcast %min3A_699 : f32 to vector<16xf32>
        %min3A_701 = arith.minimumf %abs3A_698, %min3A_700 : vector<16xf32>
        %mul3A_702 = arith.constant 5.000000e-01 : f32
        %mul3A_703 = vector.broadcast %mul3A_702 : f32 to vector<16xf32>
        %mul3A_704 = arith.mulf %mul3A_703, %min3A_701 : vector<16xf32>
        %sub3A_705 = arith.subf %abs3A_698, %mul3A_704 : vector<16xf32>
        %mul3A_706 = arith.mulf %min3A_701, %sub3A_705 : vector<16xf32>
        %add3A_707 = arith.addf %mul3A_680, %mul3A_706 : vector<16xf32>
        %get3A_708 = arith.constant 1 : i32
        %get3A_709 = arith.constant 2 : i32
        %get3A_710 = arith.index_cast %get3A_708 : i32 to index
        %get3A_711 = arith.index_cast %scan3A_121 : i32 to index
        %get3A_712 = arith.index_cast %get3A_709 : i32 to index
        %get3A_713 = arith.constant 64 : index
        %get3A_714 = tpu.vector_load %arg7[%get3A_710, %get3A_711, %get3A_712, %get3A_713] {strides = array<i32>} : memref<2x50x4x128xf32, #tpu.memory_space<vmem>>, vector<1x1x1x16xf32>,
        %get3A_715 = vector.shape_cast %get3A_714 : vector<1x1x1x16xf32> to vector<16xf32>
        %get3A_716 = arith.constant 1 : i32
        %get3A_717 = arith.constant 2 : i32
        %get3A_718 = arith.index_cast %get3A_716 : i32 to index
        %get3A_719 = arith.index_cast %scan3A_121 : i32 to index
        %get3A_720 = arith.index_cast %get3A_717 : i32 to index
        %get3A_721 = arith.constant 64 : index
        %get3A_722 = tpu.vector_load %arg8[%get3A_718, %get3A_719, %get3A_720, %get3A_721] {strides = array<i32>} : memref<2x50x4x128xf32, #tpu.memory_space<vmem>>, vector<1x1x1x16xf32>,
        %get3A_723 = vector.shape_cast %get3A_722 : vector<1x1x1x16xf32> to vector<16xf32>
        %sub3A_724 = arith.subf %get3A_715, %get3A_723 : vector<16xf32>
        %abs3A_725 = math.absf %sub3A_724 : vector<16xf32>
        %min3A_726 = arith.constant 1.000000e+00 : f32
        %min3A_727 = vector.broadcast %min3A_726 : f32 to vector<16xf32>
        %min3A_728 = arith.minimumf %abs3A_725, %min3A_727 : vector<16xf32>
        %mul3A_729 = arith.constant 5.000000e-01 : f32
        %mul3A_730 = vector.broadcast %mul3A_729 : f32 to vector<16xf32>
        %mul3A_731 = arith.mulf %mul3A_730, %min3A_728 : vector<16xf32>
        %sub3A_732 = arith.subf %abs3A_725, %mul3A_731 : vector<16xf32>
        %mul3A_733 = arith.mulf %min3A_728, %sub3A_732 : vector<16xf32>
        %add3A_734 = arith.addf %add3A_707, %mul3A_733 : vector<16xf32>
        %get3A_735 = arith.constant 1 : i32
        %get3A_736 = arith.constant 3 : i32
        %get3A_737 = arith.index_cast %get3A_735 : i32 to index
        %get3A_738 = arith.index_cast %scan3A_121 : i32 to index
        %get3A_739 = arith.index_cast %get3A_736 : i32 to index
        %get3A_740 = arith.constant 64 : index
        %get3A_741 = tpu.vector_load %arg7[%get3A_737, %get3A_738, %get3A_739, %get3A_740] {strides = array<i32>} : memref<2x50x4x128xf32, #tpu.memory_space<vmem>>, vector<1x1x1x16xf32>,
        %get3A_742 = vector.shape_cast %get3A_741 : vector<1x1x1x16xf32> to vector<16xf32>
        %get3A_743 = arith.constant 1 : i32
        %get3A_744 = arith.constant 3 : i32
        %get3A_745 = arith.index_cast %get3A_743 : i32 to index
        %get3A_746 = arith.index_cast %scan3A_121 : i32 to index
        %get3A_747 = arith.index_cast %get3A_744 : i32 to index
        %get3A_748 = arith.constant 64 : index
        %get3A_749 = tpu.vector_load %arg8[%get3A_745, %get3A_746, %get3A_747, %get3A_748] {strides = array<i32>} : memref<2x50x4x128xf32, #tpu.memory_space<vmem>>, vector<1x1x1x16xf32>,
        %get3A_750 = vector.shape_cast %get3A_749 : vector<1x1x1x16xf32> to vector<16xf32>
        %sub3A_751 = arith.subf %get3A_742, %get3A_750 : vector<16xf32>
        %abs3A_752 = math.absf %sub3A_751 : vector<16xf32>
        %min3A_753 = arith.constant 1.000000e+00 : f32
        %min3A_754 = vector.broadcast %min3A_753 : f32 to vector<16xf32>
        %min3A_755 = arith.minimumf %abs3A_752, %min3A_754 : vector<16xf32>
        %mul3A_756 = arith.constant 5.000000e-01 : f32
        %mul3A_757 = vector.broadcast %mul3A_756 : f32 to vector<16xf32>
        %mul3A_758 = arith.mulf %mul3A_757, %min3A_755 : vector<16xf32>
        %sub3A_759 = arith.subf %abs3A_752, %mul3A_758 : vector<16xf32>
        %mul3A_760 = arith.mulf %min3A_755, %sub3A_759 : vector<16xf32>
        %add3A_761 = arith.addf %add3A_734, %mul3A_760 : vector<16xf32>
        %jit3A_762 = arith.constant 0.000000e+00 : f32
        %broadcast_in_dim3A_763 = vector.broadcast %jit3A_762 : f32 to vector<16xf32>
        %select_n3A_764 = arith.select %eq3A_648, %add3A_761, %broadcast_in_dim3A_763 : vector<16xi1>, vector<16xf32>
        %add3A_765 = arith.addf %add3A_636, %select_n3A_764 : vector<16xf32>
        %mul3A_766 = arith.constant 128 : i32
        %mul3A_767 = arith.muli %scan3A_121, %mul3A_766 : i32
        %add3A_768 = arith.constant 80 : i32
        %add3A_769 = arith.addi %mul3A_767, %add3A_768 : i32
        %get3A_770 = arith.constant 1 : i32
        %get3A_771 = arith.index_cast %get3A_770 : i32 to index
        %get3A_772 = arith.index_cast %add3A_769 : i32 to index
        %get3A_773 = tpu.vector_load %arg9[%get3A_771, %get3A_772] {strides = array<i32>} : memref<2x6400xi32, #tpu.memory_space<vmem>>, vector<1x16xi32>,
        %get3A_774 = vector.shape_cast %get3A_773 : vector<1x16xi32> to vector<16xi32>
        %eq3A_775 = arith.constant 1 : i32
        %eq3A_776 = vector.broadcast %eq3A_775 : i32 to vector<16xi32>
        %eq3A_777 = arith.cmpi eq, %get3A_774, %eq3A_776 : vector<16xi32>
        %jit3A_778 = arith.constant 1.000000e+00 : f32
        %jit3A_779 = arith.constant 0.000000e+00 : f32
        %broadcast_in_dim3A_780 = vector.broadcast %jit3A_778 : f32 to vector<16xf32>
        %broadcast_in_dim3A_781 = vector.broadcast %jit3A_779 : f32 to vector<16xf32>
        %select_n3A_782 = arith.select %eq3A_777, %broadcast_in_dim3A_780, %broadcast_in_dim3A_781 : vector<16xi1>, vector<16xf32>
        %add3A_783 = arith.addf %add3A_654, %select_n3A_782 : vector<16xf32>
        %get3A_784 = arith.constant 1 : i32
        %get3A_785 = arith.constant 0 : i32
        %get3A_786 = arith.index_cast %get3A_784 : i32 to index
        %get3A_787 = arith.index_cast %scan3A_121 : i32 to index
        %get3A_788 = arith.index_cast %get3A_785 : i32 to index
        %get3A_789 = arith.constant 80 : index
        %get3A_790 = tpu.vector_load %arg7[%get3A_786, %get3A_787, %get3A_788, %get3A_789] {strides = array<i32>} : memref<2x50x4x128xf32, #tpu.memory_space<vmem>>, vector<1x1x1x16xf32>,
        %get3A_791 = vector.shape_cast %get3A_790 : vector<1x1x1x16xf32> to vector<16xf32>
        %get3A_792 = arith.constant 1 : i32
        %get3A_793 = arith.constant 0 : i32
        %get3A_794 = arith.index_cast %get3A_792 : i32 to index
        %get3A_795 = arith.index_cast %scan3A_121 : i32 to index
        %get3A_796 = arith.index_cast %get3A_793 : i32 to index
        %get3A_797 = arith.constant 80 : index
        %get3A_798 = tpu.vector_load %arg8[%get3A_794, %get3A_795, %get3A_796, %get3A_797] {strides = array<i32>} : memref<2x50x4x128xf32, #tpu.memory_space<vmem>>, vector<1x1x1x16xf32>,
        %get3A_799 = vector.shape_cast %get3A_798 : vector<1x1x1x16xf32> to vector<16xf32>
        %sub3A_800 = arith.subf %get3A_791, %get3A_799 : vector<16xf32>
        %abs3A_801 = math.absf %sub3A_800 : vector<16xf32>
        %min3A_802 = arith.constant 1.000000e+00 : f32
        %min3A_803 = vector.broadcast %min3A_802 : f32 to vector<16xf32>
        %min3A_804 = arith.minimumf %abs3A_801, %min3A_803 : vector<16xf32>
        %mul3A_805 = arith.constant 5.000000e-01 : f32
        %mul3A_806 = vector.broadcast %mul3A_805 : f32 to vector<16xf32>
        %mul3A_807 = arith.mulf %mul3A_806, %min3A_804 : vector<16xf32>
        %sub3A_808 = arith.subf %abs3A_801, %mul3A_807 : vector<16xf32>
        %mul3A_809 = arith.mulf %min3A_804, %sub3A_808 : vector<16xf32>
        %get3A_810 = arith.constant 1 : i32
        %get3A_811 = arith.constant 1 : i32
        %get3A_812 = arith.index_cast %get3A_810 : i32 to index
        %get3A_813 = arith.index_cast %scan3A_121 : i32 to index
        %get3A_814 = arith.index_cast %get3A_811 : i32 to index
        %get3A_815 = arith.constant 80 : index
        %get3A_816 = tpu.vector_load %arg7[%get3A_812, %get3A_813, %get3A_814, %get3A_815] {strides = array<i32>} : memref<2x50x4x128xf32, #tpu.memory_space<vmem>>, vector<1x1x1x16xf32>,
        %get3A_817 = vector.shape_cast %get3A_816 : vector<1x1x1x16xf32> to vector<16xf32>
        %get3A_818 = arith.constant 1 : i32
        %get3A_819 = arith.constant 1 : i32
        %get3A_820 = arith.index_cast %get3A_818 : i32 to index
        %get3A_821 = arith.index_cast %scan3A_121 : i32 to index
        %get3A_822 = arith.index_cast %get3A_819 : i32 to index
        %get3A_823 = arith.constant 80 : index
        %get3A_824 = tpu.vector_load %arg8[%get3A_820, %get3A_821, %get3A_822, %get3A_823] {strides = array<i32>} : memref<2x50x4x128xf32, #tpu.memory_space<vmem>>, vector<1x1x1x16xf32>,
        %get3A_825 = vector.shape_cast %get3A_824 : vector<1x1x1x16xf32> to vector<16xf32>
        %sub3A_826 = arith.subf %get3A_817, %get3A_825 : vector<16xf32>
        %abs3A_827 = math.absf %sub3A_826 : vector<16xf32>
        %min3A_828 = arith.constant 1.000000e+00 : f32
        %min3A_829 = vector.broadcast %min3A_828 : f32 to vector<16xf32>
        %min3A_830 = arith.minimumf %abs3A_827, %min3A_829 : vector<16xf32>
        %mul3A_831 = arith.constant 5.000000e-01 : f32
        %mul3A_832 = vector.broadcast %mul3A_831 : f32 to vector<16xf32>
        %mul3A_833 = arith.mulf %mul3A_832, %min3A_830 : vector<16xf32>
        %sub3A_834 = arith.subf %abs3A_827, %mul3A_833 : vector<16xf32>
        %mul3A_835 = arith.mulf %min3A_830, %sub3A_834 : vector<16xf32>
        %add3A_836 = arith.addf %mul3A_809, %mul3A_835 : vector<16xf32>
        %get3A_837 = arith.constant 1 : i32
        %get3A_838 = arith.constant 2 : i32
        %get3A_839 = arith.index_cast %get3A_837 : i32 to index
        %get3A_840 = arith.index_cast %scan3A_121 : i32 to index
        %get3A_841 = arith.index_cast %get3A_838 : i32 to index
        %get3A_842 = arith.constant 80 : index
        %get3A_843 = tpu.vector_load %arg7[%get3A_839, %get3A_840, %get3A_841, %get3A_842] {strides = array<i32>} : memref<2x50x4x128xf32, #tpu.memory_space<vmem>>, vector<1x1x1x16xf32>,
        %get3A_844 = vector.shape_cast %get3A_843 : vector<1x1x1x16xf32> to vector<16xf32>
        %get3A_845 = arith.constant 1 : i32
        %get3A_846 = arith.constant 2 : i32
        %get3A_847 = arith.index_cast %get3A_845 : i32 to index
        %get3A_848 = arith.index_cast %scan3A_121 : i32 to index
        %get3A_849 = arith.index_cast %get3A_846 : i32 to index
        %get3A_850 = arith.constant 80 : index
        %get3A_851 = tpu.vector_load %arg8[%get3A_847, %get3A_848, %get3A_849, %get3A_850] {strides = array<i32>} : memref<2x50x4x128xf32, #tpu.memory_space<vmem>>, vector<1x1x1x16xf32>,
        %get3A_852 = vector.shape_cast %get3A_851 : vector<1x1x1x16xf32> to vector<16xf32>
        %sub3A_853 = arith.subf %get3A_844, %get3A_852 : vector<16xf32>
        %abs3A_854 = math.absf %sub3A_853 : vector<16xf32>
        %min3A_855 = arith.constant 1.000000e+00 : f32
        %min3A_856 = vector.broadcast %min3A_855 : f32 to vector<16xf32>
        %min3A_857 = arith.minimumf %abs3A_854, %min3A_856 : vector<16xf32>
        %mul3A_858 = arith.constant 5.000000e-01 : f32
        %mul3A_859 = vector.broadcast %mul3A_858 : f32 to vector<16xf32>
        %mul3A_860 = arith.mulf %mul3A_859, %min3A_857 : vector<16xf32>
        %sub3A_861 = arith.subf %abs3A_854, %mul3A_860 : vector<16xf32>
        %mul3A_862 = arith.mulf %min3A_857, %sub3A_861 : vector<16xf32>
        %add3A_863 = arith.addf %add3A_836, %mul3A_862 : vector<16xf32>
        %get3A_864 = arith.constant 1 : i32
        %get3A_865 = arith.constant 3 : i32
        %get3A_866 = arith.index_cast %get3A_864 : i32 to index
        %get3A_867 = arith.index_cast %scan3A_121 : i32 to index
        %get3A_868 = arith.index_cast %get3A_865 : i32 to index
        %get3A_869 = arith.constant 80 : index
        %get3A_870 = tpu.vector_load %arg7[%get3A_866, %get3A_867, %get3A_868, %get3A_869] {strides = array<i32>} : memref<2x50x4x128xf32, #tpu.memory_space<vmem>>, vector<1x1x1x16xf32>,
        %get3A_871 = vector.shape_cast %get3A_870 : vector<1x1x1x16xf32> to vector<16xf32>
        %get3A_872 = arith.constant 1 : i32
        %get3A_873 = arith.constant 3 : i32
        %get3A_874 = arith.index_cast %get3A_872 : i32 to index
        %get3A_875 = arith.index_cast %scan3A_121 : i32 to index
        %get3A_876 = arith.index_cast %get3A_873 : i32 to index
        %get3A_877 = arith.constant 80 : index
        %get3A_878 = tpu.vector_load %arg8[%get3A_874, %get3A_875, %get3A_876, %get3A_877] {strides = array<i32>} : memref<2x50x4x128xf32, #tpu.memory_space<vmem>>, vector<1x1x1x16xf32>,
        %get3A_879 = vector.shape_cast %get3A_878 : vector<1x1x1x16xf32> to vector<16xf32>
        %sub3A_880 = arith.subf %get3A_871, %get3A_879 : vector<16xf32>
        %abs3A_881 = math.absf %sub3A_880 : vector<16xf32>
        %min3A_882 = arith.constant 1.000000e+00 : f32
        %min3A_883 = vector.broadcast %min3A_882 : f32 to vector<16xf32>
        %min3A_884 = arith.minimumf %abs3A_881, %min3A_883 : vector<16xf32>
        %mul3A_885 = arith.constant 5.000000e-01 : f32
        %mul3A_886 = vector.broadcast %mul3A_885 : f32 to vector<16xf32>
        %mul3A_887 = arith.mulf %mul3A_886, %min3A_884 : vector<16xf32>
        %sub3A_888 = arith.subf %abs3A_881, %mul3A_887 : vector<16xf32>
        %mul3A_889 = arith.mulf %min3A_884, %sub3A_888 : vector<16xf32>
        %add3A_890 = arith.addf %add3A_863, %mul3A_889 : vector<16xf32>
        %jit3A_891 = arith.constant 0.000000e+00 : f32
        %broadcast_in_dim3A_892 = vector.broadcast %jit3A_891 : f32 to vector<16xf32>
        %select_n3A_893 = arith.select %eq3A_777, %add3A_890, %broadcast_in_dim3A_892 : vector<16xi1>, vector<16xf32>
        %add3A_894 = arith.addf %add3A_765, %select_n3A_893 : vector<16xf32>
        %mul3A_895 = arith.constant 128 : i32
        %mul3A_896 = arith.muli %scan3A_121, %mul3A_895 : i32
        %add3A_897 = arith.constant 96 : i32
        %add3A_898 = arith.addi %mul3A_896, %add3A_897 : i32
        %get3A_899 = arith.constant 1 : i32
        %get3A_900 = arith.index_cast %get3A_899 : i32 to index
        %get3A_901 = arith.index_cast %add3A_898 : i32 to index
        %get3A_902 = tpu.vector_load %arg9[%get3A_900, %get3A_901] {strides = array<i32>} : memref<2x6400xi32, #tpu.memory_space<vmem>>, vector<1x16xi32>,
        %get3A_903 = vector.shape_cast %get3A_902 : vector<1x16xi32> to vector<16xi32>
        %eq3A_904 = arith.constant 1 : i32
        %eq3A_905 = vector.broadcast %eq3A_904 : i32 to vector<16xi32>
        %eq3A_906 = arith.cmpi eq, %get3A_903, %eq3A_905 : vector<16xi32>
        %jit3A_907 = arith.constant 1.000000e+00 : f32
        %jit3A_908 = arith.constant 0.000000e+00 : f32
        %broadcast_in_dim3A_909 = vector.broadcast %jit3A_907 : f32 to vector<16xf32>
        %broadcast_in_dim3A_910 = vector.broadcast %jit3A_908 : f32 to vector<16xf32>
        %select_n3A_911 = arith.select %eq3A_906, %broadcast_in_dim3A_909, %broadcast_in_dim3A_910 : vector<16xi1>, vector<16xf32>
        %add3A_912 = arith.addf %add3A_783, %select_n3A_911 : vector<16xf32>
        %get3A_913 = arith.constant 1 : i32
        %get3A_914 = arith.constant 0 : i32
        %get3A_915 = arith.index_cast %get3A_913 : i32 to index
        %get3A_916 = arith.index_cast %scan3A_121 : i32 to index
        %get3A_917 = arith.index_cast %get3A_914 : i32 to index
        %get3A_918 = arith.constant 96 : index
        %get3A_919 = tpu.vector_load %arg7[%get3A_915, %get3A_916, %get3A_917, %get3A_918] {strides = array<i32>} : memref<2x50x4x128xf32, #tpu.memory_space<vmem>>, vector<1x1x1x16xf32>,
        %get3A_920 = vector.shape_cast %get3A_919 : vector<1x1x1x16xf32> to vector<16xf32>
        %get3A_921 = arith.constant 1 : i32
        %get3A_922 = arith.constant 0 : i32
        %get3A_923 = arith.index_cast %get3A_921 : i32 to index
        %get3A_924 = arith.index_cast %scan3A_121 : i32 to index
        %get3A_925 = arith.index_cast %get3A_922 : i32 to index
        %get3A_926 = arith.constant 96 : index
        %get3A_927 = tpu.vector_load %arg8[%get3A_923, %get3A_924, %get3A_925, %get3A_926] {strides = array<i32>} : memref<2x50x4x128xf32, #tpu.memory_space<vmem>>, vector<1x1x1x16xf32>,
        %get3A_928 = vector.shape_cast %get3A_927 : vector<1x1x1x16xf32> to vector<16xf32>
        %sub3A_929 = arith.subf %get3A_920, %get3A_928 : vector<16xf32>
        %abs3A_930 = math.absf %sub3A_929 : vector<16xf32>
        %min3A_931 = arith.constant 1.000000e+00 : f32
        %min3A_932 = vector.broadcast %min3A_931 : f32 to vector<16xf32>
        %min3A_933 = arith.minimumf %abs3A_930, %min3A_932 : vector<16xf32>
        %mul3A_934 = arith.constant 5.000000e-01 : f32
        %mul3A_935 = vector.broadcast %mul3A_934 : f32 to vector<16xf32>
        %mul3A_936 = arith.mulf %mul3A_935, %min3A_933 : vector<16xf32>
        %sub3A_937 = arith.subf %abs3A_930, %mul3A_936 : vector<16xf32>
        %mul3A_938 = arith.mulf %min3A_933, %sub3A_937 : vector<16xf32>
        %get3A_939 = arith.constant 1 : i32
        %get3A_940 = arith.constant 1 : i32
        %get3A_941 = arith.index_cast %get3A_939 : i32 to index
        %get3A_942 = arith.index_cast %scan3A_121 : i32 to index
        %get3A_943 = arith.index_cast %get3A_940 : i32 to index
        %get3A_944 = arith.constant 96 : index
        %get3A_945 = tpu.vector_load %arg7[%get3A_941, %get3A_942, %get3A_943, %get3A_944] {strides = array<i32>} : memref<2x50x4x128xf32, #tpu.memory_space<vmem>>, vector<1x1x1x16xf32>,
        %get3A_946 = vector.shape_cast %get3A_945 : vector<1x1x1x16xf32> to vector<16xf32>
        %get3A_947 = arith.constant 1 : i32
        %get3A_948 = arith.constant 1 : i32
        %get3A_949 = arith.index_cast %get3A_947 : i32 to index
        %get3A_950 = arith.index_cast %scan3A_121 : i32 to index
        %get3A_951 = arith.index_cast %get3A_948 : i32 to index
        %get3A_952 = arith.constant 96 : index
        %get3A_953 = tpu.vector_load %arg8[%get3A_949, %get3A_950, %get3A_951, %get3A_952] {strides = array<i32>} : memref<2x50x4x128xf32, #tpu.memory_space<vmem>>, vector<1x1x1x16xf32>,
        %get3A_954 = vector.shape_cast %get3A_953 : vector<1x1x1x16xf32> to vector<16xf32>
        %sub3A_955 = arith.subf %get3A_946, %get3A_954 : vector<16xf32>
        %abs3A_956 = math.absf %sub3A_955 : vector<16xf32>
        %min3A_957 = arith.constant 1.000000e+00 : f32
        %min3A_958 = vector.broadcast %min3A_957 : f32 to vector<16xf32>
        %min3A_959 = arith.minimumf %abs3A_956, %min3A_958 : vector<16xf32>
        %mul3A_960 = arith.constant 5.000000e-01 : f32
        %mul3A_961 = vector.broadcast %mul3A_960 : f32 to vector<16xf32>
        %mul3A_962 = arith.mulf %mul3A_961, %min3A_959 : vector<16xf32>
        %sub3A_963 = arith.subf %abs3A_956, %mul3A_962 : vector<16xf32>
        %mul3A_964 = arith.mulf %min3A_959, %sub3A_963 : vector<16xf32>
        %add3A_965 = arith.addf %mul3A_938, %mul3A_964 : vector<16xf32>
        %get3A_966 = arith.constant 1 : i32
        %get3A_967 = arith.constant 2 : i32
        %get3A_968 = arith.index_cast %get3A_966 : i32 to index
        %get3A_969 = arith.index_cast %scan3A_121 : i32 to index
        %get3A_970 = arith.index_cast %get3A_967 : i32 to index
        %get3A_971 = arith.constant 96 : index
        %get3A_972 = tpu.vector_load %arg7[%get3A_968, %get3A_969, %get3A_970, %get3A_971] {strides = array<i32>} : memref<2x50x4x128xf32, #tpu.memory_space<vmem>>, vector<1x1x1x16xf32>,
        %get3A_973 = vector.shape_cast %get3A_972 : vector<1x1x1x16xf32> to vector<16xf32>
        %get3A_974 = arith.constant 1 : i32
        %get3A_975 = arith.constant 2 : i32
        %get3A_976 = arith.index_cast %get3A_974 : i32 to index
        %get3A_977 = arith.index_cast %scan3A_121 : i32 to index
        %get3A_978 = arith.index_cast %get3A_975 : i32 to index
        %get3A_979 = arith.constant 96 : index
        %get3A_980 = tpu.vector_load %arg8[%get3A_976, %get3A_977, %get3A_978, %get3A_979] {strides = array<i32>} : memref<2x50x4x128xf32, #tpu.memory_space<vmem>>, vector<1x1x1x16xf32>,
        %get3A_981 = vector.shape_cast %get3A_980 : vector<1x1x1x16xf32> to vector<16xf32>
        %sub3A_982 = arith.subf %get3A_973, %get3A_981 : vector<16xf32>
        %abs3A_983 = math.absf %sub3A_982 : vector<16xf32>
        %min3A_984 = arith.constant 1.000000e+00 : f32
        %min3A_985 = vector.broadcast %min3A_984 : f32 to vector<16xf32>
        %min3A_986 = arith.minimumf %abs3A_983, %min3A_985 : vector<16xf32>
        %mul3A_987 = arith.constant 5.000000e-01 : f32
        %mul3A_988 = vector.broadcast %mul3A_987 : f32 to vector<16xf32>
        %mul3A_989 = arith.mulf %mul3A_988, %min3A_986 : vector<16xf32>
        %sub3A_990 = arith.subf %abs3A_983, %mul3A_989 : vector<16xf32>
        %mul3A_991 = arith.mulf %min3A_986, %sub3A_990 : vector<16xf32>
        %add3A_992 = arith.addf %add3A_965, %mul3A_991 : vector<16xf32>
        %get3A_993 = arith.constant 1 : i32
        %get3A_994 = arith.constant 3 : i32
        %get3A_995 = arith.index_cast %get3A_993 : i32 to index
        %get3A_996 = arith.index_cast %scan3A_121 : i32 to index
        %get3A_997 = arith.index_cast %get3A_994 : i32 to index
        %get3A_998 = arith.constant 96 : index
        %get3A_999 = tpu.vector_load %arg7[%get3A_995, %get3A_996, %get3A_997, %get3A_998] {strides = array<i32>} : memref<2x50x4x128xf32, #tpu.memory_space<vmem>>, vector<1x1x1x16xf32>,
        %get3A_1000 = vector.shape_cast %get3A_999 : vector<1x1x1x16xf32> to vector<16xf32>
        %get3A_1001 = arith.constant 1 : i32
        %get3A_1002 = arith.constant 3 : i32
        %get3A_1003 = arith.index_cast %get3A_1001 : i32 to index
        %get3A_1004 = arith.index_cast %scan3A_121 : i32 to index
        %get3A_1005 = arith.index_cast %get3A_1002 : i32 to index
        %get3A_1006 = arith.constant 96 : index
        %get3A_1007 = tpu.vector_load %arg8[%get3A_1003, %get3A_1004, %get3A_1005, %get3A_1006] {strides = array<i32>} : memref<2x50x4x128xf32, #tpu.memory_space<vmem>>, vector<1x1x1x16xf32>,
        %get3A_1008 = vector.shape_cast %get3A_1007 : vector<1x1x1x16xf32> to vector<16xf32>
        %sub3A_1009 = arith.subf %get3A_1000, %get3A_1008 : vector<16xf32>
        %abs3A_1010 = math.absf %sub3A_1009 : vector<16xf32>
        %min3A_1011 = arith.constant 1.000000e+00 : f32
        %min3A_1012 = vector.broadcast %min3A_1011 : f32 to vector<16xf32>
        %min3A_1013 = arith.minimumf %abs3A_1010, %min3A_1012 : vector<16xf32>
        %mul3A_1014 = arith.constant 5.000000e-01 : f32
        %mul3A_1015 = vector.broadcast %mul3A_1014 : f32 to vector<16xf32>
        %mul3A_1016 = arith.mulf %mul3A_1015, %min3A_1013 : vector<16xf32>
        %sub3A_1017 = arith.subf %abs3A_1010, %mul3A_1016 : vector<16xf32>
        %mul3A_1018 = arith.mulf %min3A_1013, %sub3A_1017 : vector<16xf32>
        %add3A_1019 = arith.addf %add3A_992, %mul3A_1018 : vector<16xf32>
        %jit3A_1020 = arith.constant 0.000000e+00 : f32
        %broadcast_in_dim3A_1021 = vector.broadcast %jit3A_1020 : f32 to vector<16xf32>
        %select_n3A_1022 = arith.select %eq3A_906, %add3A_1019, %broadcast_in_dim3A_1021 : vector<16xi1>, vector<16xf32>
        %add3A_1023 = arith.addf %add3A_894, %select_n3A_1022 : vector<16xf32>
        %mul3A_1024 = arith.constant 128 : i32
        %mul3A_1025 = arith.muli %scan3A_121, %mul3A_1024 : i32
        %add3A_1026 = arith.constant 112 : i32
        %add3A_1027 = arith.addi %mul3A_1025, %add3A_1026 : i32
        %get3A_1028 = arith.constant 1 : i32
        %get3A_1029 = arith.index_cast %get3A_1028 : i32 to index
        %get3A_1030 = arith.index_cast %add3A_1027 : i32 to index
        %get3A_1031 = tpu.vector_load %arg9[%get3A_1029, %get3A_1030] {strides = array<i32>} : memref<2x6400xi32, #tpu.memory_space<vmem>>, vector<1x16xi32>,
        %get3A_1032 = vector.shape_cast %get3A_1031 : vector<1x16xi32> to vector<16xi32>
        %eq3A_1033 = arith.constant 1 : i32
        %eq3A_1034 = vector.broadcast %eq3A_1033 : i32 to vector<16xi32>
        %eq3A_1035 = arith.cmpi eq, %get3A_1032, %eq3A_1034 : vector<16xi32>
        %jit3A_1036 = arith.constant 1.000000e+00 : f32
        %jit3A_1037 = arith.constant 0.000000e+00 : f32
        %broadcast_in_dim3A_1038 = vector.broadcast %jit3A_1036 : f32 to vector<16xf32>
        %broadcast_in_dim3A_1039 = vector.broadcast %jit3A_1037 : f32 to vector<16xf32>
        %select_n3A_1040 = arith.select %eq3A_1035, %broadcast_in_dim3A_1038, %broadcast_in_dim3A_1039 : vector<16xi1>, vector<16xf32>
        %add3A_1041 = arith.addf %add3A_912, %select_n3A_1040 : vector<16xf32>
        %get3A_1042 = arith.constant 1 : i32
        %get3A_1043 = arith.constant 0 : i32
        %get3A_1044 = arith.index_cast %get3A_1042 : i32 to index
        %get3A_1045 = arith.index_cast %scan3A_121 : i32 to index
        %get3A_1046 = arith.index_cast %get3A_1043 : i32 to index
        %get3A_1047 = arith.constant 112 : index
        %get3A_1048 = tpu.vector_load %arg7[%get3A_1044, %get3A_1045, %get3A_1046, %get3A_1047] {strides = array<i32>} : memref<2x50x4x128xf32, #tpu.memory_space<vmem>>, vector<1x1x1x16xf32>,
        %get3A_1049 = vector.shape_cast %get3A_1048 : vector<1x1x1x16xf32> to vector<16xf32>
        %get3A_1050 = arith.constant 1 : i32
        %get3A_1051 = arith.constant 0 : i32
        %get3A_1052 = arith.index_cast %get3A_1050 : i32 to index
        %get3A_1053 = arith.index_cast %scan3A_121 : i32 to index
        %get3A_1054 = arith.index_cast %get3A_1051 : i32 to index
        %get3A_1055 = arith.constant 112 : index
        %get3A_1056 = tpu.vector_load %arg8[%get3A_1052, %get3A_1053, %get3A_1054, %get3A_1055] {strides = array<i32>} : memref<2x50x4x128xf32, #tpu.memory_space<vmem>>, vector<1x1x1x16xf32>,
        %get3A_1057 = vector.shape_cast %get3A_1056 : vector<1x1x1x16xf32> to vector<16xf32>
        %sub3A_1058 = arith.subf %get3A_1049, %get3A_1057 : vector<16xf32>
        %abs3A_1059 = math.absf %sub3A_1058 : vector<16xf32>
        %min3A_1060 = arith.constant 1.000000e+00 : f32
        %min3A_1061 = vector.broadcast %min3A_1060 : f32 to vector<16xf32>
        %min3A_1062 = arith.minimumf %abs3A_1059, %min3A_1061 : vector<16xf32>
        %mul3A_1063 = arith.constant 5.000000e-01 : f32
        %mul3A_1064 = vector.broadcast %mul3A_1063 : f32 to vector<16xf32>
        %mul3A_1065 = arith.mulf %mul3A_1064, %min3A_1062 : vector<16xf32>
        %sub3A_1066 = arith.subf %abs3A_1059, %mul3A_1065 : vector<16xf32>
        %mul3A_1067 = arith.mulf %min3A_1062, %sub3A_1066 : vector<16xf32>
        %get3A_1068 = arith.constant 1 : i32
        %get3A_1069 = arith.constant 1 : i32
        %get3A_1070 = arith.index_cast %get3A_1068 : i32 to index
        %get3A_1071 = arith.index_cast %scan3A_121 : i32 to index
        %get3A_1072 = arith.index_cast %get3A_1069 : i32 to index
        %get3A_1073 = arith.constant 112 : index
        %get3A_1074 = tpu.vector_load %arg7[%get3A_1070, %get3A_1071, %get3A_1072, %get3A_1073] {strides = array<i32>} : memref<2x50x4x128xf32, #tpu.memory_space<vmem>>, vector<1x1x1x16xf32>,
        %get3A_1075 = vector.shape_cast %get3A_1074 : vector<1x1x1x16xf32> to vector<16xf32>
        %get3A_1076 = arith.constant 1 : i32
        %get3A_1077 = arith.constant 1 : i32
        %get3A_1078 = arith.index_cast %get3A_1076 : i32 to index
        %get3A_1079 = arith.index_cast %scan3A_121 : i32 to index
        %get3A_1080 = arith.index_cast %get3A_1077 : i32 to index
        %get3A_1081 = arith.constant 112 : index
        %get3A_1082 = tpu.vector_load %arg8[%get3A_1078, %get3A_1079, %get3A_1080, %get3A_1081] {strides = array<i32>} : memref<2x50x4x128xf32, #tpu.memory_space<vmem>>, vector<1x1x1x16xf32>,
        %get3A_1083 = vector.shape_cast %get3A_1082 : vector<1x1x1x16xf32> to vector<16xf32>
        %sub3A_1084 = arith.subf %get3A_1075, %get3A_1083 : vector<16xf32>
        %abs3A_1085 = math.absf %sub3A_1084 : vector<16xf32>
        %min3A_1086 = arith.constant 1.000000e+00 : f32
        %min3A_1087 = vector.broadcast %min3A_1086 : f32 to vector<16xf32>
        %min3A_1088 = arith.minimumf %abs3A_1085, %min3A_1087 : vector<16xf32>
        %mul3A_1089 = arith.constant 5.000000e-01 : f32
        %mul3A_1090 = vector.broadcast %mul3A_1089 : f32 to vector<16xf32>
        %mul3A_1091 = arith.mulf %mul3A_1090, %min3A_1088 : vector<16xf32>
        %sub3A_1092 = arith.subf %abs3A_1085, %mul3A_1091 : vector<16xf32>
        %mul3A_1093 = arith.mulf %min3A_1088, %sub3A_1092 : vector<16xf32>
        %add3A_1094 = arith.addf %mul3A_1067, %mul3A_1093 : vector<16xf32>
        %get3A_1095 = arith.constant 1 : i32
        %get3A_1096 = arith.constant 2 : i32
        %get3A_1097 = arith.index_cast %get3A_1095 : i32 to index
        %get3A_1098 = arith.index_cast %scan3A_121 : i32 to index
        %get3A_1099 = arith.index_cast %get3A_1096 : i32 to index
        %get3A_1100 = arith.constant 112 : index
        %get3A_1101 = tpu.vector_load %arg7[%get3A_1097, %get3A_1098, %get3A_1099, %get3A_1100] {strides = array<i32>} : memref<2x50x4x128xf32, #tpu.memory_space<vmem>>, vector<1x1x1x16xf32>,
        %get3A_1102 = vector.shape_cast %get3A_1101 : vector<1x1x1x16xf32> to vector<16xf32>
        %get3A_1103 = arith.constant 1 : i32
        %get3A_1104 = arith.constant 2 : i32
        %get3A_1105 = arith.index_cast %get3A_1103 : i32 to index
        %get3A_1106 = arith.index_cast %scan3A_121 : i32 to index
        %get3A_1107 = arith.index_cast %get3A_1104 : i32 to index
        %get3A_1108 = arith.constant 112 : index
        %get3A_1109 = tpu.vector_load %arg8[%get3A_1105, %get3A_1106, %get3A_1107, %get3A_1108] {strides = array<i32>} : memref<2x50x4x128xf32, #tpu.memory_space<vmem>>, vector<1x1x1x16xf32>,
        %get3A_1110 = vector.shape_cast %get3A_1109 : vector<1x1x1x16xf32> to vector<16xf32>
        %sub3A_1111 = arith.subf %get3A_1102, %get3A_1110 : vector<16xf32>
        %abs3A_1112 = math.absf %sub3A_1111 : vector<16xf32>
        %min3A_1113 = arith.constant 1.000000e+00 : f32
        %min3A_1114 = vector.broadcast %min3A_1113 : f32 to vector<16xf32>
        %min3A_1115 = arith.minimumf %abs3A_1112, %min3A_1114 : vector<16xf32>
        %mul3A_1116 = arith.constant 5.000000e-01 : f32
        %mul3A_1117 = vector.broadcast %mul3A_1116 : f32 to vector<16xf32>
        %mul3A_1118 = arith.mulf %mul3A_1117, %min3A_1115 : vector<16xf32>
        %sub3A_1119 = arith.subf %abs3A_1112, %mul3A_1118 : vector<16xf32>
        %mul3A_1120 = arith.mulf %min3A_1115, %sub3A_1119 : vector<16xf32>
        %add3A_1121 = arith.addf %add3A_1094, %mul3A_1120 : vector<16xf32>
        %get3A_1122 = arith.constant 1 : i32
        %get3A_1123 = arith.constant 3 : i32
        %get3A_1124 = arith.index_cast %get3A_1122 : i32 to index
        %get3A_1125 = arith.index_cast %scan3A_121 : i32 to index
        %get3A_1126 = arith.index_cast %get3A_1123 : i32 to index
        %get3A_1127 = arith.constant 112 : index
        %get3A_1128 = tpu.vector_load %arg7[%get3A_1124, %get3A_1125, %get3A_1126, %get3A_1127] {strides = array<i32>} : memref<2x50x4x128xf32, #tpu.memory_space<vmem>>, vector<1x1x1x16xf32>,
        %get3A_1129 = vector.shape_cast %get3A_1128 : vector<1x1x1x16xf32> to vector<16xf32>
        %get3A_1130 = arith.constant 1 : i32
        %get3A_1131 = arith.constant 3 : i32
        %get3A_1132 = arith.index_cast %get3A_1130 : i32 to index
        %get3A_1133 = arith.index_cast %scan3A_121 : i32 to index
        %get3A_1134 = arith.index_cast %get3A_1131 : i32 to index
        %get3A_1135 = arith.constant 112 : index
        %get3A_1136 = tpu.vector_load %arg8[%get3A_1132, %get3A_1133, %get3A_1134, %get3A_1135] {strides = array<i32>} : memref<2x50x4x128xf32, #tpu.memory_space<vmem>>, vector<1x1x1x16xf32>,
        %get3A_1137 = vector.shape_cast %get3A_1136 : vector<1x1x1x16xf32> to vector<16xf32>
        %sub3A_1138 = arith.subf %get3A_1129, %get3A_1137 : vector<16xf32>
        %abs3A_1139 = math.absf %sub3A_1138 : vector<16xf32>
        %min3A_1140 = arith.constant 1.000000e+00 : f32
        %min3A_1141 = vector.broadcast %min3A_1140 : f32 to vector<16xf32>
        %min3A_1142 = arith.minimumf %abs3A_1139, %min3A_1141 : vector<16xf32>
        %mul3A_1143 = arith.constant 5.000000e-01 : f32
        %mul3A_1144 = vector.broadcast %mul3A_1143 : f32 to vector<16xf32>
        %mul3A_1145 = arith.mulf %mul3A_1144, %min3A_1142 : vector<16xf32>
        %sub3A_1146 = arith.subf %abs3A_1139, %mul3A_1145 : vector<16xf32>
        %mul3A_1147 = arith.mulf %min3A_1142, %sub3A_1146 : vector<16xf32>
        %add3A_1148 = arith.addf %add3A_1121, %mul3A_1147 : vector<16xf32>
        %jit3A_1149 = arith.constant 0.000000e+00 : f32
        %broadcast_in_dim3A_1150 = vector.broadcast %jit3A_1149 : f32 to vector<16xf32>
        %select_n3A_1151 = arith.select %eq3A_1035, %add3A_1148, %broadcast_in_dim3A_1150 : vector<16xi1>, vector<16xf32>
        %add3A_1152 = arith.addf %add3A_1023, %select_n3A_1151 : vector<16xf32>
        scf.yield %add3A_1152, %add3A_1041 : vector<16xf32>, vector<16xf32>
      }
      %scan3A_106 = arith.constant 50 : i32
      %jit3A_107 = arith.constant 0.000000e+00 : f32
      %broadcast_in_dim3A_108 = vector.broadcast %jit3A_107 : f32 to vector<16xf32>
      %select_n3A_109 = arith.select %lt3A_95, %scan3A_105#0, %broadcast_in_dim3A_108 : vector<16xf32>
      %add3A_110 = arith.addf %add3A_80, %select_n3A_109 : vector<16xf32>
      %jit3A_111 = arith.constant 0.000000e+00 : f32
      %broadcast_in_dim3A_112 = vector.broadcast %jit3A_111 : f32 to vector<16xf32>
      %select_n3A_113 = arith.select %lt3A_95, %scan3A_105#1, %broadcast_in_dim3A_112 : vector<16xf32>
      %add3A_114 = arith.addf %add3A_84, %select_n3A_113 : vector<16xf32>
      %add3A_115 = arith.constant 2 : i32
      %add3A_116 = arith.addi %add3A_94, %add3A_115 : i32
      %lt3A_117 = arith.cmpi slt, %add3A_116, %add3A_8 : i32
      %convert_element_type3A_118 = arith.extui %lt3A_117 : i1 to i32
      %cond3A_119 = arith.constant 0 : i32
      %cond3A_120 = arith.cmpi ne, %convert_element_type3A_118, %cond3A_119 : i32
      scf.if %cond3A_120 {
        %add3A_121 = arith.constant 2 : i32
        %add3A_122 = arith.addi %add3A_94, %add3A_121 : i32
        %add3A_123 = arith.addi %add3A_4, %add3A_122 : i32
        %mul3A_124 = arith.constant 50 : i32
        %mul3A_125 = arith.muli %add3A_123, %mul3A_124 : i32
        %add3A_126 = arith.constant 10400 : i32
        %add3A_127 = arith.addi %add3A_126, %mul3A_125 : i32
        %dma_start3A = arith.constant 1 : i32
        %dma_start3A_128 = arith.constant 1 : i32
        %dma_start3A_129 = arith.constant 0 : i32
        %dma_start3A_130 = arith.constant 0 : i32
        %dma_start3A_131 = arith.constant 0 : i32
        %dma_start3A_132 = tpu.memref_slice %arg7[%dma_start3A, %dma_start3A_129, %dma_start3A_130, %dma_start3A_131] : memref<2x50x4x128xf32, #tpu.memory_space<vmem>> -> memref<1x50x4x128xf32, #tpu.memory_space<vmem>>
        %dma_start3A_133 = tpu.memref_squeeze %dma_start3A_132 : memref<1x50x4x128xf32, #tpu.memory_space<vmem>> -> memref<50x4x128xf32, #tpu.memory_space<vmem>>
        %dma_start3A_134 = arith.constant 0 : i32
        %dma_start3A_135 = arith.constant 0 : i32
        %dma_start3A_136 = tpu.memref_slice %arg2[%add3A_127, %dma_start3A_134, %dma_start3A_135] : memref<31250x4x128xf32, #tpu.memory_space<hbm>> -> memref<50x4x128xf32, #tpu.memory_space<hbm>>
        %dma_start3A_137 = tpu.memref_slice %arg11[%dma_start3A_128] : memref<2x!tpu.dma_semaphore, #tpu.memory_space<semaphore_mem>> -> memref<1x!tpu.dma_semaphore, #tpu.memory_space<semaphore_mem>>
        %dma_start3A_138 = tpu.memref_squeeze %dma_start3A_137 : memref<1x!tpu.dma_semaphore, #tpu.memory_space<semaphore_mem>> -> memref<!tpu.dma_semaphore, #tpu.memory_space<semaphore_mem>>
        %dma_start3A_139 = arith.constant 0 : i32
        %dma_start3A_140 = arith.constant 0 : i32
        %dma_start3A_141 = arith.constant 0 : i32
        %dma_start3A_142 = tpu.memref_slice %arg7[%dma_start3A, %dma_start3A_139, %dma_start3A_140, %dma_start3A_141] : memref<2x50x4x128xf32, #tpu.memory_space<vmem>> -> memref<1x50x4x128xf32, #tpu.memory_space<vmem>>
        %dma_start3A_143 = tpu.memref_squeeze %dma_start3A_142 : memref<1x50x4x128xf32, #tpu.memory_space<vmem>> -> memref<50x4x128xf32, #tpu.memory_space<vmem>>
        %dma_start3A_144 = arith.constant 0 : i32
        %dma_start3A_145 = arith.constant 0 : i32
        %dma_start3A_146 = tpu.memref_slice %arg2[%add3A_127, %dma_start3A_144, %dma_start3A_145] : memref<31250x4x128xf32, #tpu.memory_space<hbm>> -> memref<50x4x128xf32, #tpu.memory_space<hbm>>
        tpu.enqueue_dma source(%dma_start3A_146 : memref<50x4x128xf32, #tpu.memory_space<hbm>>) target(%dma_start3A_143 : memref<50x4x128xf32, #tpu.memory_space<vmem>>) target_semaphore(%dma_start3A_138 : memref<!tpu.dma_semaphore, #tpu.memory_space<semaphore_mem>>)
        %dma_start3A_147 = arith.constant 1 : i32
        %dma_start3A_148 = arith.constant 1 : i32
        %dma_start3A_149 = arith.constant 0 : i32
        %dma_start3A_150 = arith.constant 0 : i32
        %dma_start3A_151 = arith.constant 0 : i32
        %dma_start3A_152 = tpu.memref_slice %arg8[%dma_start3A_147, %dma_start3A_149, %dma_start3A_150, %dma_start3A_151] : memref<2x50x4x128xf32, #tpu.memory_space<vmem>> -> memref<1x50x4x128xf32, #tpu.memory_space<vmem>>
        %dma_start3A_153 = tpu.memref_squeeze %dma_start3A_152 : memref<1x50x4x128xf32, #tpu.memory_space<vmem>> -> memref<50x4x128xf32, #tpu.memory_space<vmem>>
        %dma_start3A_154 = arith.constant 0 : i32
        %dma_start3A_155 = arith.constant 0 : i32
        %dma_start3A_156 = tpu.memref_slice %arg3[%add3A_127, %dma_start3A_154, %dma_start3A_155] : memref<31250x4x128xf32, #tpu.memory_space<hbm>> -> memref<50x4x128xf32, #tpu.memory_space<hbm>>
        %dma_start3A_157 = tpu.memref_slice %arg11[%dma_start3A_148] : memref<2x!tpu.dma_semaphore, #tpu.memory_space<semaphore_mem>> -> memref<1x!tpu.dma_semaphore, #tpu.memory_space<semaphore_mem>>
        %dma_start3A_158 = tpu.memref_squeeze %dma_start3A_157 : memref<1x!tpu.dma_semaphore, #tpu.memory_space<semaphore_mem>> -> memref<!tpu.dma_semaphore, #tpu.memory_space<semaphore_mem>>
        %dma_start3A_159 = arith.constant 0 : i32
        %dma_start3A_160 = arith.constant 0 : i32
        %dma_start3A_161 = arith.constant 0 : i32
        %dma_start3A_162 = tpu.memref_slice %arg8[%dma_start3A_147, %dma_start3A_159, %dma_start3A_160, %dma_start3A_161] : memref<2x50x4x128xf32, #tpu.memory_space<vmem>> -> memref<1x50x4x128xf32, #tpu.memory_space<vmem>>
        %dma_start3A_163 = tpu.memref_squeeze %dma_start3A_162 : memref<1x50x4x128xf32, #tpu.memory_space<vmem>> -> memref<50x4x128xf32, #tpu.memory_space<vmem>>
        %dma_start3A_164 = arith.constant 0 : i32
        %dma_start3A_165 = arith.constant 0 : i32
        %dma_start3A_166 = tpu.memref_slice %arg3[%add3A_127, %dma_start3A_164, %dma_start3A_165] : memref<31250x4x128xf32, #tpu.memory_space<hbm>> -> memref<50x4x128xf32, #tpu.memory_space<hbm>>
        tpu.enqueue_dma source(%dma_start3A_166 : memref<50x4x128xf32, #tpu.memory_space<hbm>>) target(%dma_start3A_163 : memref<50x4x128xf32, #tpu.memory_space<vmem>>) target_semaphore(%dma_start3A_158 : memref<!tpu.dma_semaphore, #tpu.memory_space<semaphore_mem>>)
        %mul3A_167 = arith.constant 128 : i32
        %mul3A_168 = arith.muli %add3A_127, %mul3A_167 : i32
        %dma_start3A_169 = arith.constant 1 : i32
        %dma_start3A_170 = arith.constant 1 : i32
        %dma_start3A_171 = arith.constant 0 : i32
        %dma_start3A_172 = tpu.memref_slice %arg9[%dma_start3A_169, %dma_start3A_171] : memref<2x6400xi32, #tpu.memory_space<vmem>> -> memref<1x6400xi32, #tpu.memory_space<vmem>>
        %dma_start3A_173 = tpu.memref_squeeze %dma_start3A_172 : memref<1x6400xi32, #tpu.memory_space<vmem>> -> memref<6400xi32, #tpu.memory_space<vmem>>
        %dma_start3A_174 = tpu.memref_slice %arg4[%mul3A_168] : memref<4000000xi32, #tpu.memory_space<hbm>> -> memref<6400xi32, #tpu.memory_space<hbm>>
        %dma_start3A_175 = tpu.memref_slice %arg11[%dma_start3A_170] : memref<2x!tpu.dma_semaphore, #tpu.memory_space<semaphore_mem>> -> memref<1x!tpu.dma_semaphore, #tpu.memory_space<semaphore_mem>>
        %dma_start3A_176 = tpu.memref_squeeze %dma_start3A_175 : memref<1x!tpu.dma_semaphore, #tpu.memory_space<semaphore_mem>> -> memref<!tpu.dma_semaphore, #tpu.memory_space<semaphore_mem>>
        %dma_start3A_177 = arith.constant 0 : i32
        %dma_start3A_178 = tpu.memref_slice %arg9[%dma_start3A_169, %dma_start3A_177] : memref<2x6400xi32, #tpu.memory_space<vmem>> -> memref<1x6400xi32, #tpu.memory_space<vmem>>
        %dma_start3A_179 = tpu.memref_squeeze %dma_start3A_178 : memref<1x6400xi32, #tpu.memory_space<vmem>> -> memref<6400xi32, #tpu.memory_space<vmem>>
        %dma_start3A_180 = tpu.memref_slice %arg4[%mul3A_168] : memref<4000000xi32, #tpu.memory_space<hbm>> -> memref<6400xi32, #tpu.memory_space<hbm>>
        tpu.enqueue_dma source(%dma_start3A_180 : memref<6400xi32, #tpu.memory_space<hbm>>) target(%dma_start3A_179 : memref<6400xi32, #tpu.memory_space<vmem>>) target_semaphore(%dma_start3A_176 : memref<!tpu.dma_semaphore, #tpu.memory_space<semaphore_mem>>)
      } else {
      }
      scf.yield %add3A_110, %add3A_114 : vector<16xf32>, vector<16xf32>
    }
    %swap3A = arith.constant 0 : i32
    %swap3A_47 = arith.index_cast %swap3A : i32 to index
    %swap3A_48 = arith.constant 0 : index
    %swap3A_49 = tpu.vector_load %arg10[%swap3A_47, %swap3A_48] {strides = array<i32>} : memref<2x16xf32, #tpu.memory_space<vmem>>, vector<1x16xf32>,
    %swap3A_50 = vector.shape_cast %swap3A_49 : vector<1x16xf32> to vector<16xf32>
    %swap3A_51 = vector.shape_cast %while3A_46#0 : vector<16xf32> to vector<1x16xf32>
    tpu.vector_store %arg10[%swap3A_47, %swap3A_48], %swap3A_51 {strides = array<i32>} : memref<2x16xf32, #tpu.memory_space<vmem>>, vector<1x16xf32>,
    %swap3A_52 = arith.constant 1 : i32
    %swap3A_53 = arith.index_cast %swap3A_52 : i32 to index
    %swap3A_54 = arith.constant 0 : index
    %swap3A_55 = tpu.vector_load %arg10[%swap3A_53, %swap3A_54] {strides = array<i32>} : memref<2x16xf32, #tpu.memory_space<vmem>>, vector<1x16xf32>,
    %swap3A_56 = vector.shape_cast %swap3A_55 : vector<1x16xf32> to vector<16xf32>
    %swap3A_57 = vector.shape_cast %while3A_46#1 : vector<16xf32> to vector<1x16xf32>
    tpu.vector_store %arg10[%swap3A_53, %swap3A_54], %swap3A_57 {strides = array<i32>} : memref<2x16xf32, #tpu.memory_space<vmem>>, vector<1x16xf32>,
    %run_scoped3A = arith.constant 0 : i32
    "tpu.region"() ({
      %run_scoped3A_59 = tpu.sem_alloc : memref<!tpu.dma_semaphore, #tpu.memory_space<semaphore_mem>>
      %dma_start3A = arith.constant 0 : i32
      %dma_start3A_60 = tpu.memref_slice %arg10[%run_scoped3A, %dma_start3A] : memref<2x16xf32, #tpu.memory_space<vmem>> -> memref<1x16xf32, #tpu.memory_space<vmem>>
      %dma_start3A_61 = tpu.memref_squeeze %dma_start3A_60 : memref<1x16xf32, #tpu.memory_space<vmem>> -> memref<16xf32, #tpu.memory_space<vmem>>
      %dma_start3A_62 = arith.constant 0 : i32
      %dma_start3A_63 = tpu.memref_slice %arg5[%add3A, %dma_start3A_62] : memref<32x16xf32, #tpu.memory_space<hbm>> -> memref<1x16xf32, #tpu.memory_space<hbm>>
      %dma_start3A_64 = tpu.memref_squeeze %dma_start3A_63 : memref<1x16xf32, #tpu.memory_space<hbm>> -> memref<16xf32, #tpu.memory_space<hbm>>
      %dma_start3A_65 = arith.constant 0 : i32
      %dma_start3A_66 = tpu.memref_slice %arg5[%add3A, %dma_start3A_65] : memref<32x16xf32, #tpu.memory_space<hbm>> -> memref<1x16xf32, #tpu.memory_space<hbm>>
      %dma_start3A_67 = tpu.memref_squeeze %dma_start3A_66 : memref<1x16xf32, #tpu.memory_space<hbm>> -> memref<16xf32, #tpu.memory_space<hbm>>
      %dma_start3A_68 = arith.constant 0 : i32
      %dma_start3A_69 = tpu.memref_slice %arg10[%run_scoped3A, %dma_start3A_68] : memref<2x16xf32, #tpu.memory_space<vmem>> -> memref<1x16xf32, #tpu.memory_space<vmem>>
      %dma_start3A_70 = tpu.memref_squeeze %dma_start3A_69 : memref<1x16xf32, #tpu.memory_space<vmem>> -> memref<16xf32, #tpu.memory_space<vmem>>
      tpu.enqueue_dma source(%dma_start3A_70 : memref<16xf32, #tpu.memory_space<vmem>>) target(%dma_start3A_67 : memref<16xf32, #tpu.memory_space<hbm>>) target_semaphore(%run_scoped3A_59 : memref<!tpu.dma_semaphore, #tpu.memory_space<semaphore_mem>>)
      %dma_wait3A = arith.constant 0 : i32
      %dma_wait3A_71 = tpu.memref_slice %arg10[%run_scoped3A, %dma_wait3A] : memref<2x16xf32, #tpu.memory_space<vmem>> -> memref<1x16xf32, #tpu.memory_space<vmem>>
      %dma_wait3A_72 = tpu.memref_squeeze %dma_wait3A_71 : memref<1x16xf32, #tpu.memory_space<vmem>> -> memref<16xf32, #tpu.memory_space<vmem>>
      %dma_wait3A_73 = arith.constant 0 : i32
      %dma_wait3A_74 = tpu.memref_slice %arg5[%add3A, %dma_wait3A_73] : memref<32x16xf32, #tpu.memory_space<hbm>> -> memref<1x16xf32, #tpu.memory_space<hbm>>
      %dma_wait3A_75 = tpu.memref_squeeze %dma_wait3A_74 : memref<1x16xf32, #tpu.memory_space<hbm>> -> memref<16xf32, #tpu.memory_space<hbm>>
      %dma_wait3A_76 = arith.constant 0 : i32
      %dma_wait3A_77 = tpu.memref_slice %arg5[%add3A, %dma_wait3A_76] : memref<32x16xf32, #tpu.memory_space<hbm>> -> memref<1x16xf32, #tpu.memory_space<hbm>>
      %dma_wait3A_78 = tpu.memref_squeeze %dma_wait3A_77 : memref<1x16xf32, #tpu.memory_space<hbm>> -> memref<16xf32, #tpu.memory_space<hbm>>
      %dma_wait3A_79 = arith.constant 0 : i32
      %dma_wait3A_80 = tpu.memref_slice %arg10[%run_scoped3A, %dma_wait3A_79] : memref<2x16xf32, #tpu.memory_space<vmem>> -> memref<1x16xf32, #tpu.memory_space<vmem>>
      %dma_wait3A_81 = tpu.memref_squeeze %dma_wait3A_80 : memref<1x16xf32, #tpu.memory_space<vmem>> -> memref<16xf32, #tpu.memory_space<vmem>>
      tpu.wait_dma2 semaphore(%run_scoped3A_59 : memref<!tpu.dma_semaphore, #tpu.memory_space<semaphore_mem>>) src(%dma_wait3A_81 : memref<16xf32, #tpu.memory_space<vmem>>) dst(%dma_wait3A_78 : memref<16xf32, #tpu.memory_space<hbm>>)
      tpu.yield
    }) : () -> ()
    %run_scoped3A_58 = arith.constant 1 : i32
    "tpu.region"() ({
      %run_scoped3A_59 = tpu.sem_alloc : memref<!tpu.dma_semaphore, #tpu.memory_space<semaphore_mem>>
      %dma_start3A = arith.constant 0 : i32
      %dma_start3A_60 = tpu.memref_slice %arg10[%run_scoped3A_58, %dma_start3A] : memref<2x16xf32, #tpu.memory_space<vmem>> -> memref<1x16xf32, #tpu.memory_space<vmem>>
      %dma_start3A_61 = tpu.memref_squeeze %dma_start3A_60 : memref<1x16xf32, #tpu.memory_space<vmem>> -> memref<16xf32, #tpu.memory_space<vmem>>
      %dma_start3A_62 = arith.constant 0 : i32
      %dma_start3A_63 = tpu.memref_slice %arg6[%add3A, %dma_start3A_62] : memref<32x16xf32, #tpu.memory_space<hbm>> -> memref<1x16xf32, #tpu.memory_space<hbm>>
      %dma_start3A_64 = tpu.memref_squeeze %dma_start3A_63 : memref<1x16xf32, #tpu.memory_space<hbm>> -> memref<16xf32, #tpu.memory_space<hbm>>
      %dma_start3A_65 = arith.constant 0 : i32
      %dma_start3A_66 = tpu.memref_slice %arg6[%add3A, %dma_start3A_65] : memref<32x16xf32, #tpu.memory_space<hbm>> -> memref<1x16xf32, #tpu.memory_space<hbm>>
      %dma_start3A_67 = tpu.memref_squeeze %dma_start3A_66 : memref<1x16xf32, #tpu.memory_space<hbm>> -> memref<16xf32, #tpu.memory_space<hbm>>
      %dma_start3A_68 = arith.constant 0 : i32
      %dma_start3A_69 = tpu.memref_slice %arg10[%run_scoped3A_58, %dma_start3A_68] : memref<2x16xf32, #tpu.memory_space<vmem>> -> memref<1x16xf32, #tpu.memory_space<vmem>>
      %dma_start3A_70 = tpu.memref_squeeze %dma_start3A_69 : memref<1x16xf32, #tpu.memory_space<vmem>> -> memref<16xf32, #tpu.memory_space<vmem>>
      tpu.enqueue_dma source(%dma_start3A_70 : memref<16xf32, #tpu.memory_space<vmem>>) target(%dma_start3A_67 : memref<16xf32, #tpu.memory_space<hbm>>) target_semaphore(%run_scoped3A_59 : memref<!tpu.dma_semaphore, #tpu.memory_space<semaphore_mem>>)
      %dma_wait3A = arith.constant 0 : i32
      %dma_wait3A_71 = tpu.memref_slice %arg10[%run_scoped3A_58, %dma_wait3A] : memref<2x16xf32, #tpu.memory_space<vmem>> -> memref<1x16xf32, #tpu.memory_space<vmem>>
      %dma_wait3A_72 = tpu.memref_squeeze %dma_wait3A_71 : memref<1x16xf32, #tpu.memory_space<vmem>> -> memref<16xf32, #tpu.memory_space<vmem>>
      %dma_wait3A_73 = arith.constant 0 : i32
      %dma_wait3A_74 = tpu.memref_slice %arg6[%add3A, %dma_wait3A_73] : memref<32x16xf32, #tpu.memory_space<hbm>> -> memref<1x16xf32, #tpu.memory_space<hbm>>
      %dma_wait3A_75 = tpu.memref_squeeze %dma_wait3A_74 : memref<1x16xf32, #tpu.memory_space<hbm>> -> memref<16xf32, #tpu.memory_space<hbm>>
      %dma_wait3A_76 = arith.constant 0 : i32
      %dma_wait3A_77 = tpu.memref_slice %arg6[%add3A, %dma_wait3A_76] : memref<32x16xf32, #tpu.memory_space<hbm>> -> memref<1x16xf32, #tpu.memory_space<hbm>>
      %dma_wait3A_78 = tpu.memref_squeeze %dma_wait3A_77 : memref<1x16xf32, #tpu.memory_space<hbm>> -> memref<16xf32, #tpu.memory_space<hbm>>
      %dma_wait3A_79 = arith.constant 0 : i32
      %dma_wait3A_80 = tpu.memref_slice %arg10[%run_scoped3A_58, %dma_wait3A_79] : memref<2x16xf32, #tpu.memory_space<vmem>> -> memref<1x16xf32, #tpu.memory_space<vmem>>
      %dma_wait3A_81 = tpu.memref_squeeze %dma_wait3A_80 : memref<1x16xf32, #tpu.memory_space<vmem>> -> memref<16xf32, #tpu.memory_space<vmem>>
      tpu.wait_dma2 semaphore(%run_scoped3A_59 : memref<!tpu.dma_semaphore, #tpu.memory_space<semaphore_mem>>) src(%dma_wait3A_81 : memref<16xf32, #tpu.memory_space<vmem>>) dst(%dma_wait3A_78 : memref<16xf32, #tpu.memory_space<hbm>>)
      tpu.yield
    }) : () -> ()
    return
  }
}

module attributes {stable_mosaic.version = 14 : i64} {
  func.func @_tc_kernel(%arg0: i32, %arg1: memref<512x8x128xf32, #tpu.memory_space<vmem>>, %arg2: memref<512x8x128xf32, #tpu.memory_space<vmem>>, %arg3: memref<512x2x128xi32, #tpu.memory_space<vmem>>, %arg4: memref<1x2xf32, #tpu.memory_space<vmem>>, %arg5: memref<1x1xf32, #tpu.memory_space<vmem>>, %arg6: memref<1x1xf32, #tpu.memory_space<vmem>>) attributes {dimension_semantics = [#tpu.dimension_semantics<arbitrary>], iteration_bounds = array<i64: 11>, scalar_prefetch = 0 : i64, scratch_operands = 2 : i64, tpu.core_type = #tpu.core_type<tc>, window_params = [{transform_indices = @transform_0, window_bounds = array<i64: 512, 8, 128>}, {transform_indices = @transform_1, window_bounds = array<i64: 512, 8, 128>}, {transform_indices = @transform_2, window_bounds = array<i64: 512, 2, 128>}, {pipeline_mode = #tpu.pipeline_mode<synchronous>, transform_indices = @transform_3, window_bounds = array<i64: 1, 2>}]} {
    %eq3A = arith.constant 0 : i32
    %eq3A_0 = arith.cmpi eq, %arg0, %eq3A : i32
    %convert_element_type3A = arith.extui %eq3A_0 : i1 to i32
    %cond3A = arith.constant 0 : i32
    %cond3A_1 = arith.cmpi ne, %convert_element_type3A, %cond3A : i32
    scf.if %cond3A_1 {
      %broadcast_in_dim3A_121 = arith.constant 0.000000e+00 : f32
      %broadcast_in_dim3A_122 = vector.broadcast %broadcast_in_dim3A_121 : f32 to vector<1x1xf32>
      %swap3A_123 = arith.constant 0 : index
      %swap3A_124 = arith.constant 0 : index
      %swap3A_125 = vector.load %arg5[%swap3A_123, %swap3A_124] : memref<1x1xf32, #tpu.memory_space<vmem>>, vector<1x1xf32>
      tpu.vector_store %arg5[%swap3A_123, %swap3A_124], %broadcast_in_dim3A_122 {strides = array<i32>} : memref<1x1xf32, #tpu.memory_space<vmem>>, vector<1x1xf32>,
      %broadcast_in_dim3A_126 = arith.constant 0.000000e+00 : f32
      %broadcast_in_dim3A_127 = vector.broadcast %broadcast_in_dim3A_126 : f32 to vector<1x1xf32>
      %swap3A_128 = arith.constant 0 : index
      %swap3A_129 = arith.constant 0 : index
      %swap3A_130 = vector.load %arg6[%swap3A_128, %swap3A_129] : memref<1x1xf32, #tpu.memory_space<vmem>>, vector<1x1xf32>
      tpu.vector_store %arg6[%swap3A_128, %swap3A_129], %broadcast_in_dim3A_127 {strides = array<i32>} : memref<1x1xf32, #tpu.memory_space<vmem>>, vector<1x1xf32>,
    } else {
    }
    %get3A = arith.constant 0 : index
    %get3A_2 = arith.constant 0 : index
    %get3A_3 = arith.constant 0 : index
    %get3A_4 = vector.load %arg1[%get3A, %get3A_2, %get3A_3] : memref<512x8x128xf32, #tpu.memory_space<vmem>>, vector<512x8x128xf32>
    %get3A_5 = arith.constant 0 : index
    %get3A_6 = arith.constant 0 : index
    %get3A_7 = arith.constant 0 : index
    %get3A_8 = vector.load %arg2[%get3A_5, %get3A_6, %get3A_7] : memref<512x8x128xf32, #tpu.memory_space<vmem>>, vector<512x8x128xf32>
    %sub3A = arith.subf %get3A_4, %get3A_8 : vector<512x8x128xf32>
    %abs3A = math.absf %sub3A : vector<512x8x128xf32>
    %min3A = arith.constant 1.000000e+00 : f32
    %min3A_9 = vector.broadcast %min3A : f32 to vector<512x8x128xf32>
    %min3A_10 = arith.minimumf %abs3A, %min3A_9 : vector<512x8x128xf32>
    %mul3A = arith.constant 5.000000e-01 : f32
    %mul3A_11 = vector.broadcast %mul3A : f32 to vector<512x8x128xf32>
    %mul3A_12 = arith.mulf %mul3A_11, %min3A_10 : vector<512x8x128xf32>
    %sub3A_13 = arith.subf %abs3A, %mul3A_12 : vector<512x8x128xf32>
    %mul3A_14 = arith.mulf %min3A_10, %sub3A_13 : vector<512x8x128xf32>
    %mul3A_15 = arith.constant 512 : i32
    %mul3A_16 = arith.muli %arg0, %mul3A_15 : i32
    %iota3A = tpu.iota {dimensions = array<i32: 0>} : vector<512x2x128xi32>
    %add3A = vector.broadcast %mul3A_16 : i32 to vector<512x2x128xi32>
    %add3A_17 = arith.addi %iota3A, %add3A : vector<512x2x128xi32>
    %lt3A = arith.constant 5200 : i32
    %lt3A_18 = vector.broadcast %lt3A : i32 to vector<512x2x128xi32>
    %lt3A_19 = arith.cmpi slt, %add3A_17, %lt3A_18 : vector<512x2x128xi32>
    %get3A_20 = arith.constant 0 : index
    %get3A_21 = arith.constant 0 : index
    %get3A_22 = arith.constant 0 : index
    %get3A_23 = vector.load %arg3[%get3A_20, %get3A_21, %get3A_22] : memref<512x2x128xi32, #tpu.memory_space<vmem>>, vector<512x2x128xi32>
    %eq3A_24 = arith.constant 1 : i32
    %eq3A_25 = vector.broadcast %eq3A_24 : i32 to vector<512x2x128xi32>
    %eq3A_26 = arith.cmpi eq, %get3A_23, %eq3A_25 : vector<512x2x128xi32>
    %and3A = arith.andi %eq3A_26, %lt3A_19 : vector<512x2x128xi1>
    %broadcast_in_dim3A = arith.constant 0.000000e+00 : f32
    %broadcast_in_dim3A_27 = vector.broadcast %broadcast_in_dim3A : f32 to vector<512x128xf32>
    %slice3A = vector.extract_strided_slice %and3A {offsets = [0, 0, 0], sizes = [512, 1, 128], strides = [1, 1, 1]} : vector<512x2x128xi1> to vector<512x1x128xi1>
    %squeeze3A = vector.shape_cast %slice3A : vector<512x1x128xi1> to vector<512x128xi1>
    %slice3A_28 = vector.extract_strided_slice %mul3A_14 {offsets = [0, 0, 0], sizes = [512, 1, 128], strides = [1, 1, 1]} : vector<512x8x128xf32> to vector<512x1x128xf32>
    %squeeze3A_29 = vector.shape_cast %slice3A_28 : vector<512x1x128xf32> to vector<512x128xf32>
    %jit3A = arith.constant 0.000000e+00 : f32
    %broadcast_in_dim3A_30 = vector.broadcast %jit3A : f32 to vector<512x128xf32>
    %select_n3A = arith.select %squeeze3A, %squeeze3A_29, %broadcast_in_dim3A_30 : vector<512x128xi1>, vector<512x128xf32>
    %add3A_31 = arith.addf %broadcast_in_dim3A_27, %select_n3A : vector<512x128xf32>
    %slice3A_32 = vector.extract_strided_slice %and3A {offsets = [0, 0, 0], sizes = [512, 1, 128], strides = [1, 1, 1]} : vector<512x2x128xi1> to vector<512x1x128xi1>
    %squeeze3A_33 = vector.shape_cast %slice3A_32 : vector<512x1x128xi1> to vector<512x128xi1>
    %slice3A_34 = vector.extract_strided_slice %mul3A_14 {offsets = [0, 1, 0], sizes = [512, 1, 128], strides = [1, 1, 1]} : vector<512x8x128xf32> to vector<512x1x128xf32>
    %squeeze3A_35 = vector.shape_cast %slice3A_34 : vector<512x1x128xf32> to vector<512x128xf32>
    %jit3A_36 = arith.constant 0.000000e+00 : f32
    %broadcast_in_dim3A_37 = vector.broadcast %jit3A_36 : f32 to vector<512x128xf32>
    %select_n3A_38 = arith.select %squeeze3A_33, %squeeze3A_35, %broadcast_in_dim3A_37 : vector<512x128xi1>, vector<512x128xf32>
    %add3A_39 = arith.addf %add3A_31, %select_n3A_38 : vector<512x128xf32>
    %slice3A_40 = vector.extract_strided_slice %and3A {offsets = [0, 0, 0], sizes = [512, 1, 128], strides = [1, 1, 1]} : vector<512x2x128xi1> to vector<512x1x128xi1>
    %squeeze3A_41 = vector.shape_cast %slice3A_40 : vector<512x1x128xi1> to vector<512x128xi1>
    %slice3A_42 = vector.extract_strided_slice %mul3A_14 {offsets = [0, 2, 0], sizes = [512, 1, 128], strides = [1, 1, 1]} : vector<512x8x128xf32> to vector<512x1x128xf32>
    %squeeze3A_43 = vector.shape_cast %slice3A_42 : vector<512x1x128xf32> to vector<512x128xf32>
    %jit3A_44 = arith.constant 0.000000e+00 : f32
    %broadcast_in_dim3A_45 = vector.broadcast %jit3A_44 : f32 to vector<512x128xf32>
    %select_n3A_46 = arith.select %squeeze3A_41, %squeeze3A_43, %broadcast_in_dim3A_45 : vector<512x128xi1>, vector<512x128xf32>
    %add3A_47 = arith.addf %add3A_39, %select_n3A_46 : vector<512x128xf32>
    %slice3A_48 = vector.extract_strided_slice %and3A {offsets = [0, 0, 0], sizes = [512, 1, 128], strides = [1, 1, 1]} : vector<512x2x128xi1> to vector<512x1x128xi1>
    %squeeze3A_49 = vector.shape_cast %slice3A_48 : vector<512x1x128xi1> to vector<512x128xi1>
    %slice3A_50 = vector.extract_strided_slice %mul3A_14 {offsets = [0, 3, 0], sizes = [512, 1, 128], strides = [1, 1, 1]} : vector<512x8x128xf32> to vector<512x1x128xf32>
    %squeeze3A_51 = vector.shape_cast %slice3A_50 : vector<512x1x128xf32> to vector<512x128xf32>
    %jit3A_52 = arith.constant 0.000000e+00 : f32
    %broadcast_in_dim3A_53 = vector.broadcast %jit3A_52 : f32 to vector<512x128xf32>
    %select_n3A_54 = arith.select %squeeze3A_49, %squeeze3A_51, %broadcast_in_dim3A_53 : vector<512x128xi1>, vector<512x128xf32>
    %add3A_55 = arith.addf %add3A_47, %select_n3A_54 : vector<512x128xf32>
    %slice3A_56 = vector.extract_strided_slice %and3A {offsets = [0, 1, 0], sizes = [512, 1, 128], strides = [1, 1, 1]} : vector<512x2x128xi1> to vector<512x1x128xi1>
    %squeeze3A_57 = vector.shape_cast %slice3A_56 : vector<512x1x128xi1> to vector<512x128xi1>
    %slice3A_58 = vector.extract_strided_slice %mul3A_14 {offsets = [0, 4, 0], sizes = [512, 1, 128], strides = [1, 1, 1]} : vector<512x8x128xf32> to vector<512x1x128xf32>
    %squeeze3A_59 = vector.shape_cast %slice3A_58 : vector<512x1x128xf32> to vector<512x128xf32>
    %jit3A_60 = arith.constant 0.000000e+00 : f32
    %broadcast_in_dim3A_61 = vector.broadcast %jit3A_60 : f32 to vector<512x128xf32>
    %select_n3A_62 = arith.select %squeeze3A_57, %squeeze3A_59, %broadcast_in_dim3A_61 : vector<512x128xi1>, vector<512x128xf32>
    %add3A_63 = arith.addf %add3A_55, %select_n3A_62 : vector<512x128xf32>
    %slice3A_64 = vector.extract_strided_slice %and3A {offsets = [0, 1, 0], sizes = [512, 1, 128], strides = [1, 1, 1]} : vector<512x2x128xi1> to vector<512x1x128xi1>
    %squeeze3A_65 = vector.shape_cast %slice3A_64 : vector<512x1x128xi1> to vector<512x128xi1>
    %slice3A_66 = vector.extract_strided_slice %mul3A_14 {offsets = [0, 5, 0], sizes = [512, 1, 128], strides = [1, 1, 1]} : vector<512x8x128xf32> to vector<512x1x128xf32>
    %squeeze3A_67 = vector.shape_cast %slice3A_66 : vector<512x1x128xf32> to vector<512x128xf32>
    %jit3A_68 = arith.constant 0.000000e+00 : f32
    %broadcast_in_dim3A_69 = vector.broadcast %jit3A_68 : f32 to vector<512x128xf32>
    %select_n3A_70 = arith.select %squeeze3A_65, %squeeze3A_67, %broadcast_in_dim3A_69 : vector<512x128xi1>, vector<512x128xf32>
    %add3A_71 = arith.addf %add3A_63, %select_n3A_70 : vector<512x128xf32>
    %slice3A_72 = vector.extract_strided_slice %and3A {offsets = [0, 1, 0], sizes = [512, 1, 128], strides = [1, 1, 1]} : vector<512x2x128xi1> to vector<512x1x128xi1>
    %squeeze3A_73 = vector.shape_cast %slice3A_72 : vector<512x1x128xi1> to vector<512x128xi1>
    %slice3A_74 = vector.extract_strided_slice %mul3A_14 {offsets = [0, 6, 0], sizes = [512, 1, 128], strides = [1, 1, 1]} : vector<512x8x128xf32> to vector<512x1x128xf32>
    %squeeze3A_75 = vector.shape_cast %slice3A_74 : vector<512x1x128xf32> to vector<512x128xf32>
    %jit3A_76 = arith.constant 0.000000e+00 : f32
    %broadcast_in_dim3A_77 = vector.broadcast %jit3A_76 : f32 to vector<512x128xf32>
    %select_n3A_78 = arith.select %squeeze3A_73, %squeeze3A_75, %broadcast_in_dim3A_77 : vector<512x128xi1>, vector<512x128xf32>
    %add3A_79 = arith.addf %add3A_71, %select_n3A_78 : vector<512x128xf32>
    %slice3A_80 = vector.extract_strided_slice %and3A {offsets = [0, 1, 0], sizes = [512, 1, 128], strides = [1, 1, 1]} : vector<512x2x128xi1> to vector<512x1x128xi1>
    %squeeze3A_81 = vector.shape_cast %slice3A_80 : vector<512x1x128xi1> to vector<512x128xi1>
    %slice3A_82 = vector.extract_strided_slice %mul3A_14 {offsets = [0, 7, 0], sizes = [512, 1, 128], strides = [1, 1, 1]} : vector<512x8x128xf32> to vector<512x1x128xf32>
    %squeeze3A_83 = vector.shape_cast %slice3A_82 : vector<512x1x128xf32> to vector<512x128xf32>
    %jit3A_84 = arith.constant 0.000000e+00 : f32
    %broadcast_in_dim3A_85 = vector.broadcast %jit3A_84 : f32 to vector<512x128xf32>
    %select_n3A_86 = arith.select %squeeze3A_81, %squeeze3A_83, %broadcast_in_dim3A_85 : vector<512x128xi1>, vector<512x128xf32>
    %add3A_87 = arith.addf %add3A_79, %select_n3A_86 : vector<512x128xf32>
    %get3A_88 = arith.constant 0 : index
    %get3A_89 = arith.constant 0 : index
    %get3A_90 = vector.load %arg5[%get3A_88, %get3A_89] : memref<1x1xf32, #tpu.memory_space<vmem>>, vector<1x1xf32>
    %reduce_sum3A = vector.shape_cast %add3A_87 : vector<512x128xf32> to vector<1x512x128xf32>
    %reduce_sum3A_91 = arith.constant dense<0.000000e+00> : vector<1xf32>
    %reduce_sum3A_92 = vector.multi_reduction <add>, %reduce_sum3A, %reduce_sum3A_91 [1, 2] : vector<1x512x128xf32> to vector<1xf32>
    %reduce_sum3A_93 = vector.shape_cast %reduce_sum3A_92 : vector<1xf32> to vector<1x1x1xf32>
    %reduce_sum3A_94 = vector.extract %reduce_sum3A_93[0, 0, 0] : f32 from vector<1x1x1xf32>
    %reshape3A = vector.broadcast %reduce_sum3A_94 : f32 to vector<1x1xf32>
    %add3A_95 = arith.addf %get3A_90, %reshape3A : vector<1x1xf32>
    %swap3A = arith.constant 0 : index
    %swap3A_96 = arith.constant 0 : index
    %swap3A_97 = vector.load %arg5[%swap3A, %swap3A_96] : memref<1x1xf32, #tpu.memory_space<vmem>>, vector<1x1xf32>
    tpu.vector_store %arg5[%swap3A, %swap3A_96], %add3A_95 {strides = array<i32>} : memref<1x1xf32, #tpu.memory_space<vmem>>, vector<1x1xf32>,
    %get3A_98 = arith.constant 0 : index
    %get3A_99 = arith.constant 0 : index
    %get3A_100 = vector.load %arg6[%get3A_98, %get3A_99] : memref<1x1xf32, #tpu.memory_space<vmem>>, vector<1x1xf32>
    %jit3A_101 = arith.constant 1.000000e+00 : f32
    %jit3A_102 = arith.constant 0.000000e+00 : f32
    %broadcast_in_dim3A_103 = vector.broadcast %jit3A_101 : f32 to vector<512x2x128xf32>
    %broadcast_in_dim3A_104 = vector.broadcast %jit3A_102 : f32 to vector<512x2x128xf32>
    %select_n3A_105 = arith.select %and3A, %broadcast_in_dim3A_103, %broadcast_in_dim3A_104 : vector<512x2x128xi1>, vector<512x2x128xf32>
    %reduce_sum3A_106 = vector.shape_cast %select_n3A_105 : vector<512x2x128xf32> to vector<1x512x2x128xf32>
    %reduce_sum3A_107 = arith.constant dense<0.000000e+00> : vector<1xf32>
    %reduce_sum3A_108 = vector.multi_reduction <add>, %reduce_sum3A_106, %reduce_sum3A_107 [1, 2, 3] : vector<1x512x2x128xf32> to vector<1xf32>
    %reduce_sum3A_109 = vector.shape_cast %reduce_sum3A_108 : vector<1xf32> to vector<1x1x1x1xf32>
    %reduce_sum3A_110 = vector.extract %reduce_sum3A_109[0, 0, 0, 0] : f32 from vector<1x1x1x1xf32>
    %reshape3A_111 = vector.broadcast %reduce_sum3A_110 : f32 to vector<1x1xf32>
    %add3A_112 = arith.addf %get3A_100, %reshape3A_111 : vector<1x1xf32>
    %swap3A_113 = arith.constant 0 : index
    %swap3A_114 = arith.constant 0 : index
    %swap3A_115 = vector.load %arg6[%swap3A_113, %swap3A_114] : memref<1x1xf32, #tpu.memory_space<vmem>>, vector<1x1xf32>
    tpu.vector_store %arg6[%swap3A_113, %swap3A_114], %add3A_112 {strides = array<i32>} : memref<1x1xf32, #tpu.memory_space<vmem>>, vector<1x1xf32>,
    %eq3A_116 = arith.constant 10 : i32
    %eq3A_117 = arith.cmpi eq, %arg0, %eq3A_116 : i32
    %convert_element_type3A_118 = arith.extui %eq3A_117 : i1 to i32
    %cond3A_119 = arith.constant 0 : i32
    %cond3A_120 = arith.cmpi ne, %convert_element_type3A_118, %cond3A_119 : i32
    scf.if %cond3A_120 {
      %get3A_121 = arith.constant 0 : index
      %get3A_122 = arith.constant 0 : index
      %get3A_123 = vector.load %arg5[%get3A_121, %get3A_122] : memref<1x1xf32, #tpu.memory_space<vmem>>, vector<1x1xf32>
      %get3A_124 = arith.constant 0 : index
      %get3A_125 = arith.constant 0 : index
      %get3A_126 = vector.load %arg6[%get3A_124, %get3A_125] : memref<1x1xf32, #tpu.memory_space<vmem>>, vector<1x1xf32>
      %concatenate3A = tpu.concatenate %get3A_123, %get3A_126 in 1 : vector<1x1xf32>, vector<1x1xf32> -> vector<1x2xf32>
      %swap3A_127 = arith.constant 0 : index
      %swap3A_128 = arith.constant 0 : index
      %swap3A_129 = vector.load %arg4[%swap3A_127, %swap3A_128] : memref<1x2xf32, #tpu.memory_space<vmem>>, vector<1x2xf32>
      tpu.vector_store %arg4[%swap3A_127, %swap3A_128], %concatenate3A {strides = array<i32>} : memref<1x2xf32, #tpu.memory_space<vmem>>, vector<1x2xf32>,
    } else {
    }
    return
  }
  func.func @transform_0(%arg0: i32) -> (i32, i32, i32) {
    %c0_i32 = arith.constant 0 : i32
    %c0_i32_0 = arith.constant 0 : i32
    %c0_i32_1 = arith.constant 0 : i32
    return %arg0, %c0_i32, %c0_i32_0 : i32, i32, i32
  }
  func.func @transform_1(%arg0: i32) -> (i32, i32, i32) {
    %c0_i32 = arith.constant 0 : i32
    %c0_i32_0 = arith.constant 0 : i32
    %c0_i32_1 = arith.constant 0 : i32
    return %arg0, %c0_i32, %c0_i32_0 : i32, i32, i32
  }
  func.func @transform_2(%arg0: i32) -> (i32, i32, i32) {
    %c0_i32 = arith.constant 0 : i32
    %c0_i32_0 = arith.constant 0 : i32
    %c0_i32_1 = arith.constant 0 : i32
    return %arg0, %c0_i32, %c0_i32_0 : i32, i32, i32
  }
  func.func @transform_3(%arg0: i32) -> (i32, i32) {
    %c0_i32 = arith.constant 0 : i32
    %c0_i32_0 = arith.constant 0 : i32
    %c0_i32_1 = arith.constant 0 : i32
    return %c0_i32, %c0_i32_0 : i32, i32
  }
}

</mosaic_0001>

<sc_bundles>
// kernel: _run.4.cloned.1.call-start
scs
__scs_entry_jumppad:
0x0: {  	(pc) =	sbr.rel $0x88, $3  }
0x1: {  	(tag) =	ssettag $0x0;
	lr =	simm.s32 $0x1  }
0x2: {  	[smem:$0x3F9E] =	sst lr;
	_ =	strace $0xD0000000  }
0x3: {  	_ = 	snop  }
0x4: {  	_ = 	snop  }
0x5: {  	_ = 	snop  }
0x6: {  	_ = 	snop  }
0x7: {  	_ = 	snop  }
__scs_overlays_trampoline_lowered:
0x8: {  	[smem:$0x3FAD] =	sst s0  }
0x9: {  	[smem:$0x3FAE] =	sst s1  }
0xa: {  	[smem:$0x3FAF] =	sst s2  }
0xb: {  	[smem:$0x3FB0] =	sst s3  }
0xc: {  	[smem:$0x3FB1] =	sst s4  }
0xd: {  	[smem:$0x3FB2] =	sst s5  }
0xe: {  	[smem:$0x3FB3] =	sst s6  }
0xf: {  	[smem:$0x3FB4] =	sst s7  }
0x10: {  	[smem:$0x3FB5] =	sst s8  }
0x11: {  	[smem:$0x3FB6] =	sst s9;
	s0 =	simm.s32 @!p0 $0x0  }
0x12: {  	s1 =	sld [smem:$0x3F9C];
	s0 =	simm.s32 @p0 $0x1  }
0x13: {  	[smem:$0x3FB7] =	sst s0;
	s0 =	simm.s32 @!p1 $0x0  }
0x14: {  	s2 =	sld [smem:$0x3F9B];
	s0 =	simm.s32 @p1 $0x1  }
0x15: {  	[smem:$0x3FB8] =	sst s0;
	s0 =	simm.s32 @!p2 $0x0  }
0x16: {  	s3 =	sld [smem:$0x3FDB];
	s0 =	simm.s32 @p2 $0x1  }
0x17: {  	s4 =	simm.s32 $0x1BF5;
	[smem:$0x3FBA] =	sst s0  }
0x18: {  	s0 =	sld [smem:$0x3F9D];
	_ =	swait.ge [sflag:s4], $0x0  }
0x19: {  	s7 =	sld [smem:$0x3F9E]  }
0x1a: {  	s8 =	sadd.s32 $0xFFFFE003, lr  }
0x1b: {  	s9 =	sadd.s32 $0xFFFFFEF7, lr;
	s5 =	simm.s32 $0xFFFFFFFF;
	p2 =	slt.u32 s8, $0xFFFFF086  }
0x1c: {  	p1 =	slt.u32 s9, $0xF7A;
	s5 =	simm.s32 @!p2 $0x0  }
0x1d: {  	s5 =	simm.s32 @p1 $0x1;
	p0 =	seq.s32 s7, s2  }
0x1e: {  	s7 =	smul.u32 @!p0 $0xF7A, s2;
	p2 =	seq.s32 @!p0 s5, $0x0  }
0x1f: {  	s9 =	smul.u32 $0xF7A, s1;
	s8 =	simm.s32 @!p0 $0x1BF5;
	p2 =	por !p2, p0  }
0x20: {  	[sflag:s8] =	ssyncset.s32 @!p0 $0xFFFFF086;
	s6 =	sadd.s32 @!p0 s3, s7;
	s7 =	simm.s32 @!p0 $0x108  }
0x21: {  	s3 =	sadd.s32 s3, s9;
	s6 =	sadd.s32 @!p0 $0x88, s6;
	s7 =	simm.s32 @p2 $0x1082  }
0x22: {  	[simem:s7], [sflag:s8] =	dma.local @!p0 [hbm:s6], $0xF7A  }
0x23: {  	s9 =	sor.u32 $0xD0000000, s2;
	s6 =	simm.s32 $0x108;
	_ =	swait.ge @!p0 [sflag:s8], $0x0  }
0x24: {  	s3 =	sadd.s32 $0x88, s3;
	s6 =	simm.s32 @!p1 $0x1082;
	[sflag:s4] =	ssyncset.s32 $0xFFFFF086  }
0x25: {  	[simem:s6], [sflag:s4] =	dma.local [hbm:s3], $0xF7A  }
0x26: {  	[smem:$0x3F9E] =	sst s1;
	(tag) =	ssettag s2;
	_ =	strace s9  }
0x27: {  	s1 =	sld [smem:$0x3FAE]  }
0x28: {  	s2 =	sld [smem:$0x3FAF]  }
0x29: {  	s4 =	sld [smem:$0x3FB1]  }
0x2a: {  	p0 =	seq.s32 s5, $0x0;
	s5 =	sld [smem:$0x3FB2]  }
0x2b: {  	s6 =	sld [smem:$0x3FB3]  }
0x2c: {  	s7 =	sld [smem:$0x3FB4]  }
0x2d: {  	s3 =	simm.s32 $0x108;
	s8 =	sld [smem:$0x3FB5]  }
0x2e: {  	s3 =	simm.s32 @!p0 $0x1082;
	s9 =	sld [smem:$0x3FB6]  }
0x2f: {  	lr =	sadd.s32 s0, s3;
	s0 =	sld [smem:$0x3FAD]  }
0x30: {  	s3 =	sld [smem:$0x3FB0]  }
0x31: {  	[smem:$0x3FB9] =	sst s10  }
0x32: {  	s10 =	sld [smem:$0x3FB7];
	_ =	sdelay $0x3  }
0x33: {  	p0 =	seq.s32 s10, $0x1;
	s10 =	sld [smem:$0x3FB9];
	_ =	sdelay $0x3  }
0x34: {  	[smem:$0x3FB9] =	sst s10  }
0x35: {  	s10 =	sld [smem:$0x3FB8];
	_ =	sdelay $0x3  }
0x36: {  	p1 =	seq.s32 s10, $0x1;
	s10 =	sld [smem:$0x3FB9];
	_ =	sdelay $0x3  }
0x37: {  	[smem:$0x3FB9] =	sst s10  }
0x38: {  	s10 =	sld [smem:$0x3FBA]  }
0x39: {  	_ = 	snop;
	(pc) =	sbr.ind lr, $3  }
0x3a: {  	_ = 	snop  }
0x3b: {  	_ = 	snop  }
0x3c: {  	p2 =	seq.s32 s10, $0x1;
	s10 =	sld [smem:$0x3FB9]  }
0x3d: {  	_ =	shalt  }
0x3e: {  	_ =	shalt  }
0x3f: {  	_ =	shalt  }
0x40: {  	_ =	shalt  }
0x41: {  	_ =	shalt  }
0x42: {  	_ =	shalt  }
0x43: {  	_ =	shalt  }
0x44: {  	_ =	shalt  }
0x45: {  	_ =	shalt  }
0x46: {  	_ =	shalt  }
0x47: {  	_ =	shalt  }
0x48: {  	_ =	shalt  }
0x49: {  	_ =	shalt  }
0x4a: {  	_ =	shalt  }
0x4b: {  	_ =	shalt  }
0x4c: {  	_ =	shalt  }
0x4d: {  	_ =	shalt  }
0x4e: {  	_ =	shalt  }
0x4f: {  	_ =	shalt  }
0x50: {  	_ =	shalt  }
0x51: {  	_ =	shalt  }
0x52: {  	_ =	shalt  }
0x53: {  	_ =	shalt  }
0x54: {  	_ =	shalt  }
0x55: {  	_ =	shalt  }
0x56: {  	_ =	shalt  }
0x57: {  	_ =	shalt  }
0x58: {  	_ =	shalt  }
0x59: {  	_ =	shalt  }
0x5a: {  	_ =	shalt  }
0x5b: {  	_ =	shalt  }
0x5c: {  	_ =	shalt  }
0x5d: {  	_ =	shalt  }
0x5e: {  	_ =	shalt  }
0x5f: {  	_ =	shalt  }
0x60: {  	_ =	shalt  }
0x61: {  	_ =	shalt  }
0x62: {  	_ =	shalt  }
0x63: {  	_ =	shalt  }
0x64: {  	_ =	shalt  }
0x65: {  	_ =	shalt  }
0x66: {  	_ =	shalt  }
0x67: {  	_ =	shalt  }
0x68: {  	_ =	shalt  }
0x69: {  	_ =	shalt  }
0x6a: {  	_ =	shalt  }
0x6b: {  	_ =	shalt  }
0x6c: {  	_ =	shalt  }
0x6d: {  	_ =	shalt  }
0x6e: {  	_ =	shalt  }
0x6f: {  	_ =	shalt  }
0x70: {  	_ =	shalt  }
0x71: {  	_ =	shalt  }
0x72: {  	_ =	shalt  }
0x73: {  	_ =	shalt  }
0x74: {  	_ =	shalt  }
0x75: {  	_ =	shalt  }
0x76: {  	_ =	shalt  }
0x77: {  	_ =	shalt  }
0x78: {  	_ =	shalt  }
0x79: {  	_ =	shalt  }
0x7a: {  	_ =	shalt  }
0x7b: {  	_ =	shalt  }
0x7c: {  	_ =	shalt  }
0x7d: {  	_ =	shalt  }
0x7e: {  	_ =	shalt  }
0x7f: {  	_ =	shalt  }
0x80: {  	_ =	shalt  }
0x81: {  	_ =	shalt  }
0x82: {  	_ =	shalt  }
0x83: {  	_ =	shalt  }
0x84: {  	_ =	shalt  }
0x85: {  	_ =	shalt  }
0x86: {  	_ =	shalt  }
0x87: {  	_ =	shalt  }
.Lfunc_end0:
.L_simem_size_0:
called_computation_lowered:
.L_overlay_start_0:
0x88: {  	s2 =	sld [smem:$0x3FD9]  }
0x89: {  	s3 =	sld [smem:$0x3FFE];
	_ =	sdelay $0x1  }
0x8a: {  	s1 =	srdreg.scid  }
0x8b: {  	s0 =	sand.u32 $0x1, s1  }
0x8c: {  	s17 =	sshll.u32 s0, $0xA;
	s2 =	sadd.s32 s3, s2  }
0x8d: {  	s2 =	sadd.s32 s2, s17  }
0x8e: {  	[smem:$0x3FC5] =	sst s2  }
0x8f: {  	_ = 	snop  }
0x90: {  	s2 =	sld [smem:$0x3FC9]  }
0x91: {  	s18 =	sld [smem:$0x3FC8]  }
0x92: {  	s4 =	sld [smem:$0x3FC7];
	(tm) =	ssettm $0x1  }
0x93: {  	s5 =	sld [smem:$0x3FFB];
	_ =	sdelay $0x3  }
0x94: {  	_ =	strace s5  }
0x95: {  	s5 =	sld [smem:$0x3FFC];
	_ =	sdelay $0x3  }
0x96: {  	_ =	strace s5  }
0x97: {  	s5 =	sld [smem:$0x3FFD];
	_ =	sdelay $0x3  }
0x98: {  	_ =	strace s5  }
0x99: {  	_ =	strace $0x8FFFFFFF  }
0x9a: {  	s19 =	sld [smem:$0x3FDB];
	_ =	sdelay $0x1  }
0x9b: {  	s6 =	simm.s32 $_scs_section_size  }
0x9c: {  	s7 =	simm.s32 $_size__tile_overlayer_lowered;
	s8 =	simm.s32 $_tile_overlayer_lowered  }
0x9d: {  	s22 =	simm.s32 $0x1BFF;
	s21 =	sshll.u32 s8, $0x1;
	s5 =	sadd.s32 s6, s19  }
0x9e: {  	s9 =	simm.s32 $0x0;
	s20 =	sshll.u32 s7, $0x1;
	s7 =	sadd.s32 s21, s5  }
0x9f: {  	[timem:s9], [sflag:s22] =	dma.local [hbm:s7], s20  }
0xa0: {  	_ =	swait.ge [sflag:s22], s20  }
0xa1: {  	s6 =	ssub.s32 $0x0, s20;
	[sflag:s22] =	ssyncset.done $0x0  }
0xa2: {  	[sflag:s22] =	ssyncadd.s32 s6;
	_ =	sdelay $0x1  }
0xa3: {  	s23 =	simm.s32 $0x1B8B  }
0xa4: {  	_ =	swait.ge [sflag:s23], $0x1  }
0xa5: {  	[sflag:s23] =	ssyncset.done $0x0  }
0xa6: {  	s25 =	simm.s32 $0x1B8E;
	s24 =	sld [smem:$0x3FFE];
	[sflag:s23] =	ssyncadd.s32 $0xFFFFFFFF  }
0xa7: {  	s26 =	simm.s32 $execute0_lowered;
	[smem:$0x3FD2] =	sst s25  }
0xa8: {  	s7 =	sshll.u32 s26, $0x1;
	_ =	strace $0x80000046;
	[dreg:$0x1] =	wrdreg $0xFFFFFFFF  }
0xa9: {  	s28 =	simm.s32 $_size_execute0_lowered;
	s5 =	sadd.s32 s5, s7;
	[dreg:$0x0] =	wrdreg $0x0  }
0xaa: {  	s7 =	sshll.u32 s28, $0x1;
	[dreg:$0x2] =	wrdreg s5  }
0xab: {  	[dreg:$0x3] =	wrdreg s7  }
0xac: {  	[dreg:$0x4] =	wrdreg $0xC0  }
0xad: {  	_ =	task [dreg:s9], $0x5FFFF  }
0xae: {  	[dreg:$0x1] =	wrdreg $0xFFFFFFFF  }
0xaf: {  	[dreg:$0x0] =	wrdreg $0x60  }
0xb0: {  	[dreg:$0x2] =	wrdreg s2  }
0xb1: {  	[dreg:$0x3] =	wrdreg s18  }
0xb2: {  	[dreg:$0x4] =	wrdreg s4  }
0xb3: {  	[dreg:$0x5] =	wrdreg s24  }
0xb4: {  	[dreg:$0x6] =	wrdreg $0x9  }
0xb5: {  	_ =	task.clear_ibuf [dreg:s9], $0x7FFFF;
	_ =	strace $0x90000046  }
0xb6: {  	s29 =	simm.s32 $0x9;
	_ =	strace $0x80000048  }
0xb7: {  	_ =	swait.ge [sflag:s29], $0x1  }
0xb8: {  	[sflag:s29] =	ssyncadd.s32 $0xFFFFFFFF  }
0xb9: {  	_ =	strace $0x90000048  }
0xba: {  	_ =	sfence  }
0xbb: {  	s30 =	sld [smem:$0x0];
	_ =	sdelay $0x2  }
0xbc: {  	s31 =	sshll.u32 s1, $0xD;
	s1 =	sshrl.u32 s1, $0x2  }
0xbd: {  	s3 =	sand.u32 $0x4000, s31;
	s1 =	sadd.s32 s1, s30  }
0xbe: {  	s0 =	sor.u32 s3, s0;
	s1 =	sshll.u32 s1, $0x11  }
0xbf: {  	s0 =	sor.u32 s1, s0  }
0xc0: {  	s0 =	sadd.s32 $0x8F2B, s0  }
0xc1: {  	[sflag:s0] =	ssyncadd.remote.s32 $0x1  }
0xc2: {  	_ =	sfence.sel $0xFFFF  }
0xc3: {  	[dreg:$0x0] =	wrdreg $0xFFFFFFFF;
	(pc) =	sbr.abs _section_cstart, $3  }
0xc4: {  	[dreg:$0x1] =	wrdreg $0xFFFFFFFF  }
0xc5: {  	_ =	task.clear_ibuf [dreg:s9], $0x2FFFF;
	_ =	strace $0x9FFFFFFF  }
0xc6: {  	(tm) =	ssettm $0x7FFFFFFF  }
0xc7: {  	_ =	shalt  }
tec
execute0_lowered:
.L_overlay_start_1:
0x0: {  	(tag) =	ssettag $0x1  }
0x1: {  	s1 =	rddreg [dreg:$0x0]  }
0x2: {  	s3 =	srdreg.scid;
	s2 =	rddreg [dreg:$0x1]  }
0x3: {  	s0 =	stileid.u32;
	s8 =	simm.s32 $0x1;
	s9 =	rddreg [dreg:$0x3]  }
0x4: {  	s18 =	simm.s32 $0xC800;
	s19 =	simm.s32 $0x6400;
	s20 =	simm.s32 $0x12C00  }
0x5: {  	s21 =	simm.s32 $0x1C200;
	s22 =	simm.s32 $0x3;
	s23 =	simm.s32 $0x1C280  }
0x6: {  	s24 =	simm.s32 $0x0;
	s4 =	sand.u32 $0x1, s3;
	s5 =	sshll.u32 s0, $0x1  }
0x7: {  	s3 =	rddreg [dreg:$0x2];
	s7 =	sor.u32 s4, s5;
	s5 =	simm.s32 $0x0  }
0x8: {  	s4 =	ssub.s32 $0x2, s4;
	s6 =	smul.u32 $0xD, s7;
	p0 =	sne.s32 s7, $0x0  }
0x9: {  	[smem:$0x7FF] =	sst s5;
	s25 =	sshll.u32 s7, $0x4;
	s26 =	sshrl.u32 s4, $0x1  }
0xa: {  	s8 =	simm.s32 @!p0 $0x0;
	_ =	strace $0x80000047;
	s16 =	sadd.s32 s25, s9  }
0xb: {  	p0 =	seq.s32 s7, $0x0;
	s7 =	simm.s32 $0xE;
	s6 =	sadd.s32 s8, s6  }
0xc: {  	s4 =	ssub.s32 s4, s26;
	s7 =	simm.s32 @!p0 $0xD;
	s10 =	smul.u32 $0x32, s6  }
0xd: {  	s15 =	sadd.s32 $0x400, s16;
	s16 =	sadd.s32 $0x200, s16;
	s17 =	smax.u32 s4, $0x1  }
0xe: {  	s14 =	sadd.s32 $0xFFFFFFFF, s7;
	s28 =	sadd.s32 $0x28A0, s10;
	s13 =	sadd.s32 $0x28D2, s10  }
.Ltmp0:
0xf: {  	s11 =	sshll.u32 s28, $0x6;
	s12 =	sshll.u32 s28, $0x4;
	(pc) =	sbr.rel .LBB2_1-.Ltmp0, $4  }
0x10: {  	s30 =	sshll.u32 s13, $0x6;
	s13 =	sshll.u32 s13, $0x4;
	s11 =	sand.u32 $0x1FFFFF80, s11  }
0x11: {  	s29 =	sand.u32 $0x1FFFFFE0, s12;
	s31 =	sand.u32 $0x1FFFFF80, s30;
	s13 =	sand.u32 $0x1FFFFFE0, s13  }
0x12: {  	s8 =	sadd.s32 s1, s11;
	s9 =	sadd.s32 s2, s11;
	s10 =	sadd.s32 s3, s29  }
0x13: {  	v60 =	vimm.f32 $0.0e+00;
	s11 =	sadd.s32 s1, s31;
	s12 =	sadd.s32 s2, s31;
	s13 =	sadd.s32 s3, s13  }
.LBB2_19:
0x14: {  	[tilespmem:$0x1C200] =	vst v1  }
0x15: {  	[tilespmem:$0x1C280] =	vst v0  }
0x16: {  	[hbm4b:s15+s5] =	stream.linear.scatter [tilespmem:s21], [sflag:$0x3], $0x80, $0x38;
	[tilespmem:$0x1C300] =	vst v63  }
0x17: {  	s24 =	sadd.s32 $0x1, s24;
	_ =	swait.ge [sflag:s22], $0x80  }
0x18: {  	p0 =	sne.s32 s24, s17;
	[sflag:s22] =	ssyncset.done $0x0  }
.Ltmp1:
0x19: {  	[sflag:s22] =	ssyncadd.s32 $0xFFFFFF80;
	(pc) =	sbr.rel @!p0 .LBB2_20-.Ltmp1, $4  }
0x1a: {  	[hbm4b:s16+s5] =	stream.linear.scatter [tilespmem:s23], [sflag:$0x3], $0x80, $0x38;
	[tilespmem:$0x1C300] =	vst v63  }
0x1b: {  	_ =	swait.ge [sflag:s22], $0x80  }
0x1c: {  	[sflag:s22] =	ssyncset.done $0x0  }
0x1d: {  	[sflag:s22] =	ssyncadd.s32 $0xFFFFFF80  }
.LBB2_1:
0x1e: {  	[tilespmem:s5], [sflag:$0x1] =	stream.linear.gather [hbm4b:s8+s5], $0x6400, $0x38;
	[tilespmem:$0x1C300] =	vst v63  }
0x1f: {  	s25 =	simm.s32 $0x19000  }
0x20: {  	s26 =	simm.s32 $0x10;
	s29 =	sadd.s32 $0x0, s10;
	s28 =	simm.s32 $0x19100  }
0x21: {  	[tilespmem:s18], [sflag:$0x1] =	stream.linear.gather [hbm4b:s9+s5], $0x6400, $0x38;
	[tilespmem:$0x1C300] =	vst v63  }
.LBB2_2:
0x22: {  	[tilespmem:s25], [sflag:$0x1] =	stream.linear.gather [hbm4b:s29+s5], $0x80, $0x38;
	[tilespmem:$0x1C300] =	vst v63  }
0x23: {  	s4 =	smov.u32 s26;
	s25 =	smov.u32 s28;
	p0 =	sne.s32 s26, $0x310  }
.Ltmp2:
0x24: {  	s26 =	sadd.s32 $0x10, s26;
	(pc) =	sbr.rel @p0 .LBB2_2-.Ltmp2, $2  }
0x25: {  	_ =	sdelay $0x2  }
0x26: {  	s28 =	sadd.s32 $0x100, s28;
	s29 =	sadd.s32 s4, s10  }
0x27: {  	[tilespmem:s25], [sflag:$0x1] =	stream.linear.gather [hbm4b:s29+s5], $0x80, $0x38;
	[tilespmem:$0x1C300] =	vst v63  }
0x28: {  	s25 =	simm.s32 $0x0;
	s26 =	simm.s32 $0x19080  }
0x29: {  	[tilespmem:s19], [sflag:$0x2] =	stream.linear.gather [hbm4b:s11+s25], $0x6400, $0x38;
	[tilespmem:$0x1C300] =	vst v63  }
0x2a: {  	s28 =	simm.s32 $0x10;
	s30 =	sadd.s32 $0x0, s13;
	s29 =	simm.s32 $0x19180  }
0x2b: {  	[tilespmem:s20], [sflag:$0x2] =	stream.linear.gather [hbm4b:s12+s25], $0x6400, $0x38;
	[tilespmem:$0x1C300] =	vst v63  }
.LBB2_4:
0x2c: {  	[tilespmem:s26], [sflag:$0x2] =	stream.linear.gather [hbm4b:s30+s25], $0x80, $0x38;
	[tilespmem:$0x1C300] =	vst v63  }
0x2d: {  	s4 =	smov.u32 s28;
	s26 =	smov.u32 s29;
	p0 =	sne.s32 s28, $0x310  }
.Ltmp3:
0x2e: {  	s28 =	sadd.s32 $0x10, s28;
	(pc) =	sbr.rel @p0 .LBB2_4-.Ltmp3, $2  }
0x2f: {  	_ =	sdelay $0x2  }
0x30: {  	s29 =	sadd.s32 $0x100, s29;
	s30 =	sadd.s32 s4, s13  }
.Ltmp4:
0x31: {  	(pc) =	sbr.rel .LBB2_6-.Ltmp4, $2  }
0x32: {  	_ =	sdelay $0x2  }
0x33: {  	[tilespmem:s26], [sflag:$0x2] =	stream.linear.gather [hbm4b:s30+s25], $0x80, $0x38;
	v0 =	vimm.f32 $0.0e+00;
	v1 =	vimm.f32 $0.0e+00;
	[tilespmem:$0x1C300] =	vst v63  }
.LBB2_18:
0x34: {  	v2 =	vld [tilespmem:$0x1FB70];
	_ =	sdelay $0x2  }
0x35: {  	p0 =	slt.u32 s26, s14  }
0x36: {  	s25 =	sadd.s32 $0x1, s25;
	v1 =	vpsel !p0, $0x0, v1  }
0x37: {  	v0 =	vpsel !p0, $0x0, v0;
	p0 =	sne.s32 s25, $0x7;
	v1 =	vadd.f32 v1, v2;
	v2 =	vld [tilespmem:$0x1FB80]  }
.Ltmp5:
0x38: {  	_ = 	snop;
	(pc) =	sbr.rel @!p0 .LBB2_19-.Ltmp5, $2  }
0x39: {  	_ =	sdelay $0x2  }
0x3a: {  	v0 =	vadd.f32 v0, v2  }
.LBB2_6:
0x3b: {  	s26 =	sshll.u32 s25, $0x1  }
0x3c: {  	[tilespmem:$0x1FE10] =	vst v1;
	p0 =	sge.u32 s26, s7  }
0x3d: {  	[tilespmem:$0x1FE20] =	vst v0;
	s4 =	simm.s32 @!p0 $0x1  }
0x3e: {  	_ =	swait.ge @!p0 [sflag:s4], $0x6400  }
0x3f: {  	[sflag:s4] =	ssyncset.done @!p0 $0x0  }
0x40: {  	[sflag:s4] =	ssyncadd.s32 @!p0 $0xFFFF9C00  }
0x41: {  	_ =	swait.ge @!p0 [sflag:s4], $0x6400  }
0x42: {  	[sflag:s4] =	ssyncset.done @!p0 $0x0  }
0x43: {  	[sflag:s4] =	ssyncadd.s32 @!p0 $0xFFFF9C00  }
0x44: {  	_ =	swait.ge @!p0 [sflag:s4], $0x1900  }
0x45: {  	[sflag:s4] =	ssyncset.done @!p0 $0x0  }
0x46: {  	s30 =	simm.s32 $0x19040;
	[sflag:s4] =	ssyncadd.s32 @!p0 $0xFFFFE700  }
0x47: {  	v0 =	vld [tilespmem:s30+$0x10]  }
0x48: {  	v1 =	vld [tilespmem:s30+$0x0]  }
0x49: {  	v2 =	vld [tilespmem:s30+$0xFFFFFFF0]  }
0x4a: {  	v3 =	vld [tilespmem:s30+$0xFFFFFFE0]  }
0x4b: {  	s28 =	simm.s32 $0x0;
	v4 =	vld [tilespmem:s30+$0xFFFFFFD0]  }
0x4c: {  	v5 =	vld [tilespmem:s28+$0x1F0]  }
0x4d: {  	v6 =	vld [tilespmem:s28+$0xC9F0]  }
0x4e: {  	v7 =	vld [tilespmem:s30+$0xFFFFFFC0]  }
0x4f: {  	v8 =	vld [tilespmem:s28+$0x1E0]  }
0x50: {  	v9 =	vld [tilespmem:s28+$0xC9E0]  }
0x51: {  	v10 =	vld [tilespmem:s28+$0x170]  }
0x52: {  	v11 =	vld [tilespmem:s28+$0xC970]  }
0x53: {  	v12 =	vld [tilespmem:s28+$0x1D0]  }
0x54: {  	v13 =	vld [tilespmem:s28+$0xC9D0]  }
0x55: {  	v14 =	vld [tilespmem:s28+$0x160]  }
0x56: {  	v15 =	vld [tilespmem:s28+$0xC960]  }
0x57: {  	v16 =	vld [tilespmem:s28+$0x70]  }
0x58: {  	v17 =	vld [tilespmem:s28+$0xC870]  }
0x59: {  	v18 =	vld [tilespmem:s28+$0xF0]  }
0x5a: {  	v19 =	vld [tilespmem:s28+$0xC8F0]  }
0x5b: {  	v20 =	vld [tilespmem:s28+$0x1C0]  }
0x5c: {  	v21 =	vld [tilespmem:s28+$0xC9C0]  }
0x5d: {  	v22 =	vld [tilespmem:s28+$0x150]  }
0x5e: {  	v23 =	vld [tilespmem:s28+$0xC950]  }
0x5f: {  	v24 =	vld [tilespmem:s28+$0x60]  }
0x60: {  	v25 =	vld [tilespmem:s28+$0xC860]  }
0x61: {  	v26 =	vld [tilespmem:s28+$0xE0]  }
0x62: {  	v27 =	vld [tilespmem:s28+$0xC8E0]  }
0x63: {  	v28 =	vld [tilespmem:s28+$0x1B0]  }
0x64: {  	v29 =	vld [tilespmem:s28+$0xC9B0]  }
0x65: {  	v30 =	vld [tilespmem:s28+$0x140]  }
0x66: {  	v31 =	vld [tilespmem:s28+$0xC940]  }
0x67: {  	v32 =	vld [tilespmem:s28+$0x50]  }
0x68: {  	v33 =	vld [tilespmem:s28+$0xC850]  }
0x69: {  	v34 =	vld [tilespmem:s28+$0xD0]  }
0x6a: {  	v35 =	vld [tilespmem:s28+$0xC8D0]  }
0x6b: {  	v36 =	vld [tilespmem:s28+$0x1A0]  }
0x6c: {  	v37 =	vld [tilespmem:s28+$0xC9A0]  }
0x6d: {  	v38 =	vld [tilespmem:s28+$0x130]  }
0x6e: {  	v39 =	vld [tilespmem:s28+$0xC930]  }
0x6f: {  	v40 =	vld [tilespmem:s28+$0x40]  }
0x70: {  	v41 =	vld [tilespmem:s28+$0xC840]  }
0x71: {  	v42 =	vld [tilespmem:s28+$0xC0]  }
0x72: {  	v43 =	vld [tilespmem:s28+$0xC8C0]  }
0x73: {  	v44 =	vld [tilespmem:s28+$0x190]  }
0x74: {  	v45 =	vld [tilespmem:s28+$0xC990]  }
0x75: {  	v46 =	vld [tilespmem:s28+$0x120]  }
0x76: {  	v47 =	vld [tilespmem:s28+$0xC920]  }
0x77: {  	v48 =	vld [tilespmem:s28+$0x30]  }
0x78: {  	v49 =	vld [tilespmem:s28+$0xC830]  }
0x79: {  	v50 =	vld [tilespmem:s28+$0xB0];
	v8 =	vsub.f32 v8, v9;
	v5 =	vsub.f32 v5, v6  }
0x7a: {  	v51 =	vld [tilespmem:s28+$0xC8B0];
	v9 =	vsub.f32 v12, v13;
	v10 =	vsub.f32 v10, v11  }
0x7b: {  	v52 =	vld [tilespmem:s28+$0x180];
	v12 =	vsub.f32 v14, v15;
	v13 =	vsub.f32 v16, v17  }
0x7c: {  	v53 =	vld [tilespmem:s28+$0xC980];
	v15 =	vsub.f32 v20, v21;
	v16 =	vsub.f32 v18, v19  }
0x7d: {  	v54 =	vld [tilespmem:s28+$0x110];
	v18 =	vsub.f32 v22, v23;
	v19 =	vsub.f32 v24, v25  }
0x7e: {  	v55 =	vld [tilespmem:s28+$0xC910];
	v21 =	vsub.f32 v28, v29;
	v22 =	vsub.f32 v26, v27  }
0x7f: {  	v56 =	vld [tilespmem:s28+$0x20];
	v24 =	vsub.f32 v30, v31;
	v25 =	vsub.f32 v32, v33  }
0x80: {  	v57 =	vld [tilespmem:s28+$0xC820];
	v27 =	vsub.f32 v36, v37;
	v28 =	vsub.f32 v34, v35  }
0x81: {  	v58 =	vld [tilespmem:s28+$0xA0];
	v32 =	vsub.f32 v38, v39;
	v33 =	vsub.f32 v40, v41  }
0x82: {  	v59 =	vld [tilespmem:s28+$0xC8A0];
	v34 =	vsub.f32 v44, v45;
	v61 =	vsub.f32 v42, v43  }
0x83: {  	v6 =	vld [tilespmem:s28+$0x100];
	vm0 =	veq.s32 v0, $0x1;
	v62 =	vsub.f32 v46, v47;
	v63 =	vsub.f32 v48, v49  }
0x84: {  	v11 =	vld [tilespmem:s28+$0xC900];
	vm1 =	veq.s32 v1, $0x1;
	v1 =	vsub.f32 v52, v53;
	v48 =	vsub.f32 v50, v51  }
0x85: {  	v14 =	vld [tilespmem:s28+$0x10];
	vm2 =	veq.s32 v2, $0x1;
	v2 =	vsub.f32 v54, v55;
	v49 =	vsub.f32 v56, v57  }
0x86: {  	v17 =	vld [tilespmem:s28+$0xC810];
	vm3 =	veq.s32 v3, $0x1;
	vm4 =	veq.s32 v4, $0x1;
	vm5 =	veq.s32 v7, $0x1  }
0x87: {  	v20 =	vld [tilespmem:s28+$0x90];
	v5 =	vand.u32 $0x7FFFFFFF, v5;
	v9 =	vand.u32 $0x7FFFFFFF, v9;
	v8 =	vand.u32 $0x7FFFFFFF, v8  }
0x88: {  	v23 =	vld [tilespmem:s28+$0xC890];
	v10 =	vand.u32 $0x7FFFFFFF, v10;
	v12 =	vand.u32 $0x7FFFFFFF, v12;
	v13 =	vand.u32 $0x7FFFFFFF, v13  }
0x89: {  	v26 =	vld [tilespmem:s28+$0x0];
	v15 =	vand.u32 $0x7FFFFFFF, v15;
	v46 =	vand.u32 $0x7FFFFFFF, v24;
	v43 =	vand.u32 $0x7FFFFFFF, v27  }
0x8a: {  	v29 =	vld [tilespmem:s28+$0xC800];
	v56 =	vand.u32 $0x7FFFFFFF, v25;
	v53 =	vand.u32 $0x7FFFFFFF, v32;
	v54 =	vand.u32 $0x7FFFFFFF, v33  }
0x8b: {  	v30 =	vld [tilespmem:s28+$0x80];
	v44 =	vand.u32 $0x7FFFFFFF, v61;
	v33 =	vand.u32 $0x7FFFFFFF, v34;
	v37 =	vand.u32 $0x7FFFFFFF, v63  }
0x8c: {  	v0 =	vld [tilespmem:s28+$0xC880];
	v25 =	vand.u32 $0x7FFFFFFF, v1;
	v41 =	vand.u32 $0x7FFFFFFF, v48;
	v1 =	vmin.f32 v5, $1.000000000e+00  }
0x8d: {  	v51 =	vmin.f32 v15, $1.000000000e+00;
	v48 =	vmin.f32 v13, $1.000000000e+00;
	v57 =	vmin.f32 v56, $1.000000000e+00  }
0x8e: {  	v47 =	vmin.f32 v43, $1.000000000e+00;
	v24 =	vmin.f32 v53, $1.000000000e+00;
	v38 =	vmin.f32 v54, $1.000000000e+00  }
0x8f: {  	v52 =	vmin.f32 v44, $1.000000000e+00;
	v3 =	vsub.f32 v6, v11;
	v6 =	vsub.f32 v58, v59  }
0x90: {  	v63 =	vmin.f32 v37, $1.000000000e+00;
	v4 =	vsub.f32 v14, v17;
	v11 =	vsub.f32 v20, v23  }
0x91: {  	[tilespmem:$0x1FEB0] =	vst v1;
	v1 =	vmul.f32 $5.000000000e-01, v1;
	v7 =	vsub.f32 v26, v29;
	v0 =	vsub.f32 v30, v0  }
0x92: {  	[tilespmem:$0x1FF80] =	vst v24;
	v14 =	vsel vm0, $0x3F800000, v60;
	v17 =	vand.u32 $0x7FFFFFFF, v19;
	v19 =	vand.u32 $0x7FFFFFFF, v22  }
0x93: {  	v30 =	vand.u32 $0x7FFFFFFF, v28;
	v28 =	vand.u32 $0x7FFFFFFF, v62;
	v23 =	vand.u32 $0x7FFFFFFF, v2;
	[tilespmem:$0x1FE30] =	vst v14  }
0x94: {  	v59 =	vmin.f32 v8, $1.000000000e+00;
	v2 =	vmin.f32 v9, $1.000000000e+00;
	v20 =	vmin.f32 v46, $1.000000000e+00;
	[tilespmem:$0x1FE90] =	vst v30  }
0x95: {  	v14 =	vsel vm3, $0x3F800000, v60;
	v35 =	vmin.f32 v17, $1.000000000e+00;
	v36 =	vmin.f32 v19, $1.000000000e+00;
	[tilespmem:$0x1FEA0] =	vst v28  }
0x96: {  	v58 =	vmin.f32 v30, $1.000000000e+00;
	v30 =	vmin.f32 v33, $1.000000000e+00;
	v28 =	vmin.f32 v28, $1.000000000e+00;
	[tilespmem:$0x1FEC0] =	vst v2  }
0x97: {  	v2 =	vmul.f32 $5.000000000e-01, v2;
	v1 =	vsub.f32 v5, v1;
	[tilespmem:$0x1FE40] =	vst v14;
	v14 =	vsel vm2, $0x3F800000, v60  }
0x98: {  	v5 =	vmin.f32 v23, $1.000000000e+00;
	v29 =	vand.u32 $0x7FFFFFFF, v3;
	v3 =	vmin.f32 v10, $1.000000000e+00;
	[tilespmem:$0x1FE50] =	vst v14  }
0x99: {  	v42 =	vmovc v23;
	v23 =	vmul.f32 $5.000000000e-01, v47;
	v22 =	vand.u32 $0x7FFFFFFF, v6;
	v39 =	vand.u32 $0x7FFFFFFF, v7;
	[tilespmem:$0x1FED0] =	vst v3  }
0x9a: {  	v26 =	vand.u32 $0x7FFFFFFF, v4;
	v27 =	vand.u32 $0x7FFFFFFF, v11;
	v14 =	vsel vm1, $0x3F800000, v60;
	[tilespmem:$0x1FEF0] =	vst v1  }
0x9b: {  	v3 =	vmul.f32 $5.000000000e-01, v3;
	v1 =	vmul.f32 $5.000000000e-01, v48;
	[tilespmem:$0x1FE60] =	vst v14;
	v14 =	vsel vm5, $0x3F800000, v60  }
0x9c: {  	v4 =	vmin.f32 v12, $1.000000000e+00;
	v7 =	vsub.f32 v9, v2;
	[tilespmem:$0x1FE70] =	vst v14;
	v14 =	vsel vm4, $0x3F800000, v60  }
0x9d: {  	[tilespmem:$0x1FF60] =	vst v20;
	v3 =	vsub.f32 v10, v3;
	v9 =	vsub.f32 v13, v1;
	v1 =	vmul.f32 $5.000000000e-01, v35  }
0x9e: {  	[tilespmem:$0x1FE80] =	vst v14;
	v14 =	vand.u32 $0x7FFFFFFF, v16;
	v16 =	vand.u32 $0x7FFFFFFF, v18;
	v18 =	vand.u32 $0x7FFFFFFF, v21  }
0x9f: {  	[tilespmem:$0x1FF40] =	vst v36;
	v21 =	vand.u32 $0x7FFFFFFF, v49;
	v49 =	vand.u32 $0x7FFFFFFF, v0;
	v0 =	vmul.f32 $5.000000000e-01, v59  }
0xa0: {  	v34 =	vmin.f32 v14, $1.000000000e+00;
	v11 =	vmin.f32 v16, $1.000000000e+00;
	[tilespmem:$0x1FF10] =	vst v3;
	v3 =	vmul.f32 $5.000000000e-01, v51  }
0xa1: {  	[tilespmem:$0x1FFB0] =	vst v28;
	v50 =	vmin.f32 v18, $1.000000000e+00;
	v6 =	vsub.f32 v8, v0;
	v0 =	vmul.f32 $5.000000000e-01, v4  }
0xa2: {  	[tilespmem:$0x1FEE0] =	vst v4;
	v2 =	vmul.f32 $5.000000000e-01, v34;
	v4 =	vmin.f32 v41, $1.000000000e+00;
	v8 =	vsub.f32 v15, v3  }
0xa3: {  	[tilespmem:$0x1FF70] =	vst v22;
	v3 =	vmul.f32 $5.000000000e-01, v36;
	v36 =	vmin.f32 v22, $1.000000000e+00;
	v22 =	vmul.f32 $5.000000000e-01, v38  }
0xa4: {  	v61 =	vmovc v38;
	[tilespmem:$0x1FF50] =	vst v21;
	v15 =	vmul.f32 $5.000000000e-01, v52;
	v38 =	vmul.f32 $5.000000000e-01, v28;
	v0 =	vsub.f32 v12, v0  }
0xa5: {  	[tilespmem:$0x1FF00] =	vst v34;
	v10 =	vsub.f32 v14, v2;
	v2 =	vmul.f32 $5.000000000e-01, v50;
	v14 =	vmul.f32 $5.000000000e-01, v63  }
0xa6: {  	v55 =	vmovc v63;
	[tilespmem:$0x1FF30] =	vst v11;
	v12 =	vsub.f32 v19, v3;
	v3 =	vmin.f32 v21, $1.000000000e+00;
	v21 =	vmul.f32 $5.000000000e-01, v57  }
0xa7: {  	v34 =	vmovc v35;
	v35 =	vmovc v50;
	v19 =	vmul.f32 $5.000000000e-01, v5;
	[tilespmem:$0x1FF20] =	vst v0;
	v0 =	vmul.f32 $5.000000000e-01, v11;
	v11 =	vsub.f32 v17, v1  }
0xa8: {  	[tilespmem:$0x1FFD0] =	vst v5;
	v50 =	vmovc v25;
	v5 =	vld [tilespmem:s30+$0x30];
	v1 =	vmin.f32 v25, $1.000000000e+00;
	v17 =	vmul.f32 $5.000000000e-01, v20;
	v25 =	vmul.f32 $5.000000000e-01, v58;
	v63 =	vmovc v3  }
0xa9: {  	v32 =	vmovc v52;
	v62 =	vmovc v57;
	[tilespmem:$0x1FF90] =	vst v26;
	v3 =	vmin.f32 v39, $1.000000000e+00;
	v20 =	vmul.f32 $5.000000000e-01, v1;
	v13 =	vmul.f32 $5.000000000e-01, v63  }
0xaa: {  	[tilespmem:$0x1FFA0] =	vst v27;
	v60 =	vmovc v58;
	v40 =	vsub.f32 v16, v0;
	v16 =	vsub.f32 v18, v2;
	v0 =	vmin.f32 v29, $1.000000000e+00  }
0xab: {  	[tilespmem:$0x1FFC0] =	vst v4;
	v58 =	vmovc v47;
	v47 =	vmovc v29;
	v18 =	vmul.f32 $5.000000000e-01, v24;
	v29 =	vmin.f32 v27, $1.000000000e+00;
	v27 =	vimm.f32 $0.0e+00  }
0xac: {  	v45 =	vmovc v49;
	v52 =	vmovc v36;
	v2 =	vmin.f32 v26, $1.000000000e+00;
	v26 =	vmul.f32 $5.000000000e-01, v30;
	v24 =	vmul.f32 $5.000000000e-01, v4;
	[tilespmem:$0x1FFF0] =	vst v27  }
0xad: {  	s29 =	simm.s32 $0x800;
	s28 =	simm.s32 $0x19140;
	v57 =	vmovc v30;
	v30 =	vmovc v39;
	v4 =	vmin.f32 v49, $1.000000000e+00;
	v39 =	vld [tilespmem:s30+$0x20];
	[tilespmem:$0x1FFE0] =	vst v5;
	v5 =	vmul.f32 $5.000000000e-01, v36;
	v36 =	vimm.f32 $0.0e+00  }
.LBB2_7:
0xae: {  	v27 =	vld [tilespmem:s28+$0x10]  }
0xaf: {  	v31 =	vld [tilespmem:$0x1FE90]  }
0xb0: {  	v49 =	vld [tilespmem:$0x1FEC0]  }
0xb1: {  	v28 =	vsub.f32 v46, v17;
	v17 =	vsub.f32 v56, v21;
	v21 =	vld [tilespmem:s28+$0x0]  }
0xb2: {  	s30 =	sshra.s32 s29, $0x2;
	v56 =	vld [tilespmem:$0x1FEA0]  }
0xb3: {  	v18 =	vsub.f32 v53, v18;
	v53 =	vmov v40;
	v40 =	vld [tilespmem:s30+$0xC9F0]  }
0xb4: {  	v24 =	vsub.f32 v41, v24;
	v41 =	vmul.f32 v6, v59;
	v6 =	vsub.f32 v50, v20;
	v20 =	vld [tilespmem:$0x1FF00]  }
0xb5: {  	v26 =	vsub.f32 v33, v26;
	v33 =	vld [tilespmem:s28+$0xFFFFFFC0]  }
0xb6: {  	v11 =	vmul.f32 v11, v34;
	v34 =	vld [tilespmem:s30+$0xC9E0]  }
0xb7: {  	v19 =	vsub.f32 v42, v19;
	v42 =	vld [tilespmem:s30+$0x190]  }
0xb8: {  	v9 =	vmul.f32 v9, v48;
	v48 =	vld [tilespmem:s30+$0xB0]  }
0xb9: {  	v10 =	vmul.f32 v10, v20;
	v20 =	vld [tilespmem:$0x1FF50]  }
0xba: {  	v23 =	vsub.f32 v43, v23;
	v22 =	vsub.f32 v54, v22;
	v54 =	vmul.f32 $5.000000000e-01, v3;
	v50 =	vld [tilespmem:s30+$0xC8B0]  }
0xbb: {  	v15 =	vsub.f32 v44, v15;
	v44 =	vmul.f32 $5.000000000e-01, v4;
	v6 =	vmul.f32 v6, v1;
	v1 =	vld [tilespmem:$0x1FF90]  }
0xbc: {  	v43 =	vsub.f32 v30, v54;
	v30 =	vld [tilespmem:s30+$0x1A0]  }
0xbd: {  	v54 =	vmul.f32 v23, v58;
	v23 =	vmul.f32 v22, v61;
	v22 =	vsub.f32 v45, v44;
	v44 =	vld [tilespmem:s30+$0x120]  }
0xbe: {  	v13 =	vsub.f32 v20, v13;
	v20 =	vld [tilespmem:$0x1FF40]  }
0xbf: {  	v15 =	vmul.f32 v15, v32;
	v45 =	vld [tilespmem:s30+$0xC920]  }
0xc0: {  	v14 =	vsub.f32 v37, v14;
	v37 =	vmovc v39;
	v39 =	vld [tilespmem:s30+$0x1F0];
	[tilespmem:$0x1FD50] =	vst v27;
	v27 =	vmul.f32 $5.000000000e-01, v0;
	v7 =	vmul.f32 v7, v49  }
0xc1: {  	v25 =	vsub.f32 v31, v25;
	v31 =	vld [tilespmem:s28+$0xFFFFFFF0];
	v3 =	vmul.f32 v43, v3;
	[tilespmem:$0x1FD60] =	vst v21;
	v21 =	vmul.f32 $5.000000000e-01, v2  }
0xc2: {  	v49 =	vld [tilespmem:s30+$0x1E0];
	v4 =	vmul.f32 v22, v4;
	v38 =	vsub.f32 v56, v38;
	v56 =	vmul.f32 v26, v57  }
0xc3: {  	v57 =	vsub.f32 v1, v21;
	v21 =	vld [tilespmem:$0x1FFA0];
	v12 =	vmul.f32 v12, v20;
	v20 =	vsub.f32 v47, v27  }
0xc4: {  	v15 =	vadd.f32 v15, v23;
	v23 =	vld [tilespmem:s30+$0x150]  }
0xc5: {  	v43 =	vld [tilespmem:s30+$0xC990];
	v4 =	vadd.f32 v4, v3;
	v20 =	vmul.f32 v20, v0  }
0xc6: {  	v46 =	vmul.f32 $5.000000000e-01, v29;
	v26 =	vld [tilespmem:s30+$0x1D0]  }
0xc7: {  	v9 =	vadd.f32 v10, v9;
	v10 =	vadd.f32 v20, v4;
	v4 =	vld [tilespmem:$0x1FFD0]  }
0xc8: {  	v25 =	vmul.f32 v25, v60;
	v60 =	vld [tilespmem:s30+$0x170];
	v22 =	vsub.f32 v21, v46  }
0xc9: {  	v3 =	vld [tilespmem:s30+$0xC870]  }
0xca: {  	v58 =	vmul.f32 v57, v2;
	v22 =	vmul.f32 v22, v29;
	v0 =	vld [tilespmem:$0x1FF70]  }
0xcb: {  	v1 =	vld [tilespmem:s30+$0xC9D0]  }
0xcc: {  	[tilespmem:$0x1FD70] =	vst v31;
	v31 =	vld [tilespmem:s28+$0xFFFFFFE0];
	v11 =	vadd.f32 v12, v11;
	v12 =	vadd.f32 v22, v58;
	v19 =	vmul.f32 v19, v4  }
0xcd: {  	v2 =	vld [tilespmem:s30+$0x70]  }
0xce: {  	v6 =	vadd.f32 v6, v10;
	v10 =	vadd.f32 v19, v12;
	v12 =	vld [tilespmem:$0x1FFB0]  }
0xcf: {  	v34 =	vsub.f32 v49, v34;
	v49 =	vld [tilespmem:s30+$0x100];
	v5 =	vsub.f32 v0, v5  }
0xd0: {  	v21 =	vld [tilespmem:s30+$0x160]  }
0xd1: {  	v13 =	vmul.f32 v13, v63;
	v46 =	vld [tilespmem:s30+$0x30];
	v5 =	vmul.f32 v5, v52  }
0xd2: {  	[tilespmem:$0x1FD80] =	vst v31;
	v31 =	vld [tilespmem:s28+$0xFFFFFFD0]  }
0xd3: {  	v29 =	vld [tilespmem:$0x1FE30];
	v5 =	vadd.f32 v5, v13;
	v12 =	vmul.f32 v38, v12  }
0xd4: {  	v2 =	vsub.f32 v2, v3;
	v3 =	vld [tilespmem:s30+$0x10]  }
0xd5: {  	v12 =	vadd.f32 v12, v5;
	v5 =	vld [tilespmem:$0x1FE70]  }
0xd6: {  	v27 =	vld [tilespmem:s30+$0xC970]  }
0xd7: {  	v17 =	vmul.f32 v17, v62;
	v47 =	vld [tilespmem:s30+$0xC830]  }
0xd8: {  	v22 =	vld [tilespmem:s30+$0x1C0]  }
0xd9: {  	v20 =	vadd.f32 v25, v17;
	v17 =	vld [tilespmem:s30+$0xC8F0]  }
0xda: {  	v19 =	vadd.f32 v5, v36;
	v5 =	vld [tilespmem:$0x1FFF0]  }
0xdb: {  	v13 =	vld [tilespmem:$0x1FFC0]  }
0xdc: {  	v0 =	vld [tilespmem:s30+$0xC960]  }
0xdd: {  	v25 =	vld [tilespmem:$0x1FE80]  }
0xde: {  	v6 =	vnsel vm5, $0x0, v6;
	v4 =	vld [tilespmem:s30+$0xF0]  }
0xdf: {  	v14 =	vmul.f32 v14, v55;
	v6 =	vadd.f32 v6, v5;
	v5 =	vld [tilespmem:$0x1FF60]  }
0xe0: {  	v1 =	vsub.f32 v26, v1;
	v26 =	vsub.f32 v60, v27;
	v27 =	vld [tilespmem:s30+$0xC900];
	v13 =	vmul.f32 v24, v13  }
0xe1: {  	v0 =	vsub.f32 v21, v0;
	v21 =	vld [tilespmem:s30+$0x90]  }
0xe2: {  	v13 =	vadd.f32 v13, v14;
	v14 =	vld [tilespmem:$0x1FF80]  }
0xe3: {  	v4 =	vsub.f32 v4, v17;
	v17 =	vld [tilespmem:s30+$0xC810]  }
0xe4: {  	v38 =	vld [tilespmem:s30+$0xC0];
	v24 =	vmul.f32 v28, v5  }
0xe5: {  	v10 =	vadd.f32 v56, v10;
	v12 =	vadd.f32 v54, v12;
	v54 =	vld [tilespmem:s30+$0xC910]  }
0xe6: {  	v15 =	vadd.f32 v24, v15;
	v24 =	vld [tilespmem:$0x1FE40]  }
0xe7: {  	v10 =	vnsel vm4, $0x0, v10;
	v14 =	vmul.f32 v18, v14;
	v18 =	vld [tilespmem:s30+$0xC9C0]  }
0xe8: {  	v36 =	vld [tilespmem:s30+$0xC840];
	v6 =	vadd.f32 v10, v6  }
0xe9: {  	v12 =	vnsel vm3, $0x0, v12;
	v19 =	vadd.f32 v25, v19;
	v10 =	vld [tilespmem:$0x1FF30]  }
0xea: {  	v6 =	vadd.f32 v12, v6;
	v12 =	vld [tilespmem:$0x1FEE0]  }
0xeb: {  	v19 =	vadd.f32 v24, v19;
	v24 =	vld [tilespmem:$0x1FF20]  }
0xec: {  	v16 =	vmul.f32 v16, v35;
	v13 =	vadd.f32 v14, v13;
	v14 =	vld [tilespmem:s30+$0x60]  }
0xed: {  	v25 =	vld [tilespmem:s30+$0xC860]  }
0xee: {  	v13 =	vadd.f32 v16, v13;
	v16 =	vld [tilespmem:s30+$0xE0];
	v10 =	vmul.f32 v53, v10  }
0xef: {  	v5 =	vld [tilespmem:s30+$0xC950]  }
0xf0: {  	v13 =	vnsel vm2, $0x0, v13;
	v10 =	vadd.f32 v10, v20;
	v20 =	vld [tilespmem:$0x1FE50];
	v12 =	vmul.f32 v24, v12  }
0xf1: {  	v8 =	vmul.f32 v8, v51;
	v6 =	vadd.f32 v13, v6;
	v13 =	vld [tilespmem:$0x1FED0]  }
0xf2: {  	v7 =	vadd.f32 v7, v10;
	v10 =	vadd.f32 v12, v11;
	v12 =	vld [tilespmem:$0x1FE60]  }
0xf3: {  	v53 =	vld [tilespmem:s30+$0x110];
	v8 =	vadd.f32 v8, v15  }
0xf4: {  	v15 =	vld [tilespmem:s30+$0x1B0]  }
0xf5: {  	v8 =	vnsel vm1, $0x0, v8;
	v19 =	vadd.f32 v20, v19;
	v20 =	vld [tilespmem:$0x1FF10]  }
0xf6: {  	v6 =	vadd.f32 v8, v6;
	v8 =	vld [tilespmem:$0x1FEB0]  }
0xf7: {  	v7 =	vnsel vm0, $0x0, v7;
	v10 =	vadd.f32 v41, v10;
	v12 =	vadd.f32 v12, v19;
	v19 =	vld [tilespmem:$0x1FEF0]  }
0xf8: {  	vm0 =	veq.s32 v37, $0x1;
	v6 =	vadd.f32 v7, v6;
	v7 =	vld [tilespmem:s30+$0xC850]  }
0xf9: {  	v24 =	vld [tilespmem:s30+$0xC8E0];
	v10 =	vnsel vm0, $0x0, v10  }
0xfa: {  	v13 =	vmul.f32 v20, v13;
	v6 =	vadd.f32 v10, v6;
	v10 =	vld [tilespmem:$0x1FFE0]  }
0xfb: {  	v20 =	vld [tilespmem:s30+$0xC9B0]  }
0xfc: {  	v9 =	vadd.f32 v13, v9;
	v13 =	vld [tilespmem:s30+$0x50];
	v8 =	vmul.f32 v19, v8  }
0xfd: {  	v11 =	vld [tilespmem:s30+$0x140]  }
0xfe: {  	v59 =	vimm.f32 $0.0e+00;
	v41 =	vld [tilespmem:s30+$0xC8C0];
	v16 =	vsub.f32 v16, v24;
	v8 =	vadd.f32 v8, v9  }
0xff: {  	v24 =	vld [tilespmem:$0x1FD50];
	v12 =	vadd.f32 v29, v12;
	v29 =	vsel vm0, $0x3F800000, v59;
	vm0 =	veq.s32 v10, $0x1  }
0x100: {  	v15 =	vsub.f32 v15, v20;
	v20 =	vld [tilespmem:s30+$0xC890];
	v8 =	vnsel vm0, $0x0, v8  }
0x101: {  	v7 =	vsub.f32 v13, v7;
	v13 =	vld [tilespmem:s30+$0x0];
	v6 =	vadd.f32 v8, v6  }
0x102: {  	v19 =	vld [tilespmem:s30+$0xC940]  }
0x103: {  	v12 =	vadd.f32 v29, v12;
	[tilespmem:$0x1FFF0] =	vst v6;
	v6 =	vld [tilespmem:s30+$0xC9A0]  }
0x104: {  	v10 =	vld [tilespmem:s30+$0xC8D0];
	v29 =	vsel vm0, $0x3F800000, v59  }
0x105: {  	v9 =	vld [tilespmem:s30+$0xD0];
	v12 =	vadd.f32 v29, v12  }
0x106: {  	v29 =	vld [tilespmem:s30+$0x40]  }
0x107: {  	v63 =	vsub.f32 v39, v40;
	v1 =	vand.u32 $0x7FFFFFFF, v1;
	[tilespmem:$0x1FDF0] =	vst v12;
	v12 =	vld [tilespmem:s30+$0xC930]  }
0x108: {  	vm5 =	veq.s32 v33, $0x1;
	v27 =	vsub.f32 v49, v27;
	v6 =	vsub.f32 v30, v6;
	v30 =	vld [tilespmem:$0x1FD70]  }
0x109: {  	v3 =	vsub.f32 v3, v17;
	v18 =	vsub.f32 v22, v18;
	vm0 =	veq.s32 v24, $0x1;
	v24 =	vld [tilespmem:s30+$0xC880]  }
0x10a: {  	v39 =	vand.u32 $0x7FFFFFFF, v0;
	v22 =	vsub.f32 v42, v43;
	v14 =	vsub.f32 v14, v25;
	v8 =	vld [tilespmem:s30+$0x130]  }
0x10b: {  	vm4 =	veq.s32 v31, $0x1;
	v25 =	vsub.f32 v44, v45;
	v11 =	vsub.f32 v11, v19;
	v19 =	vld [tilespmem:s30+$0x80]  }
0x10c: {  	v33 =	vand.u32 $0x7FFFFFFF, v22;
	v28 =	vsub.f32 v46, v47;
	v9 =	vsub.f32 v9, v10;
	v10 =	vld [tilespmem:s30+$0xC800]  }
0x10d: {  	v5 =	vsub.f32 v23, v5;
	v23 =	vsub.f32 v38, v41;
	vm2 =	veq.s32 v30, $0x1;
	v30 =	vld [tilespmem:$0x1FD80]  }
0x10e: {  	v38 =	vsub.f32 v53, v54;
	v49 =	vand.u32 $0x7FFFFFFF, v7;
	v17 =	vsub.f32 v21, v20  }
0x10f: {  	v20 =	vand.u32 $0x7FFFFFFF, v26;
	v8 =	vsub.f32 v8, v12;
	v12 =	vsub.f32 v29, v36;
	v29 =	vld [tilespmem:$0x1FD60]  }
0x110: {  	v21 =	vand.u32 $0x7FFFFFFF, v3;
	v46 =	vand.u32 $0x7FFFFFFF, v11;
	v11 =	vand.u32 $0x7FFFFFFF, v38  }
0x111: {  	[tilespmem:$0x1FD90] =	vst v1;
	v7 =	vand.u32 $0x7FFFFFFF, v9;
	v36 =	vsub.f32 v48, v50;
	v10 =	vsub.f32 v13, v10  }
0x112: {  	[tilespmem:$0x1FE90] =	vst v7;
	v13 =	vsub.f32 v19, v24;
	v19 =	vsel vm0, $0x3F800000, v59;
	vm3 =	veq.s32 v30, $0x1  }
0x113: {  	v51 =	vld [tilespmem:s30+$0x180];
	v24 =	vand.u32 $0x7FFFFFFF, v34;
	v41 =	vand.u32 $0x7FFFFFFF, v36;
	[tilespmem:$0x1FE30] =	vst v19;
	v19 =	vsel vm3, $0x3F800000, v59  }
0x114: {  	v52 =	vld [tilespmem:s30+$0xC980];
	v43 =	vmin.f32 v41, $1.000000000e+00;
	vm1 =	veq.s32 v29, $0x1;
	[tilespmem:$0x1FE40] =	vst v19;
	v19 =	vsel vm2, $0x3F800000, v59  }
0x115: {  	v22 =	vand.u32 $0x7FFFFFFF, v10;
	v10 =	vmin.f32 v1, $1.000000000e+00;
	[tilespmem:$0x1FE50] =	vst v19;
	v19 =	vsel vm1, $0x3F800000, v59  }
0x116: {  	v30 =	vand.u32 $0x7FFFFFFF, v5;
	v5 =	vand.u32 $0x7FFFFFFF, v6;
	[tilespmem:$0x1FE60] =	vst v19;
	v19 =	vsel vm5, $0x3F800000, v59  }
0x117: {  	v6 =	vand.u32 $0x7FFFFFFF, v25;
	[tilespmem:$0x1FE70] =	vst v19;
	v19 =	vsel vm4, $0x3F800000, v59;
	v59 =	vmin.f32 v24, $1.000000000e+00  }
0x118: {  	v61 =	vld [tilespmem:s30+$0xA0];
	v1 =	vmin.f32 v20, $1.000000000e+00;
	[tilespmem:$0x1FEA0] =	vst v6;
	v38 =	vmin.f32 v6, $1.000000000e+00;
	v6 =	vmul.f32 $5.000000000e-01, v59  }
0x119: {  	v62 =	vld [tilespmem:s30+$0xC8A0];
	v29 =	vsub.f32 v51, v52;
	v58 =	vmin.f32 v5, $1.000000000e+00;
	[tilespmem:$0x1FE80] =	vst v19;
	v19 =	vand.u32 $0x7FFFFFFF, v63  }
0x11a: {  	[tilespmem:$0x1FFC0] =	vst v43;
	v0 =	vmin.f32 v19, $1.000000000e+00;
	v6 =	vsub.f32 v24, v6;
	v24 =	vmul.f32 $5.000000000e-01, v43;
	v43 =	vmovc v5;
	v5 =	vld [tilespmem:$0x1FD90]  }
0x11b: {  	[tilespmem:$0x1FDC0] =	vst v30;
	v3 =	vmin.f32 v30, $1.000000000e+00;
	v30 =	vmin.f32 v7, $1.000000000e+00;
	v7 =	vmul.f32 $5.000000000e-01, v0  }
0x11c: {  	v53 =	vand.u32 $0x7FFFFFFF, v8;
	v8 =	vmul.f32 $5.000000000e-01, v1;
	v9 =	vand.u32 $0x7FFFFFFF, v29  }
0x11d: {  	[tilespmem:$0x1FED0] =	vst v1;
	v50 =	vmovc v9;
	v1 =	vmin.f32 v9, $1.000000000e+00;
	v9 =	vmul.f32 $5.000000000e-01, v10;
	v7 =	vsub.f32 v19, v7  }
0x11e: {  	v61 =	vsub.f32 v61, v62  }
0x11f: {  	v55 =	vld [tilespmem:s30+$0x20];
	v62 =	vand.u32 $0x7FFFFFFF, v2;
	[tilespmem:$0x1FEF0] =	vst v7;
	v7 =	vsub.f32 v5, v9;
	v5 =	vsub.f32 v20, v8  }
0x120: {  	[tilespmem:$0x1FDA0] =	vst v62;
	v56 =	vld [tilespmem:s30+$0xC820]  }
0x121: {  	[tilespmem:$0x1FF10] =	vst v5;
	v5 =	vld [tilespmem:$0x1FDA0];
	_ =	sdelay $0x1  }
0x122: {  	v48 =	vmin.f32 v62, $1.000000000e+00  }
0x123: {  	v42 =	vmovc v11;
	v52 =	vmin.f32 v11, $1.000000000e+00;
	v11 =	vmul.f32 $5.000000000e-01, v48;
	v63 =	vand.u32 $0x7FFFFFFF, v4  }
0x124: {  	[tilespmem:$0x1FDB0] =	vst v63  }
0x125: {  	v2 =	vmin.f32 v39, $1.000000000e+00;
	v60 =	vsub.f32 v55, v56;
	v9 =	vsub.f32 v5, v11;
	v5 =	vld [tilespmem:$0x1FDB0]  }
0x126: {  	v40 =	vand.u32 $0x7FFFFFFF, v18;
	v56 =	vmin.f32 v33, $1.000000000e+00;
	v31 =	vand.u32 $0x7FFFFFFF, v14  }
0x127: {  	v14 =	vand.u32 $0x7FFFFFFF, v61;
	v54 =	vand.u32 $0x7FFFFFFF, v12;
	[tilespmem:$0x1FEC0] =	vst v10;
	v12 =	vmin.f32 v63, $1.000000000e+00  }
0x128: {  	v37 =	vand.u32 $0x7FFFFFFF, v28;
	v10 =	vmul.f32 $5.000000000e-01, v2;
	[tilespmem:$0x1FF00] =	vst v12;
	v12 =	vmul.f32 $5.000000000e-01, v12  }
0x129: {  	[tilespmem:$0x1FEE0] =	vst v2;
	v55 =	vmin.f32 v37, $1.000000000e+00;
	v44 =	vand.u32 $0x7FFFFFFF, v23;
	v23 =	vand.u32 $0x7FFFFFFF, v27  }
0x12a: {  	[tilespmem:$0x1FDD0] =	vst v31;
	v32 =	vmin.f32 v44, $1.000000000e+00;
	v8 =	vsub.f32 v39, v10;
	v10 =	vsub.f32 v5, v12;
	v5 =	vld [tilespmem:$0x1FDC0]  }
0x12b: {  	[tilespmem:$0x1FF70] =	vst v14;
	v26 =	vand.u32 $0x7FFFFFFF, v13;
	v51 =	vmin.f32 v40, $1.000000000e+00;
	v4 =	vand.u32 $0x7FFFFFFF, v15  }
0x12c: {  	v13 =	vmul.f32 $5.000000000e-01, v51;
	v15 =	vand.u32 $0x7FFFFFFF, v16;
	v16 =	vand.u32 $0x7FFFFFFF, v60;
	[tilespmem:$0x1FDE0] =	vst v4  }
0x12d: {  	v25 =	vmin.f32 v31, $1.000000000e+00;
	[tilespmem:$0x1FF50] =	vst v16;
	v31 =	vmin.f32 v16, $1.000000000e+00;
	v16 =	vmul.f32 $5.000000000e-01, v3  }
0x12e: {  	[tilespmem:$0x1FF90] =	vst v21;
	v18 =	vand.u32 $0x7FFFFFFF, v17;
	v62 =	vmin.f32 v49, $1.000000000e+00;
	v2 =	vmin.f32 v21, $1.000000000e+00;
	v12 =	vld [tilespmem:$0x1FDE0]  }
0x12f: {  	v21 =	vmul.f32 $5.000000000e-01, v62;
	[tilespmem:$0x1FF20] =	vst v8;
	v8 =	vsub.f32 v40, v13;
	v40 =	vsub.f32 v5, v16;
	v5 =	vld [tilespmem:$0x1FDD0]  }
0x130: {  	[tilespmem:$0x1FFA0] =	vst v18;
	v34 =	vmovc v25;
	v27 =	vmul.f32 $5.000000000e-01, v25;
	v25 =	vmul.f32 $5.000000000e-01, v30;
	v29 =	vmin.f32 v4, $1.000000000e+00  }
0x131: {  	v57 =	vmin.f32 v54, $1.000000000e+00;
	[tilespmem:$0x1FFB0] =	vst v38;
	v38 =	vmul.f32 $5.000000000e-01, v38;
	v36 =	vmul.f32 $5.000000000e-01, v29  }
0x132: {  	[tilespmem:$0x1FE00] =	vst v15;
	v17 =	vmin.f32 v15, $1.000000000e+00;
	v4 =	vmin.f32 v46, $1.000000000e+00;
	v15 =	vmin.f32 v53, $1.000000000e+00  }
0x133: {  	[tilespmem:$0x1FF30] =	vst v3;
	v63 =	vmin.f32 v14, $1.000000000e+00;
	v3 =	vmin.f32 v22, $1.000000000e+00;
	v16 =	vsub.f32 v12, v36;
	v12 =	vld [tilespmem:$0x1FE00]  }
0x134: {  	p0 =	sne.s32 s29, $0x18800;
	v60 =	vmovc v30;
	v30 =	vmovc v22;
	v22 =	vmul.f32 $5.000000000e-01, v57;
	v14 =	vmul.f32 $5.000000000e-01, v55;
	[tilespmem:$0x1FEB0] =	vst v0;
	v11 =	vsub.f32 v5, v27;
	v5 =	vld [tilespmem:s28+$0x30]  }
.Ltmp6:
0x135: {  	[tilespmem:$0x1FF40] =	vst v17;
	v28 =	vmul.f32 $5.000000000e-01, v17;
	v0 =	vmin.f32 v23, $1.000000000e+00;
	v17 =	vmul.f32 $5.000000000e-01, v4;
	(pc) =	sbr.rel @p0 .LBB2_7-.Ltmp6, $4  }
0x136: {  	v47 =	vmovc v23;
	v35 =	vmovc v29;
	[tilespmem:$0x1FF60] =	vst v4;
	v29 =	vmin.f32 v18, $1.000000000e+00;
	v23 =	vmul.f32 $5.000000000e-01, v58;
	v18 =	vmul.f32 $5.000000000e-01, v15  }
0x137: {  	v45 =	vmovc v26;
	[tilespmem:$0x1FF80] =	vst v15;
	v15 =	vmul.f32 $5.000000000e-01, v32;
	v4 =	vmin.f32 v26, $1.000000000e+00;
	v26 =	vmul.f32 $5.000000000e-01, v56  }
0x138: {  	v61 =	vmovc v57;
	[tilespmem:$0x1FFD0] =	vst v52;
	v57 =	vmovc v56;
	v56 =	vmov v49;
	v19 =	vmul.f32 $5.000000000e-01, v52;
	v20 =	vmul.f32 $5.000000000e-01, v1;
	v39 =	vld [tilespmem:s28+$0x20]  }
0x139: {  	s29 =	sadd.s32 $0x800, s29;
	v52 =	vmovc v63;
	v13 =	vmul.f32 $5.000000000e-01, v31;
	v36 =	vld [tilespmem:$0x1FDF0];
	v12 =	vsub.f32 v12, v28;
	s28 =	sadd.s32 $0x100, s28;
	[tilespmem:$0x1FFE0] =	vst v5;
	v5 =	vmul.f32 $5.000000000e-01, v63;
	v63 =	vmovc v31  }
0x13a: {  	v27 =	vld [tilespmem:$0x1FE90];
	_ =	sdelay $0x3  }
0x13b: {  	v31 =	vld [tilespmem:$0x1FF50]  }
0x13c: {  	v18 =	vsub.f32 v53, v18;
	v53 =	vld [tilespmem:$0x1FEA0];
	v25 =	vsub.f32 v27, v25  }
0x13d: {  	v21 =	vsub.f32 v56, v21;
	v6 =	vmul.f32 v6, v59;
	v28 =	vld [tilespmem:$0x1FF00];
	v59 =	vmul.f32 $5.000000000e-01, v3  }
0x13e: {  	v22 =	vsub.f32 v54, v22;
	v25 =	vmul.f32 v25, v60;
	v60 =	vmul.f32 $5.000000000e-01, v4  }
0x13f: {  	v24 =	vsub.f32 v41, v24;
	v30 =	vsub.f32 v30, v59  }
0x140: {  	v56 =	vmul.f32 $5.000000000e-01, v0;
	v13 =	vsub.f32 v31, v13;
	v31 =	vsub.f32 v45, v60  }
0x141: {  	v19 =	vsub.f32 v42, v19;
	v42 =	vld [tilespmem:$0x1FFA0];
	v3 =	vmul.f32 v30, v3;
	v27 =	vsub.f32 v53, v38  }
0x142: {  	v10 =	vmul.f32 v10, v28;
	v28 =	vsub.f32 v47, v56;
	v38 =	vld [tilespmem:$0x1FF90];
	v41 =	vmul.f32 v31, v4  }
0x143: {  	v21 =	vmul.f32 v21, v62  }
0x144: {  	v22 =	vmul.f32 v22, v61;
	v0 =	vmul.f32 v28, v0;
	v3 =	vadd.f32 v41, v3  }
0x145: {  	v20 =	vsub.f32 v50, v20;
	v61 =	vmul.f32 $5.000000000e-01, v2;
	v62 =	vmul.f32 $5.000000000e-01, v29  }
0x146: {  	v0 =	vadd.f32 v0, v3;
	v3 =	vld [tilespmem:$0x1FFD0]  }
0x147: {  	v1 =	vmul.f32 v20, v1;
	v30 =	vsub.f32 v42, v62;
	v20 =	vsub.f32 v38, v61  }
0x148: {  	v23 =	vsub.f32 v43, v23  }
0x149: {  	v15 =	vsub.f32 v44, v15;
	v43 =	vld [tilespmem:$0x1FF70];
	v44 =	vmul.f32 v30, v29;
	v2 =	vmul.f32 v20, v2;
	_ =	sdelay $0x1  }
0x14a: {  	v2 =	vadd.f32 v44, v2;
	v3 =	vmul.f32 v19, v3;
	_ =	sdelay $0x1  }
0x14b: {  	v0 =	vadd.f32 v1, v0;
	v1 =	vadd.f32 v3, v2;
	v2 =	vld [tilespmem:$0x1FFB0]  }
0x14c: {  	v5 =	vsub.f32 v43, v5  }
0x14d: {  	v49 =	vld [tilespmem:$0x1FEC0];
	v8 =	vmul.f32 v8, v51  }
0x14e: {  	v26 =	vsub.f32 v33, v26;
	v51 =	vld [tilespmem:$0x1FFF0];
	v13 =	vmul.f32 v13, v63;
	v5 =	vmul.f32 v5, v52  }
0x14f: {  	v17 =	vsub.f32 v46, v17;
	v9 =	vmul.f32 v9, v48;
	v46 =	vld [tilespmem:$0x1FFC0]  }
0x150: {  	v54 =	vld [tilespmem:$0x1FF40];
	v26 =	vmul.f32 v26, v57;
	v45 =	vadd.f32 v5, v13;
	v2 =	vmul.f32 v27, v2  }
0x151: {  	v14 =	vsub.f32 v37, v14;
	v11 =	vmul.f32 v11, v34;
	v48 =	vld [tilespmem:$0x1FF80];
	v23 =	vmul.f32 v23, v58  }
0x152: {  	v52 =	vld [tilespmem:$0x1FF60];
	v0 =	vnsel vm5, $0x0, v0;
	v1 =	vadd.f32 v26, v1;
	v2 =	vadd.f32 v2, v45  }
0x153: {  	v15 =	vmul.f32 v15, v32;
	v14 =	vmul.f32 v14, v55;
	v0 =	vadd.f32 v0, v51  }
0x154: {  	v50 =	vld [tilespmem:$0x1FE70];
	v5 =	vmul.f32 v24, v46;
	v1 =	vnsel vm4, $0x0, v1;
	v2 =	vadd.f32 v23, v2  }
0x155: {  	v7 =	vmul.f32 v7, v49;
	v12 =	vmul.f32 v12, v54;
	v0 =	vadd.f32 v1, v0;
	v1 =	vld [tilespmem:$0x1FF30]  }
0x156: {  	v56 =	vld [tilespmem:$0x1FF20];
	v3 =	vadd.f32 v5, v14;
	v5 =	vmul.f32 v18, v48;
	v2 =	vnsel vm3, $0x0, v2  }
0x157: {  	v49 =	vadd.f32 v15, v22;
	v13 =	vmul.f32 v17, v52;
	v0 =	vadd.f32 v2, v0;
	v2 =	vld [tilespmem:$0x1FEE0]  }
0x158: {  	v16 =	vmul.f32 v16, v35;
	v53 =	vld [tilespmem:$0x1FE80];
	v3 =	vadd.f32 v5, v3  }
0x159: {  	v11 =	vadd.f32 v12, v11;
	v54 =	vadd.f32 v13, v49  }
0x15a: {  	v55 =	vld [tilespmem:$0x1FE40];
	v47 =	vadd.f32 v25, v21;
	v3 =	vadd.f32 v16, v3;
	v1 =	vmul.f32 v40, v1  }
0x15b: {  	v57 =	vld [tilespmem:$0x1FE50];
	v4 =	vadd.f32 v50, v36;
	v5 =	vadd.f32 v8, v54  }
0x15c: {  	v58 =	vld [tilespmem:$0x1FF10];
	v3 =	vnsel vm2, $0x0, v3;
	v1 =	vadd.f32 v1, v47;
	v2 =	vmul.f32 v56, v2  }
0x15d: {  	v59 =	vld [tilespmem:$0x1FE60];
	v4 =	vadd.f32 v53, v4;
	v0 =	vadd.f32 v3, v0  }
0x15e: {  	v5 =	vnsel vm1, $0x0, v5;
	v3 =	vld [tilespmem:$0x1FED0];
	v1 =	vadd.f32 v7, v1;
	v2 =	vadd.f32 v2, v11  }
0x15f: {  	v60 =	vld [tilespmem:$0x1FEB0];
	v0 =	vadd.f32 v5, v0  }
0x160: {  	v61 =	vld [tilespmem:$0x1FEF0];
	v4 =	vadd.f32 v55, v4;
	v1 =	vnsel vm0, $0x0, v1;
	v2 =	vadd.f32 v6, v2  }
0x161: {  	vm14 =	veq.s32 v39, $0x1;
	v62 =	vld [tilespmem:$0x1FE30];
	v0 =	vadd.f32 v1, v0  }
0x162: {  	v4 =	vadd.f32 v57, v4;
	v2 =	vnsel vm14, $0x0, v2  }
0x163: {  	v9 =	vadd.f32 v10, v9;
	v3 =	vmul.f32 v58, v3;
	v2 =	vadd.f32 v2, v0;
	v0 =	vld [tilespmem:$0x1FFE0]  }
0x164: {  	s28 =	sadd.s32 $0x2, s26;
	v4 =	vadd.f32 v59, v4  }
0x165: {  	p0 =	sge.u32 s28, s7;
	v5 =	vmul.f32 v61, v60;
	v3 =	vadd.f32 v3, v9  }
.Ltmp7:
0x166: {  	v63 =	vimm.f32 $0.0e+00;
	v4 =	vadd.f32 v62, v4;
	(pc) =	sbr.rel @p0 .LBB2_12-.Ltmp7, $4  }
0x167: {  	v1 =	vadd.f32 v5, v3;
	v3 =	vsel vm14, $0x3F800000, v63  }
0x168: {  	v3 =	vadd.f32 v3, v4;
	vm15 =	veq.s32 v0, $0x1  }
0x169: {  	v1 =	vnsel vm15, $0x0, v1;
	v0 =	vsel vm15, $0x3F800000, v63  }
0x16a: {  	v59 =	vimm.f32 $0.0e+00;
	v0 =	vadd.f32 v0, v3;
	v1 =	vadd.f32 v1, v2  }
0x16b: {  	s4 =	sadd.s32 s6, s28  }
0x16c: {  	s4 =	smul.u32 $0x32, s4;
	_ =	sdelay $0x1  }
0x16d: {  	s4 =	sadd.s32 $0x28A0, s4  }
0x16e: {  	s28 =	sshll.u32 s4, $0x6  }
0x16f: {  	s28 =	sand.u32 $0x1FFFFF80, s28  }
0x170: {  	s30 =	simm.s32 $0x0;
	s4 =	sshll.u32 s4, $0x4;
	s29 =	sadd.s32 s1, s28  }
0x171: {  	[tilespmem:s30], [sflag:$0x1] =	stream.linear.gather [hbm4b:s29+s30], $0x6400, $0x38;
	[tilespmem:$0x1C300] =	vst v63  }
0x172: {  	s4 =	sand.u32 $0x1FFFFFE0, s4;
	s28 =	sadd.s32 s2, s28  }
0x173: {  	[tilespmem:s18], [sflag:$0x1] =	stream.linear.gather [hbm4b:s28+s30], $0x6400, $0x38;
	[tilespmem:$0x1C300] =	vst v63  }
0x174: {  	s31 =	simm.s32 $0x19100;
	s28 =	sadd.s32 s3, s4  }
0x175: {  	s29 =	simm.s32 $0x19000;
	s30 =	simm.s32 $0x10;
	s4 =	sadd.s32 $0x0, s28  }
.LBB2_10:
0x176: {  	[tilespmem:s29], [sflag:$0x1] =	stream.linear.gather [hbm4b:s4+s5], $0x80, $0x38;
	[tilespmem:$0x1C300] =	vst v63  }
0x177: {  	s4 =	smov.u32 s30;
	s29 =	smov.u32 s31;
	p0 =	sne.s32 s30, $0x310  }
.Ltmp8:
0x178: {  	s30 =	sadd.s32 $0x10, s30;
	(pc) =	sbr.rel @p0 .LBB2_10-.Ltmp8, $2  }
0x179: {  	_ =	sdelay $0x2  }
0x17a: {  	s31 =	sadd.s32 $0x100, s31;
	s4 =	sadd.s32 s4, s28  }
0x17b: {  	[tilespmem:s29], [sflag:$0x1] =	stream.linear.gather [hbm4b:s4+s5], $0x80, $0x38;
	[tilespmem:$0x1C300] =	vst v63  }
.LBB2_12:
0x17c: {  	p0 =	sge.u32 s26, s14  }
0x17d: {  	s4 =	simm.s32 @!p0 $0x2  }
0x17e: {  	_ =	swait.ge @!p0 [sflag:s4], $0x6400  }
0x17f: {  	[sflag:s4] =	ssyncset.done @!p0 $0x0  }
0x180: {  	[sflag:s4] =	ssyncadd.s32 @!p0 $0xFFFF9C00  }
0x181: {  	_ =	swait.ge @!p0 [sflag:s4], $0x6400  }
0x182: {  	[sflag:s4] =	ssyncset.done @!p0 $0x0  }
0x183: {  	[sflag:s4] =	ssyncadd.s32 @!p0 $0xFFFF9C00  }
0x184: {  	_ =	swait.ge @!p0 [sflag:s4], $0x1900  }
0x185: {  	[sflag:s4] =	ssyncset.done @!p0 $0x0  }
0x186: {  	s30 =	simm.s32 $0x190F0;
	v60 =	vld [tilespmem:$0x1FE10];
	[sflag:s4] =	ssyncadd.s32 @!p0 $0xFFFFE700  }
0x187: {  	v2 =	vld [tilespmem:s30+$0xFFFFFFE0]  }
0x188: {  	v3 =	vld [tilespmem:s30+$0xFFFFFFD0]  }
0x189: {  	v4 =	vld [tilespmem:s30+$0xFFFFFFC0]  }
0x18a: {  	v5 =	vld [tilespmem:s30+$0xFFFFFFB0]  }
0x18b: {  	s28 =	simm.s32 $0x0;
	v6 =	vld [tilespmem:s30+$0xFFFFFFA0]  }
0x18c: {  	v7 =	vld [tilespmem:s28+$0x65F0]  }
0x18d: {  	v8 =	vld [tilespmem:s28+$0x12DF0]  }
0x18e: {  	v9 =	vld [tilespmem:s30+$0xFFFFFF90]  }
0x18f: {  	v10 =	vld [tilespmem:s28+$0x65E0]  }
0x190: {  	v11 =	vld [tilespmem:s28+$0x12DE0]  }
0x191: {  	v12 =	vld [tilespmem:s28+$0x6570]  }
0x192: {  	v13 =	vld [tilespmem:s28+$0x12D70]  }
0x193: {  	v14 =	vld [tilespmem:s28+$0x65D0]  }
0x194: {  	v15 =	vld [tilespmem:s28+$0x12DD0]  }
0x195: {  	v16 =	vld [tilespmem:s28+$0x6560]  }
0x196: {  	v17 =	vld [tilespmem:s28+$0x12D60]  }
0x197: {  	v18 =	vld [tilespmem:s28+$0x6470]  }
0x198: {  	v19 =	vld [tilespmem:s28+$0x12C70]  }
0x199: {  	v20 =	vld [tilespmem:s28+$0x64F0]  }
0x19a: {  	v21 =	vld [tilespmem:s28+$0x12CF0]  }
0x19b: {  	v22 =	vld [tilespmem:s28+$0x65C0]  }
0x19c: {  	v23 =	vld [tilespmem:s28+$0x12DC0]  }
0x19d: {  	v24 =	vld [tilespmem:s28+$0x6550]  }
0x19e: {  	v25 =	vld [tilespmem:s28+$0x12D50]  }
0x19f: {  	v26 =	vld [tilespmem:s28+$0x6460]  }
0x1a0: {  	v27 =	vld [tilespmem:s28+$0x12C60]  }
0x1a1: {  	v28 =	vld [tilespmem:s28+$0x64E0]  }
0x1a2: {  	v29 =	vld [tilespmem:s28+$0x12CE0]  }
0x1a3: {  	v30 =	vld [tilespmem:s28+$0x65B0]  }
0x1a4: {  	v31 =	vld [tilespmem:s28+$0x12DB0]  }
0x1a5: {  	v32 =	vld [tilespmem:s28+$0x6540]  }
0x1a6: {  	v33 =	vld [tilespmem:s28+$0x12D40]  }
0x1a7: {  	v34 =	vld [tilespmem:s28+$0x6450]  }
0x1a8: {  	v35 =	vld [tilespmem:s28+$0x12C50]  }
0x1a9: {  	v36 =	vld [tilespmem:s28+$0x64D0]  }
0x1aa: {  	v37 =	vld [tilespmem:s28+$0x12CD0]  }
0x1ab: {  	v38 =	vld [tilespmem:s28+$0x65A0]  }
0x1ac: {  	v39 =	vld [tilespmem:s28+$0x12DA0]  }
0x1ad: {  	v40 =	vld [tilespmem:s28+$0x6530]  }
0x1ae: {  	v41 =	vld [tilespmem:s28+$0x12D30]  }
0x1af: {  	v42 =	vld [tilespmem:s28+$0x6440]  }
0x1b0: {  	v43 =	vld [tilespmem:s28+$0x12C40]  }
0x1b1: {  	v44 =	vld [tilespmem:s28+$0x64C0]  }
0x1b2: {  	v46 =	vld [tilespmem:s28+$0x6590]  }
0x1b3: {  	v47 =	vld [tilespmem:s28+$0x12D90]  }
0x1b4: {  	p6 =	slt.u32 s26, s7;
	v48 =	vld [tilespmem:s28+$0x6520]  }
0x1b5: {  	v1 =	vpsel !p6, $0x0, v1;
	v49 =	vld [tilespmem:s28+$0x12D20]  }
0x1b6: {  	v50 =	vld [tilespmem:s28+$0x6430];
	v1 =	vadd.f32 v1, v60;
	v10 =	vsub.f32 v10, v11  }
0x1b7: {  	v51 =	vld [tilespmem:s28+$0x12C30];
	v7 =	vsub.f32 v7, v8;
	v8 =	vsub.f32 v14, v15  }
0x1b8: {  	v52 =	vld [tilespmem:s28+$0x64B0];
	v12 =	vsub.f32 v12, v13;
	v13 =	vsub.f32 v16, v17  }
0x1b9: {  	v53 =	vld [tilespmem:s28+$0x12CB0];
	v16 =	vsub.f32 v18, v19;
	v17 =	vsub.f32 v22, v23  }
0x1ba: {  	v54 =	vld [tilespmem:s28+$0x6580];
	v19 =	vsub.f32 v20, v21;
	v20 =	vsub.f32 v24, v25  }
0x1bb: {  	v55 =	vld [tilespmem:s28+$0x12D80];
	v22 =	vsub.f32 v26, v27;
	v23 =	vsub.f32 v30, v31  }
0x1bc: {  	v56 =	vld [tilespmem:s28+$0x6510];
	v25 =	vsub.f32 v28, v29;
	v26 =	vsub.f32 v32, v33  }
0x1bd: {  	v0 =	vpsel !p6, $0x0, v0;
	v57 =	vld [tilespmem:s28+$0x12D10];
	v28 =	vsub.f32 v34, v35;
	v29 =	vsub.f32 v38, v39  }
0x1be: {  	v45 =	vld [tilespmem:s28+$0x12CC0];
	v32 =	vsub.f32 v36, v37;
	v33 =	vsub.f32 v40, v41;
	v31 =	vimm.f32 $0.0e+00  }
0x1bf: {  	v58 =	vld [tilespmem:s28+$0x6420];
	v34 =	vsub.f32 v42, v43;
	v35 =	vsub.f32 v46, v47;
	vm0 =	veq.s32 v2, $0x1  }
0x1c0: {  	v61 =	vld [tilespmem:s28+$0x12C80];
	v2 =	vsub.f32 v48, v49;
	v62 =	vsub.f32 v50, v51;
	vm1 =	veq.s32 v3, $0x1  }
0x1c1: {  	v60 =	vld [tilespmem:$0x1FE20];
	v3 =	vsub.f32 v54, v55;
	vm2 =	veq.s32 v4, $0x1;
	v4 =	vsub.f32 v52, v53  }
0x1c2: {  	[tilespmem:$0x1FB70] =	vst v1;
	v1 =	vld [tilespmem:s28+$0x12C20];
	v63 =	vsub.f32 v56, v57;
	vm3 =	veq.s32 v5, $0x1;
	vm4 =	veq.s32 v6, $0x1  }
0x1c3: {  	v14 =	vld [tilespmem:s28+$0x6500];
	vm5 =	veq.s32 v9, $0x1;
	v7 =	vand.u32 $0x7FFFFFFF, v7;
	v8 =	vand.u32 $0x7FFFFFFF, v8  }
0x1c4: {  	v15 =	vld [tilespmem:s28+$0x12D00];
	v10 =	vand.u32 $0x7FFFFFFF, v10;
	v12 =	vand.u32 $0x7FFFFFFF, v12;
	v13 =	vand.u32 $0x7FFFFFFF, v13  }
0x1c5: {  	v18 =	vld [tilespmem:s28+$0x6410];
	v17 =	vand.u32 $0x7FFFFFFF, v17;
	v42 =	vand.u32 $0x7FFFFFFF, v26;
	v43 =	vand.u32 $0x7FFFFFFF, v29  }
0x1c6: {  	v21 =	vld [tilespmem:s28+$0x12C10];
	v57 =	vand.u32 $0x7FFFFFFF, v28;
	v54 =	vand.u32 $0x7FFFFFFF, v34;
	v55 =	vand.u32 $0x7FFFFFFF, v35  }
0x1c7: {  	v24 =	vld [tilespmem:s28+$0x6490];
	v52 =	vand.u32 $0x7FFFFFFF, v2;
	v39 =	vand.u32 $0x7FFFFFFF, v62;
	v46 =	vand.u32 $0x7FFFFFFF, v3  }
0x1c8: {  	v27 =	vld [tilespmem:s28+$0x12C90];
	v41 =	vand.u32 $0x7FFFFFFF, v4;
	v0 =	vadd.f32 v0, v60;
	v60 =	vsub.f32 v44, v45  }
0x1c9: {  	v47 =	vld [tilespmem:s28+$0x6480];
	v45 =	vand.u32 $0x7FFFFFFF, v32;
	v44 =	vand.u32 $0x7FFFFFFF, v33;
	v49 =	vmin.f32 v8, $1.000000000e+00  }
0x1ca: {  	v4 =	vmin.f32 v13, $1.000000000e+00;
	v2 =	vmin.f32 v12, $1.000000000e+00;
	v35 =	vmin.f32 v57, $1.000000000e+00  }
0x1cb: {  	v56 =	vmin.f32 v55, $1.000000000e+00;
	v37 =	vmin.f32 v54, $1.000000000e+00;
	v38 =	vmin.f32 v45, $1.000000000e+00  }
0x1cc: {  	[tilespmem:$0x1FC10] =	vst v2;
	v2 =	vmul.f32 $5.000000000e-01, v2;
	v1 =	vsub.f32 v58, v1;
	v5 =	vsub.f32 v14, v15  }
0x1cd: {  	[tilespmem:$0x1FB90] =	vst v31;
	v3 =	vmul.f32 $5.000000000e-01, v49;
	v6 =	vsub.f32 v18, v21;
	v9 =	vsub.f32 v24, v27  }
0x1ce: {  	[tilespmem:$0x1FC20] =	vst v4;
	v14 =	vsub.f32 v47, v61;
	v15 =	vsel vm0, $0x3F800000, v59;
	v18 =	vand.u32 $0x7FFFFFFF, v20  }
0x1cf: {  	v11 =	vld [tilespmem:s28+$0x12CA0];
	[tilespmem:$0x1FB80] =	vst v0;
	v20 =	vand.u32 $0x7FFFFFFF, v23;
	v21 =	vand.u32 $0x7FFFFFFF, v25;
	v33 =	vand.u32 $0x7FFFFFFF, v60  }
0x1d0: {  	v30 =	vld [tilespmem:s28+$0x6400];
	v47 =	vand.u32 $0x7FFFFFFF, v63;
	v58 =	vmin.f32 v43, $1.000000000e+00;
	v23 =	vmin.f32 v44, $1.000000000e+00;
	[tilespmem:$0x1FBA0] =	vst v15  }
0x1d1: {  	v0 =	vld [tilespmem:s28+$0x64A0];
	v15 =	vsel vm3, $0x3F800000, v59;
	v53 =	vmin.f32 v20, $1.000000000e+00;
	v2 =	vsub.f32 v12, v2;
	[tilespmem:$0x1FD00] =	vst v23  }
0x1d2: {  	v31 =	vld [tilespmem:s28+$0x12C00];
	[tilespmem:$0x1FBB0] =	vst v15;
	v15 =	vsel vm2, $0x3F800000, v59;
	v25 =	vand.u32 $0x7FFFFFFF, v5;
	v29 =	vand.u32 $0x7FFFFFFF, v1  }
0x1d3: {  	v24 =	vand.u32 $0x7FFFFFFF, v6;
	v26 =	vand.u32 $0x7FFFFFFF, v9;
	v1 =	vmin.f32 v7, $1.000000000e+00;
	[tilespmem:$0x1FBC0] =	vst v15  }
0x1d4: {  	v40 =	vand.u32 $0x7FFFFFFF, v14;
	v9 =	vmin.f32 v17, $1.000000000e+00;
	v5 =	vmin.f32 v18, $1.000000000e+00;
	[tilespmem:$0x1FC00] =	vst v1  }
0x1d5: {  	v14 =	vmin.f32 v42, $1.000000000e+00;
	v15 =	vsel vm1, $0x3F800000, v59;
	v1 =	vmul.f32 $5.000000000e-01, v1;
	[tilespmem:$0x1FC50] =	vst v9  }
0x1d6: {  	v60 =	vmin.f32 v29, $1.000000000e+00;
	[tilespmem:$0x1FBD0] =	vst v15;
	v15 =	vsel vm5, $0x3F800000, v59;
	v0 =	vsub.f32 v0, v11  }
0x1d7: {  	v11 =	vsub.f32 v30, v31;
	[tilespmem:$0x1FBE0] =	vst v15;
	v15 =	vsel vm4, $0x3F800000, v59;
	v59 =	vmin.f32 v10, $1.000000000e+00  }
0x1d8: {  	[tilespmem:$0x1FC60] =	vst v2;
	v1 =	vsub.f32 v7, v1;
	v7 =	vsub.f32 v8, v3;
	v3 =	vmul.f32 $5.000000000e-01, v9  }
0x1d9: {  	[tilespmem:$0x1FBF0] =	vst v15;
	v15 =	vand.u32 $0x7FFFFFFF, v16;
	v16 =	vand.u32 $0x7FFFFFFF, v19;
	v19 =	vand.u32 $0x7FFFFFFF, v22  }
0x1da: {  	[tilespmem:$0x1FC90] =	vst v5;
	v22 =	vand.u32 $0x7FFFFFFF, v0;
	v28 =	vand.u32 $0x7FFFFFFF, v11;
	v30 =	vmin.f32 v15, $1.000000000e+00  }
0x1db: {  	[tilespmem:$0x1FCE0] =	vst v14;
	v27 =	vmin.f32 v16, $1.000000000e+00;
	v31 =	vmin.f32 v19, $1.000000000e+00;
	v11 =	vmin.f32 v21, $1.000000000e+00  }
0x1dc: {  	v0 =	vmul.f32 $5.000000000e-01, v59;
	[tilespmem:$0x1FC30] =	vst v1;
	v8 =	vsub.f32 v17, v3;
	v17 =	vmul.f32 $5.000000000e-01, v14  }
0x1dd: {  	v3 =	vmin.f32 v33, $1.000000000e+00;
	v14 =	vmul.f32 $5.000000000e-01, v38;
	v1 =	vmul.f32 $5.000000000e-01, v30;
	[tilespmem:$0x1FC70] =	vst v27  }
0x1de: {  	v2 =	vmul.f32 $5.000000000e-01, v27;
	[tilespmem:$0x1FCF0] =	vst v22;
	v27 =	vmin.f32 v22, $1.000000000e+00;
	v22 =	vmul.f32 $5.000000000e-01, v37  }
0x1df: {  	[tilespmem:$0x1FCD0] =	vst v29;
	v29 =	vmin.f32 v28, $1.000000000e+00;
	v6 =	vsub.f32 v10, v0;
	v0 =	vmul.f32 $5.000000000e-01, v4  }
0x1e0: {  	[tilespmem:$0x1FD10] =	vst v24;
	v4 =	vmin.f32 v52, $1.000000000e+00;
	v9 =	vsub.f32 v15, v1;
	v1 =	vmul.f32 $5.000000000e-01, v31  }
0x1e1: {  	[tilespmem:$0x1FC40] =	vst v30;
	v10 =	vsub.f32 v16, v2;
	v2 =	vmul.f32 $5.000000000e-01, v53;
	v0 =	vsub.f32 v13, v0  }
0x1e2: {  	v62 =	vmovc v53;
	[tilespmem:$0x1FCA0] =	vst v31;
	v53 =	vmin.f32 v47, $1.000000000e+00;
	v15 =	vmul.f32 $5.000000000e-01, v4;
	v13 =	vmin.f32 v39, $1.000000000e+00  }
0x1e3: {  	v16 =	vsub.f32 v20, v2;
	v2 =	vmin.f32 v46, $1.000000000e+00;
	[tilespmem:$0x1FC80] =	vst v0;
	v0 =	vmul.f32 $5.000000000e-01, v5  }
0x1e4: {  	[tilespmem:$0x1FCC0] =	vst v11;
	v30 =	vmovc v38;
	v31 =	vmovc v13;
	v38 =	vmul.f32 $5.000000000e-01, v13;
	v13 =	vmul.f32 $5.000000000e-01, v53;
	v5 =	vmin.f32 v41, $1.000000000e+00  }
0x1e5: {  	[tilespmem:$0x1FD30] =	vst v4;
	v20 =	vmul.f32 $5.000000000e-01, v2;
	v0 =	vsub.f32 v18, v0;
	v18 =	vmul.f32 $5.000000000e-01, v23  }
0x1e6: {  	v51 =	vmovc v46;
	v4 =	vmin.f32 v40, $1.000000000e+00;
	[tilespmem:$0x1FD40] =	vst v5;
	v23 =	vmul.f32 $5.000000000e-01, v5;
	v5 =	vmul.f32 $5.000000000e-01, v27  }
0x1e7: {  	v50 =	vmovc v47;
	v32 =	vmovc v25;
	[tilespmem:$0x1FCB0] =	vst v0;
	v0 =	vmul.f32 $5.000000000e-01, v11;
	v11 =	vsub.f32 v19, v1;
	v1 =	vmin.f32 v24, $1.000000000e+00  }
0x1e8: {  	[tilespmem:$0x1FD20] =	vst v26;
	v63 =	vmovc v3;
	v48 =	vmovc v28;
	v24 =	vmul.f32 $5.000000000e-01, v3;
	v3 =	vmin.f32 v26, $1.000000000e+00;
	v26 =	vmul.f32 $5.000000000e-01, v56  }
0x1e9: {  	v34 =	vld [tilespmem:s30+$0x0];
	v36 =	vmovc v27;
	v47 =	vmovc v40;
	v19 =	vmul.f32 $5.000000000e-01, v60;
	v12 =	vsub.f32 v21, v0;
	v21 =	vmul.f32 $5.000000000e-01, v35  }
0x1ea: {  	s29 =	simm.s32 $0x800;
	s28 =	simm.s32 $0x191F0;
	v40 =	vld [tilespmem:s30+$0xFFFFFFF0];
	v46 =	vmovc v35;
	v0 =	vmin.f32 v25, $1.000000000e+00;
	v25 =	vmul.f32 $5.000000000e-01, v58;
	v35 =	vmovc v37;
	v37 =	vimm.f32 $0.0e+00  }
.LBB2_13:
0x1eb: {  	v27 =	vld [tilespmem:s28+$0xFFFFFFE0]  }
0x1ec: {  	v28 =	vld [tilespmem:s28+$0xFFFFFFC0]  }
0x1ed: {  	v24 =	vsub.f32 v33, v24;
	v33 =	vld [tilespmem:s28+$0xFFFFFF90]  }
0x1ee: {  	s30 =	sshra.s32 s29, $0x2;
	v18 =	vsub.f32 v44, v18;
	v44 =	vsub.f32 v55, v26;
	v26 =	vld [tilespmem:s28+$0xFFFFFFA0]  }
0x1ef: {  	v38 =	vsub.f32 v39, v38;
	v39 =	vld [tilespmem:s30+$0x65F0]  }
0x1f0: {  	v23 =	vsub.f32 v41, v23;
	v41 =	vmul.f32 v6, v59;
	v6 =	vld [tilespmem:$0x1FC40]  }
0x1f1: {  	v61 =	vld [tilespmem:s30+$0x12DE0]  }
0x1f2: {  	v7 =	vmul.f32 v7, v49;
	v49 =	vld [tilespmem:s30+$0x64B0]  }
0x1f3: {  	v20 =	vsub.f32 v51, v20;
	v13 =	vsub.f32 v50, v13;
	v50 =	vld [tilespmem:s30+$0x12CB0]  }
0x1f4: {  	v16 =	vmul.f32 v16, v62;
	v14 =	vsub.f32 v45, v14;
	v62 =	vld [tilespmem:s30+$0x12CA0]  }
0x1f5: {  	v20 =	vmul.f32 v20, v2;
	v2 =	vld [tilespmem:$0x1FD10]  }
0x1f6: {  	v14 =	vmul.f32 v14, v30;
	v30 =	vld [tilespmem:s30+$0x65A0]  }
0x1f7: {  	v13 =	vmul.f32 v13, v53;
	v53 =	vld [tilespmem:s30+$0x6510]  }
0x1f8: {  	v9 =	vmul.f32 v9, v6;
	v6 =	vld [tilespmem:$0x1FC70]  }
0x1f9: {  	v42 =	vsub.f32 v42, v17;
	v17 =	vsub.f32 v57, v21;
	v21 =	vld [tilespmem:s28+$0xFFFFFFD0]  }
0x1fa: {  	v22 =	vsub.f32 v54, v22;
	v54 =	vmul.f32 $5.000000000e-01, v29;
	v59 =	vmov v40;
	v40 =	vld [tilespmem:s30+$0x12DF0]  }
0x1fb: {  	v51 =	vmov v34;
	v34 =	vld [tilespmem:s30+$0x65E0]  }
0x1fc: {  	v25 =	vsub.f32 v43, v25;
	v43 =	vsub.f32 v48, v54;
	v48 =	vld [tilespmem:s30+$0x12C30]  }
0x1fd: {  	v10 =	vmul.f32 v10, v6;
	v6 =	vld [tilespmem:$0x1FC50]  }
0x1fe: {  	[tilespmem:$0x1FA80] =	vst v28;
	v28 =	vld [tilespmem:s28+$0xFFFFFFB0]  }
0x1ff: {  	v54 =	vmul.f32 v25, v58;
	v25 =	vld [tilespmem:s30+$0x65D0]  }
0x200: {  	v29 =	vmul.f32 v43, v29;
	v43 =	vld [tilespmem:s30+$0x12D90]  }
0x201: {  	[tilespmem:$0x1FA60] =	vst v27;
	v27 =	vmul.f32 $5.000000000e-01, v0;
	v17 =	vmul.f32 v17, v46;
	v46 =	vld [tilespmem:s30+$0x6430]  }
0x202: {  	v8 =	vmul.f32 v8, v6;
	v6 =	vld [tilespmem:$0x1FCA0]  }
0x203: {  	v15 =	vsub.f32 v52, v15;
	[tilespmem:$0x1FAA0] =	vst v26;
	v26 =	vmul.f32 $5.000000000e-01, v4;
	v52 =	vsub.f32 v32, v27;
	v27 =	vld [tilespmem:s30+$0x6570]  }
0x204: {  	v14 =	vadd.f32 v14, v17;
	v17 =	vld [tilespmem:s30+$0x12CF0]  }
0x205: {  	v55 =	vmul.f32 v22, v35;
	v22 =	vsub.f32 v47, v26;
	v26 =	vmul.f32 v44, v56;
	v44 =	vld [tilespmem:s30+$0x6520]  }
0x206: {  	v56 =	vld [tilespmem:s30+$0x12C20]  }
0x207: {  	v11 =	vmul.f32 v11, v6;
	v6 =	vld [tilespmem:$0x1FCD0]  }
0x208: {  	v47 =	vld [tilespmem:s30+$0x6500];
	[tilespmem:$0x1FA70] =	vst v21;
	v21 =	vmul.f32 $5.000000000e-01, v1  }
0x209: {  	v58 =	vmul.f32 v52, v0;
	v0 =	vld [tilespmem:$0x1FCF0]  }
0x20a: {  	v57 =	vsub.f32 v2, v21;
	v21 =	vld [tilespmem:$0x1FD20]  }
0x20b: {  	v52 =	vld [tilespmem:s30+$0x12D80]  }
0x20c: {  	v19 =	vsub.f32 v6, v19;
	v6 =	vld [tilespmem:$0x1FCC0]  }
0x20d: {  	v45 =	vmul.f32 $5.000000000e-01, v3;
	[tilespmem:$0x1FA90] =	vst v28;
	v4 =	vmul.f32 v22, v4;
	v28 =	vld [tilespmem:s30+$0x6550]  }
0x20e: {  	v2 =	vld [tilespmem:s30+$0x12DD0]  }
0x20f: {  	v4 =	vadd.f32 v4, v29;
	v29 =	vmul.f32 v57, v1;
	v1 =	vld [tilespmem:s30+$0x6470];
	v22 =	vsub.f32 v21, v45  }
0x210: {  	v9 =	vadd.f32 v10, v9;
	v5 =	vsub.f32 v0, v5;
	v0 =	vld [tilespmem:s30+$0x12D60]  }
0x211: {  	v10 =	vadd.f32 v58, v4;
	v4 =	vld [tilespmem:s30+$0x64F0];
	v22 =	vmul.f32 v22, v3;
	v12 =	vmul.f32 v12, v6  }
0x212: {  	v24 =	vmul.f32 v24, v63;
	v21 =	vld [tilespmem:s30+$0x6560]  }
0x213: {  	v5 =	vmul.f32 v5, v36;
	v45 =	vld [tilespmem:s30+$0x12D20];
	v11 =	vadd.f32 v12, v11;
	v12 =	vadd.f32 v22, v29  }
0x214: {  	v10 =	vadd.f32 v20, v10;
	v20 =	vadd.f32 v24, v55;
	v55 =	vld [tilespmem:s30+$0x6420];
	v19 =	vmul.f32 v19, v60  }
0x215: {  	v12 =	vadd.f32 v13, v12;
	v13 =	vld [tilespmem:$0x1FD30]  }
0x216: {  	v5 =	vadd.f32 v5, v19;
	v19 =	vld [tilespmem:$0x1FD40]  }
0x217: {  	v2 =	vsub.f32 v25, v2;
	v25 =	vld [tilespmem:s30+$0x12D00]  }
0x218: {  	v3 =	vld [tilespmem:s30+$0x12C70];
	v10 =	vnsel vm5, $0x0, v10  }
0x219: {  	v10 =	vadd.f32 v10, v37;
	v37 =	vld [tilespmem:s30+$0x12C40]  }
0x21a: {  	v4 =	vsub.f32 v4, v17;
	v17 =	vld [tilespmem:s30+$0x12C10];
	v13 =	vmul.f32 v15, v13  }
0x21b: {  	v19 =	vmul.f32 v23, v19;
	v23 =	vld [tilespmem:$0x1FBE0]  }
0x21c: {  	v13 =	vadd.f32 v13, v5;
	v5 =	vld [tilespmem:$0x1FB90]  }
0x21d: {  	v38 =	vmul.f32 v38, v31;
	v0 =	vsub.f32 v21, v0;
	v21 =	vld [tilespmem:s30+$0x6490]  }
0x21e: {  	v1 =	vsub.f32 v1, v3;
	v3 =	vld [tilespmem:s30+$0x6410]  }
0x21f: {  	v15 =	vadd.f32 v19, v38;
	v19 =	vld [tilespmem:$0x1FD00]  }
0x220: {  	v60 =	vld [tilespmem:s30+$0x64A0]  }
0x221: {  	v23 =	vadd.f32 v23, v5;
	v5 =	vld [tilespmem:$0x1FCE0]  }
0x222: {  	v6 =	vld [tilespmem:s30+$0x12D70]  }
0x223: {  	v22 =	vld [tilespmem:s30+$0x65C0];
	v12 =	vadd.f32 v26, v12  }
0x224: {  	v29 =	vld [tilespmem:$0x1FBA0];
	v19 =	vmul.f32 v18, v19  }
0x225: {  	v26 =	vld [tilespmem:$0x1FBF0];
	v12 =	vnsel vm4, $0x0, v12  }
0x226: {  	v10 =	vadd.f32 v12, v10;
	v12 =	vld [tilespmem:$0x1FC90];
	v15 =	vadd.f32 v19, v15;
	v24 =	vmul.f32 v42, v5  }
0x227: {  	v38 =	vld [tilespmem:s30+$0x64C0]  }
0x228: {  	v15 =	vadd.f32 v16, v15;
	v16 =	vadd.f32 v24, v20;
	v24 =	vld [tilespmem:$0x1FBB0]  }
0x229: {  	v13 =	vadd.f32 v54, v13;
	v54 =	vld [tilespmem:s30+$0x12D10]  }
0x22a: {  	v18 =	vld [tilespmem:s30+$0x12DC0]  }
0x22b: {  	v13 =	vnsel vm3, $0x0, v13;
	v19 =	vld [tilespmem:s30+$0x6460];
	v23 =	vadd.f32 v26, v23  }
0x22c: {  	v10 =	vadd.f32 v13, v10;
	v13 =	vld [tilespmem:$0x1FC20]  }
0x22d: {  	v23 =	vadd.f32 v24, v23;
	v24 =	vld [tilespmem:$0x1FC80]  }
0x22e: {  	v26 =	vld [tilespmem:$0x1FCB0]  }
0x22f: {  	v18 =	vsub.f32 v22, v18;
	v22 =	vld [tilespmem:s30+$0x12C90]  }
0x230: {  	v15 =	vnsel vm2, $0x0, v15;
	v5 =	vld [tilespmem:s30+$0x12D50]  }
0x231: {  	v10 =	vadd.f32 v15, v10;
	v15 =	vld [tilespmem:$0x1FC10]  }
0x232: {  	v8 =	vadd.f32 v8, v16;
	v16 =	vld [tilespmem:$0x1FBC0];
	v13 =	vmul.f32 v24, v13  }
0x233: {  	v42 =	vld [tilespmem:s30+$0x6590]  }
0x234: {  	v11 =	vadd.f32 v13, v11;
	v13 =	vld [tilespmem:$0x1FBD0]  }
0x235: {  	v12 =	vmul.f32 v26, v12;
	v26 =	vld [tilespmem:s30+$0x12C60]  }
0x236: {  	v20 =	vld [tilespmem:s30+$0x64E0]  }
0x237: {  	v63 =	vsub.f32 v39, v40;
	v8 =	vnsel vm1, $0x0, v8;
	v16 =	vadd.f32 v16, v23;
	v23 =	vld [tilespmem:$0x1FC60]  }
0x238: {  	v12 =	vadd.f32 v12, v14;
	v8 =	vadd.f32 v8, v10;
	v10 =	vld [tilespmem:$0x1FC00]  }
0x239: {  	v34 =	vsub.f32 v34, v61;
	v35 =	vand.u32 $0x7FFFFFFF, v63;
	v13 =	vadd.f32 v13, v16;
	v16 =	vld [tilespmem:$0x1FC30]  }
0x23a: {  	vm5 =	veq.s32 v33, $0x1;
	v31 =	vand.u32 $0x7FFFFFFF, v2;
	v14 =	vld [tilespmem:s30+$0x65B0];
	v7 =	vadd.f32 v7, v12  }
0x23b: {  	v25 =	vsub.f32 v47, v25;
	v4 =	vand.u32 $0x7FFFFFFF, v4;
	v3 =	vsub.f32 v3, v17;
	v12 =	vld [tilespmem:s30+$0x6540]  }
0x23c: {  	v19 =	vsub.f32 v19, v26;
	v26 =	vld [tilespmem:$0x1FA60];
	v7 =	vnsel vm0, $0x0, v7;
	v15 =	vmul.f32 v23, v15  }
0x23d: {  	v61 =	vand.u32 $0x7FFFFFFF, v1;
	v6 =	vsub.f32 v27, v6;
	v7 =	vadd.f32 v7, v8;
	v8 =	vld [tilespmem:s30+$0x12C50]  }
0x23e: {  	v24 =	vld [tilespmem:s30+$0x12CE0];
	v11 =	vadd.f32 v41, v11;
	v9 =	vadd.f32 v15, v9;
	v10 =	vmul.f32 v16, v10  }
0x23f: {  	v27 =	vsub.f32 v44, v45;
	vm0 =	veq.s32 v59, $0x1;
	v59 =	vimm.f32 $0.0e+00;
	v23 =	vld [tilespmem:s30+$0x12DB0]  }
0x240: {  	v15 =	vld [tilespmem:s30+$0x6450];
	v11 =	vnsel vm0, $0x0, v11;
	v13 =	vadd.f32 v29, v13;
	v9 =	vadd.f32 v10, v9  }
0x241: {  	v41 =	vld [tilespmem:s30+$0x12CC0];
	v7 =	vadd.f32 v11, v7;
	v29 =	vsel vm0, $0x3F800000, v59;
	vm0 =	veq.s32 v51, $0x1  }
0x242: {  	v40 =	vand.u32 $0x7FFFFFFF, v6;
	v11 =	vld [tilespmem:s30+$0x12CD0];
	v13 =	vadd.f32 v29, v13;
	v9 =	vnsel vm0, $0x0, v9  }
0x243: {  	v5 =	vsub.f32 v28, v5;
	v29 =	vsel vm0, $0x3F800000, v59;
	v16 =	vld [tilespmem:s30+$0x12D40];
	v7 =	vadd.f32 v9, v7  }
0x244: {  	v1 =	vmin.f32 v40, $1.000000000e+00;
	v28 =	vsub.f32 v46, v48;
	v13 =	vadd.f32 v29, v13;
	v29 =	vld [tilespmem:s30+$0x6440]  }
0x245: {  	v17 =	vsub.f32 v21, v22;
	v21 =	vand.u32 $0x7FFFFFFF, v25;
	v48 =	vsub.f32 v53, v54;
	[tilespmem:$0x1FB20] =	vst v7;
	v7 =	vld [tilespmem:s30+$0x12DA0]  }
0x246: {  	[tilespmem:$0x1FAB0] =	vst v35;
	v5 =	vand.u32 $0x7FFFFFFF, v5;
	v39 =	vand.u32 $0x7FFFFFFF, v28;
	v63 =	vand.u32 $0x7FFFFFFF, v19;
	v10 =	vld [tilespmem:s30+$0x64D0]  }
0x247: {  	v19 =	vand.u32 $0x7FFFFFFF, v48;
	v20 =	vsub.f32 v20, v24;
	v8 =	vsub.f32 v15, v8;
	[tilespmem:$0x1FB90] =	vst v13;
	v13 =	vld [tilespmem:s30+$0x12D30]  }
0x248: {  	[tilespmem:$0x1FAC0] =	vst v31;
	v53 =	vmin.f32 v19, $1.000000000e+00;
	v14 =	vsub.f32 v14, v23;
	v24 =	vsub.f32 v38, v41;
	v9 =	vld [tilespmem:s30+$0x6530]  }
0x249: {  	[tilespmem:$0x1FB00] =	vst v4;
	v23 =	vsub.f32 v42, v43;
	v15 =	vld [tilespmem:s30+$0x6400];
	v57 =	vand.u32 $0x7FFFFFFF, v8;
	v8 =	vmul.f32 $5.000000000e-01, v1  }
0x24a: {  	[tilespmem:$0x1FAE0] =	vst v61;
	v33 =	vand.u32 $0x7FFFFFFF, v24;
	v12 =	vsub.f32 v12, v16;
	v7 =	vsub.f32 v30, v7;
	v30 =	vld [tilespmem:$0x1FA80]  }
0x24b: {  	[tilespmem:$0x1FC10] =	vst v1;
	v36 =	vmin.f32 v33, $1.000000000e+00;
	v8 =	vsub.f32 v40, v8;
	vm0 =	veq.s32 v26, $0x1;
	v26 =	vld [tilespmem:s30+$0x12C80]  }
0x24c: {  	[tilespmem:$0x1FB10] =	vst v63;
	v16 =	vld [tilespmem:s30+$0x6480];
	v10 =	vsub.f32 v10, v11;
	v6 =	vand.u32 $0x7FFFFFFF, v12;
	v12 =	vmin.f32 v31, $1.000000000e+00  }
0x24d: {  	[tilespmem:$0x1FC60] =	vst v8;
	v11 =	vld [tilespmem:s30+$0x12C00];
	v31 =	vmin.f32 v63, $1.000000000e+00;
	v9 =	vsub.f32 v9, v13;
	v13 =	vsub.f32 v29, v37  }
0x24e: {  	[tilespmem:$0x1FB60] =	vst v6;
	v45 =	vand.u32 $0x7FFFFFFF, v10;
	v29 =	vld [tilespmem:$0x1FA70];
	v37 =	vsub.f32 v49, v50;
	v49 =	vsub.f32 v55, v56  }
0x24f: {  	[tilespmem:$0x1FCA0] =	vst v31;
	v50 =	vsub.f32 v60, v62;
	v60 =	vand.u32 $0x7FFFFFFF, v0;
	vm2 =	veq.s32 v30, $0x1;
	v30 =	vld [tilespmem:$0x1FA90]  }
0x250: {  	v51 =	vld [tilespmem:s30+$0x6580];
	v62 =	vand.u32 $0x7FFFFFFF, v18;
	v55 =	vand.u32 $0x7FFFFFFF, v23;
	v18 =	vand.u32 $0x7FFFFFFF, v17;
	[tilespmem:$0x1FAD0] =	vst v60  }
0x251: {  	v0 =	vmin.f32 v35, $1.000000000e+00;
	v47 =	vmin.f32 v45, $1.000000000e+00;
	[tilespmem:$0x1FAF0] =	vst v62;
	v17 =	vmin.f32 v62, $1.000000000e+00  }
0x252: {  	v56 =	vmin.f32 v55, $1.000000000e+00;
	[tilespmem:$0x1FC00] =	vst v0;
	v11 =	vsub.f32 v15, v11;
	v15 =	vsub.f32 v16, v26  }
0x253: {  	[tilespmem:$0x1FD20] =	vst v18;
	v16 =	vsel vm0, $0x3F800000, v59;
	v26 =	vand.u32 $0x7FFFFFFF, v14;
	v54 =	vand.u32 $0x7FFFFFFF, v13  }
0x254: {  	v13 =	vmin.f32 v6, $1.000000000e+00;
	[tilespmem:$0x1FC50] =	vst v17;
	vm1 =	veq.s32 v29, $0x1;
	vm3 =	veq.s32 v30, $0x1;
	v30 =	vld [tilespmem:$0x1FAA0]  }
0x255: {  	[tilespmem:$0x1FBA0] =	vst v16;
	v29 =	vsub.f32 v51, v52;
	v52 =	vand.u32 $0x7FFFFFFF, v27;
	v27 =	vmin.f32 v4, $1.000000000e+00  }
0x256: {  	v24 =	vand.u32 $0x7FFFFFFF, v49;
	v14 =	vand.u32 $0x7FFFFFFF, v50;
	[tilespmem:$0x1FCE0] =	vst v13;
	v50 =	vmovc v19;
	v19 =	vmul.f32 $5.000000000e-01, v27  }
0x257: {  	v7 =	vand.u32 $0x7FFFFFFF, v7;
	[tilespmem:$0x1FC70] =	vst v27;
	v27 =	vmul.f32 $5.000000000e-01, v17;
	v17 =	vmul.f32 $5.000000000e-01, v13;
	v13 =	vld [tilespmem:$0x1FAB0]  }
0x258: {  	v8 =	vld [tilespmem:$0x1FAD0];
	[tilespmem:$0x1FB30] =	vst v26;
	v22 =	vand.u32 $0x7FFFFFFF, v11;
	v4 =	vmin.f32 v5, $1.000000000e+00;
	v58 =	vmin.f32 v7, $1.000000000e+00  }
0x259: {  	[tilespmem:$0x1FB40] =	vst v7;
	v7 =	vmul.f32 $5.000000000e-01, v0;
	v28 =	vmul.f32 $5.000000000e-01, v4;
	vm4 =	veq.s32 v30, $0x1  }
0x25a: {  	[tilespmem:$0x1FCD0] =	vst v24;
	v30 =	vand.u32 $0x7FFFFFFF, v20;
	v20 =	vand.u32 $0x7FFFFFFF, v3;
	v3 =	vmin.f32 v60, $1.000000000e+00  }
0x25b: {  	[tilespmem:$0x1FCF0] =	vst v14;
	v11 =	vmin.f32 v61, $1.000000000e+00;
	v5 =	vsub.f32 v5, v28;
	v10 =	vmul.f32 $5.000000000e-01, v3  }
0x25c: {  	v44 =	vand.u32 $0x7FFFFFFF, v9;
	v41 =	vand.u32 $0x7FFFFFFF, v37;
	[tilespmem:$0x1FC40] =	vst v11;
	v7 =	vsub.f32 v13, v7  }
0x25d: {  	v9 =	vmul.f32 $5.000000000e-01, v12;
	v37 =	vmul.f32 $5.000000000e-01, v31;
	[tilespmem:$0x1FCB0] =	vst v5;
	v5 =	vld [tilespmem:$0x1FB10];
	v8 =	vsub.f32 v8, v10  }
0x25e: {  	v35 =	vmin.f32 v26, $1.000000000e+00;
	v26 =	vmin.f32 v54, $1.000000000e+00;
	v49 =	vmin.f32 v14, $1.000000000e+00;
	[tilespmem:$0x1FC30] =	vst v7;
	v7 =	vld [tilespmem:$0x1FAC0]  }
0x25f: {  	v14 =	vmul.f32 $5.000000000e-01, v47;
	v23 =	vand.u32 $0x7FFFFFFF, v15;
	v16 =	vsel vm3, $0x3F800000, v59;
	[tilespmem:$0x1FC80] =	vst v8;
	v8 =	vld [tilespmem:$0x1FAE0]  }
0x260: {  	v15 =	vmin.f32 v44, $1.000000000e+00;
	v61 =	vmin.f32 v24, $1.000000000e+00;
	[tilespmem:$0x1FBB0] =	vst v16;
	v16 =	vsel vm2, $0x3F800000, v59  }
0x261: {  	v43 =	vmul.f32 $5.000000000e-01, v35;
	v24 =	vmul.f32 $5.000000000e-01, v36;
	[tilespmem:$0x1FBC0] =	vst v16;
	v16 =	vsel vm1, $0x3F800000, v59  }
0x262: {  	v11 =	vmul.f32 $5.000000000e-01, v11;
	v0 =	vmin.f32 v21, $1.000000000e+00;
	[tilespmem:$0x1FBD0] =	vst v16;
	v16 =	vsel vm5, $0x3F800000, v59  }
0x263: {  	v63 =	vmovc v36;
	v38 =	vmin.f32 v52, $1.000000000e+00;
	[tilespmem:$0x1FBE0] =	vst v16;
	v16 =	vsel vm4, $0x3F800000, v59;
	v7 =	vsub.f32 v7, v9  }
0x264: {  	v36 =	vmovc v49;
	v9 =	vsub.f32 v8, v11;
	v11 =	vsub.f32 v5, v37;
	v5 =	vmul.f32 $5.000000000e-01, v49;
	v49 =	vmovc v12;
	v12 =	vld [tilespmem:$0x1FB30]  }
0x265: {  	v2 =	vand.u32 $0x7FFFFFFF, v29;
	v29 =	vmin.f32 v57, $1.000000000e+00;
	[tilespmem:$0x1FBF0] =	vst v16;
	v16 =	vand.u32 $0x7FFFFFFF, v34  }
0x266: {  	v32 =	vmovc v21;
	v62 =	vmovc v35;
	[tilespmem:$0x1FC90] =	vst v4;
	v4 =	vmin.f32 v23, $1.000000000e+00;
	v21 =	vmul.f32 $5.000000000e-01, v29;
	v59 =	vmin.f32 v16, $1.000000000e+00  }
0x267: {  	[tilespmem:$0x1FD00] =	vst v15;
	v48 =	vmovc v22;
	v46 =	vmovc v29;
	v29 =	vmin.f32 v22, $1.000000000e+00;
	v22 =	vmul.f32 $5.000000000e-01, v26;
	v10 =	vld [tilespmem:$0x1FB00];
	v6 =	vmul.f32 $5.000000000e-01, v59  }
0x268: {  	v35 =	vmovc v26;
	v51 =	vmovc v2;
	v2 =	vmin.f32 v2, $1.000000000e+00;
	v26 =	vmul.f32 $5.000000000e-01, v56;
	v13 =	vmul.f32 $5.000000000e-01, v53;
	[tilespmem:$0x1FB50] =	vst v30;
	v8 =	vld [tilespmem:$0x1FAF0]  }
0x269: {  	p0 =	sne.s32 s29, $0x18800;
	[tilespmem:$0x1FD30] =	vst v38;
	v60 =	vmin.f32 v39, $1.000000000e+00;
	v6 =	vsub.f32 v16, v6;
	v16 =	vsub.f32 v12, v43;
	v12 =	vld [tilespmem:$0x1FB50]  }
.Ltmp9:
0x26a: {  	v40 =	vld [tilespmem:s28+$0xFFFFFFF0];
	[tilespmem:$0x1FC20] =	vst v3;
	v3 =	vmin.f32 v18, $1.000000000e+00;
	v18 =	vmul.f32 $5.000000000e-01, v15;
	v34 =	vmin.f32 v41, $1.000000000e+00;
	(pc) =	sbr.rel @p0 .LBB2_13-.Ltmp9, $4  }
0x26b: {  	v25 =	vmin.f32 v30, $1.000000000e+00;
	v15 =	vmul.f32 $5.000000000e-01, v38;
	v30 =	vmovc v47;
	v47 =	vmovc v23;
	[tilespmem:$0x1FD40] =	vst v34;
	v23 =	vmul.f32 $5.000000000e-01, v34;
	v34 =	vld [tilespmem:s28+$0x0]  }
0x26c: {  	[tilespmem:$0x1FD10] =	vst v20;
	v1 =	vmin.f32 v20, $1.000000000e+00;
	v38 =	vmul.f32 $5.000000000e-01, v60;
	v42 =	vmul.f32 $5.000000000e-01, v25;
	v37 =	vld [tilespmem:$0x1FB20]  }
0x26d: {  	v20 =	vmul.f32 $5.000000000e-01, v2;
	[tilespmem:$0x1FCC0] =	vst v25;
	v25 =	vmul.f32 $5.000000000e-01, v58;
	v10 =	vsub.f32 v10, v19;
	v43 =	vld [tilespmem:$0x1FB40]  }
0x26e: {  	s29 =	sadd.s32 $0x800, s29;
	v31 =	vmovc v60;
	v60 =	vmovc v61;
	s28 =	sadd.s32 $0x100, s28;
	v19 =	vmul.f32 $5.000000000e-01, v61;
	v8 =	vsub.f32 v8, v27;
	v12 =	vsub.f32 v12, v42;
	v42 =	vld [tilespmem:$0x1FB60]  }
0x26f: {  	_ = 	snop  }
0x270: {  	v21 =	vsub.f32 v57, v21  }
0x271: {  	v14 =	vsub.f32 v45, v14;
	v22 =	vsub.f32 v54, v22  }
0x272: {  	v26 =	vsub.f32 v55, v26;
	v7 =	vmul.f32 v7, v49;
	v25 =	vsub.f32 v43, v25  }
0x273: {  	v24 =	vsub.f32 v33, v24;
	v6 =	vmul.f32 v6, v59;
	v28 =	vld [tilespmem:$0x1FC70];
	v59 =	vmul.f32 $5.000000000e-01, v4  }
0x274: {  	v15 =	vsub.f32 v52, v15;
	v27 =	vld [tilespmem:$0x1FC40];
	v25 =	vmul.f32 v25, v58;
	v58 =	vmul.f32 $5.000000000e-01, v29  }
0x275: {  	v45 =	vsub.f32 v39, v38;
	v49 =	vld [tilespmem:$0x1FC50];
	v16 =	vmul.f32 v16, v62;
	v62 =	vsub.f32 v47, v59  }
0x276: {  	v23 =	vsub.f32 v41, v23;
	v55 =	vmul.f32 $5.000000000e-01, v0;
	v57 =	vld [tilespmem:$0x1FCD0];
	v38 =	vsub.f32 v48, v58  }
0x277: {  	v22 =	vmul.f32 v22, v35;
	v35 =	vld [tilespmem:$0x1FD10];
	v17 =	vsub.f32 v42, v17;
	v41 =	vmul.f32 v62, v4  }
0x278: {  	v42 =	vld [tilespmem:$0x1FD20];
	v10 =	vmul.f32 v10, v28;
	v28 =	vsub.f32 v32, v55;
	v38 =	vmul.f32 v38, v29  }
0x279: {  	v20 =	vsub.f32 v51, v20;
	v61 =	vmul.f32 $5.000000000e-01, v1;
	v14 =	vmul.f32 v14, v30;
	v43 =	vld [tilespmem:$0x1FCF0]  }
0x27a: {  	v52 =	vld [tilespmem:$0x1FCA0];
	v24 =	vmul.f32 v24, v63;
	v0 =	vmul.f32 v28, v0;
	v4 =	vadd.f32 v41, v38  }
0x27b: {  	v54 =	vld [tilespmem:$0x1FCC0];
	v13 =	vsub.f32 v50, v13;
	v63 =	vmul.f32 $5.000000000e-01, v3;
	v2 =	vmul.f32 v20, v2  }
0x27c: {  	v50 =	vld [tilespmem:$0x1FBE0];
	v9 =	vmul.f32 v9, v27;
	v19 =	vsub.f32 v57, v19;
	v0 =	vadd.f32 v0, v4  }
0x27d: {  	v27 =	vmul.f32 v45, v31;
	v45 =	vld [tilespmem:$0x1FD40];
	v20 =	vsub.f32 v35, v61;
	v30 =	vsub.f32 v42, v63  }
0x27e: {  	v5 =	vsub.f32 v43, v5;
	v0 =	vadd.f32 v2, v0;
	v2 =	vld [tilespmem:$0x1FD30]  }
0x27f: {  	v47 =	vld [tilespmem:$0x1FD00];
	v1 =	vmul.f32 v20, v1;
	v3 =	vmul.f32 v30, v3  }
0x280: {  	v51 =	vld [tilespmem:$0x1FCE0];
	v19 =	vmul.f32 v19, v60;
	v5 =	vmul.f32 v5, v36  }
0x281: {  	v26 =	vmul.f32 v26, v56;
	v56 =	vld [tilespmem:$0x1FC80];
	v1 =	vadd.f32 v3, v1;
	v3 =	vmul.f32 v13, v53  }
0x282: {  	v18 =	vsub.f32 v44, v18;
	v59 =	vld [tilespmem:$0x1FBD0];
	v44 =	vadd.f32 v5, v19;
	v5 =	vmul.f32 v23, v45  }
0x283: {  	v8 =	vmul.f32 v8, v49;
	v49 =	vld [tilespmem:$0x1FB90];
	v1 =	vadd.f32 v3, v1;
	v2 =	vmul.f32 v15, v2  }
0x284: {  	v11 =	vmul.f32 v11, v52;
	v52 =	vld [tilespmem:$0x1FBF0];
	v3 =	vadd.f32 v5, v27;
	v5 =	vmul.f32 v18, v47  }
0x285: {  	v55 =	vld [tilespmem:$0x1FBB0];
	v1 =	vadd.f32 v26, v1;
	v0 =	vnsel vm5, $0x0, v0;
	v2 =	vadd.f32 v2, v44  }
0x286: {  	v57 =	vld [tilespmem:$0x1FBC0];
	v0 =	vadd.f32 v0, v37  }
0x287: {  	v53 =	vld [tilespmem:$0x1FCB0];
	v3 =	vadd.f32 v5, v3;
	v1 =	vnsel vm4, $0x0, v1;
	v2 =	vadd.f32 v25, v2  }
0x288: {  	v0 =	vadd.f32 v1, v0;
	v1 =	vld [tilespmem:$0x1FC90]  }
0x289: {  	v58 =	vld [tilespmem:$0x1FC60];
	v4 =	vadd.f32 v50, v49;
	v3 =	vadd.f32 v16, v3;
	v2 =	vnsel vm3, $0x0, v2  }
0x28a: {  	v48 =	vadd.f32 v24, v22;
	v13 =	vmul.f32 v17, v51;
	v0 =	vadd.f32 v2, v0;
	v2 =	vld [tilespmem:$0x1FC20]  }
0x28b: {  	v21 =	vmul.f32 v21, v46;
	v60 =	vld [tilespmem:$0x1FC00];
	v4 =	vadd.f32 v52, v4;
	v3 =	vnsel vm2, $0x0, v3  }
0x28c: {  	v12 =	vmul.f32 v12, v54;
	v54 =	vadd.f32 v13, v48;
	v0 =	vadd.f32 v3, v0;
	v3 =	vld [tilespmem:$0x1FC10]  }
0x28d: {  	v46 =	vadd.f32 v14, v21;
	v61 =	vld [tilespmem:$0x1FC30];
	v1 =	vmul.f32 v53, v1  }
0x28e: {  	vm14 =	veq.s32 v40, $0x1;
	v4 =	vadd.f32 v55, v4;
	v5 =	vadd.f32 v8, v54  }
0x28f: {  	v62 =	vld [tilespmem:$0x1FBA0];
	v11 =	vadd.f32 v12, v11;
	v1 =	vadd.f32 v1, v46;
	v2 =	vmul.f32 v56, v2  }
0x290: {  	v9 =	vadd.f32 v10, v9;
	v4 =	vadd.f32 v57, v4;
	v5 =	vnsel vm1, $0x0, v5  }
0x291: {  	v1 =	vadd.f32 v7, v1;
	v3 =	vmul.f32 v58, v3;
	v2 =	vadd.f32 v2, v11  }
0x292: {  	s28 =	sadd.s32 $0x3, s26;
	v4 =	vadd.f32 v59, v4;
	v0 =	vadd.f32 v5, v0;
	v5 =	vmul.f32 v61, v60  }
0x293: {  	p0 =	sge.u32 s28, s7;
	v1 =	vnsel vm0, $0x0, v1;
	v2 =	vadd.f32 v6, v2;
	v3 =	vadd.f32 v3, v9  }
.Ltmp10:
0x294: {  	v63 =	vimm.f32 $0.0e+00;
	v4 =	vadd.f32 v62, v4;
	v0 =	vadd.f32 v1, v0;
	(pc) =	sbr.rel @p0 .LBB2_18-.Ltmp10, $4  }
0x295: {  	v1 =	vadd.f32 v5, v3;
	v2 =	vnsel vm14, $0x0, v2;
	v3 =	vsel vm14, $0x3F800000, v63  }
0x296: {  	vm15 =	veq.s32 v34, $0x1;
	v3 =	vadd.f32 v3, v4;
	v2 =	vadd.f32 v2, v0  }
0x297: {  	v0 =	vsel vm15, $0x3F800000, v63;
	v1 =	vnsel vm15, $0x0, v1  }
0x298: {  	v60 =	vimm.f32 $0.0e+00;
	v0 =	vadd.f32 v0, v3;
	v1 =	vadd.f32 v1, v2  }
0x299: {  	s4 =	sadd.s32 s6, s28  }
0x29a: {  	s4 =	smul.u32 $0x32, s4;
	_ =	sdelay $0x1  }
0x29b: {  	s4 =	sadd.s32 $0x28A0, s4  }
0x29c: {  	s28 =	sshll.u32 s4, $0x6  }
0x29d: {  	s28 =	sand.u32 $0x1FFFFF80, s28  }
0x29e: {  	s30 =	simm.s32 $0x0;
	s4 =	sshll.u32 s4, $0x4;
	s29 =	sadd.s32 s1, s28  }
0x29f: {  	[tilespmem:s19], [sflag:$0x2] =	stream.linear.gather [hbm4b:s29+s30], $0x6400, $0x38;
	[tilespmem:$0x1C300] =	vst v63  }
0x2a0: {  	s4 =	sand.u32 $0x1FFFFFE0, s4;
	s28 =	sadd.s32 s2, s28  }
0x2a1: {  	[tilespmem:s20], [sflag:$0x2] =	stream.linear.gather [hbm4b:s28+s30], $0x6400, $0x38;
	[tilespmem:$0x1C300] =	vst v63  }
0x2a2: {  	s31 =	simm.s32 $0x19180;
	s28 =	sadd.s32 s3, s4  }
0x2a3: {  	s29 =	simm.s32 $0x19080;
	s30 =	simm.s32 $0x10;
	s4 =	sadd.s32 $0x0, s28  }
.LBB2_16:
0x2a4: {  	[tilespmem:s29], [sflag:$0x2] =	stream.linear.gather [hbm4b:s4+s5], $0x80, $0x38;
	[tilespmem:$0x1C300] =	vst v63  }
0x2a5: {  	s4 =	smov.u32 s30;
	s29 =	smov.u32 s31;
	p0 =	sne.s32 s30, $0x310  }
.Ltmp11:
0x2a6: {  	s30 =	sadd.s32 $0x10, s30;
	(pc) =	sbr.rel @p0 .LBB2_16-.Ltmp11, $2  }
0x2a7: {  	_ =	sdelay $0x2  }
0x2a8: {  	s31 =	sadd.s32 $0x100, s31;
	s4 =	sadd.s32 s4, s28  }
.Ltmp12:
0x2a9: {  	(pc) =	sbr.rel .LBB2_18-.Ltmp12, $2  }
0x2aa: {  	_ =	sdelay $0x2  }
0x2ab: {  	[tilespmem:s29], [sflag:$0x2] =	stream.linear.gather [hbm4b:s4+s5], $0x80, $0x38;
	[tilespmem:$0x1C300] =	vst v63  }
.LBB2_20:
0x2ac: {  	_ =	sfence.sel $0x180000  }
0x2ad: {  	[bflag:$0x0] =	sbarrier.arrive $0xFFFF  }
0x2ae: {  	_ =	strace $0x90000047  }
0x2af: {  	[bflag:$0x2] =	sbarrier.arrive $0xFFFF  }
0x2b0: {  	p0 =	sne.s32 s0, $0x0;
	s0 =	rddreg [dreg:$0x4]  }
0x2b1: {  	s0 =	sadd.s32 @!p0 $0x100000, s0  }
0x2b2: {  	[sflag:s0] =	ssyncadd.tile.s32 @!p0 $0x1;
	_ =	shalt  }
.Lfunc_end2:
_tile_overlayer_lowered:
.L_overlay_start_2:
0x2b3: {  	(tag) =	ssettag $0x2  }
0x2b4: {  	s0 =	rddreg [dreg:$0x0];
	s2 =	stileid.u32  }
0x2b5: {  	s1 =	rddreg [dreg:$0x1];
	p0 =	sne.s32 s2, $0x0  }
0x2b6: {  	s3 =	rddreg [dreg:$0x2];
	[bflag:$0x3] =	sbarrier.arrive $0xFFFF;
	s2 =	simm.s32 @!p0 $0x1C03  }
0x2b7: {  	[timem:s3], [sflag:s2] =	dma.local @!p0 [hbm:s0], s1  }
0x2b8: {  	s0 =	simm.s32 @!p0 $0x3  }
0x2b9: {  	_ =	swait.ge @!p0 [sflag:s0], s1  }
0x2ba: {  	s1 =	ssub.s32 @!p0 $0x0, s1;
	[sflag:s0] =	ssyncset.done @!p0 $0x0  }
0x2bb: {  	[sflag:s0] =	ssyncadd.s32 @!p0 s1  }
0x2bc: {  	[bflag:$0x3] =	sbarrier.arrive $0xFFFF  }
0x2bd: {  	_ =	shalt  }

</sc_bundles>
